<compile_context>
chip_gen: v7x
topology: tpu7x:2x2x1
jax: 0.10.2.dev20260603
libtpu: 0.0.44.dev20260713+nightly
codegen_flags: <defaults>
</compile_context>

<pallas_src>
import functools

import jax
import jax.numpy as jnp
from jax import lax
from jax.experimental import pallas as pl
from jax.experimental.pallas import tpu as pltpu
from jax.experimental.pallas import tpu_sc as plsc

_H = 384
_W = 384
_MH = 28
_MW = 28
_NW = 32
_LANES = 16
_ZROW = _MH
_ZOFF = 2 * _MH * _W
_ZCHUNK = 16


def _sc_paste(pi, pf, masks, n_tasks):
    mesh = plsc.VectorSubcoreMesh(core_axis_name="c", subcore_axis_name="s")

    @functools.partial(
        pl.kernel,
        out_type=jax.ShapeDtypeStruct((n_tasks * _H * _W,), jnp.float32),
        mesh=mesh,
        compiler_params=pltpu.CompilerParams(needs_layout_passes=False),
        scratch_types=[
            pltpu.VMEM((n_tasks * _LANES,), jnp.int32),
            pltpu.VMEM((n_tasks * _LANES,), jnp.float32),
            pltpu.VMEM((2, _MH * _MW), jnp.float32),
            pltpu.VMEM((_MH * 32,), jnp.float32),
            pltpu.VMEM((_W,), jnp.int32),
            pltpu.VMEM((_H,), jnp.int32),
            pltpu.VMEM(((2 * _MH + _ZCHUNK) * _W,), jnp.float32),
            pltpu.SemaphoreType.DMA((2,)),
            pltpu.SemaphoreType.DMA,
        ],
    )
    def k(pi_hbm, pf_hbm, masks_hbm, out_hbm, pi_v, pf_v, mraw, mpad, cidx_v,
          ridx_v, rxf, sem, sem_m):
        cid = lax.axis_index("c")
        sid = lax.axis_index("s")
        wid = sid * 2 + cid

        pltpu.sync_copy(pi_hbm, pi_v)
        pltpu.sync_copy(pf_hbm, pf_v)

        lane = lax.iota(jnp.int32, _LANES)
        zeros16 = jnp.zeros((_LANES,), jnp.float32)

        def zinit(q, _):
            rxf[pl.ds(_ZOFF + q * _LANES, _LANES)] = zeros16
            return 0

        lax.fori_loop(0, _ZCHUNK * _W // _LANES, zinit, 0)

        n_mine = jnp.where(wid < n_tasks % _NW, 1, 0) + n_tasks // _NW

        pltpu.async_copy(masks_hbm.at[wid], mraw.at[0], sem_m)

        def task(i, _):
            t = wid + i * _NW
            ib = i & 1
            bb = ib * (_MH * _W)
            smy = sem.at[ib]

            @pl.when(i >= 2)
            def _():
                def drain(q, _):
                    pltpu.make_async_copy(
                        rxf.at[pl.ds(0, 24 * _W)],
                        out_hbm.at[pl.ds(0, 24 * _W)], smy).wait()
                    return 0

                lax.fori_loop(0, _H // 24, drain, 0)

            pltpu.make_async_copy(masks_hbm.at[t], mraw.at[ib],
                                  sem_m).wait()

            @pl.when(i + 1 < n_mine)
            def _():
                pltpu.async_copy(masks_hbm.at[t + _NW], mraw.at[1 - ib],
                                 sem_m)

            vi = pi_v[pl.ds(pl.multiple_of(t * _LANES, _LANES), _LANES)]
            vf = pf_v[pl.ds(pl.multiple_of(t * _LANES, _LANES), _LANES)]
            y1 = vi[0]
            x1 = vi[1]
            y2 = vi[2]
            x2 = vi[3]
            ry = vf[4]
            rx = vf[5]

            ibv = jnp.full((_LANES,), ib, jnp.int32)

            def pad_row(r, _):
                v0 = plsc.load_gather(mraw, [ibv, r * _MW + lane])
                mpad[pl.ds(r * 32, _LANES)] = v0
                hi = jnp.minimum(r * _MW + _LANES + lane, _MH * _MW - 1)
                v1 = plsc.load_gather(mraw, [ibv, hi])
                v1 = jnp.where(lane < _MW - _LANES, v1, 0.0)
                mpad[pl.ds(r * 32 + _LANES, _LANES)] = v1
                return 0

            lax.fori_loop(0, _MH, pad_row, 0)

            for j in range(_W // _LANES):
                x = lane + j * _LANES
                cx = x - x1
                ci = (cx.astype(jnp.float32) * rx).astype(jnp.int32)
                ci = jnp.minimum(jnp.maximum(ci, 0), _MW - 1)
                ok = (x >= x1) & (x < x2)
                cidx_v[pl.ds(j * _LANES, _LANES)] = jnp.where(ok, ci, _MW)

            for j in range(_H // _LANES):
                y = lane + j * _LANES
                dy = y - y1
                ri = (dy.astype(jnp.float32) * ry).astype(jnp.int32)
                ri = jnp.minimum(jnp.maximum(ri, 0), _MH - 1)
                ok = (y >= y1) & (y < y2)
                ridx_v[pl.ds(j * _LANES, _LANES)] = jnp.where(ok, ri, _ZROW)

            def rx_row(r, _):
                base = r * 32
                for j in range(_W // _LANES):
                    idx = cidx_v[pl.ds(j * _LANES, _LANES)] + base
                    rxf[pl.ds(bb + r * _W + j * _LANES,
                              _LANES)] = plsc.load_gather(mpad, [idx])
                return 0

            lax.fori_loop(0, _MH, rx_row, 0)

            obase = t * (_H * _W)
            nztop = y1 // _ZCHUNK

            def ztop(q, _):
                pltpu.async_copy(
                    rxf.at[pl.ds(_ZOFF, _ZCHUNK * _W)],
                    out_hbm.at[pl.ds(obase + q * (_ZCHUNK * _W),
                                     _ZCHUNK * _W)], smy)
                return 0

            lax.fori_loop(0, nztop, ztop, 0)

            def row1(y, _):
                rv = plsc.load_gather(ridx_v,
                                      [jnp.full((_LANES,), y, jnp.int32)])
                src = rv[0]
                soff = jnp.where(src == _ZROW, _ZOFF, bb + src * _W)
                pltpu.async_copy(
                    rxf.at[pl.ds(soff, _W)],
                    out_hbm.at[pl.ds(obase + y * _W, _W)], smy)
                return 0

            lax.fori_loop(nztop * _ZCHUNK, y2, row1, 0)

            nzbot = (_H - y2) // _ZCHUNK
            y2r = _H - nzbot * _ZCHUNK
            lax.fori_loop(y2, y2r, row1, 0)

            def zbot(q, _):
                pltpu.async_copy(
                    rxf.at[pl.ds(_ZOFF, _ZCHUNK * _W)],
                    out_hbm.at[pl.ds(obase + (y2r + q * _ZCHUNK) * _W,
                                     _ZCHUNK * _W)], smy)
                return 0

            lax.fori_loop(0, nzbot, zbot, 0)
            return 0

        lax.fori_loop(0, n_mine, task, 0)

        def drain_tail(q, _):
            pltpu.make_async_copy(rxf.at[pl.ds(0, 24 * _W)],
                                  out_hbm.at[pl.ds(0, 24 * _W)],
                                  sem.at[0]).wait()
            pltpu.make_async_copy(rxf.at[pl.ds(0, 24 * _W)],
                                  out_hbm.at[pl.ds(0, 24 * _W)],
                                  sem.at[1]).wait()
            return 0

        lax.fori_loop(0, _H // 24, drain_tail, 0)

    return k(pi, pf, masks)


def kernel(bboxess, counts, maskss, img_h, img_w):
    B, K = maskss.shape[0], maskss.shape[1]
    n = B * K

    boxes = jnp.round(bboxess).astype(jnp.int32)
    y1 = jnp.clip(boxes[..., 0], 0, img_h - 1)
    x1 = jnp.clip(boxes[..., 1], 0, img_w - 1)
    y2 = jnp.clip(boxes[..., 2], y1 + 1, img_h)
    x2 = jnp.clip(boxes[..., 3], x1 + 1, img_w)
    active = jnp.arange(K, dtype=jnp.int32)[None, :] < counts
    y2 = jnp.where(active, y2, y1)
    ratio_y = _MH / jnp.maximum(y2 - y1, 1).astype(jnp.float32)
    ratio_x = _MW / (x2 - x1).astype(jnp.float32)

    zi = jnp.zeros_like(y1)
    pi = jnp.stack([y1, x1, y2, x2] + [zi] * 12, axis=-1)
    pi = pi.reshape(n * _LANES).astype(jnp.int32)
    zf = jnp.zeros_like(ratio_y)
    pf = jnp.stack([zf, zf, zf, zf, ratio_y, ratio_x] + [zf] * 10, axis=-1)
    pf = pf.reshape(n * _LANES).astype(jnp.float32)
    masks = maskss.reshape(n, _MH * _MW).astype(jnp.float32)

    out = _sc_paste(pi, pf, masks, n)
    return out.reshape(B, K, 1, _H, _W)

# --- scband reference (transcript-rebuilt; emitter-appended) ---
"""Pipeline reference for scband-whole-mask-63264868270544 (READ-ONLY COPY).

The authoritative reference and input builder live on the scoring server;
editing this copy changes nothing except your own understanding.
"""

import jax, jax.numpy as jnp
import numpy as np


def _nearest_resize(mask, h, w):
    # mask: [1, mh, mw]; torch F.interpolate(mode='nearest'): src = floor(dst * in/out)
    mh, mw = mask.shape[-2], mask.shape[-1]
    ridx = jnp.clip(jnp.floor(jnp.arange(h) * (mh / h)).astype(jnp.int32), 0, mh - 1)
    cidx = jnp.clip(jnp.floor(jnp.arange(w) * (mw / w)).astype(jnp.int32), 0, mw - 1)
    return mask[:, ridx][:, :, cidx]


def setup_inputs(seed: int = 0):
    key = jax.random.key(seed)
    B, K, mh, mw, img = 4, 50, 28, 28, 384
    k1, k2, k3 = jax.random.split(key, 3)
    pts = jax.random.uniform(k1, (B, K, 4), dtype=jnp.float32) * img
    y1 = jnp.minimum(pts[..., 0], pts[..., 2])
    y2 = jnp.maximum(pts[..., 0], pts[..., 2])
    x1 = jnp.minimum(pts[..., 1], pts[..., 3])
    x2 = jnp.maximum(pts[..., 1], pts[..., 3])
    bboxess = jnp.stack([y1, x1, y2, x2], axis=-1).astype(jnp.float32)
    counts = jax.random.randint(k2, (B, 1), 1, K + 1).astype(jnp.int32)
    maskss = jax.random.uniform(k3, (B, K, 1, mh, mw), dtype=jnp.float32)
    return {"bboxess": bboxess, "counts": counts, "maskss": maskss, "img_h": img, "img_w": img}


def reference(bboxess, counts, maskss, img_h, img_w):
    B, K = maskss.shape[0], maskss.shape[1]
    mh, mw = maskss.shape[-2], maskss.shape[-1]
    H, W = 384, 384
    boxes = jnp.round(bboxess).astype(jnp.int32)
    y1 = jnp.clip(boxes[..., 0], 0, img_h - 1)
    x1 = jnp.clip(boxes[..., 1], 0, img_w - 1)
    y2 = jnp.clip(boxes[..., 2], y1 + 1, img_h)
    x2 = jnp.clip(boxes[..., 3], x1 + 1, img_w)
    h = y2 - y1
    w = x2 - x1
    Y = jnp.arange(H, dtype=jnp.int32)
    X = jnp.arange(W, dtype=jnp.int32)
    ry = Y[None, None, :] - y1[..., None]
    cx = X[None, None, :] - x1[..., None]
    ratio_y = mh / h.astype(jnp.float32)
    ratio_x = mw / w.astype(jnp.float32)
    ridx = jnp.clip(
        jnp.floor(ry.astype(jnp.float32) * ratio_y[..., None]).astype(jnp.int32), 0, mh - 1
    )
    cidx = jnp.clip(
        jnp.floor(cx.astype(jnp.float32) * ratio_x[..., None]).astype(jnp.int32), 0, mw - 1
    )
    valid_y = (Y[None, None, :] >= y1[..., None]) & (Y[None, None, :] < y2[..., None])
    valid_x = (X[None, None, :] >= x1[..., None]) & (X[None, None, :] < x2[..., None])
    masks = maskss[:, :, 0]
    bi = jnp.arange(B)[:, None, None, None]
    ki = jnp.arange(K)[None, :, None, None]
    vals = masks[bi, ki, ridx[:, :, :, None], cidx[:, :, None, :]]
    inside = valid_y[:, :, :, None] & valid_x[:, :, None, :]
    canvas = jnp.where(inside, vals, jnp.float32(0.0))
    active = jnp.arange(K, dtype=jnp.int32)[None, :] < counts
    out = jnp.where(active[:, :, None, None], canvas, jnp.float32(0.0))
    return out[:, :, None, :, :]

if __name__ == "__main__":
    import jax
    _d = setup_inputs()
    print(jax.jit(kernel)(*tuple(_d.values())))

</pallas_src>

<mosaic_0001>
#map = affine_map<(d0, d1) -> (0)>
#map1 = affine_map<(d0, d1) -> (0, 0)>
module attributes {stable_mosaic.version = 14 : i64} {
  func.func @k(%arg0: i32, %arg1: i32, %arg2: memref<3200xi32, #tpu.memory_space<hbm>>, %arg3: memref<3200xf32, #tpu.memory_space<hbm>>, %arg4: memref<200x784xf32, #tpu.memory_space<hbm>>, %arg5: memref<29491200xf32, #tpu.memory_space<hbm>>, %arg6: memref<3200xi32, #tpu.memory_space<vmem>>, %arg7: memref<3200xf32, #tpu.memory_space<vmem>>, %arg8: memref<2x784xf32, #tpu.memory_space<vmem>>, %arg9: memref<896xf32, #tpu.memory_space<vmem>>, %arg10: memref<384xi32, #tpu.memory_space<vmem>>, %arg11: memref<384xi32, #tpu.memory_space<vmem>>, %arg12: memref<27648xf32, #tpu.memory_space<vmem>>, %arg13: memref<2x!tpu.dma_semaphore, #tpu.memory_space<semaphore_mem>>, %arg14: memref<!tpu.dma_semaphore, #tpu.memory_space<semaphore_mem>>) attributes {dimension_semantics = [#tpu.dimension_semantics<core_parallel>, #tpu.dimension_semantics<subcore_parallel>], iteration_bounds = array<i64: 2, 16>, scalar_prefetch = 0 : i64, scratch_operands = 9 : i64, tpu.core_type = #tpu.core_type<sc_vector_subcore>, window_params = [{transform_indices = #map}, {transform_indices = #map}, {transform_indices = #map1}, {transform_indices = #map}]} {
    %mul3A = arith.constant 2 : i32
    %mul3A_0 = arith.muli %arg1, %mul3A : i32
    %add3A = arith.addi %mul3A_0, %arg0 : i32
    "tpu.region"() ({
      %run_scoped3A = tpu.sem_alloc : memref<!tpu.dma_semaphore, #tpu.memory_space<semaphore_mem>>
      tpu.enqueue_dma source(%arg2 : memref<3200xi32, #tpu.memory_space<hbm>>) target(%arg6 : memref<3200xi32, #tpu.memory_space<vmem>>) target_semaphore(%run_scoped3A : memref<!tpu.dma_semaphore, #tpu.memory_space<semaphore_mem>>)
      tpu.wait_dma2 semaphore(%run_scoped3A : memref<!tpu.dma_semaphore, #tpu.memory_space<semaphore_mem>>) src(%arg2 : memref<3200xi32, #tpu.memory_space<hbm>>) dst(%arg6 : memref<3200xi32, #tpu.memory_space<vmem>>)
      tpu.yield
    }) : () -> ()
    "tpu.region"() ({
      %run_scoped3A = tpu.sem_alloc : memref<!tpu.dma_semaphore, #tpu.memory_space<semaphore_mem>>
      tpu.enqueue_dma source(%arg3 : memref<3200xf32, #tpu.memory_space<hbm>>) target(%arg7 : memref<3200xf32, #tpu.memory_space<vmem>>) target_semaphore(%run_scoped3A : memref<!tpu.dma_semaphore, #tpu.memory_space<semaphore_mem>>)
      tpu.wait_dma2 semaphore(%run_scoped3A : memref<!tpu.dma_semaphore, #tpu.memory_space<semaphore_mem>>) src(%arg3 : memref<3200xf32, #tpu.memory_space<hbm>>) dst(%arg7 : memref<3200xf32, #tpu.memory_space<vmem>>)
      tpu.yield
    }) : () -> ()
    %iota3A = tpu.iota {dimensions = array<i32: 0>} : vector<16xi32>
    %broadcast_in_dim3A = arith.constant 0.000000e+00 : f32
    %broadcast_in_dim3A_1 = vector.broadcast %broadcast_in_dim3A : f32 to vector<16xf32>
    %scan3A = arith.constant 0 : i32
    %scan3A_2 = arith.constant 0 : i32
    %scan3A_3 = arith.constant 384 : i32
    %scan3A_4 = arith.addi %scan3A_2, %scan3A_3 : i32
    %scan3A_5 = arith.constant 1 : i32
    %scan3A_6 = scf.for %scan3A_42 = %scan3A_2 to %scan3A_4 step %scan3A_5 iter_args(%scan3A_43 = %scan3A) -> (i32)  : i32 {
      %mul3A_44 = arith.constant 16 : i32
      %mul3A_45 = arith.muli %scan3A_42, %mul3A_44 : i32
      %add3A_46 = arith.constant 21504 : i32
      %add3A_47 = arith.addi %add3A_46, %mul3A_45 : i32
      %swap3A = arith.index_cast %add3A_47 : i32 to index
      %swap3A_48 = tpu.vector_load %arg12[%swap3A] {strides = array<i32>} : memref<27648xf32, #tpu.memory_space<vmem>>, vector<16xf32>,
      tpu.vector_store %arg12[%swap3A], %broadcast_in_dim3A_1 {strides = array<i32>} : memref<27648xf32, #tpu.memory_space<vmem>>, vector<16xf32>,
      %scan3A_49 = arith.constant 0 : i32
      scf.yield %scan3A_49 : i32
    }
    %scan3A_7 = arith.constant 384 : i32
    %lt3A = arith.constant 8 : i32
    %lt3A_8 = arith.cmpi slt, %add3A, %lt3A : i32
    %jit3A = arith.constant 1 : i32
    %jit3A_9 = arith.constant 0 : i32
    %select_n3A = arith.select %lt3A_8, %jit3A, %jit3A_9 : i32
    %add3A_10 = arith.constant 6 : i32
    %add3A_11 = arith.addi %select_n3A, %add3A_10 : i32
    %dma_start3A = arith.constant 0 : i32
    %dma_start3A_12 = arith.constant 0 : i32
    %dma_start3A_13 = tpu.memref_slice %arg8[%dma_start3A, %dma_start3A_12] : memref<2x784xf32, #tpu.memory_space<vmem>> -> memref<1x784xf32, #tpu.memory_space<vmem>>
    %dma_start3A_14 = tpu.memref_squeeze %dma_start3A_13 : memref<1x784xf32, #tpu.memory_space<vmem>> -> memref<784xf32, #tpu.memory_space<vmem>>
    %dma_start3A_15 = arith.constant 0 : i32
    %dma_start3A_16 = tpu.memref_slice %arg4[%add3A, %dma_start3A_15] : memref<200x784xf32, #tpu.memory_space<hbm>> -> memref<1x784xf32, #tpu.memory_space<hbm>>
    %dma_start3A_17 = tpu.memref_squeeze %dma_start3A_16 : memref<1x784xf32, #tpu.memory_space<hbm>> -> memref<784xf32, #tpu.memory_space<hbm>>
    %dma_start3A_18 = arith.constant 0 : i32
    %dma_start3A_19 = tpu.memref_slice %arg8[%dma_start3A, %dma_start3A_18] : memref<2x784xf32, #tpu.memory_space<vmem>> -> memref<1x784xf32, #tpu.memory_space<vmem>>
    %dma_start3A_20 = tpu.memref_squeeze %dma_start3A_19 : memref<1x784xf32, #tpu.memory_space<vmem>> -> memref<784xf32, #tpu.memory_space<vmem>>
    %dma_start3A_21 = arith.constant 0 : i32
    %dma_start3A_22 = tpu.memref_slice %arg4[%add3A, %dma_start3A_21] : memref<200x784xf32, #tpu.memory_space<hbm>> -> memref<1x784xf32, #tpu.memory_space<hbm>>
    %dma_start3A_23 = tpu.memref_squeeze %dma_start3A_22 : memref<1x784xf32, #tpu.memory_space<hbm>> -> memref<784xf32, #tpu.memory_space<hbm>>
    tpu.enqueue_dma source(%dma_start3A_23 : memref<784xf32, #tpu.memory_space<hbm>>) target(%dma_start3A_20 : memref<784xf32, #tpu.memory_space<vmem>>) target_semaphore(%arg14 : memref<!tpu.dma_semaphore, #tpu.memory_space<semaphore_mem>>)
    %while3A = arith.constant 0 : i32
    %while3A_24 = arith.constant 0 : i32
    %while3A_25 = arith.subi %add3A_11, %while3A : i32
    %while3A_26 = arith.addi %while3A, %while3A_25 : i32
    %while3A_27 = arith.constant 1 : i32
    %while3A_28 = arith.divsi %while3A_25, %while3A_27 : i32
    %while3A_29 = arith.muli %while3A_28, %while3A_27 : i32
    %while3A_30 = arith.addi %while3A, %while3A_29 : i32
    %while3A_31 = arith.constant 1 : i32
    %while3A_32 = scf.for %while3A_42 = %while3A to %while3A_30 step %while3A_31 iter_args(%while3A_43 = %while3A_24) -> (i32)  : i32 {
      %mul3A_44 = arith.constant 32 : i32
      %mul3A_45 = arith.muli %while3A_42, %mul3A_44 : i32
      %add3A_46 = arith.addi %add3A, %mul3A_45 : i32
      %and3A = arith.constant 1 : i32
      %and3A_47 = arith.andi %while3A_42, %and3A : i32
      %mul3A_48 = arith.constant 10752 : i32
      %mul3A_49 = arith.muli %and3A_47, %mul3A_48 : i32
      %ge3A = arith.constant 2 : i32
      %ge3A_50 = arith.cmpi sge, %while3A_42, %ge3A : i32
      %convert_element_type3A = arith.extui %ge3A_50 : i1 to i32
      %cond3A = arith.constant 0 : i32
      %cond3A_51 = arith.cmpi ne, %convert_element_type3A, %cond3A : i32
      scf.if %cond3A_51 {
        %scan3A_1399 = arith.constant 0 : i32
        %scan3A_1400 = arith.constant 0 : i32
        %scan3A_1401 = arith.constant 16 : i32
        %scan3A_1402 = arith.addi %scan3A_1400, %scan3A_1401 : i32
        %scan3A_1403 = arith.constant 1 : i32
        %scan3A_1404 = scf.for %scan3A_1406 = %scan3A_1400 to %scan3A_1402 step %scan3A_1403 iter_args(%scan3A_1407 = %scan3A_1399) -> (i32)  : i32 {
          %dma_wait3A_1408 = arith.constant 0 : i32
          %dma_wait3A_1409 = tpu.memref_slice %arg12[%dma_wait3A_1408] : memref<27648xf32, #tpu.memory_space<vmem>> -> memref<9216xf32, #tpu.memory_space<vmem>>
          %dma_wait3A_1410 = arith.constant 0 : i32
          %dma_wait3A_1411 = tpu.memref_slice %arg5[%dma_wait3A_1410] : memref<29491200xf32, #tpu.memory_space<hbm>> -> memref<9216xf32, #tpu.memory_space<hbm>>
          %dma_wait3A_1412 = tpu.memref_slice %arg13[%and3A_47] : memref<2x!tpu.dma_semaphore, #tpu.memory_space<semaphore_mem>> -> memref<1x!tpu.dma_semaphore, #tpu.memory_space<semaphore_mem>>
          %dma_wait3A_1413 = tpu.memref_squeeze %dma_wait3A_1412 : memref<1x!tpu.dma_semaphore, #tpu.memory_space<semaphore_mem>> -> memref<!tpu.dma_semaphore, #tpu.memory_space<semaphore_mem>>
          %dma_wait3A_1414 = arith.constant 0 : i32
          %dma_wait3A_1415 = tpu.memref_slice %arg5[%dma_wait3A_1414] : memref<29491200xf32, #tpu.memory_space<hbm>> -> memref<9216xf32, #tpu.memory_space<hbm>>
          %dma_wait3A_1416 = arith.constant 0 : i32
          %dma_wait3A_1417 = tpu.memref_slice %arg12[%dma_wait3A_1416] : memref<27648xf32, #tpu.memory_space<vmem>> -> memref<9216xf32, #tpu.memory_space<vmem>>
          tpu.wait_dma2 semaphore(%dma_wait3A_1413 : memref<!tpu.dma_semaphore, #tpu.memory_space<semaphore_mem>>) src(%dma_wait3A_1417 : memref<9216xf32, #tpu.memory_space<vmem>>) dst(%dma_wait3A_1415 : memref<9216xf32, #tpu.memory_space<hbm>>)
          %scan3A_1418 = arith.constant 0 : i32
          scf.yield %scan3A_1418 : i32
        }
        %scan3A_1405 = arith.constant 16 : i32
      } else {
      }
      %dma_wait3A = arith.constant 0 : i32
      %dma_wait3A_52 = tpu.memref_slice %arg8[%and3A_47, %dma_wait3A] : memref<2x784xf32, #tpu.memory_space<vmem>> -> memref<1x784xf32, #tpu.memory_space<vmem>>
      %dma_wait3A_53 = tpu.memref_squeeze %dma_wait3A_52 : memref<1x784xf32, #tpu.memory_space<vmem>> -> memref<784xf32, #tpu.memory_space<vmem>>
      %dma_wait3A_54 = arith.constant 0 : i32
      %dma_wait3A_55 = tpu.memref_slice %arg4[%add3A_46, %dma_wait3A_54] : memref<200x784xf32, #tpu.memory_space<hbm>> -> memref<1x784xf32, #tpu.memory_space<hbm>>
      %dma_wait3A_56 = tpu.memref_squeeze %dma_wait3A_55 : memref<1x784xf32, #tpu.memory_space<hbm>> -> memref<784xf32, #tpu.memory_space<hbm>>
      %dma_wait3A_57 = arith.constant 0 : i32
      %dma_wait3A_58 = tpu.memref_slice %arg8[%and3A_47, %dma_wait3A_57] : memref<2x784xf32, #tpu.memory_space<vmem>> -> memref<1x784xf32, #tpu.memory_space<vmem>>
      %dma_wait3A_59 = tpu.memref_squeeze %dma_wait3A_58 : memref<1x784xf32, #tpu.memory_space<vmem>> -> memref<784xf32, #tpu.memory_space<vmem>>
      %dma_wait3A_60 = arith.constant 0 : i32
      %dma_wait3A_61 = tpu.memref_slice %arg4[%add3A_46, %dma_wait3A_60] : memref<200x784xf32, #tpu.memory_space<hbm>> -> memref<1x784xf32, #tpu.memory_space<hbm>>
      %dma_wait3A_62 = tpu.memref_squeeze %dma_wait3A_61 : memref<1x784xf32, #tpu.memory_space<hbm>> -> memref<784xf32, #tpu.memory_space<hbm>>
      tpu.wait_dma2 semaphore(%arg14 : memref<!tpu.dma_semaphore, #tpu.memory_space<semaphore_mem>>) src(%dma_wait3A_62 : memref<784xf32, #tpu.memory_space<hbm>>) dst(%dma_wait3A_59 : memref<784xf32, #tpu.memory_space<vmem>>)
      %add3A_63 = arith.constant 1 : i32
      %add3A_64 = arith.addi %while3A_42, %add3A_63 : i32
      %lt3A_65 = arith.cmpi slt, %add3A_64, %add3A_11 : i32
      %convert_element_type3A_66 = arith.extui %lt3A_65 : i1 to i32
      %cond3A_67 = arith.constant 0 : i32
      %cond3A_68 = arith.cmpi ne, %convert_element_type3A_66, %cond3A_67 : i32
      scf.if %cond3A_68 {
        %add3A_1399 = arith.constant 32 : i32
        %add3A_1400 = arith.addi %add3A_46, %add3A_1399 : i32
        %sub3A_1401 = arith.constant 1 : i32
        %sub3A_1402 = arith.subi %sub3A_1401, %and3A_47 : i32
        %dma_start3A_1403 = arith.constant 0 : i32
        %dma_start3A_1404 = tpu.memref_slice %arg8[%sub3A_1402, %dma_start3A_1403] : memref<2x784xf32, #tpu.memory_space<vmem>> -> memref<1x784xf32, #tpu.memory_space<vmem>>
        %dma_start3A_1405 = tpu.memref_squeeze %dma_start3A_1404 : memref<1x784xf32, #tpu.memory_space<vmem>> -> memref<784xf32, #tpu.memory_space<vmem>>
        %dma_start3A_1406 = arith.constant 0 : i32
        %dma_start3A_1407 = tpu.memref_slice %arg4[%add3A_1400, %dma_start3A_1406] : memref<200x784xf32, #tpu.memory_space<hbm>> -> memref<1x784xf32, #tpu.memory_space<hbm>>
        %dma_start3A_1408 = tpu.memref_squeeze %dma_start3A_1407 : memref<1x784xf32, #tpu.memory_space<hbm>> -> memref<784xf32, #tpu.memory_space<hbm>>
        %dma_start3A_1409 = arith.constant 0 : i32
        %dma_start3A_1410 = tpu.memref_slice %arg8[%sub3A_1402, %dma_start3A_1409] : memref<2x784xf32, #tpu.memory_space<vmem>> -> memref<1x784xf32, #tpu.memory_space<vmem>>
        %dma_start3A_1411 = tpu.memref_squeeze %dma_start3A_1410 : memref<1x784xf32, #tpu.memory_space<vmem>> -> memref<784xf32, #tpu.memory_space<vmem>>
        %dma_start3A_1412 = arith.constant 0 : i32
        %dma_start3A_1413 = tpu.memref_slice %arg4[%add3A_1400, %dma_start3A_1412] : memref<200x784xf32, #tpu.memory_space<hbm>> -> memref<1x784xf32, #tpu.memory_space<hbm>>
        %dma_start3A_1414 = tpu.memref_squeeze %dma_start3A_1413 : memref<1x784xf32, #tpu.memory_space<hbm>> -> memref<784xf32, #tpu.memory_space<hbm>>
        tpu.enqueue_dma source(%dma_start3A_1414 : memref<784xf32, #tpu.memory_space<hbm>>) target(%dma_start3A_1411 : memref<784xf32, #tpu.memory_space<vmem>>) target_semaphore(%arg14 : memref<!tpu.dma_semaphore, #tpu.memory_space<semaphore_mem>>)
      } else {
      }
      %mul3A_69 = arith.constant 16 : i32
      %mul3A_70 = arith.muli %add3A_46, %mul3A_69 : i32
      %multiple_of3A = tpu.assume_multiple %mul3A_70, 16 : i32
      %get3A = arith.index_cast %multiple_of3A : i32 to index
      %get3A_71 = tpu.vector_load %arg6[%get3A] {strides = array<i32>} : memref<3200xi32, #tpu.memory_space<vmem>>, vector<16xi32>,
      %mul3A_72 = arith.constant 16 : i32
      %mul3A_73 = arith.muli %add3A_46, %mul3A_72 : i32
      %multiple_of3A_74 = tpu.assume_multiple %mul3A_73, 16 : i32
      %get3A_75 = arith.index_cast %multiple_of3A_74 : i32 to index
      %get3A_76 = tpu.vector_load %arg7[%get3A_75] {strides = array<i32>} : memref<3200xf32, #tpu.memory_space<vmem>>, vector<16xf32>,
      %slice3A = vector.extract_strided_slice %get3A_71 {offsets = [0], sizes = [1], strides = [1]} : vector<16xi32> to vector<1xi32>
      %squeeze3A = vector.extract %slice3A[0] : i32 from vector<1xi32>
      %slice3A_77 = vector.extract_strided_slice %get3A_71 {offsets = [1], sizes = [1], strides = [1]} : vector<16xi32> to vector<1xi32>
      %squeeze3A_78 = vector.extract %slice3A_77[0] : i32 from vector<1xi32>
      %slice3A_79 = vector.extract_strided_slice %get3A_71 {offsets = [2], sizes = [1], strides = [1]} : vector<16xi32> to vector<1xi32>
      %squeeze3A_80 = vector.extract %slice3A_79[0] : i32 from vector<1xi32>
      %slice3A_81 = vector.extract_strided_slice %get3A_71 {offsets = [3], sizes = [1], strides = [1]} : vector<16xi32> to vector<1xi32>
      %squeeze3A_82 = vector.extract %slice3A_81[0] : i32 from vector<1xi32>
      %slice3A_83 = vector.extract_strided_slice %get3A_76 {offsets = [4], sizes = [1], strides = [1]} : vector<16xf32> to vector<1xf32>
      %squeeze3A_84 = vector.extract %slice3A_83[0] : f32 from vector<1xf32>
      %slice3A_85 = vector.extract_strided_slice %get3A_76 {offsets = [5], sizes = [1], strides = [1]} : vector<16xf32> to vector<1xf32>
      %squeeze3A_86 = vector.extract %slice3A_85[0] : f32 from vector<1xf32>
      %broadcast_in_dim3A_87 = vector.broadcast %and3A_47 : i32 to vector<16xi32>
      %scan3A_88 = arith.constant 0 : i32
      %scan3A_89 = arith.constant 0 : i32
      %scan3A_90 = arith.constant 28 : i32
      %scan3A_91 = arith.addi %scan3A_89, %scan3A_90 : i32
      %scan3A_92 = arith.constant 1 : i32
      %scan3A_93 = scf.for %scan3A_1399 = %scan3A_89 to %scan3A_91 step %scan3A_92 iter_args(%scan3A_1400 = %scan3A_88) -> (i32)  : i32 {
        %mul3A_1401 = arith.constant 28 : i32
        %mul3A_1402 = arith.muli %scan3A_1399, %mul3A_1401 : i32
        %add3A_1403 = vector.broadcast %mul3A_1402 : i32 to vector<16xi32>
        %add3A_1404 = arith.addi %add3A_1403, %iota3A : vector<16xi32>
        %gather3A = tpu.vector_load_idx %arg8[%broadcast_in_dim3A_87, %add3A_1404] : memref<2x784xf32, #tpu.memory_space<vmem>>[vector<16xi32>, vector<16xi32>], vector<16xf32>,
        %mul3A_1405 = arith.constant 32 : i32
        %mul3A_1406 = arith.muli %scan3A_1399, %mul3A_1405 : i32
        %swap3A_1407 = arith.index_cast %mul3A_1406 : i32 to index
        %swap3A_1408 = tpu.vector_load %arg9[%swap3A_1407] {strides = array<i32>} : memref<896xf32, #tpu.memory_space<vmem>>, vector<16xf32>,
        tpu.vector_store %arg9[%swap3A_1407], %gather3A {strides = array<i32>} : memref<896xf32, #tpu.memory_space<vmem>>, vector<16xf32>,
        %mul3A_1409 = arith.constant 28 : i32
        %mul3A_1410 = arith.muli %scan3A_1399, %mul3A_1409 : i32
        %add3A_1411 = arith.constant 16 : i32
        %add3A_1412 = arith.addi %mul3A_1410, %add3A_1411 : i32
        %add3A_1413 = vector.broadcast %add3A_1412 : i32 to vector<16xi32>
        %add3A_1414 = arith.addi %add3A_1413, %iota3A : vector<16xi32>
        %min3A_1415 = arith.constant 783 : i32
        %min3A_1416 = vector.broadcast %min3A_1415 : i32 to vector<16xi32>
        %min3A_1417 = arith.minsi %add3A_1414, %min3A_1416 : vector<16xi32>
        %gather3A_1418 = tpu.vector_load_idx %arg8[%broadcast_in_dim3A_87, %min3A_1417] : memref<2x784xf32, #tpu.memory_space<vmem>>[vector<16xi32>, vector<16xi32>], vector<16xf32>,
        %lt3A_1419 = arith.constant 12 : i32
        %lt3A_1420 = vector.broadcast %lt3A_1419 : i32 to vector<16xi32>
        %lt3A_1421 = arith.cmpi slt, %iota3A, %lt3A_1420 : vector<16xi32>
        %jit3A_1422 = arith.constant 0.000000e+00 : f32
        %broadcast_in_dim3A_1423 = vector.broadcast %jit3A_1422 : f32 to vector<16xf32>
        %select_n3A_1424 = arith.select %lt3A_1421, %gather3A_1418, %broadcast_in_dim3A_1423 : vector<16xi1>, vector<16xf32>
        %mul3A_1425 = arith.constant 32 : i32
        %mul3A_1426 = arith.muli %scan3A_1399, %mul3A_1425 : i32
        %add3A_1427 = arith.constant 16 : i32
        %add3A_1428 = arith.addi %mul3A_1426, %add3A_1427 : i32
        %swap3A_1429 = arith.index_cast %add3A_1428 : i32 to index
        %swap3A_1430 = tpu.vector_load %arg9[%swap3A_1429] {strides = array<i32>} : memref<896xf32, #tpu.memory_space<vmem>>, vector<16xf32>,
        tpu.vector_store %arg9[%swap3A_1429], %select_n3A_1424 {strides = array<i32>} : memref<896xf32, #tpu.memory_space<vmem>>, vector<16xf32>,
        %scan3A_1431 = arith.constant 0 : i32
        scf.yield %scan3A_1431 : i32
      }
      %scan3A_94 = arith.constant 28 : i32
      %add3A_95 = arith.constant 0 : i32
      %add3A_96 = vector.broadcast %add3A_95 : i32 to vector<16xi32>
      %add3A_97 = arith.addi %iota3A, %add3A_96 : vector<16xi32>
      %sub3A = vector.broadcast %squeeze3A_78 : i32 to vector<16xi32>
      %sub3A_98 = arith.subi %add3A_97, %sub3A : vector<16xi32>
      %convert_element_type3A_99 = arith.sitofp %sub3A_98 : vector<16xi32> to vector<16xf32>
      %mul3A_100 = vector.broadcast %squeeze3A_86 : f32 to vector<16xf32>
      %mul3A_101 = arith.mulf %convert_element_type3A_99, %mul3A_100 : vector<16xf32>
      %convert_element_type3A_102 = arith.fptosi %mul3A_101 : vector<16xf32> to vector<16xi32>
      %max3A = arith.constant 0 : i32
      %max3A_103 = vector.broadcast %max3A : i32 to vector<16xi32>
      %max3A_104 = arith.maxsi %convert_element_type3A_102, %max3A_103 : vector<16xi32>
      %min3A = arith.constant 27 : i32
      %min3A_105 = vector.broadcast %min3A : i32 to vector<16xi32>
      %min3A_106 = arith.minsi %max3A_104, %min3A_105 : vector<16xi32>
      %ge3A_107 = vector.broadcast %squeeze3A_78 : i32 to vector<16xi32>
      %ge3A_108 = arith.cmpi sge, %add3A_97, %ge3A_107 : vector<16xi32>
      %lt3A_109 = vector.broadcast %squeeze3A_82 : i32 to vector<16xi32>
      %lt3A_110 = arith.cmpi slt, %add3A_97, %lt3A_109 : vector<16xi32>
      %and3A_111 = arith.andi %ge3A_108, %lt3A_110 : vector<16xi1>
      %jit3A_112 = arith.constant 28 : i32
      %broadcast_in_dim3A_113 = vector.broadcast %jit3A_112 : i32 to vector<16xi32>
      %select_n3A_114 = arith.select %and3A_111, %min3A_106, %broadcast_in_dim3A_113 : vector<16xi1>, vector<16xi32>
      %swap3A = arith.constant 0 : index
      %swap3A_115 = tpu.vector_load %arg10[%swap3A] {strides = array<i32>} : memref<384xi32, #tpu.memory_space<vmem>>, vector<16xi32>,
      tpu.vector_store %arg10[%swap3A], %select_n3A_114 {strides = array<i32>} : memref<384xi32, #tpu.memory_space<vmem>>, vector<16xi32>,
      %add3A_116 = arith.constant 16 : i32
      %add3A_117 = vector.broadcast %add3A_116 : i32 to vector<16xi32>
      %add3A_118 = arith.addi %iota3A, %add3A_117 : vector<16xi32>
      %sub3A_119 = vector.broadcast %squeeze3A_78 : i32 to vector<16xi32>
      %sub3A_120 = arith.subi %add3A_118, %sub3A_119 : vector<16xi32>
      %convert_element_type3A_121 = arith.sitofp %sub3A_120 : vector<16xi32> to vector<16xf32>
      %mul3A_122 = vector.broadcast %squeeze3A_86 : f32 to vector<16xf32>
      %mul3A_123 = arith.mulf %convert_element_type3A_121, %mul3A_122 : vector<16xf32>
      %convert_element_type3A_124 = arith.fptosi %mul3A_123 : vector<16xf32> to vector<16xi32>
      %max3A_125 = arith.constant 0 : i32
      %max3A_126 = vector.broadcast %max3A_125 : i32 to vector<16xi32>
      %max3A_127 = arith.maxsi %convert_element_type3A_124, %max3A_126 : vector<16xi32>
      %min3A_128 = arith.constant 27 : i32
      %min3A_129 = vector.broadcast %min3A_128 : i32 to vector<16xi32>
      %min3A_130 = arith.minsi %max3A_127, %min3A_129 : vector<16xi32>
      %ge3A_131 = vector.broadcast %squeeze3A_78 : i32 to vector<16xi32>
      %ge3A_132 = arith.cmpi sge, %add3A_118, %ge3A_131 : vector<16xi32>
      %lt3A_133 = vector.broadcast %squeeze3A_82 : i32 to vector<16xi32>
      %lt3A_134 = arith.cmpi slt, %add3A_118, %lt3A_133 : vector<16xi32>
      %and3A_135 = arith.andi %ge3A_132, %lt3A_134 : vector<16xi1>
      %jit3A_136 = arith.constant 28 : i32
      %broadcast_in_dim3A_137 = vector.broadcast %jit3A_136 : i32 to vector<16xi32>
      %select_n3A_138 = arith.select %and3A_135, %min3A_130, %broadcast_in_dim3A_137 : vector<16xi1>, vector<16xi32>
      %swap3A_139 = arith.constant 16 : index
      %swap3A_140 = tpu.vector_load %arg10[%swap3A_139] {strides = array<i32>} : memref<384xi32, #tpu.memory_space<vmem>>, vector<16xi32>,
      tpu.vector_store %arg10[%swap3A_139], %select_n3A_138 {strides = array<i32>} : memref<384xi32, #tpu.memory_space<vmem>>, vector<16xi32>,
      %add3A_141 = arith.constant 32 : i32
      %add3A_142 = vector.broadcast %add3A_141 : i32 to vector<16xi32>
      %add3A_143 = arith.addi %iota3A, %add3A_142 : vector<16xi32>
      %sub3A_144 = vector.broadcast %squeeze3A_78 : i32 to vector<16xi32>
      %sub3A_145 = arith.subi %add3A_143, %sub3A_144 : vector<16xi32>
      %convert_element_type3A_146 = arith.sitofp %sub3A_145 : vector<16xi32> to vector<16xf32>
      %mul3A_147 = vector.broadcast %squeeze3A_86 : f32 to vector<16xf32>
      %mul3A_148 = arith.mulf %convert_element_type3A_146, %mul3A_147 : vector<16xf32>
      %convert_element_type3A_149 = arith.fptosi %mul3A_148 : vector<16xf32> to vector<16xi32>
      %max3A_150 = arith.constant 0 : i32
      %max3A_151 = vector.broadcast %max3A_150 : i32 to vector<16xi32>
      %max3A_152 = arith.maxsi %convert_element_type3A_149, %max3A_151 : vector<16xi32>
      %min3A_153 = arith.constant 27 : i32
      %min3A_154 = vector.broadcast %min3A_153 : i32 to vector<16xi32>
      %min3A_155 = arith.minsi %max3A_152, %min3A_154 : vector<16xi32>
      %ge3A_156 = vector.broadcast %squeeze3A_78 : i32 to vector<16xi32>
      %ge3A_157 = arith.cmpi sge, %add3A_143, %ge3A_156 : vector<16xi32>
      %lt3A_158 = vector.broadcast %squeeze3A_82 : i32 to vector<16xi32>
      %lt3A_159 = arith.cmpi slt, %add3A_143, %lt3A_158 : vector<16xi32>
      %and3A_160 = arith.andi %ge3A_157, %lt3A_159 : vector<16xi1>
      %jit3A_161 = arith.constant 28 : i32
      %broadcast_in_dim3A_162 = vector.broadcast %jit3A_161 : i32 to vector<16xi32>
      %select_n3A_163 = arith.select %and3A_160, %min3A_155, %broadcast_in_dim3A_162 : vector<16xi1>, vector<16xi32>
      %swap3A_164 = arith.constant 32 : index
      %swap3A_165 = tpu.vector_load %arg10[%swap3A_164] {strides = array<i32>} : memref<384xi32, #tpu.memory_space<vmem>>, vector<16xi32>,
      tpu.vector_store %arg10[%swap3A_164], %select_n3A_163 {strides = array<i32>} : memref<384xi32, #tpu.memory_space<vmem>>, vector<16xi32>,
      %add3A_166 = arith.constant 48 : i32
      %add3A_167 = vector.broadcast %add3A_166 : i32 to vector<16xi32>
      %add3A_168 = arith.addi %iota3A, %add3A_167 : vector<16xi32>
      %sub3A_169 = vector.broadcast %squeeze3A_78 : i32 to vector<16xi32>
      %sub3A_170 = arith.subi %add3A_168, %sub3A_169 : vector<16xi32>
      %convert_element_type3A_171 = arith.sitofp %sub3A_170 : vector<16xi32> to vector<16xf32>
      %mul3A_172 = vector.broadcast %squeeze3A_86 : f32 to vector<16xf32>
      %mul3A_173 = arith.mulf %convert_element_type3A_171, %mul3A_172 : vector<16xf32>
      %convert_element_type3A_174 = arith.fptosi %mul3A_173 : vector<16xf32> to vector<16xi32>
      %max3A_175 = arith.constant 0 : i32
      %max3A_176 = vector.broadcast %max3A_175 : i32 to vector<16xi32>
      %max3A_177 = arith.maxsi %convert_element_type3A_174, %max3A_176 : vector<16xi32>
      %min3A_178 = arith.constant 27 : i32
      %min3A_179 = vector.broadcast %min3A_178 : i32 to vector<16xi32>
      %min3A_180 = arith.minsi %max3A_177, %min3A_179 : vector<16xi32>
      %ge3A_181 = vector.broadcast %squeeze3A_78 : i32 to vector<16xi32>
      %ge3A_182 = arith.cmpi sge, %add3A_168, %ge3A_181 : vector<16xi32>
      %lt3A_183 = vector.broadcast %squeeze3A_82 : i32 to vector<16xi32>
      %lt3A_184 = arith.cmpi slt, %add3A_168, %lt3A_183 : vector<16xi32>
      %and3A_185 = arith.andi %ge3A_182, %lt3A_184 : vector<16xi1>
      %jit3A_186 = arith.constant 28 : i32
      %broadcast_in_dim3A_187 = vector.broadcast %jit3A_186 : i32 to vector<16xi32>
      %select_n3A_188 = arith.select %and3A_185, %min3A_180, %broadcast_in_dim3A_187 : vector<16xi1>, vector<16xi32>
      %swap3A_189 = arith.constant 48 : index
      %swap3A_190 = tpu.vector_load %arg10[%swap3A_189] {strides = array<i32>} : memref<384xi32, #tpu.memory_space<vmem>>, vector<16xi32>,
      tpu.vector_store %arg10[%swap3A_189], %select_n3A_188 {strides = array<i32>} : memref<384xi32, #tpu.memory_space<vmem>>, vector<16xi32>,
      %add3A_191 = arith.constant 64 : i32
      %add3A_192 = vector.broadcast %add3A_191 : i32 to vector<16xi32>
      %add3A_193 = arith.addi %iota3A, %add3A_192 : vector<16xi32>
      %sub3A_194 = vector.broadcast %squeeze3A_78 : i32 to vector<16xi32>
      %sub3A_195 = arith.subi %add3A_193, %sub3A_194 : vector<16xi32>
      %convert_element_type3A_196 = arith.sitofp %sub3A_195 : vector<16xi32> to vector<16xf32>
      %mul3A_197 = vector.broadcast %squeeze3A_86 : f32 to vector<16xf32>
      %mul3A_198 = arith.mulf %convert_element_type3A_196, %mul3A_197 : vector<16xf32>
      %convert_element_type3A_199 = arith.fptosi %mul3A_198 : vector<16xf32> to vector<16xi32>
      %max3A_200 = arith.constant 0 : i32
      %max3A_201 = vector.broadcast %max3A_200 : i32 to vector<16xi32>
      %max3A_202 = arith.maxsi %convert_element_type3A_199, %max3A_201 : vector<16xi32>
      %min3A_203 = arith.constant 27 : i32
      %min3A_204 = vector.broadcast %min3A_203 : i32 to vector<16xi32>
      %min3A_205 = arith.minsi %max3A_202, %min3A_204 : vector<16xi32>
      %ge3A_206 = vector.broadcast %squeeze3A_78 : i32 to vector<16xi32>
      %ge3A_207 = arith.cmpi sge, %add3A_193, %ge3A_206 : vector<16xi32>
      %lt3A_208 = vector.broadcast %squeeze3A_82 : i32 to vector<16xi32>
      %lt3A_209 = arith.cmpi slt, %add3A_193, %lt3A_208 : vector<16xi32>
      %and3A_210 = arith.andi %ge3A_207, %lt3A_209 : vector<16xi1>
      %jit3A_211 = arith.constant 28 : i32
      %broadcast_in_dim3A_212 = vector.broadcast %jit3A_211 : i32 to vector<16xi32>
      %select_n3A_213 = arith.select %and3A_210, %min3A_205, %broadcast_in_dim3A_212 : vector<16xi1>, vector<16xi32>
      %swap3A_214 = arith.constant 64 : index
      %swap3A_215 = tpu.vector_load %arg10[%swap3A_214] {strides = array<i32>} : memref<384xi32, #tpu.memory_space<vmem>>, vector<16xi32>,
      tpu.vector_store %arg10[%swap3A_214], %select_n3A_213 {strides = array<i32>} : memref<384xi32, #tpu.memory_space<vmem>>, vector<16xi32>,
      %add3A_216 = arith.constant 80 : i32
      %add3A_217 = vector.broadcast %add3A_216 : i32 to vector<16xi32>
      %add3A_218 = arith.addi %iota3A, %add3A_217 : vector<16xi32>
      %sub3A_219 = vector.broadcast %squeeze3A_78 : i32 to vector<16xi32>
      %sub3A_220 = arith.subi %add3A_218, %sub3A_219 : vector<16xi32>
      %convert_element_type3A_221 = arith.sitofp %sub3A_220 : vector<16xi32> to vector<16xf32>
      %mul3A_222 = vector.broadcast %squeeze3A_86 : f32 to vector<16xf32>
      %mul3A_223 = arith.mulf %convert_element_type3A_221, %mul3A_222 : vector<16xf32>
      %convert_element_type3A_224 = arith.fptosi %mul3A_223 : vector<16xf32> to vector<16xi32>
      %max3A_225 = arith.constant 0 : i32
      %max3A_226 = vector.broadcast %max3A_225 : i32 to vector<16xi32>
      %max3A_227 = arith.maxsi %convert_element_type3A_224, %max3A_226 : vector<16xi32>
      %min3A_228 = arith.constant 27 : i32
      %min3A_229 = vector.broadcast %min3A_228 : i32 to vector<16xi32>
      %min3A_230 = arith.minsi %max3A_227, %min3A_229 : vector<16xi32>
      %ge3A_231 = vector.broadcast %squeeze3A_78 : i32 to vector<16xi32>
      %ge3A_232 = arith.cmpi sge, %add3A_218, %ge3A_231 : vector<16xi32>
      %lt3A_233 = vector.broadcast %squeeze3A_82 : i32 to vector<16xi32>
      %lt3A_234 = arith.cmpi slt, %add3A_218, %lt3A_233 : vector<16xi32>
      %and3A_235 = arith.andi %ge3A_232, %lt3A_234 : vector<16xi1>
      %jit3A_236 = arith.constant 28 : i32
      %broadcast_in_dim3A_237 = vector.broadcast %jit3A_236 : i32 to vector<16xi32>
      %select_n3A_238 = arith.select %and3A_235, %min3A_230, %broadcast_in_dim3A_237 : vector<16xi1>, vector<16xi32>
      %swap3A_239 = arith.constant 80 : index
      %swap3A_240 = tpu.vector_load %arg10[%swap3A_239] {strides = array<i32>} : memref<384xi32, #tpu.memory_space<vmem>>, vector<16xi32>,
      tpu.vector_store %arg10[%swap3A_239], %select_n3A_238 {strides = array<i32>} : memref<384xi32, #tpu.memory_space<vmem>>, vector<16xi32>,
      %add3A_241 = arith.constant 96 : i32
      %add3A_242 = vector.broadcast %add3A_241 : i32 to vector<16xi32>
      %add3A_243 = arith.addi %iota3A, %add3A_242 : vector<16xi32>
      %sub3A_244 = vector.broadcast %squeeze3A_78 : i32 to vector<16xi32>
      %sub3A_245 = arith.subi %add3A_243, %sub3A_244 : vector<16xi32>
      %convert_element_type3A_246 = arith.sitofp %sub3A_245 : vector<16xi32> to vector<16xf32>
      %mul3A_247 = vector.broadcast %squeeze3A_86 : f32 to vector<16xf32>
      %mul3A_248 = arith.mulf %convert_element_type3A_246, %mul3A_247 : vector<16xf32>
      %convert_element_type3A_249 = arith.fptosi %mul3A_248 : vector<16xf32> to vector<16xi32>
      %max3A_250 = arith.constant 0 : i32
      %max3A_251 = vector.broadcast %max3A_250 : i32 to vector<16xi32>
      %max3A_252 = arith.maxsi %convert_element_type3A_249, %max3A_251 : vector<16xi32>
      %min3A_253 = arith.constant 27 : i32
      %min3A_254 = vector.broadcast %min3A_253 : i32 to vector<16xi32>
      %min3A_255 = arith.minsi %max3A_252, %min3A_254 : vector<16xi32>
      %ge3A_256 = vector.broadcast %squeeze3A_78 : i32 to vector<16xi32>
      %ge3A_257 = arith.cmpi sge, %add3A_243, %ge3A_256 : vector<16xi32>
      %lt3A_258 = vector.broadcast %squeeze3A_82 : i32 to vector<16xi32>
      %lt3A_259 = arith.cmpi slt, %add3A_243, %lt3A_258 : vector<16xi32>
      %and3A_260 = arith.andi %ge3A_257, %lt3A_259 : vector<16xi1>
      %jit3A_261 = arith.constant 28 : i32
      %broadcast_in_dim3A_262 = vector.broadcast %jit3A_261 : i32 to vector<16xi32>
      %select_n3A_263 = arith.select %and3A_260, %min3A_255, %broadcast_in_dim3A_262 : vector<16xi1>, vector<16xi32>
      %swap3A_264 = arith.constant 96 : index
      %swap3A_265 = tpu.vector_load %arg10[%swap3A_264] {strides = array<i32>} : memref<384xi32, #tpu.memory_space<vmem>>, vector<16xi32>,
      tpu.vector_store %arg10[%swap3A_264], %select_n3A_263 {strides = array<i32>} : memref<384xi32, #tpu.memory_space<vmem>>, vector<16xi32>,
      %add3A_266 = arith.constant 112 : i32
      %add3A_267 = vector.broadcast %add3A_266 : i32 to vector<16xi32>
      %add3A_268 = arith.addi %iota3A, %add3A_267 : vector<16xi32>
      %sub3A_269 = vector.broadcast %squeeze3A_78 : i32 to vector<16xi32>
      %sub3A_270 = arith.subi %add3A_268, %sub3A_269 : vector<16xi32>
      %convert_element_type3A_271 = arith.sitofp %sub3A_270 : vector<16xi32> to vector<16xf32>
      %mul3A_272 = vector.broadcast %squeeze3A_86 : f32 to vector<16xf32>
      %mul3A_273 = arith.mulf %convert_element_type3A_271, %mul3A_272 : vector<16xf32>
      %convert_element_type3A_274 = arith.fptosi %mul3A_273 : vector<16xf32> to vector<16xi32>
      %max3A_275 = arith.constant 0 : i32
      %max3A_276 = vector.broadcast %max3A_275 : i32 to vector<16xi32>
      %max3A_277 = arith.maxsi %convert_element_type3A_274, %max3A_276 : vector<16xi32>
      %min3A_278 = arith.constant 27 : i32
      %min3A_279 = vector.broadcast %min3A_278 : i32 to vector<16xi32>
      %min3A_280 = arith.minsi %max3A_277, %min3A_279 : vector<16xi32>
      %ge3A_281 = vector.broadcast %squeeze3A_78 : i32 to vector<16xi32>
      %ge3A_282 = arith.cmpi sge, %add3A_268, %ge3A_281 : vector<16xi32>
      %lt3A_283 = vector.broadcast %squeeze3A_82 : i32 to vector<16xi32>
      %lt3A_284 = arith.cmpi slt, %add3A_268, %lt3A_283 : vector<16xi32>
      %and3A_285 = arith.andi %ge3A_282, %lt3A_284 : vector<16xi1>
      %jit3A_286 = arith.constant 28 : i32
      %broadcast_in_dim3A_287 = vector.broadcast %jit3A_286 : i32 to vector<16xi32>
      %select_n3A_288 = arith.select %and3A_285, %min3A_280, %broadcast_in_dim3A_287 : vector<16xi1>, vector<16xi32>
      %swap3A_289 = arith.constant 112 : index
      %swap3A_290 = tpu.vector_load %arg10[%swap3A_289] {strides = array<i32>} : memref<384xi32, #tpu.memory_space<vmem>>, vector<16xi32>,
      tpu.vector_store %arg10[%swap3A_289], %select_n3A_288 {strides = array<i32>} : memref<384xi32, #tpu.memory_space<vmem>>, vector<16xi32>,
      %add3A_291 = arith.constant 128 : i32
      %add3A_292 = vector.broadcast %add3A_291 : i32 to vector<16xi32>
      %add3A_293 = arith.addi %iota3A, %add3A_292 : vector<16xi32>
      %sub3A_294 = vector.broadcast %squeeze3A_78 : i32 to vector<16xi32>
      %sub3A_295 = arith.subi %add3A_293, %sub3A_294 : vector<16xi32>
      %convert_element_type3A_296 = arith.sitofp %sub3A_295 : vector<16xi32> to vector<16xf32>
      %mul3A_297 = vector.broadcast %squeeze3A_86 : f32 to vector<16xf32>
      %mul3A_298 = arith.mulf %convert_element_type3A_296, %mul3A_297 : vector<16xf32>
      %convert_element_type3A_299 = arith.fptosi %mul3A_298 : vector<16xf32> to vector<16xi32>
      %max3A_300 = arith.constant 0 : i32
      %max3A_301 = vector.broadcast %max3A_300 : i32 to vector<16xi32>
      %max3A_302 = arith.maxsi %convert_element_type3A_299, %max3A_301 : vector<16xi32>
      %min3A_303 = arith.constant 27 : i32
      %min3A_304 = vector.broadcast %min3A_303 : i32 to vector<16xi32>
      %min3A_305 = arith.minsi %max3A_302, %min3A_304 : vector<16xi32>
      %ge3A_306 = vector.broadcast %squeeze3A_78 : i32 to vector<16xi32>
      %ge3A_307 = arith.cmpi sge, %add3A_293, %ge3A_306 : vector<16xi32>
      %lt3A_308 = vector.broadcast %squeeze3A_82 : i32 to vector<16xi32>
      %lt3A_309 = arith.cmpi slt, %add3A_293, %lt3A_308 : vector<16xi32>
      %and3A_310 = arith.andi %ge3A_307, %lt3A_309 : vector<16xi1>
      %jit3A_311 = arith.constant 28 : i32
      %broadcast_in_dim3A_312 = vector.broadcast %jit3A_311 : i32 to vector<16xi32>
      %select_n3A_313 = arith.select %and3A_310, %min3A_305, %broadcast_in_dim3A_312 : vector<16xi1>, vector<16xi32>
      %swap3A_314 = arith.constant 128 : index
      %swap3A_315 = tpu.vector_load %arg10[%swap3A_314] {strides = array<i32>} : memref<384xi32, #tpu.memory_space<vmem>>, vector<16xi32>,
      tpu.vector_store %arg10[%swap3A_314], %select_n3A_313 {strides = array<i32>} : memref<384xi32, #tpu.memory_space<vmem>>, vector<16xi32>,
      %add3A_316 = arith.constant 144 : i32
      %add3A_317 = vector.broadcast %add3A_316 : i32 to vector<16xi32>
      %add3A_318 = arith.addi %iota3A, %add3A_317 : vector<16xi32>
      %sub3A_319 = vector.broadcast %squeeze3A_78 : i32 to vector<16xi32>
      %sub3A_320 = arith.subi %add3A_318, %sub3A_319 : vector<16xi32>
      %convert_element_type3A_321 = arith.sitofp %sub3A_320 : vector<16xi32> to vector<16xf32>
      %mul3A_322 = vector.broadcast %squeeze3A_86 : f32 to vector<16xf32>
      %mul3A_323 = arith.mulf %convert_element_type3A_321, %mul3A_322 : vector<16xf32>
      %convert_element_type3A_324 = arith.fptosi %mul3A_323 : vector<16xf32> to vector<16xi32>
      %max3A_325 = arith.constant 0 : i32
      %max3A_326 = vector.broadcast %max3A_325 : i32 to vector<16xi32>
      %max3A_327 = arith.maxsi %convert_element_type3A_324, %max3A_326 : vector<16xi32>
      %min3A_328 = arith.constant 27 : i32
      %min3A_329 = vector.broadcast %min3A_328 : i32 to vector<16xi32>
      %min3A_330 = arith.minsi %max3A_327, %min3A_329 : vector<16xi32>
      %ge3A_331 = vector.broadcast %squeeze3A_78 : i32 to vector<16xi32>
      %ge3A_332 = arith.cmpi sge, %add3A_318, %ge3A_331 : vector<16xi32>
      %lt3A_333 = vector.broadcast %squeeze3A_82 : i32 to vector<16xi32>
      %lt3A_334 = arith.cmpi slt, %add3A_318, %lt3A_333 : vector<16xi32>
      %and3A_335 = arith.andi %ge3A_332, %lt3A_334 : vector<16xi1>
      %jit3A_336 = arith.constant 28 : i32
      %broadcast_in_dim3A_337 = vector.broadcast %jit3A_336 : i32 to vector<16xi32>
      %select_n3A_338 = arith.select %and3A_335, %min3A_330, %broadcast_in_dim3A_337 : vector<16xi1>, vector<16xi32>
      %swap3A_339 = arith.constant 144 : index
      %swap3A_340 = tpu.vector_load %arg10[%swap3A_339] {strides = array<i32>} : memref<384xi32, #tpu.memory_space<vmem>>, vector<16xi32>,
      tpu.vector_store %arg10[%swap3A_339], %select_n3A_338 {strides = array<i32>} : memref<384xi32, #tpu.memory_space<vmem>>, vector<16xi32>,
      %add3A_341 = arith.constant 160 : i32
      %add3A_342 = vector.broadcast %add3A_341 : i32 to vector<16xi32>
      %add3A_343 = arith.addi %iota3A, %add3A_342 : vector<16xi32>
      %sub3A_344 = vector.broadcast %squeeze3A_78 : i32 to vector<16xi32>
      %sub3A_345 = arith.subi %add3A_343, %sub3A_344 : vector<16xi32>
      %convert_element_type3A_346 = arith.sitofp %sub3A_345 : vector<16xi32> to vector<16xf32>
      %mul3A_347 = vector.broadcast %squeeze3A_86 : f32 to vector<16xf32>
      %mul3A_348 = arith.mulf %convert_element_type3A_346, %mul3A_347 : vector<16xf32>
      %convert_element_type3A_349 = arith.fptosi %mul3A_348 : vector<16xf32> to vector<16xi32>
      %max3A_350 = arith.constant 0 : i32
      %max3A_351 = vector.broadcast %max3A_350 : i32 to vector<16xi32>
      %max3A_352 = arith.maxsi %convert_element_type3A_349, %max3A_351 : vector<16xi32>
      %min3A_353 = arith.constant 27 : i32
      %min3A_354 = vector.broadcast %min3A_353 : i32 to vector<16xi32>
      %min3A_355 = arith.minsi %max3A_352, %min3A_354 : vector<16xi32>
      %ge3A_356 = vector.broadcast %squeeze3A_78 : i32 to vector<16xi32>
      %ge3A_357 = arith.cmpi sge, %add3A_343, %ge3A_356 : vector<16xi32>
      %lt3A_358 = vector.broadcast %squeeze3A_82 : i32 to vector<16xi32>
      %lt3A_359 = arith.cmpi slt, %add3A_343, %lt3A_358 : vector<16xi32>
      %and3A_360 = arith.andi %ge3A_357, %lt3A_359 : vector<16xi1>
      %jit3A_361 = arith.constant 28 : i32
      %broadcast_in_dim3A_362 = vector.broadcast %jit3A_361 : i32 to vector<16xi32>
      %select_n3A_363 = arith.select %and3A_360, %min3A_355, %broadcast_in_dim3A_362 : vector<16xi1>, vector<16xi32>
      %swap3A_364 = arith.constant 160 : index
      %swap3A_365 = tpu.vector_load %arg10[%swap3A_364] {strides = array<i32>} : memref<384xi32, #tpu.memory_space<vmem>>, vector<16xi32>,
      tpu.vector_store %arg10[%swap3A_364], %select_n3A_363 {strides = array<i32>} : memref<384xi32, #tpu.memory_space<vmem>>, vector<16xi32>,
      %add3A_366 = arith.constant 176 : i32
      %add3A_367 = vector.broadcast %add3A_366 : i32 to vector<16xi32>
      %add3A_368 = arith.addi %iota3A, %add3A_367 : vector<16xi32>
      %sub3A_369 = vector.broadcast %squeeze3A_78 : i32 to vector<16xi32>
      %sub3A_370 = arith.subi %add3A_368, %sub3A_369 : vector<16xi32>
      %convert_element_type3A_371 = arith.sitofp %sub3A_370 : vector<16xi32> to vector<16xf32>
      %mul3A_372 = vector.broadcast %squeeze3A_86 : f32 to vector<16xf32>
      %mul3A_373 = arith.mulf %convert_element_type3A_371, %mul3A_372 : vector<16xf32>
      %convert_element_type3A_374 = arith.fptosi %mul3A_373 : vector<16xf32> to vector<16xi32>
      %max3A_375 = arith.constant 0 : i32
      %max3A_376 = vector.broadcast %max3A_375 : i32 to vector<16xi32>
      %max3A_377 = arith.maxsi %convert_element_type3A_374, %max3A_376 : vector<16xi32>
      %min3A_378 = arith.constant 27 : i32
      %min3A_379 = vector.broadcast %min3A_378 : i32 to vector<16xi32>
      %min3A_380 = arith.minsi %max3A_377, %min3A_379 : vector<16xi32>
      %ge3A_381 = vector.broadcast %squeeze3A_78 : i32 to vector<16xi32>
      %ge3A_382 = arith.cmpi sge, %add3A_368, %ge3A_381 : vector<16xi32>
      %lt3A_383 = vector.broadcast %squeeze3A_82 : i32 to vector<16xi32>
      %lt3A_384 = arith.cmpi slt, %add3A_368, %lt3A_383 : vector<16xi32>
      %and3A_385 = arith.andi %ge3A_382, %lt3A_384 : vector<16xi1>
      %jit3A_386 = arith.constant 28 : i32
      %broadcast_in_dim3A_387 = vector.broadcast %jit3A_386 : i32 to vector<16xi32>
      %select_n3A_388 = arith.select %and3A_385, %min3A_380, %broadcast_in_dim3A_387 : vector<16xi1>, vector<16xi32>
      %swap3A_389 = arith.constant 176 : index
      %swap3A_390 = tpu.vector_load %arg10[%swap3A_389] {strides = array<i32>} : memref<384xi32, #tpu.memory_space<vmem>>, vector<16xi32>,
      tpu.vector_store %arg10[%swap3A_389], %select_n3A_388 {strides = array<i32>} : memref<384xi32, #tpu.memory_space<vmem>>, vector<16xi32>,
      %add3A_391 = arith.constant 192 : i32
      %add3A_392 = vector.broadcast %add3A_391 : i32 to vector<16xi32>
      %add3A_393 = arith.addi %iota3A, %add3A_392 : vector<16xi32>
      %sub3A_394 = vector.broadcast %squeeze3A_78 : i32 to vector<16xi32>
      %sub3A_395 = arith.subi %add3A_393, %sub3A_394 : vector<16xi32>
      %convert_element_type3A_396 = arith.sitofp %sub3A_395 : vector<16xi32> to vector<16xf32>
      %mul3A_397 = vector.broadcast %squeeze3A_86 : f32 to vector<16xf32>
      %mul3A_398 = arith.mulf %convert_element_type3A_396, %mul3A_397 : vector<16xf32>
      %convert_element_type3A_399 = arith.fptosi %mul3A_398 : vector<16xf32> to vector<16xi32>
      %max3A_400 = arith.constant 0 : i32
      %max3A_401 = vector.broadcast %max3A_400 : i32 to vector<16xi32>
      %max3A_402 = arith.maxsi %convert_element_type3A_399, %max3A_401 : vector<16xi32>
      %min3A_403 = arith.constant 27 : i32
      %min3A_404 = vector.broadcast %min3A_403 : i32 to vector<16xi32>
      %min3A_405 = arith.minsi %max3A_402, %min3A_404 : vector<16xi32>
      %ge3A_406 = vector.broadcast %squeeze3A_78 : i32 to vector<16xi32>
      %ge3A_407 = arith.cmpi sge, %add3A_393, %ge3A_406 : vector<16xi32>
      %lt3A_408 = vector.broadcast %squeeze3A_82 : i32 to vector<16xi32>
      %lt3A_409 = arith.cmpi slt, %add3A_393, %lt3A_408 : vector<16xi32>
      %and3A_410 = arith.andi %ge3A_407, %lt3A_409 : vector<16xi1>
      %jit3A_411 = arith.constant 28 : i32
      %broadcast_in_dim3A_412 = vector.broadcast %jit3A_411 : i32 to vector<16xi32>
      %select_n3A_413 = arith.select %and3A_410, %min3A_405, %broadcast_in_dim3A_412 : vector<16xi1>, vector<16xi32>
      %swap3A_414 = arith.constant 192 : index
      %swap3A_415 = tpu.vector_load %arg10[%swap3A_414] {strides = array<i32>} : memref<384xi32, #tpu.memory_space<vmem>>, vector<16xi32>,
      tpu.vector_store %arg10[%swap3A_414], %select_n3A_413 {strides = array<i32>} : memref<384xi32, #tpu.memory_space<vmem>>, vector<16xi32>,
      %add3A_416 = arith.constant 208 : i32
      %add3A_417 = vector.broadcast %add3A_416 : i32 to vector<16xi32>
      %add3A_418 = arith.addi %iota3A, %add3A_417 : vector<16xi32>
      %sub3A_419 = vector.broadcast %squeeze3A_78 : i32 to vector<16xi32>
      %sub3A_420 = arith.subi %add3A_418, %sub3A_419 : vector<16xi32>
      %convert_element_type3A_421 = arith.sitofp %sub3A_420 : vector<16xi32> to vector<16xf32>
      %mul3A_422 = vector.broadcast %squeeze3A_86 : f32 to vector<16xf32>
      %mul3A_423 = arith.mulf %convert_element_type3A_421, %mul3A_422 : vector<16xf32>
      %convert_element_type3A_424 = arith.fptosi %mul3A_423 : vector<16xf32> to vector<16xi32>
      %max3A_425 = arith.constant 0 : i32
      %max3A_426 = vector.broadcast %max3A_425 : i32 to vector<16xi32>
      %max3A_427 = arith.maxsi %convert_element_type3A_424, %max3A_426 : vector<16xi32>
      %min3A_428 = arith.constant 27 : i32
      %min3A_429 = vector.broadcast %min3A_428 : i32 to vector<16xi32>
      %min3A_430 = arith.minsi %max3A_427, %min3A_429 : vector<16xi32>
      %ge3A_431 = vector.broadcast %squeeze3A_78 : i32 to vector<16xi32>
      %ge3A_432 = arith.cmpi sge, %add3A_418, %ge3A_431 : vector<16xi32>
      %lt3A_433 = vector.broadcast %squeeze3A_82 : i32 to vector<16xi32>
      %lt3A_434 = arith.cmpi slt, %add3A_418, %lt3A_433 : vector<16xi32>
      %and3A_435 = arith.andi %ge3A_432, %lt3A_434 : vector<16xi1>
      %jit3A_436 = arith.constant 28 : i32
      %broadcast_in_dim3A_437 = vector.broadcast %jit3A_436 : i32 to vector<16xi32>
      %select_n3A_438 = arith.select %and3A_435, %min3A_430, %broadcast_in_dim3A_437 : vector<16xi1>, vector<16xi32>
      %swap3A_439 = arith.constant 208 : index
      %swap3A_440 = tpu.vector_load %arg10[%swap3A_439] {strides = array<i32>} : memref<384xi32, #tpu.memory_space<vmem>>, vector<16xi32>,
      tpu.vector_store %arg10[%swap3A_439], %select_n3A_438 {strides = array<i32>} : memref<384xi32, #tpu.memory_space<vmem>>, vector<16xi32>,
      %add3A_441 = arith.constant 224 : i32
      %add3A_442 = vector.broadcast %add3A_441 : i32 to vector<16xi32>
      %add3A_443 = arith.addi %iota3A, %add3A_442 : vector<16xi32>
      %sub3A_444 = vector.broadcast %squeeze3A_78 : i32 to vector<16xi32>
      %sub3A_445 = arith.subi %add3A_443, %sub3A_444 : vector<16xi32>
      %convert_element_type3A_446 = arith.sitofp %sub3A_445 : vector<16xi32> to vector<16xf32>
      %mul3A_447 = vector.broadcast %squeeze3A_86 : f32 to vector<16xf32>
      %mul3A_448 = arith.mulf %convert_element_type3A_446, %mul3A_447 : vector<16xf32>
      %convert_element_type3A_449 = arith.fptosi %mul3A_448 : vector<16xf32> to vector<16xi32>
      %max3A_450 = arith.constant 0 : i32
      %max3A_451 = vector.broadcast %max3A_450 : i32 to vector<16xi32>
      %max3A_452 = arith.maxsi %convert_element_type3A_449, %max3A_451 : vector<16xi32>
      %min3A_453 = arith.constant 27 : i32
      %min3A_454 = vector.broadcast %min3A_453 : i32 to vector<16xi32>
      %min3A_455 = arith.minsi %max3A_452, %min3A_454 : vector<16xi32>
      %ge3A_456 = vector.broadcast %squeeze3A_78 : i32 to vector<16xi32>
      %ge3A_457 = arith.cmpi sge, %add3A_443, %ge3A_456 : vector<16xi32>
      %lt3A_458 = vector.broadcast %squeeze3A_82 : i32 to vector<16xi32>
      %lt3A_459 = arith.cmpi slt, %add3A_443, %lt3A_458 : vector<16xi32>
      %and3A_460 = arith.andi %ge3A_457, %lt3A_459 : vector<16xi1>
      %jit3A_461 = arith.constant 28 : i32
      %broadcast_in_dim3A_462 = vector.broadcast %jit3A_461 : i32 to vector<16xi32>
      %select_n3A_463 = arith.select %and3A_460, %min3A_455, %broadcast_in_dim3A_462 : vector<16xi1>, vector<16xi32>
      %swap3A_464 = arith.constant 224 : index
      %swap3A_465 = tpu.vector_load %arg10[%swap3A_464] {strides = array<i32>} : memref<384xi32, #tpu.memory_space<vmem>>, vector<16xi32>,
      tpu.vector_store %arg10[%swap3A_464], %select_n3A_463 {strides = array<i32>} : memref<384xi32, #tpu.memory_space<vmem>>, vector<16xi32>,
      %add3A_466 = arith.constant 240 : i32
      %add3A_467 = vector.broadcast %add3A_466 : i32 to vector<16xi32>
      %add3A_468 = arith.addi %iota3A, %add3A_467 : vector<16xi32>
      %sub3A_469 = vector.broadcast %squeeze3A_78 : i32 to vector<16xi32>
      %sub3A_470 = arith.subi %add3A_468, %sub3A_469 : vector<16xi32>
      %convert_element_type3A_471 = arith.sitofp %sub3A_470 : vector<16xi32> to vector<16xf32>
      %mul3A_472 = vector.broadcast %squeeze3A_86 : f32 to vector<16xf32>
      %mul3A_473 = arith.mulf %convert_element_type3A_471, %mul3A_472 : vector<16xf32>
      %convert_element_type3A_474 = arith.fptosi %mul3A_473 : vector<16xf32> to vector<16xi32>
      %max3A_475 = arith.constant 0 : i32
      %max3A_476 = vector.broadcast %max3A_475 : i32 to vector<16xi32>
      %max3A_477 = arith.maxsi %convert_element_type3A_474, %max3A_476 : vector<16xi32>
      %min3A_478 = arith.constant 27 : i32
      %min3A_479 = vector.broadcast %min3A_478 : i32 to vector<16xi32>
      %min3A_480 = arith.minsi %max3A_477, %min3A_479 : vector<16xi32>
      %ge3A_481 = vector.broadcast %squeeze3A_78 : i32 to vector<16xi32>
      %ge3A_482 = arith.cmpi sge, %add3A_468, %ge3A_481 : vector<16xi32>
      %lt3A_483 = vector.broadcast %squeeze3A_82 : i32 to vector<16xi32>
      %lt3A_484 = arith.cmpi slt, %add3A_468, %lt3A_483 : vector<16xi32>
      %and3A_485 = arith.andi %ge3A_482, %lt3A_484 : vector<16xi1>
      %jit3A_486 = arith.constant 28 : i32
      %broadcast_in_dim3A_487 = vector.broadcast %jit3A_486 : i32 to vector<16xi32>
      %select_n3A_488 = arith.select %and3A_485, %min3A_480, %broadcast_in_dim3A_487 : vector<16xi1>, vector<16xi32>
      %swap3A_489 = arith.constant 240 : index
      %swap3A_490 = tpu.vector_load %arg10[%swap3A_489] {strides = array<i32>} : memref<384xi32, #tpu.memory_space<vmem>>, vector<16xi32>,
      tpu.vector_store %arg10[%swap3A_489], %select_n3A_488 {strides = array<i32>} : memref<384xi32, #tpu.memory_space<vmem>>, vector<16xi32>,
      %add3A_491 = arith.constant 256 : i32
      %add3A_492 = vector.broadcast %add3A_491 : i32 to vector<16xi32>
      %add3A_493 = arith.addi %iota3A, %add3A_492 : vector<16xi32>
      %sub3A_494 = vector.broadcast %squeeze3A_78 : i32 to vector<16xi32>
      %sub3A_495 = arith.subi %add3A_493, %sub3A_494 : vector<16xi32>
      %convert_element_type3A_496 = arith.sitofp %sub3A_495 : vector<16xi32> to vector<16xf32>
      %mul3A_497 = vector.broadcast %squeeze3A_86 : f32 to vector<16xf32>
      %mul3A_498 = arith.mulf %convert_element_type3A_496, %mul3A_497 : vector<16xf32>
      %convert_element_type3A_499 = arith.fptosi %mul3A_498 : vector<16xf32> to vector<16xi32>
      %max3A_500 = arith.constant 0 : i32
      %max3A_501 = vector.broadcast %max3A_500 : i32 to vector<16xi32>
      %max3A_502 = arith.maxsi %convert_element_type3A_499, %max3A_501 : vector<16xi32>
      %min3A_503 = arith.constant 27 : i32
      %min3A_504 = vector.broadcast %min3A_503 : i32 to vector<16xi32>
      %min3A_505 = arith.minsi %max3A_502, %min3A_504 : vector<16xi32>
      %ge3A_506 = vector.broadcast %squeeze3A_78 : i32 to vector<16xi32>
      %ge3A_507 = arith.cmpi sge, %add3A_493, %ge3A_506 : vector<16xi32>
      %lt3A_508 = vector.broadcast %squeeze3A_82 : i32 to vector<16xi32>
      %lt3A_509 = arith.cmpi slt, %add3A_493, %lt3A_508 : vector<16xi32>
      %and3A_510 = arith.andi %ge3A_507, %lt3A_509 : vector<16xi1>
      %jit3A_511 = arith.constant 28 : i32
      %broadcast_in_dim3A_512 = vector.broadcast %jit3A_511 : i32 to vector<16xi32>
      %select_n3A_513 = arith.select %and3A_510, %min3A_505, %broadcast_in_dim3A_512 : vector<16xi1>, vector<16xi32>
      %swap3A_514 = arith.constant 256 : index
      %swap3A_515 = tpu.vector_load %arg10[%swap3A_514] {strides = array<i32>} : memref<384xi32, #tpu.memory_space<vmem>>, vector<16xi32>,
      tpu.vector_store %arg10[%swap3A_514], %select_n3A_513 {strides = array<i32>} : memref<384xi32, #tpu.memory_space<vmem>>, vector<16xi32>,
      %add3A_516 = arith.constant 272 : i32
      %add3A_517 = vector.broadcast %add3A_516 : i32 to vector<16xi32>
      %add3A_518 = arith.addi %iota3A, %add3A_517 : vector<16xi32>
      %sub3A_519 = vector.broadcast %squeeze3A_78 : i32 to vector<16xi32>
      %sub3A_520 = arith.subi %add3A_518, %sub3A_519 : vector<16xi32>
      %convert_element_type3A_521 = arith.sitofp %sub3A_520 : vector<16xi32> to vector<16xf32>
      %mul3A_522 = vector.broadcast %squeeze3A_86 : f32 to vector<16xf32>
      %mul3A_523 = arith.mulf %convert_element_type3A_521, %mul3A_522 : vector<16xf32>
      %convert_element_type3A_524 = arith.fptosi %mul3A_523 : vector<16xf32> to vector<16xi32>
      %max3A_525 = arith.constant 0 : i32
      %max3A_526 = vector.broadcast %max3A_525 : i32 to vector<16xi32>
      %max3A_527 = arith.maxsi %convert_element_type3A_524, %max3A_526 : vector<16xi32>
      %min3A_528 = arith.constant 27 : i32
      %min3A_529 = vector.broadcast %min3A_528 : i32 to vector<16xi32>
      %min3A_530 = arith.minsi %max3A_527, %min3A_529 : vector<16xi32>
      %ge3A_531 = vector.broadcast %squeeze3A_78 : i32 to vector<16xi32>
      %ge3A_532 = arith.cmpi sge, %add3A_518, %ge3A_531 : vector<16xi32>
      %lt3A_533 = vector.broadcast %squeeze3A_82 : i32 to vector<16xi32>
      %lt3A_534 = arith.cmpi slt, %add3A_518, %lt3A_533 : vector<16xi32>
      %and3A_535 = arith.andi %ge3A_532, %lt3A_534 : vector<16xi1>
      %jit3A_536 = arith.constant 28 : i32
      %broadcast_in_dim3A_537 = vector.broadcast %jit3A_536 : i32 to vector<16xi32>
      %select_n3A_538 = arith.select %and3A_535, %min3A_530, %broadcast_in_dim3A_537 : vector<16xi1>, vector<16xi32>
      %swap3A_539 = arith.constant 272 : index
      %swap3A_540 = tpu.vector_load %arg10[%swap3A_539] {strides = array<i32>} : memref<384xi32, #tpu.memory_space<vmem>>, vector<16xi32>,
      tpu.vector_store %arg10[%swap3A_539], %select_n3A_538 {strides = array<i32>} : memref<384xi32, #tpu.memory_space<vmem>>, vector<16xi32>,
      %add3A_541 = arith.constant 288 : i32
      %add3A_542 = vector.broadcast %add3A_541 : i32 to vector<16xi32>
      %add3A_543 = arith.addi %iota3A, %add3A_542 : vector<16xi32>
      %sub3A_544 = vector.broadcast %squeeze3A_78 : i32 to vector<16xi32>
      %sub3A_545 = arith.subi %add3A_543, %sub3A_544 : vector<16xi32>
      %convert_element_type3A_546 = arith.sitofp %sub3A_545 : vector<16xi32> to vector<16xf32>
      %mul3A_547 = vector.broadcast %squeeze3A_86 : f32 to vector<16xf32>
      %mul3A_548 = arith.mulf %convert_element_type3A_546, %mul3A_547 : vector<16xf32>
      %convert_element_type3A_549 = arith.fptosi %mul3A_548 : vector<16xf32> to vector<16xi32>
      %max3A_550 = arith.constant 0 : i32
      %max3A_551 = vector.broadcast %max3A_550 : i32 to vector<16xi32>
      %max3A_552 = arith.maxsi %convert_element_type3A_549, %max3A_551 : vector<16xi32>
      %min3A_553 = arith.constant 27 : i32
      %min3A_554 = vector.broadcast %min3A_553 : i32 to vector<16xi32>
      %min3A_555 = arith.minsi %max3A_552, %min3A_554 : vector<16xi32>
      %ge3A_556 = vector.broadcast %squeeze3A_78 : i32 to vector<16xi32>
      %ge3A_557 = arith.cmpi sge, %add3A_543, %ge3A_556 : vector<16xi32>
      %lt3A_558 = vector.broadcast %squeeze3A_82 : i32 to vector<16xi32>
      %lt3A_559 = arith.cmpi slt, %add3A_543, %lt3A_558 : vector<16xi32>
      %and3A_560 = arith.andi %ge3A_557, %lt3A_559 : vector<16xi1>
      %jit3A_561 = arith.constant 28 : i32
      %broadcast_in_dim3A_562 = vector.broadcast %jit3A_561 : i32 to vector<16xi32>
      %select_n3A_563 = arith.select %and3A_560, %min3A_555, %broadcast_in_dim3A_562 : vector<16xi1>, vector<16xi32>
      %swap3A_564 = arith.constant 288 : index
      %swap3A_565 = tpu.vector_load %arg10[%swap3A_564] {strides = array<i32>} : memref<384xi32, #tpu.memory_space<vmem>>, vector<16xi32>,
      tpu.vector_store %arg10[%swap3A_564], %select_n3A_563 {strides = array<i32>} : memref<384xi32, #tpu.memory_space<vmem>>, vector<16xi32>,
      %add3A_566 = arith.constant 304 : i32
      %add3A_567 = vector.broadcast %add3A_566 : i32 to vector<16xi32>
      %add3A_568 = arith.addi %iota3A, %add3A_567 : vector<16xi32>
      %sub3A_569 = vector.broadcast %squeeze3A_78 : i32 to vector<16xi32>
      %sub3A_570 = arith.subi %add3A_568, %sub3A_569 : vector<16xi32>
      %convert_element_type3A_571 = arith.sitofp %sub3A_570 : vector<16xi32> to vector<16xf32>
      %mul3A_572 = vector.broadcast %squeeze3A_86 : f32 to vector<16xf32>
      %mul3A_573 = arith.mulf %convert_element_type3A_571, %mul3A_572 : vector<16xf32>
      %convert_element_type3A_574 = arith.fptosi %mul3A_573 : vector<16xf32> to vector<16xi32>
      %max3A_575 = arith.constant 0 : i32
      %max3A_576 = vector.broadcast %max3A_575 : i32 to vector<16xi32>
      %max3A_577 = arith.maxsi %convert_element_type3A_574, %max3A_576 : vector<16xi32>
      %min3A_578 = arith.constant 27 : i32
      %min3A_579 = vector.broadcast %min3A_578 : i32 to vector<16xi32>
      %min3A_580 = arith.minsi %max3A_577, %min3A_579 : vector<16xi32>
      %ge3A_581 = vector.broadcast %squeeze3A_78 : i32 to vector<16xi32>
      %ge3A_582 = arith.cmpi sge, %add3A_568, %ge3A_581 : vector<16xi32>
      %lt3A_583 = vector.broadcast %squeeze3A_82 : i32 to vector<16xi32>
      %lt3A_584 = arith.cmpi slt, %add3A_568, %lt3A_583 : vector<16xi32>
      %and3A_585 = arith.andi %ge3A_582, %lt3A_584 : vector<16xi1>
      %jit3A_586 = arith.constant 28 : i32
      %broadcast_in_dim3A_587 = vector.broadcast %jit3A_586 : i32 to vector<16xi32>
      %select_n3A_588 = arith.select %and3A_585, %min3A_580, %broadcast_in_dim3A_587 : vector<16xi1>, vector<16xi32>
      %swap3A_589 = arith.constant 304 : index
      %swap3A_590 = tpu.vector_load %arg10[%swap3A_589] {strides = array<i32>} : memref<384xi32, #tpu.memory_space<vmem>>, vector<16xi32>,
      tpu.vector_store %arg10[%swap3A_589], %select_n3A_588 {strides = array<i32>} : memref<384xi32, #tpu.memory_space<vmem>>, vector<16xi32>,
      %add3A_591 = arith.constant 320 : i32
      %add3A_592 = vector.broadcast %add3A_591 : i32 to vector<16xi32>
      %add3A_593 = arith.addi %iota3A, %add3A_592 : vector<16xi32>
      %sub3A_594 = vector.broadcast %squeeze3A_78 : i32 to vector<16xi32>
      %sub3A_595 = arith.subi %add3A_593, %sub3A_594 : vector<16xi32>
      %convert_element_type3A_596 = arith.sitofp %sub3A_595 : vector<16xi32> to vector<16xf32>
      %mul3A_597 = vector.broadcast %squeeze3A_86 : f32 to vector<16xf32>
      %mul3A_598 = arith.mulf %convert_element_type3A_596, %mul3A_597 : vector<16xf32>
      %convert_element_type3A_599 = arith.fptosi %mul3A_598 : vector<16xf32> to vector<16xi32>
      %max3A_600 = arith.constant 0 : i32
      %max3A_601 = vector.broadcast %max3A_600 : i32 to vector<16xi32>
      %max3A_602 = arith.maxsi %convert_element_type3A_599, %max3A_601 : vector<16xi32>
      %min3A_603 = arith.constant 27 : i32
      %min3A_604 = vector.broadcast %min3A_603 : i32 to vector<16xi32>
      %min3A_605 = arith.minsi %max3A_602, %min3A_604 : vector<16xi32>
      %ge3A_606 = vector.broadcast %squeeze3A_78 : i32 to vector<16xi32>
      %ge3A_607 = arith.cmpi sge, %add3A_593, %ge3A_606 : vector<16xi32>
      %lt3A_608 = vector.broadcast %squeeze3A_82 : i32 to vector<16xi32>
      %lt3A_609 = arith.cmpi slt, %add3A_593, %lt3A_608 : vector<16xi32>
      %and3A_610 = arith.andi %ge3A_607, %lt3A_609 : vector<16xi1>
      %jit3A_611 = arith.constant 28 : i32
      %broadcast_in_dim3A_612 = vector.broadcast %jit3A_611 : i32 to vector<16xi32>
      %select_n3A_613 = arith.select %and3A_610, %min3A_605, %broadcast_in_dim3A_612 : vector<16xi1>, vector<16xi32>
      %swap3A_614 = arith.constant 320 : index
      %swap3A_615 = tpu.vector_load %arg10[%swap3A_614] {strides = array<i32>} : memref<384xi32, #tpu.memory_space<vmem>>, vector<16xi32>,
      tpu.vector_store %arg10[%swap3A_614], %select_n3A_613 {strides = array<i32>} : memref<384xi32, #tpu.memory_space<vmem>>, vector<16xi32>,
      %add3A_616 = arith.constant 336 : i32
      %add3A_617 = vector.broadcast %add3A_616 : i32 to vector<16xi32>
      %add3A_618 = arith.addi %iota3A, %add3A_617 : vector<16xi32>
      %sub3A_619 = vector.broadcast %squeeze3A_78 : i32 to vector<16xi32>
      %sub3A_620 = arith.subi %add3A_618, %sub3A_619 : vector<16xi32>
      %convert_element_type3A_621 = arith.sitofp %sub3A_620 : vector<16xi32> to vector<16xf32>
      %mul3A_622 = vector.broadcast %squeeze3A_86 : f32 to vector<16xf32>
      %mul3A_623 = arith.mulf %convert_element_type3A_621, %mul3A_622 : vector<16xf32>
      %convert_element_type3A_624 = arith.fptosi %mul3A_623 : vector<16xf32> to vector<16xi32>
      %max3A_625 = arith.constant 0 : i32
      %max3A_626 = vector.broadcast %max3A_625 : i32 to vector<16xi32>
      %max3A_627 = arith.maxsi %convert_element_type3A_624, %max3A_626 : vector<16xi32>
      %min3A_628 = arith.constant 27 : i32
      %min3A_629 = vector.broadcast %min3A_628 : i32 to vector<16xi32>
      %min3A_630 = arith.minsi %max3A_627, %min3A_629 : vector<16xi32>
      %ge3A_631 = vector.broadcast %squeeze3A_78 : i32 to vector<16xi32>
      %ge3A_632 = arith.cmpi sge, %add3A_618, %ge3A_631 : vector<16xi32>
      %lt3A_633 = vector.broadcast %squeeze3A_82 : i32 to vector<16xi32>
      %lt3A_634 = arith.cmpi slt, %add3A_618, %lt3A_633 : vector<16xi32>
      %and3A_635 = arith.andi %ge3A_632, %lt3A_634 : vector<16xi1>
      %jit3A_636 = arith.constant 28 : i32
      %broadcast_in_dim3A_637 = vector.broadcast %jit3A_636 : i32 to vector<16xi32>
      %select_n3A_638 = arith.select %and3A_635, %min3A_630, %broadcast_in_dim3A_637 : vector<16xi1>, vector<16xi32>
      %swap3A_639 = arith.constant 336 : index
      %swap3A_640 = tpu.vector_load %arg10[%swap3A_639] {strides = array<i32>} : memref<384xi32, #tpu.memory_space<vmem>>, vector<16xi32>,
      tpu.vector_store %arg10[%swap3A_639], %select_n3A_638 {strides = array<i32>} : memref<384xi32, #tpu.memory_space<vmem>>, vector<16xi32>,
      %add3A_641 = arith.constant 352 : i32
      %add3A_642 = vector.broadcast %add3A_641 : i32 to vector<16xi32>
      %add3A_643 = arith.addi %iota3A, %add3A_642 : vector<16xi32>
      %sub3A_644 = vector.broadcast %squeeze3A_78 : i32 to vector<16xi32>
      %sub3A_645 = arith.subi %add3A_643, %sub3A_644 : vector<16xi32>
      %convert_element_type3A_646 = arith.sitofp %sub3A_645 : vector<16xi32> to vector<16xf32>
      %mul3A_647 = vector.broadcast %squeeze3A_86 : f32 to vector<16xf32>
      %mul3A_648 = arith.mulf %convert_element_type3A_646, %mul3A_647 : vector<16xf32>
      %convert_element_type3A_649 = arith.fptosi %mul3A_648 : vector<16xf32> to vector<16xi32>
      %max3A_650 = arith.constant 0 : i32
      %max3A_651 = vector.broadcast %max3A_650 : i32 to vector<16xi32>
      %max3A_652 = arith.maxsi %convert_element_type3A_649, %max3A_651 : vector<16xi32>
      %min3A_653 = arith.constant 27 : i32
      %min3A_654 = vector.broadcast %min3A_653 : i32 to vector<16xi32>
      %min3A_655 = arith.minsi %max3A_652, %min3A_654 : vector<16xi32>
      %ge3A_656 = vector.broadcast %squeeze3A_78 : i32 to vector<16xi32>
      %ge3A_657 = arith.cmpi sge, %add3A_643, %ge3A_656 : vector<16xi32>
      %lt3A_658 = vector.broadcast %squeeze3A_82 : i32 to vector<16xi32>
      %lt3A_659 = arith.cmpi slt, %add3A_643, %lt3A_658 : vector<16xi32>
      %and3A_660 = arith.andi %ge3A_657, %lt3A_659 : vector<16xi1>
      %jit3A_661 = arith.constant 28 : i32
      %broadcast_in_dim3A_662 = vector.broadcast %jit3A_661 : i32 to vector<16xi32>
      %select_n3A_663 = arith.select %and3A_660, %min3A_655, %broadcast_in_dim3A_662 : vector<16xi1>, vector<16xi32>
      %swap3A_664 = arith.constant 352 : index
      %swap3A_665 = tpu.vector_load %arg10[%swap3A_664] {strides = array<i32>} : memref<384xi32, #tpu.memory_space<vmem>>, vector<16xi32>,
      tpu.vector_store %arg10[%swap3A_664], %select_n3A_663 {strides = array<i32>} : memref<384xi32, #tpu.memory_space<vmem>>, vector<16xi32>,
      %add3A_666 = arith.constant 368 : i32
      %add3A_667 = vector.broadcast %add3A_666 : i32 to vector<16xi32>
      %add3A_668 = arith.addi %iota3A, %add3A_667 : vector<16xi32>
      %sub3A_669 = vector.broadcast %squeeze3A_78 : i32 to vector<16xi32>
      %sub3A_670 = arith.subi %add3A_668, %sub3A_669 : vector<16xi32>
      %convert_element_type3A_671 = arith.sitofp %sub3A_670 : vector<16xi32> to vector<16xf32>
      %mul3A_672 = vector.broadcast %squeeze3A_86 : f32 to vector<16xf32>
      %mul3A_673 = arith.mulf %convert_element_type3A_671, %mul3A_672 : vector<16xf32>
      %convert_element_type3A_674 = arith.fptosi %mul3A_673 : vector<16xf32> to vector<16xi32>
      %max3A_675 = arith.constant 0 : i32
      %max3A_676 = vector.broadcast %max3A_675 : i32 to vector<16xi32>
      %max3A_677 = arith.maxsi %convert_element_type3A_674, %max3A_676 : vector<16xi32>
      %min3A_678 = arith.constant 27 : i32
      %min3A_679 = vector.broadcast %min3A_678 : i32 to vector<16xi32>
      %min3A_680 = arith.minsi %max3A_677, %min3A_679 : vector<16xi32>
      %ge3A_681 = vector.broadcast %squeeze3A_78 : i32 to vector<16xi32>
      %ge3A_682 = arith.cmpi sge, %add3A_668, %ge3A_681 : vector<16xi32>
      %lt3A_683 = vector.broadcast %squeeze3A_82 : i32 to vector<16xi32>
      %lt3A_684 = arith.cmpi slt, %add3A_668, %lt3A_683 : vector<16xi32>
      %and3A_685 = arith.andi %ge3A_682, %lt3A_684 : vector<16xi1>
      %jit3A_686 = arith.constant 28 : i32
      %broadcast_in_dim3A_687 = vector.broadcast %jit3A_686 : i32 to vector<16xi32>
      %select_n3A_688 = arith.select %and3A_685, %min3A_680, %broadcast_in_dim3A_687 : vector<16xi1>, vector<16xi32>
      %swap3A_689 = arith.constant 368 : index
      %swap3A_690 = tpu.vector_load %arg10[%swap3A_689] {strides = array<i32>} : memref<384xi32, #tpu.memory_space<vmem>>, vector<16xi32>,
      tpu.vector_store %arg10[%swap3A_689], %select_n3A_688 {strides = array<i32>} : memref<384xi32, #tpu.memory_space<vmem>>, vector<16xi32>,
      %add3A_691 = arith.constant 0 : i32
      %add3A_692 = vector.broadcast %add3A_691 : i32 to vector<16xi32>
      %add3A_693 = arith.addi %iota3A, %add3A_692 : vector<16xi32>
      %sub3A_694 = vector.broadcast %squeeze3A : i32 to vector<16xi32>
      %sub3A_695 = arith.subi %add3A_693, %sub3A_694 : vector<16xi32>
      %convert_element_type3A_696 = arith.sitofp %sub3A_695 : vector<16xi32> to vector<16xf32>
      %mul3A_697 = vector.broadcast %squeeze3A_84 : f32 to vector<16xf32>
      %mul3A_698 = arith.mulf %convert_element_type3A_696, %mul3A_697 : vector<16xf32>
      %convert_element_type3A_699 = arith.fptosi %mul3A_698 : vector<16xf32> to vector<16xi32>
      %max3A_700 = arith.constant 0 : i32
      %max3A_701 = vector.broadcast %max3A_700 : i32 to vector<16xi32>
      %max3A_702 = arith.maxsi %convert_element_type3A_699, %max3A_701 : vector<16xi32>
      %min3A_703 = arith.constant 27 : i32
      %min3A_704 = vector.broadcast %min3A_703 : i32 to vector<16xi32>
      %min3A_705 = arith.minsi %max3A_702, %min3A_704 : vector<16xi32>
      %ge3A_706 = vector.broadcast %squeeze3A : i32 to vector<16xi32>
      %ge3A_707 = arith.cmpi sge, %add3A_693, %ge3A_706 : vector<16xi32>
      %lt3A_708 = vector.broadcast %squeeze3A_80 : i32 to vector<16xi32>
      %lt3A_709 = arith.cmpi slt, %add3A_693, %lt3A_708 : vector<16xi32>
      %and3A_710 = arith.andi %ge3A_707, %lt3A_709 : vector<16xi1>
      %jit3A_711 = arith.constant 28 : i32
      %broadcast_in_dim3A_712 = vector.broadcast %jit3A_711 : i32 to vector<16xi32>
      %select_n3A_713 = arith.select %and3A_710, %min3A_705, %broadcast_in_dim3A_712 : vector<16xi1>, vector<16xi32>
      %swap3A_714 = arith.constant 0 : index
      %swap3A_715 = tpu.vector_load %arg11[%swap3A_714] {strides = array<i32>} : memref<384xi32, #tpu.memory_space<vmem>>, vector<16xi32>,
      tpu.vector_store %arg11[%swap3A_714], %select_n3A_713 {strides = array<i32>} : memref<384xi32, #tpu.memory_space<vmem>>, vector<16xi32>,
      %add3A_716 = arith.constant 16 : i32
      %add3A_717 = vector.broadcast %add3A_716 : i32 to vector<16xi32>
      %add3A_718 = arith.addi %iota3A, %add3A_717 : vector<16xi32>
      %sub3A_719 = vector.broadcast %squeeze3A : i32 to vector<16xi32>
      %sub3A_720 = arith.subi %add3A_718, %sub3A_719 : vector<16xi32>
      %convert_element_type3A_721 = arith.sitofp %sub3A_720 : vector<16xi32> to vector<16xf32>
      %mul3A_722 = vector.broadcast %squeeze3A_84 : f32 to vector<16xf32>
      %mul3A_723 = arith.mulf %convert_element_type3A_721, %mul3A_722 : vector<16xf32>
      %convert_element_type3A_724 = arith.fptosi %mul3A_723 : vector<16xf32> to vector<16xi32>
      %max3A_725 = arith.constant 0 : i32
      %max3A_726 = vector.broadcast %max3A_725 : i32 to vector<16xi32>
      %max3A_727 = arith.maxsi %convert_element_type3A_724, %max3A_726 : vector<16xi32>
      %min3A_728 = arith.constant 27 : i32
      %min3A_729 = vector.broadcast %min3A_728 : i32 to vector<16xi32>
      %min3A_730 = arith.minsi %max3A_727, %min3A_729 : vector<16xi32>
      %ge3A_731 = vector.broadcast %squeeze3A : i32 to vector<16xi32>
      %ge3A_732 = arith.cmpi sge, %add3A_718, %ge3A_731 : vector<16xi32>
      %lt3A_733 = vector.broadcast %squeeze3A_80 : i32 to vector<16xi32>
      %lt3A_734 = arith.cmpi slt, %add3A_718, %lt3A_733 : vector<16xi32>
      %and3A_735 = arith.andi %ge3A_732, %lt3A_734 : vector<16xi1>
      %jit3A_736 = arith.constant 28 : i32
      %broadcast_in_dim3A_737 = vector.broadcast %jit3A_736 : i32 to vector<16xi32>
      %select_n3A_738 = arith.select %and3A_735, %min3A_730, %broadcast_in_dim3A_737 : vector<16xi1>, vector<16xi32>
      %swap3A_739 = arith.constant 16 : index
      %swap3A_740 = tpu.vector_load %arg11[%swap3A_739] {strides = array<i32>} : memref<384xi32, #tpu.memory_space<vmem>>, vector<16xi32>,
      tpu.vector_store %arg11[%swap3A_739], %select_n3A_738 {strides = array<i32>} : memref<384xi32, #tpu.memory_space<vmem>>, vector<16xi32>,
      %add3A_741 = arith.constant 32 : i32
      %add3A_742 = vector.broadcast %add3A_741 : i32 to vector<16xi32>
      %add3A_743 = arith.addi %iota3A, %add3A_742 : vector<16xi32>
      %sub3A_744 = vector.broadcast %squeeze3A : i32 to vector<16xi32>
      %sub3A_745 = arith.subi %add3A_743, %sub3A_744 : vector<16xi32>
      %convert_element_type3A_746 = arith.sitofp %sub3A_745 : vector<16xi32> to vector<16xf32>
      %mul3A_747 = vector.broadcast %squeeze3A_84 : f32 to vector<16xf32>
      %mul3A_748 = arith.mulf %convert_element_type3A_746, %mul3A_747 : vector<16xf32>
      %convert_element_type3A_749 = arith.fptosi %mul3A_748 : vector<16xf32> to vector<16xi32>
      %max3A_750 = arith.constant 0 : i32
      %max3A_751 = vector.broadcast %max3A_750 : i32 to vector<16xi32>
      %max3A_752 = arith.maxsi %convert_element_type3A_749, %max3A_751 : vector<16xi32>
      %min3A_753 = arith.constant 27 : i32
      %min3A_754 = vector.broadcast %min3A_753 : i32 to vector<16xi32>
      %min3A_755 = arith.minsi %max3A_752, %min3A_754 : vector<16xi32>
      %ge3A_756 = vector.broadcast %squeeze3A : i32 to vector<16xi32>
      %ge3A_757 = arith.cmpi sge, %add3A_743, %ge3A_756 : vector<16xi32>
      %lt3A_758 = vector.broadcast %squeeze3A_80 : i32 to vector<16xi32>
      %lt3A_759 = arith.cmpi slt, %add3A_743, %lt3A_758 : vector<16xi32>
      %and3A_760 = arith.andi %ge3A_757, %lt3A_759 : vector<16xi1>
      %jit3A_761 = arith.constant 28 : i32
      %broadcast_in_dim3A_762 = vector.broadcast %jit3A_761 : i32 to vector<16xi32>
      %select_n3A_763 = arith.select %and3A_760, %min3A_755, %broadcast_in_dim3A_762 : vector<16xi1>, vector<16xi32>
      %swap3A_764 = arith.constant 32 : index
      %swap3A_765 = tpu.vector_load %arg11[%swap3A_764] {strides = array<i32>} : memref<384xi32, #tpu.memory_space<vmem>>, vector<16xi32>,
      tpu.vector_store %arg11[%swap3A_764], %select_n3A_763 {strides = array<i32>} : memref<384xi32, #tpu.memory_space<vmem>>, vector<16xi32>,
      %add3A_766 = arith.constant 48 : i32
      %add3A_767 = vector.broadcast %add3A_766 : i32 to vector<16xi32>
      %add3A_768 = arith.addi %iota3A, %add3A_767 : vector<16xi32>
      %sub3A_769 = vector.broadcast %squeeze3A : i32 to vector<16xi32>
      %sub3A_770 = arith.subi %add3A_768, %sub3A_769 : vector<16xi32>
      %convert_element_type3A_771 = arith.sitofp %sub3A_770 : vector<16xi32> to vector<16xf32>
      %mul3A_772 = vector.broadcast %squeeze3A_84 : f32 to vector<16xf32>
      %mul3A_773 = arith.mulf %convert_element_type3A_771, %mul3A_772 : vector<16xf32>
      %convert_element_type3A_774 = arith.fptosi %mul3A_773 : vector<16xf32> to vector<16xi32>
      %max3A_775 = arith.constant 0 : i32
      %max3A_776 = vector.broadcast %max3A_775 : i32 to vector<16xi32>
      %max3A_777 = arith.maxsi %convert_element_type3A_774, %max3A_776 : vector<16xi32>
      %min3A_778 = arith.constant 27 : i32
      %min3A_779 = vector.broadcast %min3A_778 : i32 to vector<16xi32>
      %min3A_780 = arith.minsi %max3A_777, %min3A_779 : vector<16xi32>
      %ge3A_781 = vector.broadcast %squeeze3A : i32 to vector<16xi32>
      %ge3A_782 = arith.cmpi sge, %add3A_768, %ge3A_781 : vector<16xi32>
      %lt3A_783 = vector.broadcast %squeeze3A_80 : i32 to vector<16xi32>
      %lt3A_784 = arith.cmpi slt, %add3A_768, %lt3A_783 : vector<16xi32>
      %and3A_785 = arith.andi %ge3A_782, %lt3A_784 : vector<16xi1>
      %jit3A_786 = arith.constant 28 : i32
      %broadcast_in_dim3A_787 = vector.broadcast %jit3A_786 : i32 to vector<16xi32>
      %select_n3A_788 = arith.select %and3A_785, %min3A_780, %broadcast_in_dim3A_787 : vector<16xi1>, vector<16xi32>
      %swap3A_789 = arith.constant 48 : index
      %swap3A_790 = tpu.vector_load %arg11[%swap3A_789] {strides = array<i32>} : memref<384xi32, #tpu.memory_space<vmem>>, vector<16xi32>,
      tpu.vector_store %arg11[%swap3A_789], %select_n3A_788 {strides = array<i32>} : memref<384xi32, #tpu.memory_space<vmem>>, vector<16xi32>,
      %add3A_791 = arith.constant 64 : i32
      %add3A_792 = vector.broadcast %add3A_791 : i32 to vector<16xi32>
      %add3A_793 = arith.addi %iota3A, %add3A_792 : vector<16xi32>
      %sub3A_794 = vector.broadcast %squeeze3A : i32 to vector<16xi32>
      %sub3A_795 = arith.subi %add3A_793, %sub3A_794 : vector<16xi32>
      %convert_element_type3A_796 = arith.sitofp %sub3A_795 : vector<16xi32> to vector<16xf32>
      %mul3A_797 = vector.broadcast %squeeze3A_84 : f32 to vector<16xf32>
      %mul3A_798 = arith.mulf %convert_element_type3A_796, %mul3A_797 : vector<16xf32>
      %convert_element_type3A_799 = arith.fptosi %mul3A_798 : vector<16xf32> to vector<16xi32>
      %max3A_800 = arith.constant 0 : i32
      %max3A_801 = vector.broadcast %max3A_800 : i32 to vector<16xi32>
      %max3A_802 = arith.maxsi %convert_element_type3A_799, %max3A_801 : vector<16xi32>
      %min3A_803 = arith.constant 27 : i32
      %min3A_804 = vector.broadcast %min3A_803 : i32 to vector<16xi32>
      %min3A_805 = arith.minsi %max3A_802, %min3A_804 : vector<16xi32>
      %ge3A_806 = vector.broadcast %squeeze3A : i32 to vector<16xi32>
      %ge3A_807 = arith.cmpi sge, %add3A_793, %ge3A_806 : vector<16xi32>
      %lt3A_808 = vector.broadcast %squeeze3A_80 : i32 to vector<16xi32>
      %lt3A_809 = arith.cmpi slt, %add3A_793, %lt3A_808 : vector<16xi32>
      %and3A_810 = arith.andi %ge3A_807, %lt3A_809 : vector<16xi1>
      %jit3A_811 = arith.constant 28 : i32
      %broadcast_in_dim3A_812 = vector.broadcast %jit3A_811 : i32 to vector<16xi32>
      %select_n3A_813 = arith.select %and3A_810, %min3A_805, %broadcast_in_dim3A_812 : vector<16xi1>, vector<16xi32>
      %swap3A_814 = arith.constant 64 : index
      %swap3A_815 = tpu.vector_load %arg11[%swap3A_814] {strides = array<i32>} : memref<384xi32, #tpu.memory_space<vmem>>, vector<16xi32>,
      tpu.vector_store %arg11[%swap3A_814], %select_n3A_813 {strides = array<i32>} : memref<384xi32, #tpu.memory_space<vmem>>, vector<16xi32>,
      %add3A_816 = arith.constant 80 : i32
      %add3A_817 = vector.broadcast %add3A_816 : i32 to vector<16xi32>
      %add3A_818 = arith.addi %iota3A, %add3A_817 : vector<16xi32>
      %sub3A_819 = vector.broadcast %squeeze3A : i32 to vector<16xi32>
      %sub3A_820 = arith.subi %add3A_818, %sub3A_819 : vector<16xi32>
      %convert_element_type3A_821 = arith.sitofp %sub3A_820 : vector<16xi32> to vector<16xf32>
      %mul3A_822 = vector.broadcast %squeeze3A_84 : f32 to vector<16xf32>
      %mul3A_823 = arith.mulf %convert_element_type3A_821, %mul3A_822 : vector<16xf32>
      %convert_element_type3A_824 = arith.fptosi %mul3A_823 : vector<16xf32> to vector<16xi32>
      %max3A_825 = arith.constant 0 : i32
      %max3A_826 = vector.broadcast %max3A_825 : i32 to vector<16xi32>
      %max3A_827 = arith.maxsi %convert_element_type3A_824, %max3A_826 : vector<16xi32>
      %min3A_828 = arith.constant 27 : i32
      %min3A_829 = vector.broadcast %min3A_828 : i32 to vector<16xi32>
      %min3A_830 = arith.minsi %max3A_827, %min3A_829 : vector<16xi32>
      %ge3A_831 = vector.broadcast %squeeze3A : i32 to vector<16xi32>
      %ge3A_832 = arith.cmpi sge, %add3A_818, %ge3A_831 : vector<16xi32>
      %lt3A_833 = vector.broadcast %squeeze3A_80 : i32 to vector<16xi32>
      %lt3A_834 = arith.cmpi slt, %add3A_818, %lt3A_833 : vector<16xi32>
      %and3A_835 = arith.andi %ge3A_832, %lt3A_834 : vector<16xi1>
      %jit3A_836 = arith.constant 28 : i32
      %broadcast_in_dim3A_837 = vector.broadcast %jit3A_836 : i32 to vector<16xi32>
      %select_n3A_838 = arith.select %and3A_835, %min3A_830, %broadcast_in_dim3A_837 : vector<16xi1>, vector<16xi32>
      %swap3A_839 = arith.constant 80 : index
      %swap3A_840 = tpu.vector_load %arg11[%swap3A_839] {strides = array<i32>} : memref<384xi32, #tpu.memory_space<vmem>>, vector<16xi32>,
      tpu.vector_store %arg11[%swap3A_839], %select_n3A_838 {strides = array<i32>} : memref<384xi32, #tpu.memory_space<vmem>>, vector<16xi32>,
      %add3A_841 = arith.constant 96 : i32
      %add3A_842 = vector.broadcast %add3A_841 : i32 to vector<16xi32>
      %add3A_843 = arith.addi %iota3A, %add3A_842 : vector<16xi32>
      %sub3A_844 = vector.broadcast %squeeze3A : i32 to vector<16xi32>
      %sub3A_845 = arith.subi %add3A_843, %sub3A_844 : vector<16xi32>
      %convert_element_type3A_846 = arith.sitofp %sub3A_845 : vector<16xi32> to vector<16xf32>
      %mul3A_847 = vector.broadcast %squeeze3A_84 : f32 to vector<16xf32>
      %mul3A_848 = arith.mulf %convert_element_type3A_846, %mul3A_847 : vector<16xf32>
      %convert_element_type3A_849 = arith.fptosi %mul3A_848 : vector<16xf32> to vector<16xi32>
      %max3A_850 = arith.constant 0 : i32
      %max3A_851 = vector.broadcast %max3A_850 : i32 to vector<16xi32>
      %max3A_852 = arith.maxsi %convert_element_type3A_849, %max3A_851 : vector<16xi32>
      %min3A_853 = arith.constant 27 : i32
      %min3A_854 = vector.broadcast %min3A_853 : i32 to vector<16xi32>
      %min3A_855 = arith.minsi %max3A_852, %min3A_854 : vector<16xi32>
      %ge3A_856 = vector.broadcast %squeeze3A : i32 to vector<16xi32>
      %ge3A_857 = arith.cmpi sge, %add3A_843, %ge3A_856 : vector<16xi32>
      %lt3A_858 = vector.broadcast %squeeze3A_80 : i32 to vector<16xi32>
      %lt3A_859 = arith.cmpi slt, %add3A_843, %lt3A_858 : vector<16xi32>
      %and3A_860 = arith.andi %ge3A_857, %lt3A_859 : vector<16xi1>
      %jit3A_861 = arith.constant 28 : i32
      %broadcast_in_dim3A_862 = vector.broadcast %jit3A_861 : i32 to vector<16xi32>
      %select_n3A_863 = arith.select %and3A_860, %min3A_855, %broadcast_in_dim3A_862 : vector<16xi1>, vector<16xi32>
      %swap3A_864 = arith.constant 96 : index
      %swap3A_865 = tpu.vector_load %arg11[%swap3A_864] {strides = array<i32>} : memref<384xi32, #tpu.memory_space<vmem>>, vector<16xi32>,
      tpu.vector_store %arg11[%swap3A_864], %select_n3A_863 {strides = array<i32>} : memref<384xi32, #tpu.memory_space<vmem>>, vector<16xi32>,
      %add3A_866 = arith.constant 112 : i32
      %add3A_867 = vector.broadcast %add3A_866 : i32 to vector<16xi32>
      %add3A_868 = arith.addi %iota3A, %add3A_867 : vector<16xi32>
      %sub3A_869 = vector.broadcast %squeeze3A : i32 to vector<16xi32>
      %sub3A_870 = arith.subi %add3A_868, %sub3A_869 : vector<16xi32>
      %convert_element_type3A_871 = arith.sitofp %sub3A_870 : vector<16xi32> to vector<16xf32>
      %mul3A_872 = vector.broadcast %squeeze3A_84 : f32 to vector<16xf32>
      %mul3A_873 = arith.mulf %convert_element_type3A_871, %mul3A_872 : vector<16xf32>
      %convert_element_type3A_874 = arith.fptosi %mul3A_873 : vector<16xf32> to vector<16xi32>
      %max3A_875 = arith.constant 0 : i32
      %max3A_876 = vector.broadcast %max3A_875 : i32 to vector<16xi32>
      %max3A_877 = arith.maxsi %convert_element_type3A_874, %max3A_876 : vector<16xi32>
      %min3A_878 = arith.constant 27 : i32
      %min3A_879 = vector.broadcast %min3A_878 : i32 to vector<16xi32>
      %min3A_880 = arith.minsi %max3A_877, %min3A_879 : vector<16xi32>
      %ge3A_881 = vector.broadcast %squeeze3A : i32 to vector<16xi32>
      %ge3A_882 = arith.cmpi sge, %add3A_868, %ge3A_881 : vector<16xi32>
      %lt3A_883 = vector.broadcast %squeeze3A_80 : i32 to vector<16xi32>
      %lt3A_884 = arith.cmpi slt, %add3A_868, %lt3A_883 : vector<16xi32>
      %and3A_885 = arith.andi %ge3A_882, %lt3A_884 : vector<16xi1>
      %jit3A_886 = arith.constant 28 : i32
      %broadcast_in_dim3A_887 = vector.broadcast %jit3A_886 : i32 to vector<16xi32>
      %select_n3A_888 = arith.select %and3A_885, %min3A_880, %broadcast_in_dim3A_887 : vector<16xi1>, vector<16xi32>
      %swap3A_889 = arith.constant 112 : index
      %swap3A_890 = tpu.vector_load %arg11[%swap3A_889] {strides = array<i32>} : memref<384xi32, #tpu.memory_space<vmem>>, vector<16xi32>,
      tpu.vector_store %arg11[%swap3A_889], %select_n3A_888 {strides = array<i32>} : memref<384xi32, #tpu.memory_space<vmem>>, vector<16xi32>,
      %add3A_891 = arith.constant 128 : i32
      %add3A_892 = vector.broadcast %add3A_891 : i32 to vector<16xi32>
      %add3A_893 = arith.addi %iota3A, %add3A_892 : vector<16xi32>
      %sub3A_894 = vector.broadcast %squeeze3A : i32 to vector<16xi32>
      %sub3A_895 = arith.subi %add3A_893, %sub3A_894 : vector<16xi32>
      %convert_element_type3A_896 = arith.sitofp %sub3A_895 : vector<16xi32> to vector<16xf32>
      %mul3A_897 = vector.broadcast %squeeze3A_84 : f32 to vector<16xf32>
      %mul3A_898 = arith.mulf %convert_element_type3A_896, %mul3A_897 : vector<16xf32>
      %convert_element_type3A_899 = arith.fptosi %mul3A_898 : vector<16xf32> to vector<16xi32>
      %max3A_900 = arith.constant 0 : i32
      %max3A_901 = vector.broadcast %max3A_900 : i32 to vector<16xi32>
      %max3A_902 = arith.maxsi %convert_element_type3A_899, %max3A_901 : vector<16xi32>
      %min3A_903 = arith.constant 27 : i32
      %min3A_904 = vector.broadcast %min3A_903 : i32 to vector<16xi32>
      %min3A_905 = arith.minsi %max3A_902, %min3A_904 : vector<16xi32>
      %ge3A_906 = vector.broadcast %squeeze3A : i32 to vector<16xi32>
      %ge3A_907 = arith.cmpi sge, %add3A_893, %ge3A_906 : vector<16xi32>
      %lt3A_908 = vector.broadcast %squeeze3A_80 : i32 to vector<16xi32>
      %lt3A_909 = arith.cmpi slt, %add3A_893, %lt3A_908 : vector<16xi32>
      %and3A_910 = arith.andi %ge3A_907, %lt3A_909 : vector<16xi1>
      %jit3A_911 = arith.constant 28 : i32
      %broadcast_in_dim3A_912 = vector.broadcast %jit3A_911 : i32 to vector<16xi32>
      %select_n3A_913 = arith.select %and3A_910, %min3A_905, %broadcast_in_dim3A_912 : vector<16xi1>, vector<16xi32>
      %swap3A_914 = arith.constant 128 : index
      %swap3A_915 = tpu.vector_load %arg11[%swap3A_914] {strides = array<i32>} : memref<384xi32, #tpu.memory_space<vmem>>, vector<16xi32>,
      tpu.vector_store %arg11[%swap3A_914], %select_n3A_913 {strides = array<i32>} : memref<384xi32, #tpu.memory_space<vmem>>, vector<16xi32>,
      %add3A_916 = arith.constant 144 : i32
      %add3A_917 = vector.broadcast %add3A_916 : i32 to vector<16xi32>
      %add3A_918 = arith.addi %iota3A, %add3A_917 : vector<16xi32>
      %sub3A_919 = vector.broadcast %squeeze3A : i32 to vector<16xi32>
      %sub3A_920 = arith.subi %add3A_918, %sub3A_919 : vector<16xi32>
      %convert_element_type3A_921 = arith.sitofp %sub3A_920 : vector<16xi32> to vector<16xf32>
      %mul3A_922 = vector.broadcast %squeeze3A_84 : f32 to vector<16xf32>
      %mul3A_923 = arith.mulf %convert_element_type3A_921, %mul3A_922 : vector<16xf32>
      %convert_element_type3A_924 = arith.fptosi %mul3A_923 : vector<16xf32> to vector<16xi32>
      %max3A_925 = arith.constant 0 : i32
      %max3A_926 = vector.broadcast %max3A_925 : i32 to vector<16xi32>
      %max3A_927 = arith.maxsi %convert_element_type3A_924, %max3A_926 : vector<16xi32>
      %min3A_928 = arith.constant 27 : i32
      %min3A_929 = vector.broadcast %min3A_928 : i32 to vector<16xi32>
      %min3A_930 = arith.minsi %max3A_927, %min3A_929 : vector<16xi32>
      %ge3A_931 = vector.broadcast %squeeze3A : i32 to vector<16xi32>
      %ge3A_932 = arith.cmpi sge, %add3A_918, %ge3A_931 : vector<16xi32>
      %lt3A_933 = vector.broadcast %squeeze3A_80 : i32 to vector<16xi32>
      %lt3A_934 = arith.cmpi slt, %add3A_918, %lt3A_933 : vector<16xi32>
      %and3A_935 = arith.andi %ge3A_932, %lt3A_934 : vector<16xi1>
      %jit3A_936 = arith.constant 28 : i32
      %broadcast_in_dim3A_937 = vector.broadcast %jit3A_936 : i32 to vector<16xi32>
      %select_n3A_938 = arith.select %and3A_935, %min3A_930, %broadcast_in_dim3A_937 : vector<16xi1>, vector<16xi32>
      %swap3A_939 = arith.constant 144 : index
      %swap3A_940 = tpu.vector_load %arg11[%swap3A_939] {strides = array<i32>} : memref<384xi32, #tpu.memory_space<vmem>>, vector<16xi32>,
      tpu.vector_store %arg11[%swap3A_939], %select_n3A_938 {strides = array<i32>} : memref<384xi32, #tpu.memory_space<vmem>>, vector<16xi32>,
      %add3A_941 = arith.constant 160 : i32
      %add3A_942 = vector.broadcast %add3A_941 : i32 to vector<16xi32>
      %add3A_943 = arith.addi %iota3A, %add3A_942 : vector<16xi32>
      %sub3A_944 = vector.broadcast %squeeze3A : i32 to vector<16xi32>
      %sub3A_945 = arith.subi %add3A_943, %sub3A_944 : vector<16xi32>
      %convert_element_type3A_946 = arith.sitofp %sub3A_945 : vector<16xi32> to vector<16xf32>
      %mul3A_947 = vector.broadcast %squeeze3A_84 : f32 to vector<16xf32>
      %mul3A_948 = arith.mulf %convert_element_type3A_946, %mul3A_947 : vector<16xf32>
      %convert_element_type3A_949 = arith.fptosi %mul3A_948 : vector<16xf32> to vector<16xi32>
      %max3A_950 = arith.constant 0 : i32
      %max3A_951 = vector.broadcast %max3A_950 : i32 to vector<16xi32>
      %max3A_952 = arith.maxsi %convert_element_type3A_949, %max3A_951 : vector<16xi32>
      %min3A_953 = arith.constant 27 : i32
      %min3A_954 = vector.broadcast %min3A_953 : i32 to vector<16xi32>
      %min3A_955 = arith.minsi %max3A_952, %min3A_954 : vector<16xi32>
      %ge3A_956 = vector.broadcast %squeeze3A : i32 to vector<16xi32>
      %ge3A_957 = arith.cmpi sge, %add3A_943, %ge3A_956 : vector<16xi32>
      %lt3A_958 = vector.broadcast %squeeze3A_80 : i32 to vector<16xi32>
      %lt3A_959 = arith.cmpi slt, %add3A_943, %lt3A_958 : vector<16xi32>
      %and3A_960 = arith.andi %ge3A_957, %lt3A_959 : vector<16xi1>
      %jit3A_961 = arith.constant 28 : i32
      %broadcast_in_dim3A_962 = vector.broadcast %jit3A_961 : i32 to vector<16xi32>
      %select_n3A_963 = arith.select %and3A_960, %min3A_955, %broadcast_in_dim3A_962 : vector<16xi1>, vector<16xi32>
      %swap3A_964 = arith.constant 160 : index
      %swap3A_965 = tpu.vector_load %arg11[%swap3A_964] {strides = array<i32>} : memref<384xi32, #tpu.memory_space<vmem>>, vector<16xi32>,
      tpu.vector_store %arg11[%swap3A_964], %select_n3A_963 {strides = array<i32>} : memref<384xi32, #tpu.memory_space<vmem>>, vector<16xi32>,
      %add3A_966 = arith.constant 176 : i32
      %add3A_967 = vector.broadcast %add3A_966 : i32 to vector<16xi32>
      %add3A_968 = arith.addi %iota3A, %add3A_967 : vector<16xi32>
      %sub3A_969 = vector.broadcast %squeeze3A : i32 to vector<16xi32>
      %sub3A_970 = arith.subi %add3A_968, %sub3A_969 : vector<16xi32>
      %convert_element_type3A_971 = arith.sitofp %sub3A_970 : vector<16xi32> to vector<16xf32>
      %mul3A_972 = vector.broadcast %squeeze3A_84 : f32 to vector<16xf32>
      %mul3A_973 = arith.mulf %convert_element_type3A_971, %mul3A_972 : vector<16xf32>
      %convert_element_type3A_974 = arith.fptosi %mul3A_973 : vector<16xf32> to vector<16xi32>
      %max3A_975 = arith.constant 0 : i32
      %max3A_976 = vector.broadcast %max3A_975 : i32 to vector<16xi32>
      %max3A_977 = arith.maxsi %convert_element_type3A_974, %max3A_976 : vector<16xi32>
      %min3A_978 = arith.constant 27 : i32
      %min3A_979 = vector.broadcast %min3A_978 : i32 to vector<16xi32>
      %min3A_980 = arith.minsi %max3A_977, %min3A_979 : vector<16xi32>
      %ge3A_981 = vector.broadcast %squeeze3A : i32 to vector<16xi32>
      %ge3A_982 = arith.cmpi sge, %add3A_968, %ge3A_981 : vector<16xi32>
      %lt3A_983 = vector.broadcast %squeeze3A_80 : i32 to vector<16xi32>
      %lt3A_984 = arith.cmpi slt, %add3A_968, %lt3A_983 : vector<16xi32>
      %and3A_985 = arith.andi %ge3A_982, %lt3A_984 : vector<16xi1>
      %jit3A_986 = arith.constant 28 : i32
      %broadcast_in_dim3A_987 = vector.broadcast %jit3A_986 : i32 to vector<16xi32>
      %select_n3A_988 = arith.select %and3A_985, %min3A_980, %broadcast_in_dim3A_987 : vector<16xi1>, vector<16xi32>
      %swap3A_989 = arith.constant 176 : index
      %swap3A_990 = tpu.vector_load %arg11[%swap3A_989] {strides = array<i32>} : memref<384xi32, #tpu.memory_space<vmem>>, vector<16xi32>,
      tpu.vector_store %arg11[%swap3A_989], %select_n3A_988 {strides = array<i32>} : memref<384xi32, #tpu.memory_space<vmem>>, vector<16xi32>,
      %add3A_991 = arith.constant 192 : i32
      %add3A_992 = vector.broadcast %add3A_991 : i32 to vector<16xi32>
      %add3A_993 = arith.addi %iota3A, %add3A_992 : vector<16xi32>
      %sub3A_994 = vector.broadcast %squeeze3A : i32 to vector<16xi32>
      %sub3A_995 = arith.subi %add3A_993, %sub3A_994 : vector<16xi32>
      %convert_element_type3A_996 = arith.sitofp %sub3A_995 : vector<16xi32> to vector<16xf32>
      %mul3A_997 = vector.broadcast %squeeze3A_84 : f32 to vector<16xf32>
      %mul3A_998 = arith.mulf %convert_element_type3A_996, %mul3A_997 : vector<16xf32>
      %convert_element_type3A_999 = arith.fptosi %mul3A_998 : vector<16xf32> to vector<16xi32>
      %max3A_1000 = arith.constant 0 : i32
      %max3A_1001 = vector.broadcast %max3A_1000 : i32 to vector<16xi32>
      %max3A_1002 = arith.maxsi %convert_element_type3A_999, %max3A_1001 : vector<16xi32>
      %min3A_1003 = arith.constant 27 : i32
      %min3A_1004 = vector.broadcast %min3A_1003 : i32 to vector<16xi32>
      %min3A_1005 = arith.minsi %max3A_1002, %min3A_1004 : vector<16xi32>
      %ge3A_1006 = vector.broadcast %squeeze3A : i32 to vector<16xi32>
      %ge3A_1007 = arith.cmpi sge, %add3A_993, %ge3A_1006 : vector<16xi32>
      %lt3A_1008 = vector.broadcast %squeeze3A_80 : i32 to vector<16xi32>
      %lt3A_1009 = arith.cmpi slt, %add3A_993, %lt3A_1008 : vector<16xi32>
      %and3A_1010 = arith.andi %ge3A_1007, %lt3A_1009 : vector<16xi1>
      %jit3A_1011 = arith.constant 28 : i32
      %broadcast_in_dim3A_1012 = vector.broadcast %jit3A_1011 : i32 to vector<16xi32>
      %select_n3A_1013 = arith.select %and3A_1010, %min3A_1005, %broadcast_in_dim3A_1012 : vector<16xi1>, vector<16xi32>
      %swap3A_1014 = arith.constant 192 : index
      %swap3A_1015 = tpu.vector_load %arg11[%swap3A_1014] {strides = array<i32>} : memref<384xi32, #tpu.memory_space<vmem>>, vector<16xi32>,
      tpu.vector_store %arg11[%swap3A_1014], %select_n3A_1013 {strides = array<i32>} : memref<384xi32, #tpu.memory_space<vmem>>, vector<16xi32>,
      %add3A_1016 = arith.constant 208 : i32
      %add3A_1017 = vector.broadcast %add3A_1016 : i32 to vector<16xi32>
      %add3A_1018 = arith.addi %iota3A, %add3A_1017 : vector<16xi32>
      %sub3A_1019 = vector.broadcast %squeeze3A : i32 to vector<16xi32>
      %sub3A_1020 = arith.subi %add3A_1018, %sub3A_1019 : vector<16xi32>
      %convert_element_type3A_1021 = arith.sitofp %sub3A_1020 : vector<16xi32> to vector<16xf32>
      %mul3A_1022 = vector.broadcast %squeeze3A_84 : f32 to vector<16xf32>
      %mul3A_1023 = arith.mulf %convert_element_type3A_1021, %mul3A_1022 : vector<16xf32>
      %convert_element_type3A_1024 = arith.fptosi %mul3A_1023 : vector<16xf32> to vector<16xi32>
      %max3A_1025 = arith.constant 0 : i32
      %max3A_1026 = vector.broadcast %max3A_1025 : i32 to vector<16xi32>
      %max3A_1027 = arith.maxsi %convert_element_type3A_1024, %max3A_1026 : vector<16xi32>
      %min3A_1028 = arith.constant 27 : i32
      %min3A_1029 = vector.broadcast %min3A_1028 : i32 to vector<16xi32>
      %min3A_1030 = arith.minsi %max3A_1027, %min3A_1029 : vector<16xi32>
      %ge3A_1031 = vector.broadcast %squeeze3A : i32 to vector<16xi32>
      %ge3A_1032 = arith.cmpi sge, %add3A_1018, %ge3A_1031 : vector<16xi32>
      %lt3A_1033 = vector.broadcast %squeeze3A_80 : i32 to vector<16xi32>
      %lt3A_1034 = arith.cmpi slt, %add3A_1018, %lt3A_1033 : vector<16xi32>
      %and3A_1035 = arith.andi %ge3A_1032, %lt3A_1034 : vector<16xi1>
      %jit3A_1036 = arith.constant 28 : i32
      %broadcast_in_dim3A_1037 = vector.broadcast %jit3A_1036 : i32 to vector<16xi32>
      %select_n3A_1038 = arith.select %and3A_1035, %min3A_1030, %broadcast_in_dim3A_1037 : vector<16xi1>, vector<16xi32>
      %swap3A_1039 = arith.constant 208 : index
      %swap3A_1040 = tpu.vector_load %arg11[%swap3A_1039] {strides = array<i32>} : memref<384xi32, #tpu.memory_space<vmem>>, vector<16xi32>,
      tpu.vector_store %arg11[%swap3A_1039], %select_n3A_1038 {strides = array<i32>} : memref<384xi32, #tpu.memory_space<vmem>>, vector<16xi32>,
      %add3A_1041 = arith.constant 224 : i32
      %add3A_1042 = vector.broadcast %add3A_1041 : i32 to vector<16xi32>
      %add3A_1043 = arith.addi %iota3A, %add3A_1042 : vector<16xi32>
      %sub3A_1044 = vector.broadcast %squeeze3A : i32 to vector<16xi32>
      %sub3A_1045 = arith.subi %add3A_1043, %sub3A_1044 : vector<16xi32>
      %convert_element_type3A_1046 = arith.sitofp %sub3A_1045 : vector<16xi32> to vector<16xf32>
      %mul3A_1047 = vector.broadcast %squeeze3A_84 : f32 to vector<16xf32>
      %mul3A_1048 = arith.mulf %convert_element_type3A_1046, %mul3A_1047 : vector<16xf32>
      %convert_element_type3A_1049 = arith.fptosi %mul3A_1048 : vector<16xf32> to vector<16xi32>
      %max3A_1050 = arith.constant 0 : i32
      %max3A_1051 = vector.broadcast %max3A_1050 : i32 to vector<16xi32>
      %max3A_1052 = arith.maxsi %convert_element_type3A_1049, %max3A_1051 : vector<16xi32>
      %min3A_1053 = arith.constant 27 : i32
      %min3A_1054 = vector.broadcast %min3A_1053 : i32 to vector<16xi32>
      %min3A_1055 = arith.minsi %max3A_1052, %min3A_1054 : vector<16xi32>
      %ge3A_1056 = vector.broadcast %squeeze3A : i32 to vector<16xi32>
      %ge3A_1057 = arith.cmpi sge, %add3A_1043, %ge3A_1056 : vector<16xi32>
      %lt3A_1058 = vector.broadcast %squeeze3A_80 : i32 to vector<16xi32>
      %lt3A_1059 = arith.cmpi slt, %add3A_1043, %lt3A_1058 : vector<16xi32>
      %and3A_1060 = arith.andi %ge3A_1057, %lt3A_1059 : vector<16xi1>
      %jit3A_1061 = arith.constant 28 : i32
      %broadcast_in_dim3A_1062 = vector.broadcast %jit3A_1061 : i32 to vector<16xi32>
      %select_n3A_1063 = arith.select %and3A_1060, %min3A_1055, %broadcast_in_dim3A_1062 : vector<16xi1>, vector<16xi32>
      %swap3A_1064 = arith.constant 224 : index
      %swap3A_1065 = tpu.vector_load %arg11[%swap3A_1064] {strides = array<i32>} : memref<384xi32, #tpu.memory_space<vmem>>, vector<16xi32>,
      tpu.vector_store %arg11[%swap3A_1064], %select_n3A_1063 {strides = array<i32>} : memref<384xi32, #tpu.memory_space<vmem>>, vector<16xi32>,
      %add3A_1066 = arith.constant 240 : i32
      %add3A_1067 = vector.broadcast %add3A_1066 : i32 to vector<16xi32>
      %add3A_1068 = arith.addi %iota3A, %add3A_1067 : vector<16xi32>
      %sub3A_1069 = vector.broadcast %squeeze3A : i32 to vector<16xi32>
      %sub3A_1070 = arith.subi %add3A_1068, %sub3A_1069 : vector<16xi32>
      %convert_element_type3A_1071 = arith.sitofp %sub3A_1070 : vector<16xi32> to vector<16xf32>
      %mul3A_1072 = vector.broadcast %squeeze3A_84 : f32 to vector<16xf32>
      %mul3A_1073 = arith.mulf %convert_element_type3A_1071, %mul3A_1072 : vector<16xf32>
      %convert_element_type3A_1074 = arith.fptosi %mul3A_1073 : vector<16xf32> to vector<16xi32>
      %max3A_1075 = arith.constant 0 : i32
      %max3A_1076 = vector.broadcast %max3A_1075 : i32 to vector<16xi32>
      %max3A_1077 = arith.maxsi %convert_element_type3A_1074, %max3A_1076 : vector<16xi32>
      %min3A_1078 = arith.constant 27 : i32
      %min3A_1079 = vector.broadcast %min3A_1078 : i32 to vector<16xi32>
      %min3A_1080 = arith.minsi %max3A_1077, %min3A_1079 : vector<16xi32>
      %ge3A_1081 = vector.broadcast %squeeze3A : i32 to vector<16xi32>
      %ge3A_1082 = arith.cmpi sge, %add3A_1068, %ge3A_1081 : vector<16xi32>
      %lt3A_1083 = vector.broadcast %squeeze3A_80 : i32 to vector<16xi32>
      %lt3A_1084 = arith.cmpi slt, %add3A_1068, %lt3A_1083 : vector<16xi32>
      %and3A_1085 = arith.andi %ge3A_1082, %lt3A_1084 : vector<16xi1>
      %jit3A_1086 = arith.constant 28 : i32
      %broadcast_in_dim3A_1087 = vector.broadcast %jit3A_1086 : i32 to vector<16xi32>
      %select_n3A_1088 = arith.select %and3A_1085, %min3A_1080, %broadcast_in_dim3A_1087 : vector<16xi1>, vector<16xi32>
      %swap3A_1089 = arith.constant 240 : index
      %swap3A_1090 = tpu.vector_load %arg11[%swap3A_1089] {strides = array<i32>} : memref<384xi32, #tpu.memory_space<vmem>>, vector<16xi32>,
      tpu.vector_store %arg11[%swap3A_1089], %select_n3A_1088 {strides = array<i32>} : memref<384xi32, #tpu.memory_space<vmem>>, vector<16xi32>,
      %add3A_1091 = arith.constant 256 : i32
      %add3A_1092 = vector.broadcast %add3A_1091 : i32 to vector<16xi32>
      %add3A_1093 = arith.addi %iota3A, %add3A_1092 : vector<16xi32>
      %sub3A_1094 = vector.broadcast %squeeze3A : i32 to vector<16xi32>
      %sub3A_1095 = arith.subi %add3A_1093, %sub3A_1094 : vector<16xi32>
      %convert_element_type3A_1096 = arith.sitofp %sub3A_1095 : vector<16xi32> to vector<16xf32>
      %mul3A_1097 = vector.broadcast %squeeze3A_84 : f32 to vector<16xf32>
      %mul3A_1098 = arith.mulf %convert_element_type3A_1096, %mul3A_1097 : vector<16xf32>
      %convert_element_type3A_1099 = arith.fptosi %mul3A_1098 : vector<16xf32> to vector<16xi32>
      %max3A_1100 = arith.constant 0 : i32
      %max3A_1101 = vector.broadcast %max3A_1100 : i32 to vector<16xi32>
      %max3A_1102 = arith.maxsi %convert_element_type3A_1099, %max3A_1101 : vector<16xi32>
      %min3A_1103 = arith.constant 27 : i32
      %min3A_1104 = vector.broadcast %min3A_1103 : i32 to vector<16xi32>
      %min3A_1105 = arith.minsi %max3A_1102, %min3A_1104 : vector<16xi32>
      %ge3A_1106 = vector.broadcast %squeeze3A : i32 to vector<16xi32>
      %ge3A_1107 = arith.cmpi sge, %add3A_1093, %ge3A_1106 : vector<16xi32>
      %lt3A_1108 = vector.broadcast %squeeze3A_80 : i32 to vector<16xi32>
      %lt3A_1109 = arith.cmpi slt, %add3A_1093, %lt3A_1108 : vector<16xi32>
      %and3A_1110 = arith.andi %ge3A_1107, %lt3A_1109 : vector<16xi1>
      %jit3A_1111 = arith.constant 28 : i32
      %broadcast_in_dim3A_1112 = vector.broadcast %jit3A_1111 : i32 to vector<16xi32>
      %select_n3A_1113 = arith.select %and3A_1110, %min3A_1105, %broadcast_in_dim3A_1112 : vector<16xi1>, vector<16xi32>
      %swap3A_1114 = arith.constant 256 : index
      %swap3A_1115 = tpu.vector_load %arg11[%swap3A_1114] {strides = array<i32>} : memref<384xi32, #tpu.memory_space<vmem>>, vector<16xi32>,
      tpu.vector_store %arg11[%swap3A_1114], %select_n3A_1113 {strides = array<i32>} : memref<384xi32, #tpu.memory_space<vmem>>, vector<16xi32>,
      %add3A_1116 = arith.constant 272 : i32
      %add3A_1117 = vector.broadcast %add3A_1116 : i32 to vector<16xi32>
      %add3A_1118 = arith.addi %iota3A, %add3A_1117 : vector<16xi32>
      %sub3A_1119 = vector.broadcast %squeeze3A : i32 to vector<16xi32>
      %sub3A_1120 = arith.subi %add3A_1118, %sub3A_1119 : vector<16xi32>
      %convert_element_type3A_1121 = arith.sitofp %sub3A_1120 : vector<16xi32> to vector<16xf32>
      %mul3A_1122 = vector.broadcast %squeeze3A_84 : f32 to vector<16xf32>
      %mul3A_1123 = arith.mulf %convert_element_type3A_1121, %mul3A_1122 : vector<16xf32>
      %convert_element_type3A_1124 = arith.fptosi %mul3A_1123 : vector<16xf32> to vector<16xi32>
      %max3A_1125 = arith.constant 0 : i32
      %max3A_1126 = vector.broadcast %max3A_1125 : i32 to vector<16xi32>
      %max3A_1127 = arith.maxsi %convert_element_type3A_1124, %max3A_1126 : vector<16xi32>
      %min3A_1128 = arith.constant 27 : i32
      %min3A_1129 = vector.broadcast %min3A_1128 : i32 to vector<16xi32>
      %min3A_1130 = arith.minsi %max3A_1127, %min3A_1129 : vector<16xi32>
      %ge3A_1131 = vector.broadcast %squeeze3A : i32 to vector<16xi32>
      %ge3A_1132 = arith.cmpi sge, %add3A_1118, %ge3A_1131 : vector<16xi32>
      %lt3A_1133 = vector.broadcast %squeeze3A_80 : i32 to vector<16xi32>
      %lt3A_1134 = arith.cmpi slt, %add3A_1118, %lt3A_1133 : vector<16xi32>
      %and3A_1135 = arith.andi %ge3A_1132, %lt3A_1134 : vector<16xi1>
      %jit3A_1136 = arith.constant 28 : i32
      %broadcast_in_dim3A_1137 = vector.broadcast %jit3A_1136 : i32 to vector<16xi32>
      %select_n3A_1138 = arith.select %and3A_1135, %min3A_1130, %broadcast_in_dim3A_1137 : vector<16xi1>, vector<16xi32>
      %swap3A_1139 = arith.constant 272 : index
      %swap3A_1140 = tpu.vector_load %arg11[%swap3A_1139] {strides = array<i32>} : memref<384xi32, #tpu.memory_space<vmem>>, vector<16xi32>,
      tpu.vector_store %arg11[%swap3A_1139], %select_n3A_1138 {strides = array<i32>} : memref<384xi32, #tpu.memory_space<vmem>>, vector<16xi32>,
      %add3A_1141 = arith.constant 288 : i32
      %add3A_1142 = vector.broadcast %add3A_1141 : i32 to vector<16xi32>
      %add3A_1143 = arith.addi %iota3A, %add3A_1142 : vector<16xi32>
      %sub3A_1144 = vector.broadcast %squeeze3A : i32 to vector<16xi32>
      %sub3A_1145 = arith.subi %add3A_1143, %sub3A_1144 : vector<16xi32>
      %convert_element_type3A_1146 = arith.sitofp %sub3A_1145 : vector<16xi32> to vector<16xf32>
      %mul3A_1147 = vector.broadcast %squeeze3A_84 : f32 to vector<16xf32>
      %mul3A_1148 = arith.mulf %convert_element_type3A_1146, %mul3A_1147 : vector<16xf32>
      %convert_element_type3A_1149 = arith.fptosi %mul3A_1148 : vector<16xf32> to vector<16xi32>
      %max3A_1150 = arith.constant 0 : i32
      %max3A_1151 = vector.broadcast %max3A_1150 : i32 to vector<16xi32>
      %max3A_1152 = arith.maxsi %convert_element_type3A_1149, %max3A_1151 : vector<16xi32>
      %min3A_1153 = arith.constant 27 : i32
      %min3A_1154 = vector.broadcast %min3A_1153 : i32 to vector<16xi32>
      %min3A_1155 = arith.minsi %max3A_1152, %min3A_1154 : vector<16xi32>
      %ge3A_1156 = vector.broadcast %squeeze3A : i32 to vector<16xi32>
      %ge3A_1157 = arith.cmpi sge, %add3A_1143, %ge3A_1156 : vector<16xi32>
      %lt3A_1158 = vector.broadcast %squeeze3A_80 : i32 to vector<16xi32>
      %lt3A_1159 = arith.cmpi slt, %add3A_1143, %lt3A_1158 : vector<16xi32>
      %and3A_1160 = arith.andi %ge3A_1157, %lt3A_1159 : vector<16xi1>
      %jit3A_1161 = arith.constant 28 : i32
      %broadcast_in_dim3A_1162 = vector.broadcast %jit3A_1161 : i32 to vector<16xi32>
      %select_n3A_1163 = arith.select %and3A_1160, %min3A_1155, %broadcast_in_dim3A_1162 : vector<16xi1>, vector<16xi32>
      %swap3A_1164 = arith.constant 288 : index
      %swap3A_1165 = tpu.vector_load %arg11[%swap3A_1164] {strides = array<i32>} : memref<384xi32, #tpu.memory_space<vmem>>, vector<16xi32>,
      tpu.vector_store %arg11[%swap3A_1164], %select_n3A_1163 {strides = array<i32>} : memref<384xi32, #tpu.memory_space<vmem>>, vector<16xi32>,
      %add3A_1166 = arith.constant 304 : i32
      %add3A_1167 = vector.broadcast %add3A_1166 : i32 to vector<16xi32>
      %add3A_1168 = arith.addi %iota3A, %add3A_1167 : vector<16xi32>
      %sub3A_1169 = vector.broadcast %squeeze3A : i32 to vector<16xi32>
      %sub3A_1170 = arith.subi %add3A_1168, %sub3A_1169 : vector<16xi32>
      %convert_element_type3A_1171 = arith.sitofp %sub3A_1170 : vector<16xi32> to vector<16xf32>
      %mul3A_1172 = vector.broadcast %squeeze3A_84 : f32 to vector<16xf32>
      %mul3A_1173 = arith.mulf %convert_element_type3A_1171, %mul3A_1172 : vector<16xf32>
      %convert_element_type3A_1174 = arith.fptosi %mul3A_1173 : vector<16xf32> to vector<16xi32>
      %max3A_1175 = arith.constant 0 : i32
      %max3A_1176 = vector.broadcast %max3A_1175 : i32 to vector<16xi32>
      %max3A_1177 = arith.maxsi %convert_element_type3A_1174, %max3A_1176 : vector<16xi32>
      %min3A_1178 = arith.constant 27 : i32
      %min3A_1179 = vector.broadcast %min3A_1178 : i32 to vector<16xi32>
      %min3A_1180 = arith.minsi %max3A_1177, %min3A_1179 : vector<16xi32>
      %ge3A_1181 = vector.broadcast %squeeze3A : i32 to vector<16xi32>
      %ge3A_1182 = arith.cmpi sge, %add3A_1168, %ge3A_1181 : vector<16xi32>
      %lt3A_1183 = vector.broadcast %squeeze3A_80 : i32 to vector<16xi32>
      %lt3A_1184 = arith.cmpi slt, %add3A_1168, %lt3A_1183 : vector<16xi32>
      %and3A_1185 = arith.andi %ge3A_1182, %lt3A_1184 : vector<16xi1>
      %jit3A_1186 = arith.constant 28 : i32
      %broadcast_in_dim3A_1187 = vector.broadcast %jit3A_1186 : i32 to vector<16xi32>
      %select_n3A_1188 = arith.select %and3A_1185, %min3A_1180, %broadcast_in_dim3A_1187 : vector<16xi1>, vector<16xi32>
      %swap3A_1189 = arith.constant 304 : index
      %swap3A_1190 = tpu.vector_load %arg11[%swap3A_1189] {strides = array<i32>} : memref<384xi32, #tpu.memory_space<vmem>>, vector<16xi32>,
      tpu.vector_store %arg11[%swap3A_1189], %select_n3A_1188 {strides = array<i32>} : memref<384xi32, #tpu.memory_space<vmem>>, vector<16xi32>,
      %add3A_1191 = arith.constant 320 : i32
      %add3A_1192 = vector.broadcast %add3A_1191 : i32 to vector<16xi32>
      %add3A_1193 = arith.addi %iota3A, %add3A_1192 : vector<16xi32>
      %sub3A_1194 = vector.broadcast %squeeze3A : i32 to vector<16xi32>
      %sub3A_1195 = arith.subi %add3A_1193, %sub3A_1194 : vector<16xi32>
      %convert_element_type3A_1196 = arith.sitofp %sub3A_1195 : vector<16xi32> to vector<16xf32>
      %mul3A_1197 = vector.broadcast %squeeze3A_84 : f32 to vector<16xf32>
      %mul3A_1198 = arith.mulf %convert_element_type3A_1196, %mul3A_1197 : vector<16xf32>
      %convert_element_type3A_1199 = arith.fptosi %mul3A_1198 : vector<16xf32> to vector<16xi32>
      %max3A_1200 = arith.constant 0 : i32
      %max3A_1201 = vector.broadcast %max3A_1200 : i32 to vector<16xi32>
      %max3A_1202 = arith.maxsi %convert_element_type3A_1199, %max3A_1201 : vector<16xi32>
      %min3A_1203 = arith.constant 27 : i32
      %min3A_1204 = vector.broadcast %min3A_1203 : i32 to vector<16xi32>
      %min3A_1205 = arith.minsi %max3A_1202, %min3A_1204 : vector<16xi32>
      %ge3A_1206 = vector.broadcast %squeeze3A : i32 to vector<16xi32>
      %ge3A_1207 = arith.cmpi sge, %add3A_1193, %ge3A_1206 : vector<16xi32>
      %lt3A_1208 = vector.broadcast %squeeze3A_80 : i32 to vector<16xi32>
      %lt3A_1209 = arith.cmpi slt, %add3A_1193, %lt3A_1208 : vector<16xi32>
      %and3A_1210 = arith.andi %ge3A_1207, %lt3A_1209 : vector<16xi1>
      %jit3A_1211 = arith.constant 28 : i32
      %broadcast_in_dim3A_1212 = vector.broadcast %jit3A_1211 : i32 to vector<16xi32>
      %select_n3A_1213 = arith.select %and3A_1210, %min3A_1205, %broadcast_in_dim3A_1212 : vector<16xi1>, vector<16xi32>
      %swap3A_1214 = arith.constant 320 : index
      %swap3A_1215 = tpu.vector_load %arg11[%swap3A_1214] {strides = array<i32>} : memref<384xi32, #tpu.memory_space<vmem>>, vector<16xi32>,
      tpu.vector_store %arg11[%swap3A_1214], %select_n3A_1213 {strides = array<i32>} : memref<384xi32, #tpu.memory_space<vmem>>, vector<16xi32>,
      %add3A_1216 = arith.constant 336 : i32
      %add3A_1217 = vector.broadcast %add3A_1216 : i32 to vector<16xi32>
      %add3A_1218 = arith.addi %iota3A, %add3A_1217 : vector<16xi32>
      %sub3A_1219 = vector.broadcast %squeeze3A : i32 to vector<16xi32>
      %sub3A_1220 = arith.subi %add3A_1218, %sub3A_1219 : vector<16xi32>
      %convert_element_type3A_1221 = arith.sitofp %sub3A_1220 : vector<16xi32> to vector<16xf32>
      %mul3A_1222 = vector.broadcast %squeeze3A_84 : f32 to vector<16xf32>
      %mul3A_1223 = arith.mulf %convert_element_type3A_1221, %mul3A_1222 : vector<16xf32>
      %convert_element_type3A_1224 = arith.fptosi %mul3A_1223 : vector<16xf32> to vector<16xi32>
      %max3A_1225 = arith.constant 0 : i32
      %max3A_1226 = vector.broadcast %max3A_1225 : i32 to vector<16xi32>
      %max3A_1227 = arith.maxsi %convert_element_type3A_1224, %max3A_1226 : vector<16xi32>
      %min3A_1228 = arith.constant 27 : i32
      %min3A_1229 = vector.broadcast %min3A_1228 : i32 to vector<16xi32>
      %min3A_1230 = arith.minsi %max3A_1227, %min3A_1229 : vector<16xi32>
      %ge3A_1231 = vector.broadcast %squeeze3A : i32 to vector<16xi32>
      %ge3A_1232 = arith.cmpi sge, %add3A_1218, %ge3A_1231 : vector<16xi32>
      %lt3A_1233 = vector.broadcast %squeeze3A_80 : i32 to vector<16xi32>
      %lt3A_1234 = arith.cmpi slt, %add3A_1218, %lt3A_1233 : vector<16xi32>
      %and3A_1235 = arith.andi %ge3A_1232, %lt3A_1234 : vector<16xi1>
      %jit3A_1236 = arith.constant 28 : i32
      %broadcast_in_dim3A_1237 = vector.broadcast %jit3A_1236 : i32 to vector<16xi32>
      %select_n3A_1238 = arith.select %and3A_1235, %min3A_1230, %broadcast_in_dim3A_1237 : vector<16xi1>, vector<16xi32>
      %swap3A_1239 = arith.constant 336 : index
      %swap3A_1240 = tpu.vector_load %arg11[%swap3A_1239] {strides = array<i32>} : memref<384xi32, #tpu.memory_space<vmem>>, vector<16xi32>,
      tpu.vector_store %arg11[%swap3A_1239], %select_n3A_1238 {strides = array<i32>} : memref<384xi32, #tpu.memory_space<vmem>>, vector<16xi32>,
      %add3A_1241 = arith.constant 352 : i32
      %add3A_1242 = vector.broadcast %add3A_1241 : i32 to vector<16xi32>
      %add3A_1243 = arith.addi %iota3A, %add3A_1242 : vector<16xi32>
      %sub3A_1244 = vector.broadcast %squeeze3A : i32 to vector<16xi32>
      %sub3A_1245 = arith.subi %add3A_1243, %sub3A_1244 : vector<16xi32>
      %convert_element_type3A_1246 = arith.sitofp %sub3A_1245 : vector<16xi32> to vector<16xf32>
      %mul3A_1247 = vector.broadcast %squeeze3A_84 : f32 to vector<16xf32>
      %mul3A_1248 = arith.mulf %convert_element_type3A_1246, %mul3A_1247 : vector<16xf32>
      %convert_element_type3A_1249 = arith.fptosi %mul3A_1248 : vector<16xf32> to vector<16xi32>
      %max3A_1250 = arith.constant 0 : i32
      %max3A_1251 = vector.broadcast %max3A_1250 : i32 to vector<16xi32>
      %max3A_1252 = arith.maxsi %convert_element_type3A_1249, %max3A_1251 : vector<16xi32>
      %min3A_1253 = arith.constant 27 : i32
      %min3A_1254 = vector.broadcast %min3A_1253 : i32 to vector<16xi32>
      %min3A_1255 = arith.minsi %max3A_1252, %min3A_1254 : vector<16xi32>
      %ge3A_1256 = vector.broadcast %squeeze3A : i32 to vector<16xi32>
      %ge3A_1257 = arith.cmpi sge, %add3A_1243, %ge3A_1256 : vector<16xi32>
      %lt3A_1258 = vector.broadcast %squeeze3A_80 : i32 to vector<16xi32>
      %lt3A_1259 = arith.cmpi slt, %add3A_1243, %lt3A_1258 : vector<16xi32>
      %and3A_1260 = arith.andi %ge3A_1257, %lt3A_1259 : vector<16xi1>
      %jit3A_1261 = arith.constant 28 : i32
      %broadcast_in_dim3A_1262 = vector.broadcast %jit3A_1261 : i32 to vector<16xi32>
      %select_n3A_1263 = arith.select %and3A_1260, %min3A_1255, %broadcast_in_dim3A_1262 : vector<16xi1>, vector<16xi32>
      %swap3A_1264 = arith.constant 352 : index
      %swap3A_1265 = tpu.vector_load %arg11[%swap3A_1264] {strides = array<i32>} : memref<384xi32, #tpu.memory_space<vmem>>, vector<16xi32>,
      tpu.vector_store %arg11[%swap3A_1264], %select_n3A_1263 {strides = array<i32>} : memref<384xi32, #tpu.memory_space<vmem>>, vector<16xi32>,
      %add3A_1266 = arith.constant 368 : i32
      %add3A_1267 = vector.broadcast %add3A_1266 : i32 to vector<16xi32>
      %add3A_1268 = arith.addi %iota3A, %add3A_1267 : vector<16xi32>
      %sub3A_1269 = vector.broadcast %squeeze3A : i32 to vector<16xi32>
      %sub3A_1270 = arith.subi %add3A_1268, %sub3A_1269 : vector<16xi32>
      %convert_element_type3A_1271 = arith.sitofp %sub3A_1270 : vector<16xi32> to vector<16xf32>
      %mul3A_1272 = vector.broadcast %squeeze3A_84 : f32 to vector<16xf32>
      %mul3A_1273 = arith.mulf %convert_element_type3A_1271, %mul3A_1272 : vector<16xf32>
      %convert_element_type3A_1274 = arith.fptosi %mul3A_1273 : vector<16xf32> to vector<16xi32>
      %max3A_1275 = arith.constant 0 : i32
      %max3A_1276 = vector.broadcast %max3A_1275 : i32 to vector<16xi32>
      %max3A_1277 = arith.maxsi %convert_element_type3A_1274, %max3A_1276 : vector<16xi32>
      %min3A_1278 = arith.constant 27 : i32
      %min3A_1279 = vector.broadcast %min3A_1278 : i32 to vector<16xi32>
      %min3A_1280 = arith.minsi %max3A_1277, %min3A_1279 : vector<16xi32>
      %ge3A_1281 = vector.broadcast %squeeze3A : i32 to vector<16xi32>
      %ge3A_1282 = arith.cmpi sge, %add3A_1268, %ge3A_1281 : vector<16xi32>
      %lt3A_1283 = vector.broadcast %squeeze3A_80 : i32 to vector<16xi32>
      %lt3A_1284 = arith.cmpi slt, %add3A_1268, %lt3A_1283 : vector<16xi32>
      %and3A_1285 = arith.andi %ge3A_1282, %lt3A_1284 : vector<16xi1>
      %jit3A_1286 = arith.constant 28 : i32
      %broadcast_in_dim3A_1287 = vector.broadcast %jit3A_1286 : i32 to vector<16xi32>
      %select_n3A_1288 = arith.select %and3A_1285, %min3A_1280, %broadcast_in_dim3A_1287 : vector<16xi1>, vector<16xi32>
      %swap3A_1289 = arith.constant 368 : index
      %swap3A_1290 = tpu.vector_load %arg11[%swap3A_1289] {strides = array<i32>} : memref<384xi32, #tpu.memory_space<vmem>>, vector<16xi32>,
      tpu.vector_store %arg11[%swap3A_1289], %select_n3A_1288 {strides = array<i32>} : memref<384xi32, #tpu.memory_space<vmem>>, vector<16xi32>,
      %scan3A_1291 = arith.constant 0 : i32
      %scan3A_1292 = arith.constant 0 : i32
      %scan3A_1293 = arith.constant 28 : i32
      %scan3A_1294 = arith.addi %scan3A_1292, %scan3A_1293 : i32
      %scan3A_1295 = arith.constant 1 : i32
      %scan3A_1296 = scf.for %scan3A_1399 = %scan3A_1292 to %scan3A_1294 step %scan3A_1295 iter_args(%scan3A_1400 = %scan3A_1291) -> (i32)  : i32 {
        %mul3A_1401 = arith.constant 32 : i32
        %mul3A_1402 = arith.muli %scan3A_1399, %mul3A_1401 : i32
        %get3A_1403 = arith.constant 0 : index
        %get3A_1404 = tpu.vector_load %arg10[%get3A_1403] {strides = array<i32>} : memref<384xi32, #tpu.memory_space<vmem>>, vector<16xi32>,
        %add3A_1405 = vector.broadcast %mul3A_1402 : i32 to vector<16xi32>
        %add3A_1406 = arith.addi %get3A_1404, %add3A_1405 : vector<16xi32>
        %gather3A = tpu.vector_load_idx %arg9[%add3A_1406] : memref<896xf32, #tpu.memory_space<vmem>>[vector<16xi32>], vector<16xf32>,
        %mul3A_1407 = arith.constant 384 : i32
        %mul3A_1408 = arith.muli %scan3A_1399, %mul3A_1407 : i32
        %add3A_1409 = arith.addi %mul3A_49, %mul3A_1408 : i32
        %add3A_1410 = arith.constant 0 : i32
        %add3A_1411 = arith.addi %add3A_1409, %add3A_1410 : i32
        %swap3A_1412 = arith.index_cast %add3A_1411 : i32 to index
        %swap3A_1413 = tpu.vector_load %arg12[%swap3A_1412] {strides = array<i32>} : memref<27648xf32, #tpu.memory_space<vmem>>, vector<16xf32>,
        tpu.vector_store %arg12[%swap3A_1412], %gather3A {strides = array<i32>} : memref<27648xf32, #tpu.memory_space<vmem>>, vector<16xf32>,
        %get3A_1414 = arith.constant 16 : index
        %get3A_1415 = tpu.vector_load %arg10[%get3A_1414] {strides = array<i32>} : memref<384xi32, #tpu.memory_space<vmem>>, vector<16xi32>,
        %add3A_1416 = vector.broadcast %mul3A_1402 : i32 to vector<16xi32>
        %add3A_1417 = arith.addi %get3A_1415, %add3A_1416 : vector<16xi32>
        %gather3A_1418 = tpu.vector_load_idx %arg9[%add3A_1417] : memref<896xf32, #tpu.memory_space<vmem>>[vector<16xi32>], vector<16xf32>,
        %mul3A_1419 = arith.constant 384 : i32
        %mul3A_1420 = arith.muli %scan3A_1399, %mul3A_1419 : i32
        %add3A_1421 = arith.addi %mul3A_49, %mul3A_1420 : i32
        %add3A_1422 = arith.constant 16 : i32
        %add3A_1423 = arith.addi %add3A_1421, %add3A_1422 : i32
        %swap3A_1424 = arith.index_cast %add3A_1423 : i32 to index
        %swap3A_1425 = tpu.vector_load %arg12[%swap3A_1424] {strides = array<i32>} : memref<27648xf32, #tpu.memory_space<vmem>>, vector<16xf32>,
        tpu.vector_store %arg12[%swap3A_1424], %gather3A_1418 {strides = array<i32>} : memref<27648xf32, #tpu.memory_space<vmem>>, vector<16xf32>,
        %get3A_1426 = arith.constant 32 : index
        %get3A_1427 = tpu.vector_load %arg10[%get3A_1426] {strides = array<i32>} : memref<384xi32, #tpu.memory_space<vmem>>, vector<16xi32>,
        %add3A_1428 = vector.broadcast %mul3A_1402 : i32 to vector<16xi32>
        %add3A_1429 = arith.addi %get3A_1427, %add3A_1428 : vector<16xi32>
        %gather3A_1430 = tpu.vector_load_idx %arg9[%add3A_1429] : memref<896xf32, #tpu.memory_space<vmem>>[vector<16xi32>], vector<16xf32>,
        %mul3A_1431 = arith.constant 384 : i32
        %mul3A_1432 = arith.muli %scan3A_1399, %mul3A_1431 : i32
        %add3A_1433 = arith.addi %mul3A_49, %mul3A_1432 : i32
        %add3A_1434 = arith.constant 32 : i32
        %add3A_1435 = arith.addi %add3A_1433, %add3A_1434 : i32
        %swap3A_1436 = arith.index_cast %add3A_1435 : i32 to index
        %swap3A_1437 = tpu.vector_load %arg12[%swap3A_1436] {strides = array<i32>} : memref<27648xf32, #tpu.memory_space<vmem>>, vector<16xf32>,
        tpu.vector_store %arg12[%swap3A_1436], %gather3A_1430 {strides = array<i32>} : memref<27648xf32, #tpu.memory_space<vmem>>, vector<16xf32>,
        %get3A_1438 = arith.constant 48 : index
        %get3A_1439 = tpu.vector_load %arg10[%get3A_1438] {strides = array<i32>} : memref<384xi32, #tpu.memory_space<vmem>>, vector<16xi32>,
        %add3A_1440 = vector.broadcast %mul3A_1402 : i32 to vector<16xi32>
        %add3A_1441 = arith.addi %get3A_1439, %add3A_1440 : vector<16xi32>
        %gather3A_1442 = tpu.vector_load_idx %arg9[%add3A_1441] : memref<896xf32, #tpu.memory_space<vmem>>[vector<16xi32>], vector<16xf32>,
        %mul3A_1443 = arith.constant 384 : i32
        %mul3A_1444 = arith.muli %scan3A_1399, %mul3A_1443 : i32
        %add3A_1445 = arith.addi %mul3A_49, %mul3A_1444 : i32
        %add3A_1446 = arith.constant 48 : i32
        %add3A_1447 = arith.addi %add3A_1445, %add3A_1446 : i32
        %swap3A_1448 = arith.index_cast %add3A_1447 : i32 to index
        %swap3A_1449 = tpu.vector_load %arg12[%swap3A_1448] {strides = array<i32>} : memref<27648xf32, #tpu.memory_space<vmem>>, vector<16xf32>,
        tpu.vector_store %arg12[%swap3A_1448], %gather3A_1442 {strides = array<i32>} : memref<27648xf32, #tpu.memory_space<vmem>>, vector<16xf32>,
        %get3A_1450 = arith.constant 64 : index
        %get3A_1451 = tpu.vector_load %arg10[%get3A_1450] {strides = array<i32>} : memref<384xi32, #tpu.memory_space<vmem>>, vector<16xi32>,
        %add3A_1452 = vector.broadcast %mul3A_1402 : i32 to vector<16xi32>
        %add3A_1453 = arith.addi %get3A_1451, %add3A_1452 : vector<16xi32>
        %gather3A_1454 = tpu.vector_load_idx %arg9[%add3A_1453] : memref<896xf32, #tpu.memory_space<vmem>>[vector<16xi32>], vector<16xf32>,
        %mul3A_1455 = arith.constant 384 : i32
        %mul3A_1456 = arith.muli %scan3A_1399, %mul3A_1455 : i32
        %add3A_1457 = arith.addi %mul3A_49, %mul3A_1456 : i32
        %add3A_1458 = arith.constant 64 : i32
        %add3A_1459 = arith.addi %add3A_1457, %add3A_1458 : i32
        %swap3A_1460 = arith.index_cast %add3A_1459 : i32 to index
        %swap3A_1461 = tpu.vector_load %arg12[%swap3A_1460] {strides = array<i32>} : memref<27648xf32, #tpu.memory_space<vmem>>, vector<16xf32>,
        tpu.vector_store %arg12[%swap3A_1460], %gather3A_1454 {strides = array<i32>} : memref<27648xf32, #tpu.memory_space<vmem>>, vector<16xf32>,
        %get3A_1462 = arith.constant 80 : index
        %get3A_1463 = tpu.vector_load %arg10[%get3A_1462] {strides = array<i32>} : memref<384xi32, #tpu.memory_space<vmem>>, vector<16xi32>,
        %add3A_1464 = vector.broadcast %mul3A_1402 : i32 to vector<16xi32>
        %add3A_1465 = arith.addi %get3A_1463, %add3A_1464 : vector<16xi32>
        %gather3A_1466 = tpu.vector_load_idx %arg9[%add3A_1465] : memref<896xf32, #tpu.memory_space<vmem>>[vector<16xi32>], vector<16xf32>,
        %mul3A_1467 = arith.constant 384 : i32
        %mul3A_1468 = arith.muli %scan3A_1399, %mul3A_1467 : i32
        %add3A_1469 = arith.addi %mul3A_49, %mul3A_1468 : i32
        %add3A_1470 = arith.constant 80 : i32
        %add3A_1471 = arith.addi %add3A_1469, %add3A_1470 : i32
        %swap3A_1472 = arith.index_cast %add3A_1471 : i32 to index
        %swap3A_1473 = tpu.vector_load %arg12[%swap3A_1472] {strides = array<i32>} : memref<27648xf32, #tpu.memory_space<vmem>>, vector<16xf32>,
        tpu.vector_store %arg12[%swap3A_1472], %gather3A_1466 {strides = array<i32>} : memref<27648xf32, #tpu.memory_space<vmem>>, vector<16xf32>,
        %get3A_1474 = arith.constant 96 : index
        %get3A_1475 = tpu.vector_load %arg10[%get3A_1474] {strides = array<i32>} : memref<384xi32, #tpu.memory_space<vmem>>, vector<16xi32>,
        %add3A_1476 = vector.broadcast %mul3A_1402 : i32 to vector<16xi32>
        %add3A_1477 = arith.addi %get3A_1475, %add3A_1476 : vector<16xi32>
        %gather3A_1478 = tpu.vector_load_idx %arg9[%add3A_1477] : memref<896xf32, #tpu.memory_space<vmem>>[vector<16xi32>], vector<16xf32>,
        %mul3A_1479 = arith.constant 384 : i32
        %mul3A_1480 = arith.muli %scan3A_1399, %mul3A_1479 : i32
        %add3A_1481 = arith.addi %mul3A_49, %mul3A_1480 : i32
        %add3A_1482 = arith.constant 96 : i32
        %add3A_1483 = arith.addi %add3A_1481, %add3A_1482 : i32
        %swap3A_1484 = arith.index_cast %add3A_1483 : i32 to index
        %swap3A_1485 = tpu.vector_load %arg12[%swap3A_1484] {strides = array<i32>} : memref<27648xf32, #tpu.memory_space<vmem>>, vector<16xf32>,
        tpu.vector_store %arg12[%swap3A_1484], %gather3A_1478 {strides = array<i32>} : memref<27648xf32, #tpu.memory_space<vmem>>, vector<16xf32>,
        %get3A_1486 = arith.constant 112 : index
        %get3A_1487 = tpu.vector_load %arg10[%get3A_1486] {strides = array<i32>} : memref<384xi32, #tpu.memory_space<vmem>>, vector<16xi32>,
        %add3A_1488 = vector.broadcast %mul3A_1402 : i32 to vector<16xi32>
        %add3A_1489 = arith.addi %get3A_1487, %add3A_1488 : vector<16xi32>
        %gather3A_1490 = tpu.vector_load_idx %arg9[%add3A_1489] : memref<896xf32, #tpu.memory_space<vmem>>[vector<16xi32>], vector<16xf32>,
        %mul3A_1491 = arith.constant 384 : i32
        %mul3A_1492 = arith.muli %scan3A_1399, %mul3A_1491 : i32
        %add3A_1493 = arith.addi %mul3A_49, %mul3A_1492 : i32
        %add3A_1494 = arith.constant 112 : i32
        %add3A_1495 = arith.addi %add3A_1493, %add3A_1494 : i32
        %swap3A_1496 = arith.index_cast %add3A_1495 : i32 to index
        %swap3A_1497 = tpu.vector_load %arg12[%swap3A_1496] {strides = array<i32>} : memref<27648xf32, #tpu.memory_space<vmem>>, vector<16xf32>,
        tpu.vector_store %arg12[%swap3A_1496], %gather3A_1490 {strides = array<i32>} : memref<27648xf32, #tpu.memory_space<vmem>>, vector<16xf32>,
        %get3A_1498 = arith.constant 128 : index
        %get3A_1499 = tpu.vector_load %arg10[%get3A_1498] {strides = array<i32>} : memref<384xi32, #tpu.memory_space<vmem>>, vector<16xi32>,
        %add3A_1500 = vector.broadcast %mul3A_1402 : i32 to vector<16xi32>
        %add3A_1501 = arith.addi %get3A_1499, %add3A_1500 : vector<16xi32>
        %gather3A_1502 = tpu.vector_load_idx %arg9[%add3A_1501] : memref<896xf32, #tpu.memory_space<vmem>>[vector<16xi32>], vector<16xf32>,
        %mul3A_1503 = arith.constant 384 : i32
        %mul3A_1504 = arith.muli %scan3A_1399, %mul3A_1503 : i32
        %add3A_1505 = arith.addi %mul3A_49, %mul3A_1504 : i32
        %add3A_1506 = arith.constant 128 : i32
        %add3A_1507 = arith.addi %add3A_1505, %add3A_1506 : i32
        %swap3A_1508 = arith.index_cast %add3A_1507 : i32 to index
        %swap3A_1509 = tpu.vector_load %arg12[%swap3A_1508] {strides = array<i32>} : memref<27648xf32, #tpu.memory_space<vmem>>, vector<16xf32>,
        tpu.vector_store %arg12[%swap3A_1508], %gather3A_1502 {strides = array<i32>} : memref<27648xf32, #tpu.memory_space<vmem>>, vector<16xf32>,
        %get3A_1510 = arith.constant 144 : index
        %get3A_1511 = tpu.vector_load %arg10[%get3A_1510] {strides = array<i32>} : memref<384xi32, #tpu.memory_space<vmem>>, vector<16xi32>,
        %add3A_1512 = vector.broadcast %mul3A_1402 : i32 to vector<16xi32>
        %add3A_1513 = arith.addi %get3A_1511, %add3A_1512 : vector<16xi32>
        %gather3A_1514 = tpu.vector_load_idx %arg9[%add3A_1513] : memref<896xf32, #tpu.memory_space<vmem>>[vector<16xi32>], vector<16xf32>,
        %mul3A_1515 = arith.constant 384 : i32
        %mul3A_1516 = arith.muli %scan3A_1399, %mul3A_1515 : i32
        %add3A_1517 = arith.addi %mul3A_49, %mul3A_1516 : i32
        %add3A_1518 = arith.constant 144 : i32
        %add3A_1519 = arith.addi %add3A_1517, %add3A_1518 : i32
        %swap3A_1520 = arith.index_cast %add3A_1519 : i32 to index
        %swap3A_1521 = tpu.vector_load %arg12[%swap3A_1520] {strides = array<i32>} : memref<27648xf32, #tpu.memory_space<vmem>>, vector<16xf32>,
        tpu.vector_store %arg12[%swap3A_1520], %gather3A_1514 {strides = array<i32>} : memref<27648xf32, #tpu.memory_space<vmem>>, vector<16xf32>,
        %get3A_1522 = arith.constant 160 : index
        %get3A_1523 = tpu.vector_load %arg10[%get3A_1522] {strides = array<i32>} : memref<384xi32, #tpu.memory_space<vmem>>, vector<16xi32>,
        %add3A_1524 = vector.broadcast %mul3A_1402 : i32 to vector<16xi32>
        %add3A_1525 = arith.addi %get3A_1523, %add3A_1524 : vector<16xi32>
        %gather3A_1526 = tpu.vector_load_idx %arg9[%add3A_1525] : memref<896xf32, #tpu.memory_space<vmem>>[vector<16xi32>], vector<16xf32>,
        %mul3A_1527 = arith.constant 384 : i32
        %mul3A_1528 = arith.muli %scan3A_1399, %mul3A_1527 : i32
        %add3A_1529 = arith.addi %mul3A_49, %mul3A_1528 : i32
        %add3A_1530 = arith.constant 160 : i32
        %add3A_1531 = arith.addi %add3A_1529, %add3A_1530 : i32
        %swap3A_1532 = arith.index_cast %add3A_1531 : i32 to index
        %swap3A_1533 = tpu.vector_load %arg12[%swap3A_1532] {strides = array<i32>} : memref<27648xf32, #tpu.memory_space<vmem>>, vector<16xf32>,
        tpu.vector_store %arg12[%swap3A_1532], %gather3A_1526 {strides = array<i32>} : memref<27648xf32, #tpu.memory_space<vmem>>, vector<16xf32>,
        %get3A_1534 = arith.constant 176 : index
        %get3A_1535 = tpu.vector_load %arg10[%get3A_1534] {strides = array<i32>} : memref<384xi32, #tpu.memory_space<vmem>>, vector<16xi32>,
        %add3A_1536 = vector.broadcast %mul3A_1402 : i32 to vector<16xi32>
        %add3A_1537 = arith.addi %get3A_1535, %add3A_1536 : vector<16xi32>
        %gather3A_1538 = tpu.vector_load_idx %arg9[%add3A_1537] : memref<896xf32, #tpu.memory_space<vmem>>[vector<16xi32>], vector<16xf32>,
        %mul3A_1539 = arith.constant 384 : i32
        %mul3A_1540 = arith.muli %scan3A_1399, %mul3A_1539 : i32
        %add3A_1541 = arith.addi %mul3A_49, %mul3A_1540 : i32
        %add3A_1542 = arith.constant 176 : i32
        %add3A_1543 = arith.addi %add3A_1541, %add3A_1542 : i32
        %swap3A_1544 = arith.index_cast %add3A_1543 : i32 to index
        %swap3A_1545 = tpu.vector_load %arg12[%swap3A_1544] {strides = array<i32>} : memref<27648xf32, #tpu.memory_space<vmem>>, vector<16xf32>,
        tpu.vector_store %arg12[%swap3A_1544], %gather3A_1538 {strides = array<i32>} : memref<27648xf32, #tpu.memory_space<vmem>>, vector<16xf32>,
        %get3A_1546 = arith.constant 192 : index
        %get3A_1547 = tpu.vector_load %arg10[%get3A_1546] {strides = array<i32>} : memref<384xi32, #tpu.memory_space<vmem>>, vector<16xi32>,
        %add3A_1548 = vector.broadcast %mul3A_1402 : i32 to vector<16xi32>
        %add3A_1549 = arith.addi %get3A_1547, %add3A_1548 : vector<16xi32>
        %gather3A_1550 = tpu.vector_load_idx %arg9[%add3A_1549] : memref<896xf32, #tpu.memory_space<vmem>>[vector<16xi32>], vector<16xf32>,
        %mul3A_1551 = arith.constant 384 : i32
        %mul3A_1552 = arith.muli %scan3A_1399, %mul3A_1551 : i32
        %add3A_1553 = arith.addi %mul3A_49, %mul3A_1552 : i32
        %add3A_1554 = arith.constant 192 : i32
        %add3A_1555 = arith.addi %add3A_1553, %add3A_1554 : i32
        %swap3A_1556 = arith.index_cast %add3A_1555 : i32 to index
        %swap3A_1557 = tpu.vector_load %arg12[%swap3A_1556] {strides = array<i32>} : memref<27648xf32, #tpu.memory_space<vmem>>, vector<16xf32>,
        tpu.vector_store %arg12[%swap3A_1556], %gather3A_1550 {strides = array<i32>} : memref<27648xf32, #tpu.memory_space<vmem>>, vector<16xf32>,
        %get3A_1558 = arith.constant 208 : index
        %get3A_1559 = tpu.vector_load %arg10[%get3A_1558] {strides = array<i32>} : memref<384xi32, #tpu.memory_space<vmem>>, vector<16xi32>,
        %add3A_1560 = vector.broadcast %mul3A_1402 : i32 to vector<16xi32>
        %add3A_1561 = arith.addi %get3A_1559, %add3A_1560 : vector<16xi32>
        %gather3A_1562 = tpu.vector_load_idx %arg9[%add3A_1561] : memref<896xf32, #tpu.memory_space<vmem>>[vector<16xi32>], vector<16xf32>,
        %mul3A_1563 = arith.constant 384 : i32
        %mul3A_1564 = arith.muli %scan3A_1399, %mul3A_1563 : i32
        %add3A_1565 = arith.addi %mul3A_49, %mul3A_1564 : i32
        %add3A_1566 = arith.constant 208 : i32
        %add3A_1567 = arith.addi %add3A_1565, %add3A_1566 : i32
        %swap3A_1568 = arith.index_cast %add3A_1567 : i32 to index
        %swap3A_1569 = tpu.vector_load %arg12[%swap3A_1568] {strides = array<i32>} : memref<27648xf32, #tpu.memory_space<vmem>>, vector<16xf32>,
        tpu.vector_store %arg12[%swap3A_1568], %gather3A_1562 {strides = array<i32>} : memref<27648xf32, #tpu.memory_space<vmem>>, vector<16xf32>,
        %get3A_1570 = arith.constant 224 : index
        %get3A_1571 = tpu.vector_load %arg10[%get3A_1570] {strides = array<i32>} : memref<384xi32, #tpu.memory_space<vmem>>, vector<16xi32>,
        %add3A_1572 = vector.broadcast %mul3A_1402 : i32 to vector<16xi32>
        %add3A_1573 = arith.addi %get3A_1571, %add3A_1572 : vector<16xi32>
        %gather3A_1574 = tpu.vector_load_idx %arg9[%add3A_1573] : memref<896xf32, #tpu.memory_space<vmem>>[vector<16xi32>], vector<16xf32>,
        %mul3A_1575 = arith.constant 384 : i32
        %mul3A_1576 = arith.muli %scan3A_1399, %mul3A_1575 : i32
        %add3A_1577 = arith.addi %mul3A_49, %mul3A_1576 : i32
        %add3A_1578 = arith.constant 224 : i32
        %add3A_1579 = arith.addi %add3A_1577, %add3A_1578 : i32
        %swap3A_1580 = arith.index_cast %add3A_1579 : i32 to index
        %swap3A_1581 = tpu.vector_load %arg12[%swap3A_1580] {strides = array<i32>} : memref<27648xf32, #tpu.memory_space<vmem>>, vector<16xf32>,
        tpu.vector_store %arg12[%swap3A_1580], %gather3A_1574 {strides = array<i32>} : memref<27648xf32, #tpu.memory_space<vmem>>, vector<16xf32>,
        %get3A_1582 = arith.constant 240 : index
        %get3A_1583 = tpu.vector_load %arg10[%get3A_1582] {strides = array<i32>} : memref<384xi32, #tpu.memory_space<vmem>>, vector<16xi32>,
        %add3A_1584 = vector.broadcast %mul3A_1402 : i32 to vector<16xi32>
        %add3A_1585 = arith.addi %get3A_1583, %add3A_1584 : vector<16xi32>
        %gather3A_1586 = tpu.vector_load_idx %arg9[%add3A_1585] : memref<896xf32, #tpu.memory_space<vmem>>[vector<16xi32>], vector<16xf32>,
        %mul3A_1587 = arith.constant 384 : i32
        %mul3A_1588 = arith.muli %scan3A_1399, %mul3A_1587 : i32
        %add3A_1589 = arith.addi %mul3A_49, %mul3A_1588 : i32
        %add3A_1590 = arith.constant 240 : i32
        %add3A_1591 = arith.addi %add3A_1589, %add3A_1590 : i32
        %swap3A_1592 = arith.index_cast %add3A_1591 : i32 to index
        %swap3A_1593 = tpu.vector_load %arg12[%swap3A_1592] {strides = array<i32>} : memref<27648xf32, #tpu.memory_space<vmem>>, vector<16xf32>,
        tpu.vector_store %arg12[%swap3A_1592], %gather3A_1586 {strides = array<i32>} : memref<27648xf32, #tpu.memory_space<vmem>>, vector<16xf32>,
        %get3A_1594 = arith.constant 256 : index
        %get3A_1595 = tpu.vector_load %arg10[%get3A_1594] {strides = array<i32>} : memref<384xi32, #tpu.memory_space<vmem>>, vector<16xi32>,
        %add3A_1596 = vector.broadcast %mul3A_1402 : i32 to vector<16xi32>
        %add3A_1597 = arith.addi %get3A_1595, %add3A_1596 : vector<16xi32>
        %gather3A_1598 = tpu.vector_load_idx %arg9[%add3A_1597] : memref<896xf32, #tpu.memory_space<vmem>>[vector<16xi32>], vector<16xf32>,
        %mul3A_1599 = arith.constant 384 : i32
        %mul3A_1600 = arith.muli %scan3A_1399, %mul3A_1599 : i32
        %add3A_1601 = arith.addi %mul3A_49, %mul3A_1600 : i32
        %add3A_1602 = arith.constant 256 : i32
        %add3A_1603 = arith.addi %add3A_1601, %add3A_1602 : i32
        %swap3A_1604 = arith.index_cast %add3A_1603 : i32 to index
        %swap3A_1605 = tpu.vector_load %arg12[%swap3A_1604] {strides = array<i32>} : memref<27648xf32, #tpu.memory_space<vmem>>, vector<16xf32>,
        tpu.vector_store %arg12[%swap3A_1604], %gather3A_1598 {strides = array<i32>} : memref<27648xf32, #tpu.memory_space<vmem>>, vector<16xf32>,
        %get3A_1606 = arith.constant 272 : index
        %get3A_1607 = tpu.vector_load %arg10[%get3A_1606] {strides = array<i32>} : memref<384xi32, #tpu.memory_space<vmem>>, vector<16xi32>,
        %add3A_1608 = vector.broadcast %mul3A_1402 : i32 to vector<16xi32>
        %add3A_1609 = arith.addi %get3A_1607, %add3A_1608 : vector<16xi32>
        %gather3A_1610 = tpu.vector_load_idx %arg9[%add3A_1609] : memref<896xf32, #tpu.memory_space<vmem>>[vector<16xi32>], vector<16xf32>,
        %mul3A_1611 = arith.constant 384 : i32
        %mul3A_1612 = arith.muli %scan3A_1399, %mul3A_1611 : i32
        %add3A_1613 = arith.addi %mul3A_49, %mul3A_1612 : i32
        %add3A_1614 = arith.constant 272 : i32
        %add3A_1615 = arith.addi %add3A_1613, %add3A_1614 : i32
        %swap3A_1616 = arith.index_cast %add3A_1615 : i32 to index
        %swap3A_1617 = tpu.vector_load %arg12[%swap3A_1616] {strides = array<i32>} : memref<27648xf32, #tpu.memory_space<vmem>>, vector<16xf32>,
        tpu.vector_store %arg12[%swap3A_1616], %gather3A_1610 {strides = array<i32>} : memref<27648xf32, #tpu.memory_space<vmem>>, vector<16xf32>,
        %get3A_1618 = arith.constant 288 : index
        %get3A_1619 = tpu.vector_load %arg10[%get3A_1618] {strides = array<i32>} : memref<384xi32, #tpu.memory_space<vmem>>, vector<16xi32>,
        %add3A_1620 = vector.broadcast %mul3A_1402 : i32 to vector<16xi32>
        %add3A_1621 = arith.addi %get3A_1619, %add3A_1620 : vector<16xi32>
        %gather3A_1622 = tpu.vector_load_idx %arg9[%add3A_1621] : memref<896xf32, #tpu.memory_space<vmem>>[vector<16xi32>], vector<16xf32>,
        %mul3A_1623 = arith.constant 384 : i32
        %mul3A_1624 = arith.muli %scan3A_1399, %mul3A_1623 : i32
        %add3A_1625 = arith.addi %mul3A_49, %mul3A_1624 : i32
        %add3A_1626 = arith.constant 288 : i32
        %add3A_1627 = arith.addi %add3A_1625, %add3A_1626 : i32
        %swap3A_1628 = arith.index_cast %add3A_1627 : i32 to index
        %swap3A_1629 = tpu.vector_load %arg12[%swap3A_1628] {strides = array<i32>} : memref<27648xf32, #tpu.memory_space<vmem>>, vector<16xf32>,
        tpu.vector_store %arg12[%swap3A_1628], %gather3A_1622 {strides = array<i32>} : memref<27648xf32, #tpu.memory_space<vmem>>, vector<16xf32>,
        %get3A_1630 = arith.constant 304 : index
        %get3A_1631 = tpu.vector_load %arg10[%get3A_1630] {strides = array<i32>} : memref<384xi32, #tpu.memory_space<vmem>>, vector<16xi32>,
        %add3A_1632 = vector.broadcast %mul3A_1402 : i32 to vector<16xi32>
        %add3A_1633 = arith.addi %get3A_1631, %add3A_1632 : vector<16xi32>
        %gather3A_1634 = tpu.vector_load_idx %arg9[%add3A_1633] : memref<896xf32, #tpu.memory_space<vmem>>[vector<16xi32>], vector<16xf32>,
        %mul3A_1635 = arith.constant 384 : i32
        %mul3A_1636 = arith.muli %scan3A_1399, %mul3A_1635 : i32
        %add3A_1637 = arith.addi %mul3A_49, %mul3A_1636 : i32
        %add3A_1638 = arith.constant 304 : i32
        %add3A_1639 = arith.addi %add3A_1637, %add3A_1638 : i32
        %swap3A_1640 = arith.index_cast %add3A_1639 : i32 to index
        %swap3A_1641 = tpu.vector_load %arg12[%swap3A_1640] {strides = array<i32>} : memref<27648xf32, #tpu.memory_space<vmem>>, vector<16xf32>,
        tpu.vector_store %arg12[%swap3A_1640], %gather3A_1634 {strides = array<i32>} : memref<27648xf32, #tpu.memory_space<vmem>>, vector<16xf32>,
        %get3A_1642 = arith.constant 320 : index
        %get3A_1643 = tpu.vector_load %arg10[%get3A_1642] {strides = array<i32>} : memref<384xi32, #tpu.memory_space<vmem>>, vector<16xi32>,
        %add3A_1644 = vector.broadcast %mul3A_1402 : i32 to vector<16xi32>
        %add3A_1645 = arith.addi %get3A_1643, %add3A_1644 : vector<16xi32>
        %gather3A_1646 = tpu.vector_load_idx %arg9[%add3A_1645] : memref<896xf32, #tpu.memory_space<vmem>>[vector<16xi32>], vector<16xf32>,
        %mul3A_1647 = arith.constant 384 : i32
        %mul3A_1648 = arith.muli %scan3A_1399, %mul3A_1647 : i32
        %add3A_1649 = arith.addi %mul3A_49, %mul3A_1648 : i32
        %add3A_1650 = arith.constant 320 : i32
        %add3A_1651 = arith.addi %add3A_1649, %add3A_1650 : i32
        %swap3A_1652 = arith.index_cast %add3A_1651 : i32 to index
        %swap3A_1653 = tpu.vector_load %arg12[%swap3A_1652] {strides = array<i32>} : memref<27648xf32, #tpu.memory_space<vmem>>, vector<16xf32>,
        tpu.vector_store %arg12[%swap3A_1652], %gather3A_1646 {strides = array<i32>} : memref<27648xf32, #tpu.memory_space<vmem>>, vector<16xf32>,
        %get3A_1654 = arith.constant 336 : index
        %get3A_1655 = tpu.vector_load %arg10[%get3A_1654] {strides = array<i32>} : memref<384xi32, #tpu.memory_space<vmem>>, vector<16xi32>,
        %add3A_1656 = vector.broadcast %mul3A_1402 : i32 to vector<16xi32>
        %add3A_1657 = arith.addi %get3A_1655, %add3A_1656 : vector<16xi32>
        %gather3A_1658 = tpu.vector_load_idx %arg9[%add3A_1657] : memref<896xf32, #tpu.memory_space<vmem>>[vector<16xi32>], vector<16xf32>,
        %mul3A_1659 = arith.constant 384 : i32
        %mul3A_1660 = arith.muli %scan3A_1399, %mul3A_1659 : i32
        %add3A_1661 = arith.addi %mul3A_49, %mul3A_1660 : i32
        %add3A_1662 = arith.constant 336 : i32
        %add3A_1663 = arith.addi %add3A_1661, %add3A_1662 : i32
        %swap3A_1664 = arith.index_cast %add3A_1663 : i32 to index
        %swap3A_1665 = tpu.vector_load %arg12[%swap3A_1664] {strides = array<i32>} : memref<27648xf32, #tpu.memory_space<vmem>>, vector<16xf32>,
        tpu.vector_store %arg12[%swap3A_1664], %gather3A_1658 {strides = array<i32>} : memref<27648xf32, #tpu.memory_space<vmem>>, vector<16xf32>,
        %get3A_1666 = arith.constant 352 : index
        %get3A_1667 = tpu.vector_load %arg10[%get3A_1666] {strides = array<i32>} : memref<384xi32, #tpu.memory_space<vmem>>, vector<16xi32>,
        %add3A_1668 = vector.broadcast %mul3A_1402 : i32 to vector<16xi32>
        %add3A_1669 = arith.addi %get3A_1667, %add3A_1668 : vector<16xi32>
        %gather3A_1670 = tpu.vector_load_idx %arg9[%add3A_1669] : memref<896xf32, #tpu.memory_space<vmem>>[vector<16xi32>], vector<16xf32>,
        %mul3A_1671 = arith.constant 384 : i32
        %mul3A_1672 = arith.muli %scan3A_1399, %mul3A_1671 : i32
        %add3A_1673 = arith.addi %mul3A_49, %mul3A_1672 : i32
        %add3A_1674 = arith.constant 352 : i32
        %add3A_1675 = arith.addi %add3A_1673, %add3A_1674 : i32
        %swap3A_1676 = arith.index_cast %add3A_1675 : i32 to index
        %swap3A_1677 = tpu.vector_load %arg12[%swap3A_1676] {strides = array<i32>} : memref<27648xf32, #tpu.memory_space<vmem>>, vector<16xf32>,
        tpu.vector_store %arg12[%swap3A_1676], %gather3A_1670 {strides = array<i32>} : memref<27648xf32, #tpu.memory_space<vmem>>, vector<16xf32>,
        %get3A_1678 = arith.constant 368 : index
        %get3A_1679 = tpu.vector_load %arg10[%get3A_1678] {strides = array<i32>} : memref<384xi32, #tpu.memory_space<vmem>>, vector<16xi32>,
        %add3A_1680 = vector.broadcast %mul3A_1402 : i32 to vector<16xi32>
        %add3A_1681 = arith.addi %get3A_1679, %add3A_1680 : vector<16xi32>
        %gather3A_1682 = tpu.vector_load_idx %arg9[%add3A_1681] : memref<896xf32, #tpu.memory_space<vmem>>[vector<16xi32>], vector<16xf32>,
        %mul3A_1683 = arith.constant 384 : i32
        %mul3A_1684 = arith.muli %scan3A_1399, %mul3A_1683 : i32
        %add3A_1685 = arith.addi %mul3A_49, %mul3A_1684 : i32
        %add3A_1686 = arith.constant 368 : i32
        %add3A_1687 = arith.addi %add3A_1685, %add3A_1686 : i32
        %swap3A_1688 = arith.index_cast %add3A_1687 : i32 to index
        %swap3A_1689 = tpu.vector_load %arg12[%swap3A_1688] {strides = array<i32>} : memref<27648xf32, #tpu.memory_space<vmem>>, vector<16xf32>,
        tpu.vector_store %arg12[%swap3A_1688], %gather3A_1682 {strides = array<i32>} : memref<27648xf32, #tpu.memory_space<vmem>>, vector<16xf32>,
        %scan3A_1690 = arith.constant 0 : i32
        scf.yield %scan3A_1690 : i32
      }
      %scan3A_1297 = arith.constant 28 : i32
      %mul3A_1298 = arith.constant 147456 : i32
      %mul3A_1299 = arith.muli %add3A_46, %mul3A_1298 : i32
      %jit3A_1300 = arith.constant 16 : i32
      %div3A = arith.divsi %squeeze3A, %jit3A_1300 : i32
      %sign3A = arith.constant 0 : i32
      %sign3A_1301 = arith.cmpi sgt, %squeeze3A, %sign3A : i32
      %sign3A_1302 = arith.extui %sign3A_1301 : i1 to i32
      %sign3A_1303 = arith.constant 0 : i32
      %sign3A_1304 = arith.cmpi slt, %squeeze3A, %sign3A_1303 : i32
      %sign3A_1305 = arith.extui %sign3A_1304 : i1 to i32
      %sign3A_1306 = arith.subi %sign3A_1302, %sign3A_1305 : i32
      %sign3A_1307 = arith.constant 0 : i32
      %sign3A_1308 = arith.cmpi sgt, %jit3A_1300, %sign3A_1307 : i32
      %sign3A_1309 = arith.extui %sign3A_1308 : i1 to i32
      %sign3A_1310 = arith.constant 0 : i32
      %sign3A_1311 = arith.cmpi slt, %jit3A_1300, %sign3A_1310 : i32
      %sign3A_1312 = arith.extui %sign3A_1311 : i1 to i32
      %sign3A_1313 = arith.subi %sign3A_1309, %sign3A_1312 : i32
      %ne3A = arith.cmpi ne, %sign3A_1306, %sign3A_1313 : i32
      %rem3A = arith.remsi %squeeze3A, %jit3A_1300 : i32
      %ne3A_1314 = arith.constant 0 : i32
      %ne3A_1315 = arith.cmpi ne, %rem3A, %ne3A_1314 : i32
      %and3A_1316 = arith.andi %ne3A, %ne3A_1315 : i1
      %sub3A_1317 = arith.constant 1 : i32
      %sub3A_1318 = arith.subi %div3A, %sub3A_1317 : i32
      %select_n3A_1319 = arith.select %and3A_1316, %sub3A_1318, %div3A : i32
      %while3A_1320 = arith.constant 0 : i32
      %while3A_1321 = arith.constant 0 : i32
      %while3A_1322 = arith.subi %select_n3A_1319, %while3A_1320 : i32
      %while3A_1323 = arith.addi %while3A_1320, %while3A_1322 : i32
      %while3A_1324 = arith.constant 1 : i32
      %while3A_1325 = arith.divsi %while3A_1322, %while3A_1324 : i32
      %while3A_1326 = arith.muli %while3A_1325, %while3A_1324 : i32
      %while3A_1327 = arith.addi %while3A_1320, %while3A_1326 : i32
      %while3A_1328 = arith.constant 1 : i32
      %while3A_1329 = scf.for %while3A_1399 = %while3A_1320 to %while3A_1327 step %while3A_1328 iter_args(%while3A_1400 = %while3A_1321) -> (i32)  : i32 {
        %mul3A_1401 = arith.constant 6144 : i32
        %mul3A_1402 = arith.muli %while3A_1399, %mul3A_1401 : i32
        %add3A_1403 = arith.addi %mul3A_1299, %mul3A_1402 : i32
        %dma_start3A_1404 = arith.constant 21504 : i32
        %dma_start3A_1405 = tpu.memref_slice %arg12[%dma_start3A_1404] : memref<27648xf32, #tpu.memory_space<vmem>> -> memref<6144xf32, #tpu.memory_space<vmem>>
        %dma_start3A_1406 = tpu.memref_slice %arg5[%add3A_1403] : memref<29491200xf32, #tpu.memory_space<hbm>> -> memref<6144xf32, #tpu.memory_space<hbm>>
        %dma_start3A_1407 = tpu.memref_slice %arg13[%and3A_47] : memref<2x!tpu.dma_semaphore, #tpu.memory_space<semaphore_mem>> -> memref<1x!tpu.dma_semaphore, #tpu.memory_space<semaphore_mem>>
        %dma_start3A_1408 = tpu.memref_squeeze %dma_start3A_1407 : memref<1x!tpu.dma_semaphore, #tpu.memory_space<semaphore_mem>> -> memref<!tpu.dma_semaphore, #tpu.memory_space<semaphore_mem>>
        %dma_start3A_1409 = tpu.memref_slice %arg5[%add3A_1403] : memref<29491200xf32, #tpu.memory_space<hbm>> -> memref<6144xf32, #tpu.memory_space<hbm>>
        %dma_start3A_1410 = arith.constant 21504 : i32
        %dma_start3A_1411 = tpu.memref_slice %arg12[%dma_start3A_1410] : memref<27648xf32, #tpu.memory_space<vmem>> -> memref<6144xf32, #tpu.memory_space<vmem>>
        tpu.enqueue_dma source(%dma_start3A_1411 : memref<6144xf32, #tpu.memory_space<vmem>>) target(%dma_start3A_1409 : memref<6144xf32, #tpu.memory_space<hbm>>) target_semaphore(%dma_start3A_1408 : memref<!tpu.dma_semaphore, #tpu.memory_space<semaphore_mem>>)
        %while3A_1412 = arith.constant 0 : i32
        scf.yield %while3A_1412 : i32
      }
      %while3A_1330 = arith.constant 1 : i32
      %while3A_1331 = scf.for %while3A_1399 = %while3A_1327 to %while3A_1323 step %while3A_1330 iter_args(%while3A_1400 = %while3A_1329) -> (i32)  : i32 {
        %mul3A_1401 = arith.constant 6144 : i32
        %mul3A_1402 = arith.muli %while3A_1399, %mul3A_1401 : i32
        %add3A_1403 = arith.addi %mul3A_1299, %mul3A_1402 : i32
        %dma_start3A_1404 = arith.constant 21504 : i32
        %dma_start3A_1405 = tpu.memref_slice %arg12[%dma_start3A_1404] : memref<27648xf32, #tpu.memory_space<vmem>> -> memref<6144xf32, #tpu.memory_space<vmem>>
        %dma_start3A_1406 = tpu.memref_slice %arg5[%add3A_1403] : memref<29491200xf32, #tpu.memory_space<hbm>> -> memref<6144xf32, #tpu.memory_space<hbm>>
        %dma_start3A_1407 = tpu.memref_slice %arg13[%and3A_47] : memref<2x!tpu.dma_semaphore, #tpu.memory_space<semaphore_mem>> -> memref<1x!tpu.dma_semaphore, #tpu.memory_space<semaphore_mem>>
        %dma_start3A_1408 = tpu.memref_squeeze %dma_start3A_1407 : memref<1x!tpu.dma_semaphore, #tpu.memory_space<semaphore_mem>> -> memref<!tpu.dma_semaphore, #tpu.memory_space<semaphore_mem>>
        %dma_start3A_1409 = tpu.memref_slice %arg5[%add3A_1403] : memref<29491200xf32, #tpu.memory_space<hbm>> -> memref<6144xf32, #tpu.memory_space<hbm>>
        %dma_start3A_1410 = arith.constant 21504 : i32
        %dma_start3A_1411 = tpu.memref_slice %arg12[%dma_start3A_1410] : memref<27648xf32, #tpu.memory_space<vmem>> -> memref<6144xf32, #tpu.memory_space<vmem>>
        tpu.enqueue_dma source(%dma_start3A_1411 : memref<6144xf32, #tpu.memory_space<vmem>>) target(%dma_start3A_1409 : memref<6144xf32, #tpu.memory_space<hbm>>) target_semaphore(%dma_start3A_1408 : memref<!tpu.dma_semaphore, #tpu.memory_space<semaphore_mem>>)
        %while3A_1412 = arith.constant 0 : i32
        scf.yield %while3A_1412 : i32
      }
      %mul3A_1332 = arith.constant 16 : i32
      %mul3A_1333 = arith.muli %select_n3A_1319, %mul3A_1332 : i32
      %while3A_1334 = arith.constant 0 : i32
      %while3A_1335 = arith.subi %squeeze3A_80, %mul3A_1333 : i32
      %while3A_1336 = arith.addi %mul3A_1333, %while3A_1335 : i32
      %while3A_1337 = arith.constant 1 : i32
      %while3A_1338 = arith.divsi %while3A_1335, %while3A_1337 : i32
      %while3A_1339 = arith.muli %while3A_1338, %while3A_1337 : i32
      %while3A_1340 = arith.addi %mul3A_1333, %while3A_1339 : i32
      %while3A_1341 = arith.constant 1 : i32
      %while3A_1342 = scf.for %while3A_1399 = %mul3A_1333 to %while3A_1340 step %while3A_1341 iter_args(%while3A_1400 = %while3A_1334) -> (i32)  : i32 {
        %broadcast_in_dim3A_1401 = vector.broadcast %while3A_1399 : i32 to vector<16xi32>
        %gather3A = tpu.vector_load_idx %arg11[%broadcast_in_dim3A_1401] : memref<384xi32, #tpu.memory_space<vmem>>[vector<16xi32>], vector<16xi32>,
        %slice3A_1402 = vector.extract_strided_slice %gather3A {offsets = [0], sizes = [1], strides = [1]} : vector<16xi32> to vector<1xi32>
        %squeeze3A_1403 = vector.extract %slice3A_1402[0] : i32 from vector<1xi32>
        %eq3A = arith.constant 28 : i32
        %eq3A_1404 = arith.cmpi eq, %squeeze3A_1403, %eq3A : i32
        %mul3A_1405 = arith.constant 384 : i32
        %mul3A_1406 = arith.muli %squeeze3A_1403, %mul3A_1405 : i32
        %add3A_1407 = arith.addi %mul3A_49, %mul3A_1406 : i32
        %jit3A_1408 = arith.constant 21504 : i32
        %select_n3A_1409 = arith.select %eq3A_1404, %jit3A_1408, %add3A_1407 : i32
        %mul3A_1410 = arith.constant 384 : i32
        %mul3A_1411 = arith.muli %while3A_1399, %mul3A_1410 : i32
        %add3A_1412 = arith.addi %mul3A_1299, %mul3A_1411 : i32
        %dma_start3A_1413 = tpu.memref_slice %arg12[%select_n3A_1409] : memref<27648xf32, #tpu.memory_space<vmem>> -> memref<384xf32, #tpu.memory_space<vmem>>
        %dma_start3A_1414 = tpu.memref_slice %arg5[%add3A_1412] : memref<29491200xf32, #tpu.memory_space<hbm>> -> memref<384xf32, #tpu.memory_space<hbm>>
        %dma_start3A_1415 = tpu.memref_slice %arg13[%and3A_47] : memref<2x!tpu.dma_semaphore, #tpu.memory_space<semaphore_mem>> -> memref<1x!tpu.dma_semaphore, #tpu.memory_space<semaphore_mem>>
        %dma_start3A_1416 = tpu.memref_squeeze %dma_start3A_1415 : memref<1x!tpu.dma_semaphore, #tpu.memory_space<semaphore_mem>> -> memref<!tpu.dma_semaphore, #tpu.memory_space<semaphore_mem>>
        %dma_start3A_1417 = tpu.memref_slice %arg5[%add3A_1412] : memref<29491200xf32, #tpu.memory_space<hbm>> -> memref<384xf32, #tpu.memory_space<hbm>>
        %dma_start3A_1418 = tpu.memref_slice %arg12[%select_n3A_1409] : memref<27648xf32, #tpu.memory_space<vmem>> -> memref<384xf32, #tpu.memory_space<vmem>>
        tpu.enqueue_dma source(%dma_start3A_1418 : memref<384xf32, #tpu.memory_space<vmem>>) target(%dma_start3A_1417 : memref<384xf32, #tpu.memory_space<hbm>>) target_semaphore(%dma_start3A_1416 : memref<!tpu.dma_semaphore, #tpu.memory_space<semaphore_mem>>)
        %while3A_1419 = arith.constant 0 : i32
        scf.yield %while3A_1419 : i32
      }
      %while3A_1343 = arith.constant 1 : i32
      %while3A_1344 = scf.for %while3A_1399 = %while3A_1340 to %while3A_1336 step %while3A_1343 iter_args(%while3A_1400 = %while3A_1342) -> (i32)  : i32 {
        %broadcast_in_dim3A_1401 = vector.broadcast %while3A_1399 : i32 to vector<16xi32>
        %gather3A = tpu.vector_load_idx %arg11[%broadcast_in_dim3A_1401] : memref<384xi32, #tpu.memory_space<vmem>>[vector<16xi32>], vector<16xi32>,
        %slice3A_1402 = vector.extract_strided_slice %gather3A {offsets = [0], sizes = [1], strides = [1]} : vector<16xi32> to vector<1xi32>
        %squeeze3A_1403 = vector.extract %slice3A_1402[0] : i32 from vector<1xi32>
        %eq3A = arith.constant 28 : i32
        %eq3A_1404 = arith.cmpi eq, %squeeze3A_1403, %eq3A : i32
        %mul3A_1405 = arith.constant 384 : i32
        %mul3A_1406 = arith.muli %squeeze3A_1403, %mul3A_1405 : i32
        %add3A_1407 = arith.addi %mul3A_49, %mul3A_1406 : i32
        %jit3A_1408 = arith.constant 21504 : i32
        %select_n3A_1409 = arith.select %eq3A_1404, %jit3A_1408, %add3A_1407 : i32
        %mul3A_1410 = arith.constant 384 : i32
        %mul3A_1411 = arith.muli %while3A_1399, %mul3A_1410 : i32
        %add3A_1412 = arith.addi %mul3A_1299, %mul3A_1411 : i32
        %dma_start3A_1413 = tpu.memref_slice %arg12[%select_n3A_1409] : memref<27648xf32, #tpu.memory_space<vmem>> -> memref<384xf32, #tpu.memory_space<vmem>>
        %dma_start3A_1414 = tpu.memref_slice %arg5[%add3A_1412] : memref<29491200xf32, #tpu.memory_space<hbm>> -> memref<384xf32, #tpu.memory_space<hbm>>
        %dma_start3A_1415 = tpu.memref_slice %arg13[%and3A_47] : memref<2x!tpu.dma_semaphore, #tpu.memory_space<semaphore_mem>> -> memref<1x!tpu.dma_semaphore, #tpu.memory_space<semaphore_mem>>
        %dma_start3A_1416 = tpu.memref_squeeze %dma_start3A_1415 : memref<1x!tpu.dma_semaphore, #tpu.memory_space<semaphore_mem>> -> memref<!tpu.dma_semaphore, #tpu.memory_space<semaphore_mem>>
        %dma_start3A_1417 = tpu.memref_slice %arg5[%add3A_1412] : memref<29491200xf32, #tpu.memory_space<hbm>> -> memref<384xf32, #tpu.memory_space<hbm>>
        %dma_start3A_1418 = tpu.memref_slice %arg12[%select_n3A_1409] : memref<27648xf32, #tpu.memory_space<vmem>> -> memref<384xf32, #tpu.memory_space<vmem>>
        tpu.enqueue_dma source(%dma_start3A_1418 : memref<384xf32, #tpu.memory_space<vmem>>) target(%dma_start3A_1417 : memref<384xf32, #tpu.memory_space<hbm>>) target_semaphore(%dma_start3A_1416 : memref<!tpu.dma_semaphore, #tpu.memory_space<semaphore_mem>>)
        %while3A_1419 = arith.constant 0 : i32
        scf.yield %while3A_1419 : i32
      }
      %sub3A_1345 = arith.constant 384 : i32
      %sub3A_1346 = arith.subi %sub3A_1345, %squeeze3A_80 : i32
      %jit3A_1347 = arith.constant 16 : i32
      %div3A_1348 = arith.divsi %sub3A_1346, %jit3A_1347 : i32
      %sign3A_1349 = arith.constant 0 : i32
      %sign3A_1350 = arith.cmpi sgt, %sub3A_1346, %sign3A_1349 : i32
      %sign3A_1351 = arith.extui %sign3A_1350 : i1 to i32
      %sign3A_1352 = arith.constant 0 : i32
      %sign3A_1353 = arith.cmpi slt, %sub3A_1346, %sign3A_1352 : i32
      %sign3A_1354 = arith.extui %sign3A_1353 : i1 to i32
      %sign3A_1355 = arith.subi %sign3A_1351, %sign3A_1354 : i32
      %sign3A_1356 = arith.constant 0 : i32
      %sign3A_1357 = arith.cmpi sgt, %jit3A_1347, %sign3A_1356 : i32
      %sign3A_1358 = arith.extui %sign3A_1357 : i1 to i32
      %sign3A_1359 = arith.constant 0 : i32
      %sign3A_1360 = arith.cmpi slt, %jit3A_1347, %sign3A_1359 : i32
      %sign3A_1361 = arith.extui %sign3A_1360 : i1 to i32
      %sign3A_1362 = arith.subi %sign3A_1358, %sign3A_1361 : i32
      %ne3A_1363 = arith.cmpi ne, %sign3A_1355, %sign3A_1362 : i32
      %rem3A_1364 = arith.remsi %sub3A_1346, %jit3A_1347 : i32
      %ne3A_1365 = arith.constant 0 : i32
      %ne3A_1366 = arith.cmpi ne, %rem3A_1364, %ne3A_1365 : i32
      %and3A_1367 = arith.andi %ne3A_1363, %ne3A_1366 : i1
      %sub3A_1368 = arith.constant 1 : i32
      %sub3A_1369 = arith.subi %div3A_1348, %sub3A_1368 : i32
      %select_n3A_1370 = arith.select %and3A_1367, %sub3A_1369, %div3A_1348 : i32
      %mul3A_1371 = arith.constant 16 : i32
      %mul3A_1372 = arith.muli %select_n3A_1370, %mul3A_1371 : i32
      %sub3A_1373 = arith.constant 384 : i32
      %sub3A_1374 = arith.subi %sub3A_1373, %mul3A_1372 : i32
      %while3A_1375 = arith.constant 0 : i32
      %while3A_1376 = arith.subi %sub3A_1374, %squeeze3A_80 : i32
      %while3A_1377 = arith.addi %squeeze3A_80, %while3A_1376 : i32
      %while3A_1378 = arith.constant 1 : i32
      %while3A_1379 = arith.divsi %while3A_1376, %while3A_1378 : i32
      %while3A_1380 = arith.muli %while3A_1379, %while3A_1378 : i32
      %while3A_1381 = arith.addi %squeeze3A_80, %while3A_1380 : i32
      %while3A_1382 = arith.constant 1 : i32
      %while3A_1383 = scf.for %while3A_1399 = %squeeze3A_80 to %while3A_1381 step %while3A_1382 iter_args(%while3A_1400 = %while3A_1375) -> (i32)  : i32 {
        %broadcast_in_dim3A_1401 = vector.broadcast %while3A_1399 : i32 to vector<16xi32>
        %gather3A = tpu.vector_load_idx %arg11[%broadcast_in_dim3A_1401] : memref<384xi32, #tpu.memory_space<vmem>>[vector<16xi32>], vector<16xi32>,
        %slice3A_1402 = vector.extract_strided_slice %gather3A {offsets = [0], sizes = [1], strides = [1]} : vector<16xi32> to vector<1xi32>
        %squeeze3A_1403 = vector.extract %slice3A_1402[0] : i32 from vector<1xi32>
        %eq3A = arith.constant 28 : i32
        %eq3A_1404 = arith.cmpi eq, %squeeze3A_1403, %eq3A : i32
        %mul3A_1405 = arith.constant 384 : i32
        %mul3A_1406 = arith.muli %squeeze3A_1403, %mul3A_1405 : i32
        %add3A_1407 = arith.addi %mul3A_49, %mul3A_1406 : i32
        %jit3A_1408 = arith.constant 21504 : i32
        %select_n3A_1409 = arith.select %eq3A_1404, %jit3A_1408, %add3A_1407 : i32
        %mul3A_1410 = arith.constant 384 : i32
        %mul3A_1411 = arith.muli %while3A_1399, %mul3A_1410 : i32
        %add3A_1412 = arith.addi %mul3A_1299, %mul3A_1411 : i32
        %dma_start3A_1413 = tpu.memref_slice %arg12[%select_n3A_1409] : memref<27648xf32, #tpu.memory_space<vmem>> -> memref<384xf32, #tpu.memory_space<vmem>>
        %dma_start3A_1414 = tpu.memref_slice %arg5[%add3A_1412] : memref<29491200xf32, #tpu.memory_space<hbm>> -> memref<384xf32, #tpu.memory_space<hbm>>
        %dma_start3A_1415 = tpu.memref_slice %arg13[%and3A_47] : memref<2x!tpu.dma_semaphore, #tpu.memory_space<semaphore_mem>> -> memref<1x!tpu.dma_semaphore, #tpu.memory_space<semaphore_mem>>
        %dma_start3A_1416 = tpu.memref_squeeze %dma_start3A_1415 : memref<1x!tpu.dma_semaphore, #tpu.memory_space<semaphore_mem>> -> memref<!tpu.dma_semaphore, #tpu.memory_space<semaphore_mem>>
        %dma_start3A_1417 = tpu.memref_slice %arg5[%add3A_1412] : memref<29491200xf32, #tpu.memory_space<hbm>> -> memref<384xf32, #tpu.memory_space<hbm>>
        %dma_start3A_1418 = tpu.memref_slice %arg12[%select_n3A_1409] : memref<27648xf32, #tpu.memory_space<vmem>> -> memref<384xf32, #tpu.memory_space<vmem>>
        tpu.enqueue_dma source(%dma_start3A_1418 : memref<384xf32, #tpu.memory_space<vmem>>) target(%dma_start3A_1417 : memref<384xf32, #tpu.memory_space<hbm>>) target_semaphore(%dma_start3A_1416 : memref<!tpu.dma_semaphore, #tpu.memory_space<semaphore_mem>>)
        %while3A_1419 = arith.constant 0 : i32
        scf.yield %while3A_1419 : i32
      }
      %while3A_1384 = arith.constant 1 : i32
      %while3A_1385 = scf.for %while3A_1399 = %while3A_1381 to %while3A_1377 step %while3A_1384 iter_args(%while3A_1400 = %while3A_1383) -> (i32)  : i32 {
        %broadcast_in_dim3A_1401 = vector.broadcast %while3A_1399 : i32 to vector<16xi32>
        %gather3A = tpu.vector_load_idx %arg11[%broadcast_in_dim3A_1401] : memref<384xi32, #tpu.memory_space<vmem>>[vector<16xi32>], vector<16xi32>,
        %slice3A_1402 = vector.extract_strided_slice %gather3A {offsets = [0], sizes = [1], strides = [1]} : vector<16xi32> to vector<1xi32>
        %squeeze3A_1403 = vector.extract %slice3A_1402[0] : i32 from vector<1xi32>
        %eq3A = arith.constant 28 : i32
        %eq3A_1404 = arith.cmpi eq, %squeeze3A_1403, %eq3A : i32
        %mul3A_1405 = arith.constant 384 : i32
        %mul3A_1406 = arith.muli %squeeze3A_1403, %mul3A_1405 : i32
        %add3A_1407 = arith.addi %mul3A_49, %mul3A_1406 : i32
        %jit3A_1408 = arith.constant 21504 : i32
        %select_n3A_1409 = arith.select %eq3A_1404, %jit3A_1408, %add3A_1407 : i32
        %mul3A_1410 = arith.constant 384 : i32
        %mul3A_1411 = arith.muli %while3A_1399, %mul3A_1410 : i32
        %add3A_1412 = arith.addi %mul3A_1299, %mul3A_1411 : i32
        %dma_start3A_1413 = tpu.memref_slice %arg12[%select_n3A_1409] : memref<27648xf32, #tpu.memory_space<vmem>> -> memref<384xf32, #tpu.memory_space<vmem>>
        %dma_start3A_1414 = tpu.memref_slice %arg5[%add3A_1412] : memref<29491200xf32, #tpu.memory_space<hbm>> -> memref<384xf32, #tpu.memory_space<hbm>>
        %dma_start3A_1415 = tpu.memref_slice %arg13[%and3A_47] : memref<2x!tpu.dma_semaphore, #tpu.memory_space<semaphore_mem>> -> memref<1x!tpu.dma_semaphore, #tpu.memory_space<semaphore_mem>>
        %dma_start3A_1416 = tpu.memref_squeeze %dma_start3A_1415 : memref<1x!tpu.dma_semaphore, #tpu.memory_space<semaphore_mem>> -> memref<!tpu.dma_semaphore, #tpu.memory_space<semaphore_mem>>
        %dma_start3A_1417 = tpu.memref_slice %arg5[%add3A_1412] : memref<29491200xf32, #tpu.memory_space<hbm>> -> memref<384xf32, #tpu.memory_space<hbm>>
        %dma_start3A_1418 = tpu.memref_slice %arg12[%select_n3A_1409] : memref<27648xf32, #tpu.memory_space<vmem>> -> memref<384xf32, #tpu.memory_space<vmem>>
        tpu.enqueue_dma source(%dma_start3A_1418 : memref<384xf32, #tpu.memory_space<vmem>>) target(%dma_start3A_1417 : memref<384xf32, #tpu.memory_space<hbm>>) target_semaphore(%dma_start3A_1416 : memref<!tpu.dma_semaphore, #tpu.memory_space<semaphore_mem>>)
        %while3A_1419 = arith.constant 0 : i32
        scf.yield %while3A_1419 : i32
      }
      %while3A_1386 = arith.constant 0 : i32
      %while3A_1387 = arith.constant 0 : i32
      %while3A_1388 = arith.subi %select_n3A_1370, %while3A_1386 : i32
      %while3A_1389 = arith.addi %while3A_1386, %while3A_1388 : i32
      %while3A_1390 = arith.constant 1 : i32
      %while3A_1391 = arith.divsi %while3A_1388, %while3A_1390 : i32
      %while3A_1392 = arith.muli %while3A_1391, %while3A_1390 : i32
      %while3A_1393 = arith.addi %while3A_1386, %while3A_1392 : i32
      %while3A_1394 = arith.constant 1 : i32
      %while3A_1395 = scf.for %while3A_1399 = %while3A_1386 to %while3A_1393 step %while3A_1394 iter_args(%while3A_1400 = %while3A_1387) -> (i32)  : i32 {
        %mul3A_1401 = arith.constant 16 : i32
        %mul3A_1402 = arith.muli %while3A_1399, %mul3A_1401 : i32
        %add3A_1403 = arith.addi %sub3A_1374, %mul3A_1402 : i32
        %mul3A_1404 = arith.constant 384 : i32
        %mul3A_1405 = arith.muli %add3A_1403, %mul3A_1404 : i32
        %add3A_1406 = arith.addi %mul3A_1299, %mul3A_1405 : i32
        %dma_start3A_1407 = arith.constant 21504 : i32
        %dma_start3A_1408 = tpu.memref_slice %arg12[%dma_start3A_1407] : memref<27648xf32, #tpu.memory_space<vmem>> -> memref<6144xf32, #tpu.memory_space<vmem>>
        %dma_start3A_1409 = tpu.memref_slice %arg5[%add3A_1406] : memref<29491200xf32, #tpu.memory_space<hbm>> -> memref<6144xf32, #tpu.memory_space<hbm>>
        %dma_start3A_1410 = tpu.memref_slice %arg13[%and3A_47] : memref<2x!tpu.dma_semaphore, #tpu.memory_space<semaphore_mem>> -> memref<1x!tpu.dma_semaphore, #tpu.memory_space<semaphore_mem>>
        %dma_start3A_1411 = tpu.memref_squeeze %dma_start3A_1410 : memref<1x!tpu.dma_semaphore, #tpu.memory_space<semaphore_mem>> -> memref<!tpu.dma_semaphore, #tpu.memory_space<semaphore_mem>>
        %dma_start3A_1412 = tpu.memref_slice %arg5[%add3A_1406] : memref<29491200xf32, #tpu.memory_space<hbm>> -> memref<6144xf32, #tpu.memory_space<hbm>>
        %dma_start3A_1413 = arith.constant 21504 : i32
        %dma_start3A_1414 = tpu.memref_slice %arg12[%dma_start3A_1413] : memref<27648xf32, #tpu.memory_space<vmem>> -> memref<6144xf32, #tpu.memory_space<vmem>>
        tpu.enqueue_dma source(%dma_start3A_1414 : memref<6144xf32, #tpu.memory_space<vmem>>) target(%dma_start3A_1412 : memref<6144xf32, #tpu.memory_space<hbm>>) target_semaphore(%dma_start3A_1411 : memref<!tpu.dma_semaphore, #tpu.memory_space<semaphore_mem>>)
        %while3A_1415 = arith.constant 0 : i32
        scf.yield %while3A_1415 : i32
      }
      %while3A_1396 = arith.constant 1 : i32
      %while3A_1397 = scf.for %while3A_1399 = %while3A_1393 to %while3A_1389 step %while3A_1396 iter_args(%while3A_1400 = %while3A_1395) -> (i32)  : i32 {
        %mul3A_1401 = arith.constant 16 : i32
        %mul3A_1402 = arith.muli %while3A_1399, %mul3A_1401 : i32
        %add3A_1403 = arith.addi %sub3A_1374, %mul3A_1402 : i32
        %mul3A_1404 = arith.constant 384 : i32
        %mul3A_1405 = arith.muli %add3A_1403, %mul3A_1404 : i32
        %add3A_1406 = arith.addi %mul3A_1299, %mul3A_1405 : i32
        %dma_start3A_1407 = arith.constant 21504 : i32
        %dma_start3A_1408 = tpu.memref_slice %arg12[%dma_start3A_1407] : memref<27648xf32, #tpu.memory_space<vmem>> -> memref<6144xf32, #tpu.memory_space<vmem>>
        %dma_start3A_1409 = tpu.memref_slice %arg5[%add3A_1406] : memref<29491200xf32, #tpu.memory_space<hbm>> -> memref<6144xf32, #tpu.memory_space<hbm>>
        %dma_start3A_1410 = tpu.memref_slice %arg13[%and3A_47] : memref<2x!tpu.dma_semaphore, #tpu.memory_space<semaphore_mem>> -> memref<1x!tpu.dma_semaphore, #tpu.memory_space<semaphore_mem>>
        %dma_start3A_1411 = tpu.memref_squeeze %dma_start3A_1410 : memref<1x!tpu.dma_semaphore, #tpu.memory_space<semaphore_mem>> -> memref<!tpu.dma_semaphore, #tpu.memory_space<semaphore_mem>>
        %dma_start3A_1412 = tpu.memref_slice %arg5[%add3A_1406] : memref<29491200xf32, #tpu.memory_space<hbm>> -> memref<6144xf32, #tpu.memory_space<hbm>>
        %dma_start3A_1413 = arith.constant 21504 : i32
        %dma_start3A_1414 = tpu.memref_slice %arg12[%dma_start3A_1413] : memref<27648xf32, #tpu.memory_space<vmem>> -> memref<6144xf32, #tpu.memory_space<vmem>>
        tpu.enqueue_dma source(%dma_start3A_1414 : memref<6144xf32, #tpu.memory_space<vmem>>) target(%dma_start3A_1412 : memref<6144xf32, #tpu.memory_space<hbm>>) target_semaphore(%dma_start3A_1411 : memref<!tpu.dma_semaphore, #tpu.memory_space<semaphore_mem>>)
        %while3A_1415 = arith.constant 0 : i32
        scf.yield %while3A_1415 : i32
      }
      %while3A_1398 = arith.constant 0 : i32
      scf.yield %while3A_1398 : i32
    }
    %while3A_33 = arith.constant 1 : i32
    %while3A_34 = scf.for %while3A_42 = %while3A_30 to %while3A_26 step %while3A_33 iter_args(%while3A_43 = %while3A_32) -> (i32)  : i32 {
      %mul3A_44 = arith.constant 32 : i32
      %mul3A_45 = arith.muli %while3A_42, %mul3A_44 : i32
      %add3A_46 = arith.addi %add3A, %mul3A_45 : i32
      %and3A = arith.constant 1 : i32
      %and3A_47 = arith.andi %while3A_42, %and3A : i32
      %mul3A_48 = arith.constant 10752 : i32
      %mul3A_49 = arith.muli %and3A_47, %mul3A_48 : i32
      %ge3A = arith.constant 2 : i32
      %ge3A_50 = arith.cmpi sge, %while3A_42, %ge3A : i32
      %convert_element_type3A = arith.extui %ge3A_50 : i1 to i32
      %cond3A = arith.constant 0 : i32
      %cond3A_51 = arith.cmpi ne, %convert_element_type3A, %cond3A : i32
      scf.if %cond3A_51 {
        %scan3A_1399 = arith.constant 0 : i32
        %scan3A_1400 = arith.constant 0 : i32
        %scan3A_1401 = arith.constant 16 : i32
        %scan3A_1402 = arith.addi %scan3A_1400, %scan3A_1401 : i32
        %scan3A_1403 = arith.constant 1 : i32
        %scan3A_1404 = scf.for %scan3A_1406 = %scan3A_1400 to %scan3A_1402 step %scan3A_1403 iter_args(%scan3A_1407 = %scan3A_1399) -> (i32)  : i32 {
          %dma_wait3A_1408 = arith.constant 0 : i32
          %dma_wait3A_1409 = tpu.memref_slice %arg12[%dma_wait3A_1408] : memref<27648xf32, #tpu.memory_space<vmem>> -> memref<9216xf32, #tpu.memory_space<vmem>>
          %dma_wait3A_1410 = arith.constant 0 : i32
          %dma_wait3A_1411 = tpu.memref_slice %arg5[%dma_wait3A_1410] : memref<29491200xf32, #tpu.memory_space<hbm>> -> memref<9216xf32, #tpu.memory_space<hbm>>
          %dma_wait3A_1412 = tpu.memref_slice %arg13[%and3A_47] : memref<2x!tpu.dma_semaphore, #tpu.memory_space<semaphore_mem>> -> memref<1x!tpu.dma_semaphore, #tpu.memory_space<semaphore_mem>>
          %dma_wait3A_1413 = tpu.memref_squeeze %dma_wait3A_1412 : memref<1x!tpu.dma_semaphore, #tpu.memory_space<semaphore_mem>> -> memref<!tpu.dma_semaphore, #tpu.memory_space<semaphore_mem>>
          %dma_wait3A_1414 = arith.constant 0 : i32
          %dma_wait3A_1415 = tpu.memref_slice %arg5[%dma_wait3A_1414] : memref<29491200xf32, #tpu.memory_space<hbm>> -> memref<9216xf32, #tpu.memory_space<hbm>>
          %dma_wait3A_1416 = arith.constant 0 : i32
          %dma_wait3A_1417 = tpu.memref_slice %arg12[%dma_wait3A_1416] : memref<27648xf32, #tpu.memory_space<vmem>> -> memref<9216xf32, #tpu.memory_space<vmem>>
          tpu.wait_dma2 semaphore(%dma_wait3A_1413 : memref<!tpu.dma_semaphore, #tpu.memory_space<semaphore_mem>>) src(%dma_wait3A_1417 : memref<9216xf32, #tpu.memory_space<vmem>>) dst(%dma_wait3A_1415 : memref<9216xf32, #tpu.memory_space<hbm>>)
          %scan3A_1418 = arith.constant 0 : i32
          scf.yield %scan3A_1418 : i32
        }
        %scan3A_1405 = arith.constant 16 : i32
      } else {
      }
      %dma_wait3A = arith.constant 0 : i32
      %dma_wait3A_52 = tpu.memref_slice %arg8[%and3A_47, %dma_wait3A] : memref<2x784xf32, #tpu.memory_space<vmem>> -> memref<1x784xf32, #tpu.memory_space<vmem>>
      %dma_wait3A_53 = tpu.memref_squeeze %dma_wait3A_52 : memref<1x784xf32, #tpu.memory_space<vmem>> -> memref<784xf32, #tpu.memory_space<vmem>>
      %dma_wait3A_54 = arith.constant 0 : i32
      %dma_wait3A_55 = tpu.memref_slice %arg4[%add3A_46, %dma_wait3A_54] : memref<200x784xf32, #tpu.memory_space<hbm>> -> memref<1x784xf32, #tpu.memory_space<hbm>>
      %dma_wait3A_56 = tpu.memref_squeeze %dma_wait3A_55 : memref<1x784xf32, #tpu.memory_space<hbm>> -> memref<784xf32, #tpu.memory_space<hbm>>
      %dma_wait3A_57 = arith.constant 0 : i32
      %dma_wait3A_58 = tpu.memref_slice %arg8[%and3A_47, %dma_wait3A_57] : memref<2x784xf32, #tpu.memory_space<vmem>> -> memref<1x784xf32, #tpu.memory_space<vmem>>
      %dma_wait3A_59 = tpu.memref_squeeze %dma_wait3A_58 : memref<1x784xf32, #tpu.memory_space<vmem>> -> memref<784xf32, #tpu.memory_space<vmem>>
      %dma_wait3A_60 = arith.constant 0 : i32
      %dma_wait3A_61 = tpu.memref_slice %arg4[%add3A_46, %dma_wait3A_60] : memref<200x784xf32, #tpu.memory_space<hbm>> -> memref<1x784xf32, #tpu.memory_space<hbm>>
      %dma_wait3A_62 = tpu.memref_squeeze %dma_wait3A_61 : memref<1x784xf32, #tpu.memory_space<hbm>> -> memref<784xf32, #tpu.memory_space<hbm>>
      tpu.wait_dma2 semaphore(%arg14 : memref<!tpu.dma_semaphore, #tpu.memory_space<semaphore_mem>>) src(%dma_wait3A_62 : memref<784xf32, #tpu.memory_space<hbm>>) dst(%dma_wait3A_59 : memref<784xf32, #tpu.memory_space<vmem>>)
      %add3A_63 = arith.constant 1 : i32
      %add3A_64 = arith.addi %while3A_42, %add3A_63 : i32
      %lt3A_65 = arith.cmpi slt, %add3A_64, %add3A_11 : i32
      %convert_element_type3A_66 = arith.extui %lt3A_65 : i1 to i32
      %cond3A_67 = arith.constant 0 : i32
      %cond3A_68 = arith.cmpi ne, %convert_element_type3A_66, %cond3A_67 : i32
      scf.if %cond3A_68 {
        %add3A_1399 = arith.constant 32 : i32
        %add3A_1400 = arith.addi %add3A_46, %add3A_1399 : i32
        %sub3A_1401 = arith.constant 1 : i32
        %sub3A_1402 = arith.subi %sub3A_1401, %and3A_47 : i32
        %dma_start3A_1403 = arith.constant 0 : i32
        %dma_start3A_1404 = tpu.memref_slice %arg8[%sub3A_1402, %dma_start3A_1403] : memref<2x784xf32, #tpu.memory_space<vmem>> -> memref<1x784xf32, #tpu.memory_space<vmem>>
        %dma_start3A_1405 = tpu.memref_squeeze %dma_start3A_1404 : memref<1x784xf32, #tpu.memory_space<vmem>> -> memref<784xf32, #tpu.memory_space<vmem>>
        %dma_start3A_1406 = arith.constant 0 : i32
        %dma_start3A_1407 = tpu.memref_slice %arg4[%add3A_1400, %dma_start3A_1406] : memref<200x784xf32, #tpu.memory_space<hbm>> -> memref<1x784xf32, #tpu.memory_space<hbm>>
        %dma_start3A_1408 = tpu.memref_squeeze %dma_start3A_1407 : memref<1x784xf32, #tpu.memory_space<hbm>> -> memref<784xf32, #tpu.memory_space<hbm>>
        %dma_start3A_1409 = arith.constant 0 : i32
        %dma_start3A_1410 = tpu.memref_slice %arg8[%sub3A_1402, %dma_start3A_1409] : memref<2x784xf32, #tpu.memory_space<vmem>> -> memref<1x784xf32, #tpu.memory_space<vmem>>
        %dma_start3A_1411 = tpu.memref_squeeze %dma_start3A_1410 : memref<1x784xf32, #tpu.memory_space<vmem>> -> memref<784xf32, #tpu.memory_space<vmem>>
        %dma_start3A_1412 = arith.constant 0 : i32
        %dma_start3A_1413 = tpu.memref_slice %arg4[%add3A_1400, %dma_start3A_1412] : memref<200x784xf32, #tpu.memory_space<hbm>> -> memref<1x784xf32, #tpu.memory_space<hbm>>
        %dma_start3A_1414 = tpu.memref_squeeze %dma_start3A_1413 : memref<1x784xf32, #tpu.memory_space<hbm>> -> memref<784xf32, #tpu.memory_space<hbm>>
        tpu.enqueue_dma source(%dma_start3A_1414 : memref<784xf32, #tpu.memory_space<hbm>>) target(%dma_start3A_1411 : memref<784xf32, #tpu.memory_space<vmem>>) target_semaphore(%arg14 : memref<!tpu.dma_semaphore, #tpu.memory_space<semaphore_mem>>)
      } else {
      }
      %mul3A_69 = arith.constant 16 : i32
      %mul3A_70 = arith.muli %add3A_46, %mul3A_69 : i32
      %multiple_of3A = tpu.assume_multiple %mul3A_70, 16 : i32
      %get3A = arith.index_cast %multiple_of3A : i32 to index
      %get3A_71 = tpu.vector_load %arg6[%get3A] {strides = array<i32>} : memref<3200xi32, #tpu.memory_space<vmem>>, vector<16xi32>,
      %mul3A_72 = arith.constant 16 : i32
      %mul3A_73 = arith.muli %add3A_46, %mul3A_72 : i32
      %multiple_of3A_74 = tpu.assume_multiple %mul3A_73, 16 : i32
      %get3A_75 = arith.index_cast %multiple_of3A_74 : i32 to index
      %get3A_76 = tpu.vector_load %arg7[%get3A_75] {strides = array<i32>} : memref<3200xf32, #tpu.memory_space<vmem>>, vector<16xf32>,
      %slice3A = vector.extract_strided_slice %get3A_71 {offsets = [0], sizes = [1], strides = [1]} : vector<16xi32> to vector<1xi32>
      %squeeze3A = vector.extract %slice3A[0] : i32 from vector<1xi32>
      %slice3A_77 = vector.extract_strided_slice %get3A_71 {offsets = [1], sizes = [1], strides = [1]} : vector<16xi32> to vector<1xi32>
      %squeeze3A_78 = vector.extract %slice3A_77[0] : i32 from vector<1xi32>
      %slice3A_79 = vector.extract_strided_slice %get3A_71 {offsets = [2], sizes = [1], strides = [1]} : vector<16xi32> to vector<1xi32>
      %squeeze3A_80 = vector.extract %slice3A_79[0] : i32 from vector<1xi32>
      %slice3A_81 = vector.extract_strided_slice %get3A_71 {offsets = [3], sizes = [1], strides = [1]} : vector<16xi32> to vector<1xi32>
      %squeeze3A_82 = vector.extract %slice3A_81[0] : i32 from vector<1xi32>
      %slice3A_83 = vector.extract_strided_slice %get3A_76 {offsets = [4], sizes = [1], strides = [1]} : vector<16xf32> to vector<1xf32>
      %squeeze3A_84 = vector.extract %slice3A_83[0] : f32 from vector<1xf32>
      %slice3A_85 = vector.extract_strided_slice %get3A_76 {offsets = [5], sizes = [1], strides = [1]} : vector<16xf32> to vector<1xf32>
      %squeeze3A_86 = vector.extract %slice3A_85[0] : f32 from vector<1xf32>
      %broadcast_in_dim3A_87 = vector.broadcast %and3A_47 : i32 to vector<16xi32>
      %scan3A_88 = arith.constant 0 : i32
      %scan3A_89 = arith.constant 0 : i32
      %scan3A_90 = arith.constant 28 : i32
      %scan3A_91 = arith.addi %scan3A_89, %scan3A_90 : i32
      %scan3A_92 = arith.constant 1 : i32
      %scan3A_93 = scf.for %scan3A_1399 = %scan3A_89 to %scan3A_91 step %scan3A_92 iter_args(%scan3A_1400 = %scan3A_88) -> (i32)  : i32 {
        %mul3A_1401 = arith.constant 28 : i32
        %mul3A_1402 = arith.muli %scan3A_1399, %mul3A_1401 : i32
        %add3A_1403 = vector.broadcast %mul3A_1402 : i32 to vector<16xi32>
        %add3A_1404 = arith.addi %add3A_1403, %iota3A : vector<16xi32>
        %gather3A = tpu.vector_load_idx %arg8[%broadcast_in_dim3A_87, %add3A_1404] : memref<2x784xf32, #tpu.memory_space<vmem>>[vector<16xi32>, vector<16xi32>], vector<16xf32>,
        %mul3A_1405 = arith.constant 32 : i32
        %mul3A_1406 = arith.muli %scan3A_1399, %mul3A_1405 : i32
        %swap3A_1407 = arith.index_cast %mul3A_1406 : i32 to index
        %swap3A_1408 = tpu.vector_load %arg9[%swap3A_1407] {strides = array<i32>} : memref<896xf32, #tpu.memory_space<vmem>>, vector<16xf32>,
        tpu.vector_store %arg9[%swap3A_1407], %gather3A {strides = array<i32>} : memref<896xf32, #tpu.memory_space<vmem>>, vector<16xf32>,
        %mul3A_1409 = arith.constant 28 : i32
        %mul3A_1410 = arith.muli %scan3A_1399, %mul3A_1409 : i32
        %add3A_1411 = arith.constant 16 : i32
        %add3A_1412 = arith.addi %mul3A_1410, %add3A_1411 : i32
        %add3A_1413 = vector.broadcast %add3A_1412 : i32 to vector<16xi32>
        %add3A_1414 = arith.addi %add3A_1413, %iota3A : vector<16xi32>
        %min3A_1415 = arith.constant 783 : i32
        %min3A_1416 = vector.broadcast %min3A_1415 : i32 to vector<16xi32>
        %min3A_1417 = arith.minsi %add3A_1414, %min3A_1416 : vector<16xi32>
        %gather3A_1418 = tpu.vector_load_idx %arg8[%broadcast_in_dim3A_87, %min3A_1417] : memref<2x784xf32, #tpu.memory_space<vmem>>[vector<16xi32>, vector<16xi32>], vector<16xf32>,
        %lt3A_1419 = arith.constant 12 : i32
        %lt3A_1420 = vector.broadcast %lt3A_1419 : i32 to vector<16xi32>
        %lt3A_1421 = arith.cmpi slt, %iota3A, %lt3A_1420 : vector<16xi32>
        %jit3A_1422 = arith.constant 0.000000e+00 : f32
        %broadcast_in_dim3A_1423 = vector.broadcast %jit3A_1422 : f32 to vector<16xf32>
        %select_n3A_1424 = arith.select %lt3A_1421, %gather3A_1418, %broadcast_in_dim3A_1423 : vector<16xi1>, vector<16xf32>
        %mul3A_1425 = arith.constant 32 : i32
        %mul3A_1426 = arith.muli %scan3A_1399, %mul3A_1425 : i32
        %add3A_1427 = arith.constant 16 : i32
        %add3A_1428 = arith.addi %mul3A_1426, %add3A_1427 : i32
        %swap3A_1429 = arith.index_cast %add3A_1428 : i32 to index
        %swap3A_1430 = tpu.vector_load %arg9[%swap3A_1429] {strides = array<i32>} : memref<896xf32, #tpu.memory_space<vmem>>, vector<16xf32>,
        tpu.vector_store %arg9[%swap3A_1429], %select_n3A_1424 {strides = array<i32>} : memref<896xf32, #tpu.memory_space<vmem>>, vector<16xf32>,
        %scan3A_1431 = arith.constant 0 : i32
        scf.yield %scan3A_1431 : i32
      }
      %scan3A_94 = arith.constant 28 : i32
      %add3A_95 = arith.constant 0 : i32
      %add3A_96 = vector.broadcast %add3A_95 : i32 to vector<16xi32>
      %add3A_97 = arith.addi %iota3A, %add3A_96 : vector<16xi32>
      %sub3A = vector.broadcast %squeeze3A_78 : i32 to vector<16xi32>
      %sub3A_98 = arith.subi %add3A_97, %sub3A : vector<16xi32>
      %convert_element_type3A_99 = arith.sitofp %sub3A_98 : vector<16xi32> to vector<16xf32>
      %mul3A_100 = vector.broadcast %squeeze3A_86 : f32 to vector<16xf32>
      %mul3A_101 = arith.mulf %convert_element_type3A_99, %mul3A_100 : vector<16xf32>
      %convert_element_type3A_102 = arith.fptosi %mul3A_101 : vector<16xf32> to vector<16xi32>
      %max3A = arith.constant 0 : i32
      %max3A_103 = vector.broadcast %max3A : i32 to vector<16xi32>
      %max3A_104 = arith.maxsi %convert_element_type3A_102, %max3A_103 : vector<16xi32>
      %min3A = arith.constant 27 : i32
      %min3A_105 = vector.broadcast %min3A : i32 to vector<16xi32>
      %min3A_106 = arith.minsi %max3A_104, %min3A_105 : vector<16xi32>
      %ge3A_107 = vector.broadcast %squeeze3A_78 : i32 to vector<16xi32>
      %ge3A_108 = arith.cmpi sge, %add3A_97, %ge3A_107 : vector<16xi32>
      %lt3A_109 = vector.broadcast %squeeze3A_82 : i32 to vector<16xi32>
      %lt3A_110 = arith.cmpi slt, %add3A_97, %lt3A_109 : vector<16xi32>
      %and3A_111 = arith.andi %ge3A_108, %lt3A_110 : vector<16xi1>
      %jit3A_112 = arith.constant 28 : i32
      %broadcast_in_dim3A_113 = vector.broadcast %jit3A_112 : i32 to vector<16xi32>
      %select_n3A_114 = arith.select %and3A_111, %min3A_106, %broadcast_in_dim3A_113 : vector<16xi1>, vector<16xi32>
      %swap3A = arith.constant 0 : index
      %swap3A_115 = tpu.vector_load %arg10[%swap3A] {strides = array<i32>} : memref<384xi32, #tpu.memory_space<vmem>>, vector<16xi32>,
      tpu.vector_store %arg10[%swap3A], %select_n3A_114 {strides = array<i32>} : memref<384xi32, #tpu.memory_space<vmem>>, vector<16xi32>,
      %add3A_116 = arith.constant 16 : i32
      %add3A_117 = vector.broadcast %add3A_116 : i32 to vector<16xi32>
      %add3A_118 = arith.addi %iota3A, %add3A_117 : vector<16xi32>
      %sub3A_119 = vector.broadcast %squeeze3A_78 : i32 to vector<16xi32>
      %sub3A_120 = arith.subi %add3A_118, %sub3A_119 : vector<16xi32>
      %convert_element_type3A_121 = arith.sitofp %sub3A_120 : vector<16xi32> to vector<16xf32>
      %mul3A_122 = vector.broadcast %squeeze3A_86 : f32 to vector<16xf32>
      %mul3A_123 = arith.mulf %convert_element_type3A_121, %mul3A_122 : vector<16xf32>
      %convert_element_type3A_124 = arith.fptosi %mul3A_123 : vector<16xf32> to vector<16xi32>
      %max3A_125 = arith.constant 0 : i32
      %max3A_126 = vector.broadcast %max3A_125 : i32 to vector<16xi32>
      %max3A_127 = arith.maxsi %convert_element_type3A_124, %max3A_126 : vector<16xi32>
      %min3A_128 = arith.constant 27 : i32
      %min3A_129 = vector.broadcast %min3A_128 : i32 to vector<16xi32>
      %min3A_130 = arith.minsi %max3A_127, %min3A_129 : vector<16xi32>
      %ge3A_131 = vector.broadcast %squeeze3A_78 : i32 to vector<16xi32>
      %ge3A_132 = arith.cmpi sge, %add3A_118, %ge3A_131 : vector<16xi32>
      %lt3A_133 = vector.broadcast %squeeze3A_82 : i32 to vector<16xi32>
      %lt3A_134 = arith.cmpi slt, %add3A_118, %lt3A_133 : vector<16xi32>
      %and3A_135 = arith.andi %ge3A_132, %lt3A_134 : vector<16xi1>
      %jit3A_136 = arith.constant 28 : i32
      %broadcast_in_dim3A_137 = vector.broadcast %jit3A_136 : i32 to vector<16xi32>
      %select_n3A_138 = arith.select %and3A_135, %min3A_130, %broadcast_in_dim3A_137 : vector<16xi1>, vector<16xi32>
      %swap3A_139 = arith.constant 16 : index
      %swap3A_140 = tpu.vector_load %arg10[%swap3A_139] {strides = array<i32>} : memref<384xi32, #tpu.memory_space<vmem>>, vector<16xi32>,
      tpu.vector_store %arg10[%swap3A_139], %select_n3A_138 {strides = array<i32>} : memref<384xi32, #tpu.memory_space<vmem>>, vector<16xi32>,
      %add3A_141 = arith.constant 32 : i32
      %add3A_142 = vector.broadcast %add3A_141 : i32 to vector<16xi32>
      %add3A_143 = arith.addi %iota3A, %add3A_142 : vector<16xi32>
      %sub3A_144 = vector.broadcast %squeeze3A_78 : i32 to vector<16xi32>
      %sub3A_145 = arith.subi %add3A_143, %sub3A_144 : vector<16xi32>
      %convert_element_type3A_146 = arith.sitofp %sub3A_145 : vector<16xi32> to vector<16xf32>
      %mul3A_147 = vector.broadcast %squeeze3A_86 : f32 to vector<16xf32>
      %mul3A_148 = arith.mulf %convert_element_type3A_146, %mul3A_147 : vector<16xf32>
      %convert_element_type3A_149 = arith.fptosi %mul3A_148 : vector<16xf32> to vector<16xi32>
      %max3A_150 = arith.constant 0 : i32
      %max3A_151 = vector.broadcast %max3A_150 : i32 to vector<16xi32>
      %max3A_152 = arith.maxsi %convert_element_type3A_149, %max3A_151 : vector<16xi32>
      %min3A_153 = arith.constant 27 : i32
      %min3A_154 = vector.broadcast %min3A_153 : i32 to vector<16xi32>
      %min3A_155 = arith.minsi %max3A_152, %min3A_154 : vector<16xi32>
      %ge3A_156 = vector.broadcast %squeeze3A_78 : i32 to vector<16xi32>
      %ge3A_157 = arith.cmpi sge, %add3A_143, %ge3A_156 : vector<16xi32>
      %lt3A_158 = vector.broadcast %squeeze3A_82 : i32 to vector<16xi32>
      %lt3A_159 = arith.cmpi slt, %add3A_143, %lt3A_158 : vector<16xi32>
      %and3A_160 = arith.andi %ge3A_157, %lt3A_159 : vector<16xi1>
      %jit3A_161 = arith.constant 28 : i32
      %broadcast_in_dim3A_162 = vector.broadcast %jit3A_161 : i32 to vector<16xi32>
      %select_n3A_163 = arith.select %and3A_160, %min3A_155, %broadcast_in_dim3A_162 : vector<16xi1>, vector<16xi32>
      %swap3A_164 = arith.constant 32 : index
      %swap3A_165 = tpu.vector_load %arg10[%swap3A_164] {strides = array<i32>} : memref<384xi32, #tpu.memory_space<vmem>>, vector<16xi32>,
      tpu.vector_store %arg10[%swap3A_164], %select_n3A_163 {strides = array<i32>} : memref<384xi32, #tpu.memory_space<vmem>>, vector<16xi32>,
      %add3A_166 = arith.constant 48 : i32
      %add3A_167 = vector.broadcast %add3A_166 : i32 to vector<16xi32>
      %add3A_168 = arith.addi %iota3A, %add3A_167 : vector<16xi32>
      %sub3A_169 = vector.broadcast %squeeze3A_78 : i32 to vector<16xi32>
      %sub3A_170 = arith.subi %add3A_168, %sub3A_169 : vector<16xi32>
      %convert_element_type3A_171 = arith.sitofp %sub3A_170 : vector<16xi32> to vector<16xf32>
      %mul3A_172 = vector.broadcast %squeeze3A_86 : f32 to vector<16xf32>
      %mul3A_173 = arith.mulf %convert_element_type3A_171, %mul3A_172 : vector<16xf32>
      %convert_element_type3A_174 = arith.fptosi %mul3A_173 : vector<16xf32> to vector<16xi32>
      %max3A_175 = arith.constant 0 : i32
      %max3A_176 = vector.broadcast %max3A_175 : i32 to vector<16xi32>
      %max3A_177 = arith.maxsi %convert_element_type3A_174, %max3A_176 : vector<16xi32>
      %min3A_178 = arith.constant 27 : i32
      %min3A_179 = vector.broadcast %min3A_178 : i32 to vector<16xi32>
      %min3A_180 = arith.minsi %max3A_177, %min3A_179 : vector<16xi32>
      %ge3A_181 = vector.broadcast %squeeze3A_78 : i32 to vector<16xi32>
      %ge3A_182 = arith.cmpi sge, %add3A_168, %ge3A_181 : vector<16xi32>
      %lt3A_183 = vector.broadcast %squeeze3A_82 : i32 to vector<16xi32>
      %lt3A_184 = arith.cmpi slt, %add3A_168, %lt3A_183 : vector<16xi32>
      %and3A_185 = arith.andi %ge3A_182, %lt3A_184 : vector<16xi1>
      %jit3A_186 = arith.constant 28 : i32
      %broadcast_in_dim3A_187 = vector.broadcast %jit3A_186 : i32 to vector<16xi32>
      %select_n3A_188 = arith.select %and3A_185, %min3A_180, %broadcast_in_dim3A_187 : vector<16xi1>, vector<16xi32>
      %swap3A_189 = arith.constant 48 : index
      %swap3A_190 = tpu.vector_load %arg10[%swap3A_189] {strides = array<i32>} : memref<384xi32, #tpu.memory_space<vmem>>, vector<16xi32>,
      tpu.vector_store %arg10[%swap3A_189], %select_n3A_188 {strides = array<i32>} : memref<384xi32, #tpu.memory_space<vmem>>, vector<16xi32>,
      %add3A_191 = arith.constant 64 : i32
      %add3A_192 = vector.broadcast %add3A_191 : i32 to vector<16xi32>
      %add3A_193 = arith.addi %iota3A, %add3A_192 : vector<16xi32>
      %sub3A_194 = vector.broadcast %squeeze3A_78 : i32 to vector<16xi32>
      %sub3A_195 = arith.subi %add3A_193, %sub3A_194 : vector<16xi32>
      %convert_element_type3A_196 = arith.sitofp %sub3A_195 : vector<16xi32> to vector<16xf32>
      %mul3A_197 = vector.broadcast %squeeze3A_86 : f32 to vector<16xf32>
      %mul3A_198 = arith.mulf %convert_element_type3A_196, %mul3A_197 : vector<16xf32>
      %convert_element_type3A_199 = arith.fptosi %mul3A_198 : vector<16xf32> to vector<16xi32>
      %max3A_200 = arith.constant 0 : i32
      %max3A_201 = vector.broadcast %max3A_200 : i32 to vector<16xi32>
      %max3A_202 = arith.maxsi %convert_element_type3A_199, %max3A_201 : vector<16xi32>
      %min3A_203 = arith.constant 27 : i32
      %min3A_204 = vector.broadcast %min3A_203 : i32 to vector<16xi32>
      %min3A_205 = arith.minsi %max3A_202, %min3A_204 : vector<16xi32>
      %ge3A_206 = vector.broadcast %squeeze3A_78 : i32 to vector<16xi32>
      %ge3A_207 = arith.cmpi sge, %add3A_193, %ge3A_206 : vector<16xi32>
      %lt3A_208 = vector.broadcast %squeeze3A_82 : i32 to vector<16xi32>
      %lt3A_209 = arith.cmpi slt, %add3A_193, %lt3A_208 : vector<16xi32>
      %and3A_210 = arith.andi %ge3A_207, %lt3A_209 : vector<16xi1>
      %jit3A_211 = arith.constant 28 : i32
      %broadcast_in_dim3A_212 = vector.broadcast %jit3A_211 : i32 to vector<16xi32>
      %select_n3A_213 = arith.select %and3A_210, %min3A_205, %broadcast_in_dim3A_212 : vector<16xi1>, vector<16xi32>
      %swap3A_214 = arith.constant 64 : index
      %swap3A_215 = tpu.vector_load %arg10[%swap3A_214] {strides = array<i32>} : memref<384xi32, #tpu.memory_space<vmem>>, vector<16xi32>,
      tpu.vector_store %arg10[%swap3A_214], %select_n3A_213 {strides = array<i32>} : memref<384xi32, #tpu.memory_space<vmem>>, vector<16xi32>,
      %add3A_216 = arith.constant 80 : i32
      %add3A_217 = vector.broadcast %add3A_216 : i32 to vector<16xi32>
      %add3A_218 = arith.addi %iota3A, %add3A_217 : vector<16xi32>
      %sub3A_219 = vector.broadcast %squeeze3A_78 : i32 to vector<16xi32>
      %sub3A_220 = arith.subi %add3A_218, %sub3A_219 : vector<16xi32>
      %convert_element_type3A_221 = arith.sitofp %sub3A_220 : vector<16xi32> to vector<16xf32>
      %mul3A_222 = vector.broadcast %squeeze3A_86 : f32 to vector<16xf32>
      %mul3A_223 = arith.mulf %convert_element_type3A_221, %mul3A_222 : vector<16xf32>
      %convert_element_type3A_224 = arith.fptosi %mul3A_223 : vector<16xf32> to vector<16xi32>
      %max3A_225 = arith.constant 0 : i32
      %max3A_226 = vector.broadcast %max3A_225 : i32 to vector<16xi32>
      %max3A_227 = arith.maxsi %convert_element_type3A_224, %max3A_226 : vector<16xi32>
      %min3A_228 = arith.constant 27 : i32
      %min3A_229 = vector.broadcast %min3A_228 : i32 to vector<16xi32>
      %min3A_230 = arith.minsi %max3A_227, %min3A_229 : vector<16xi32>
      %ge3A_231 = vector.broadcast %squeeze3A_78 : i32 to vector<16xi32>
      %ge3A_232 = arith.cmpi sge, %add3A_218, %ge3A_231 : vector<16xi32>
      %lt3A_233 = vector.broadcast %squeeze3A_82 : i32 to vector<16xi32>
      %lt3A_234 = arith.cmpi slt, %add3A_218, %lt3A_233 : vector<16xi32>
      %and3A_235 = arith.andi %ge3A_232, %lt3A_234 : vector<16xi1>
      %jit3A_236 = arith.constant 28 : i32
      %broadcast_in_dim3A_237 = vector.broadcast %jit3A_236 : i32 to vector<16xi32>
      %select_n3A_238 = arith.select %and3A_235, %min3A_230, %broadcast_in_dim3A_237 : vector<16xi1>, vector<16xi32>
      %swap3A_239 = arith.constant 80 : index
      %swap3A_240 = tpu.vector_load %arg10[%swap3A_239] {strides = array<i32>} : memref<384xi32, #tpu.memory_space<vmem>>, vector<16xi32>,
      tpu.vector_store %arg10[%swap3A_239], %select_n3A_238 {strides = array<i32>} : memref<384xi32, #tpu.memory_space<vmem>>, vector<16xi32>,
      %add3A_241 = arith.constant 96 : i32
      %add3A_242 = vector.broadcast %add3A_241 : i32 to vector<16xi32>
      %add3A_243 = arith.addi %iota3A, %add3A_242 : vector<16xi32>
      %sub3A_244 = vector.broadcast %squeeze3A_78 : i32 to vector<16xi32>
      %sub3A_245 = arith.subi %add3A_243, %sub3A_244 : vector<16xi32>
      %convert_element_type3A_246 = arith.sitofp %sub3A_245 : vector<16xi32> to vector<16xf32>
      %mul3A_247 = vector.broadcast %squeeze3A_86 : f32 to vector<16xf32>
      %mul3A_248 = arith.mulf %convert_element_type3A_246, %mul3A_247 : vector<16xf32>
      %convert_element_type3A_249 = arith.fptosi %mul3A_248 : vector<16xf32> to vector<16xi32>
      %max3A_250 = arith.constant 0 : i32
      %max3A_251 = vector.broadcast %max3A_250 : i32 to vector<16xi32>
      %max3A_252 = arith.maxsi %convert_element_type3A_249, %max3A_251 : vector<16xi32>
      %min3A_253 = arith.constant 27 : i32
      %min3A_254 = vector.broadcast %min3A_253 : i32 to vector<16xi32>
      %min3A_255 = arith.minsi %max3A_252, %min3A_254 : vector<16xi32>
      %ge3A_256 = vector.broadcast %squeeze3A_78 : i32 to vector<16xi32>
      %ge3A_257 = arith.cmpi sge, %add3A_243, %ge3A_256 : vector<16xi32>
      %lt3A_258 = vector.broadcast %squeeze3A_82 : i32 to vector<16xi32>
      %lt3A_259 = arith.cmpi slt, %add3A_243, %lt3A_258 : vector<16xi32>
      %and3A_260 = arith.andi %ge3A_257, %lt3A_259 : vector<16xi1>
      %jit3A_261 = arith.constant 28 : i32
      %broadcast_in_dim3A_262 = vector.broadcast %jit3A_261 : i32 to vector<16xi32>
      %select_n3A_263 = arith.select %and3A_260, %min3A_255, %broadcast_in_dim3A_262 : vector<16xi1>, vector<16xi32>
      %swap3A_264 = arith.constant 96 : index
      %swap3A_265 = tpu.vector_load %arg10[%swap3A_264] {strides = array<i32>} : memref<384xi32, #tpu.memory_space<vmem>>, vector<16xi32>,
      tpu.vector_store %arg10[%swap3A_264], %select_n3A_263 {strides = array<i32>} : memref<384xi32, #tpu.memory_space<vmem>>, vector<16xi32>,
      %add3A_266 = arith.constant 112 : i32
      %add3A_267 = vector.broadcast %add3A_266 : i32 to vector<16xi32>
      %add3A_268 = arith.addi %iota3A, %add3A_267 : vector<16xi32>
      %sub3A_269 = vector.broadcast %squeeze3A_78 : i32 to vector<16xi32>
      %sub3A_270 = arith.subi %add3A_268, %sub3A_269 : vector<16xi32>
      %convert_element_type3A_271 = arith.sitofp %sub3A_270 : vector<16xi32> to vector<16xf32>
      %mul3A_272 = vector.broadcast %squeeze3A_86 : f32 to vector<16xf32>
      %mul3A_273 = arith.mulf %convert_element_type3A_271, %mul3A_272 : vector<16xf32>
      %convert_element_type3A_274 = arith.fptosi %mul3A_273 : vector<16xf32> to vector<16xi32>
      %max3A_275 = arith.constant 0 : i32
      %max3A_276 = vector.broadcast %max3A_275 : i32 to vector<16xi32>
      %max3A_277 = arith.maxsi %convert_element_type3A_274, %max3A_276 : vector<16xi32>
      %min3A_278 = arith.constant 27 : i32
      %min3A_279 = vector.broadcast %min3A_278 : i32 to vector<16xi32>
      %min3A_280 = arith.minsi %max3A_277, %min3A_279 : vector<16xi32>
      %ge3A_281 = vector.broadcast %squeeze3A_78 : i32 to vector<16xi32>
      %ge3A_282 = arith.cmpi sge, %add3A_268, %ge3A_281 : vector<16xi32>
      %lt3A_283 = vector.broadcast %squeeze3A_82 : i32 to vector<16xi32>
      %lt3A_284 = arith.cmpi slt, %add3A_268, %lt3A_283 : vector<16xi32>
      %and3A_285 = arith.andi %ge3A_282, %lt3A_284 : vector<16xi1>
      %jit3A_286 = arith.constant 28 : i32
      %broadcast_in_dim3A_287 = vector.broadcast %jit3A_286 : i32 to vector<16xi32>
      %select_n3A_288 = arith.select %and3A_285, %min3A_280, %broadcast_in_dim3A_287 : vector<16xi1>, vector<16xi32>
      %swap3A_289 = arith.constant 112 : index
      %swap3A_290 = tpu.vector_load %arg10[%swap3A_289] {strides = array<i32>} : memref<384xi32, #tpu.memory_space<vmem>>, vector<16xi32>,
      tpu.vector_store %arg10[%swap3A_289], %select_n3A_288 {strides = array<i32>} : memref<384xi32, #tpu.memory_space<vmem>>, vector<16xi32>,
      %add3A_291 = arith.constant 128 : i32
      %add3A_292 = vector.broadcast %add3A_291 : i32 to vector<16xi32>
      %add3A_293 = arith.addi %iota3A, %add3A_292 : vector<16xi32>
      %sub3A_294 = vector.broadcast %squeeze3A_78 : i32 to vector<16xi32>
      %sub3A_295 = arith.subi %add3A_293, %sub3A_294 : vector<16xi32>
      %convert_element_type3A_296 = arith.sitofp %sub3A_295 : vector<16xi32> to vector<16xf32>
      %mul3A_297 = vector.broadcast %squeeze3A_86 : f32 to vector<16xf32>
      %mul3A_298 = arith.mulf %convert_element_type3A_296, %mul3A_297 : vector<16xf32>
      %convert_element_type3A_299 = arith.fptosi %mul3A_298 : vector<16xf32> to vector<16xi32>
      %max3A_300 = arith.constant 0 : i32
      %max3A_301 = vector.broadcast %max3A_300 : i32 to vector<16xi32>
      %max3A_302 = arith.maxsi %convert_element_type3A_299, %max3A_301 : vector<16xi32>
      %min3A_303 = arith.constant 27 : i32
      %min3A_304 = vector.broadcast %min3A_303 : i32 to vector<16xi32>
      %min3A_305 = arith.minsi %max3A_302, %min3A_304 : vector<16xi32>
      %ge3A_306 = vector.broadcast %squeeze3A_78 : i32 to vector<16xi32>
      %ge3A_307 = arith.cmpi sge, %add3A_293, %ge3A_306 : vector<16xi32>
      %lt3A_308 = vector.broadcast %squeeze3A_82 : i32 to vector<16xi32>
      %lt3A_309 = arith.cmpi slt, %add3A_293, %lt3A_308 : vector<16xi32>
      %and3A_310 = arith.andi %ge3A_307, %lt3A_309 : vector<16xi1>
      %jit3A_311 = arith.constant 28 : i32
      %broadcast_in_dim3A_312 = vector.broadcast %jit3A_311 : i32 to vector<16xi32>
      %select_n3A_313 = arith.select %and3A_310, %min3A_305, %broadcast_in_dim3A_312 : vector<16xi1>, vector<16xi32>
      %swap3A_314 = arith.constant 128 : index
      %swap3A_315 = tpu.vector_load %arg10[%swap3A_314] {strides = array<i32>} : memref<384xi32, #tpu.memory_space<vmem>>, vector<16xi32>,
      tpu.vector_store %arg10[%swap3A_314], %select_n3A_313 {strides = array<i32>} : memref<384xi32, #tpu.memory_space<vmem>>, vector<16xi32>,
      %add3A_316 = arith.constant 144 : i32
      %add3A_317 = vector.broadcast %add3A_316 : i32 to vector<16xi32>
      %add3A_318 = arith.addi %iota3A, %add3A_317 : vector<16xi32>
      %sub3A_319 = vector.broadcast %squeeze3A_78 : i32 to vector<16xi32>
      %sub3A_320 = arith.subi %add3A_318, %sub3A_319 : vector<16xi32>
      %convert_element_type3A_321 = arith.sitofp %sub3A_320 : vector<16xi32> to vector<16xf32>
      %mul3A_322 = vector.broadcast %squeeze3A_86 : f32 to vector<16xf32>
      %mul3A_323 = arith.mulf %convert_element_type3A_321, %mul3A_322 : vector<16xf32>
      %convert_element_type3A_324 = arith.fptosi %mul3A_323 : vector<16xf32> to vector<16xi32>
      %max3A_325 = arith.constant 0 : i32
      %max3A_326 = vector.broadcast %max3A_325 : i32 to vector<16xi32>
      %max3A_327 = arith.maxsi %convert_element_type3A_324, %max3A_326 : vector<16xi32>
      %min3A_328 = arith.constant 27 : i32
      %min3A_329 = vector.broadcast %min3A_328 : i32 to vector<16xi32>
      %min3A_330 = arith.minsi %max3A_327, %min3A_329 : vector<16xi32>
      %ge3A_331 = vector.broadcast %squeeze3A_78 : i32 to vector<16xi32>
      %ge3A_332 = arith.cmpi sge, %add3A_318, %ge3A_331 : vector<16xi32>
      %lt3A_333 = vector.broadcast %squeeze3A_82 : i32 to vector<16xi32>
      %lt3A_334 = arith.cmpi slt, %add3A_318, %lt3A_333 : vector<16xi32>
      %and3A_335 = arith.andi %ge3A_332, %lt3A_334 : vector<16xi1>
      %jit3A_336 = arith.constant 28 : i32
      %broadcast_in_dim3A_337 = vector.broadcast %jit3A_336 : i32 to vector<16xi32>
      %select_n3A_338 = arith.select %and3A_335, %min3A_330, %broadcast_in_dim3A_337 : vector<16xi1>, vector<16xi32>
      %swap3A_339 = arith.constant 144 : index
      %swap3A_340 = tpu.vector_load %arg10[%swap3A_339] {strides = array<i32>} : memref<384xi32, #tpu.memory_space<vmem>>, vector<16xi32>,
      tpu.vector_store %arg10[%swap3A_339], %select_n3A_338 {strides = array<i32>} : memref<384xi32, #tpu.memory_space<vmem>>, vector<16xi32>,
      %add3A_341 = arith.constant 160 : i32
      %add3A_342 = vector.broadcast %add3A_341 : i32 to vector<16xi32>
      %add3A_343 = arith.addi %iota3A, %add3A_342 : vector<16xi32>
      %sub3A_344 = vector.broadcast %squeeze3A_78 : i32 to vector<16xi32>
      %sub3A_345 = arith.subi %add3A_343, %sub3A_344 : vector<16xi32>
      %convert_element_type3A_346 = arith.sitofp %sub3A_345 : vector<16xi32> to vector<16xf32>
      %mul3A_347 = vector.broadcast %squeeze3A_86 : f32 to vector<16xf32>
      %mul3A_348 = arith.mulf %convert_element_type3A_346, %mul3A_347 : vector<16xf32>
      %convert_element_type3A_349 = arith.fptosi %mul3A_348 : vector<16xf32> to vector<16xi32>
      %max3A_350 = arith.constant 0 : i32
      %max3A_351 = vector.broadcast %max3A_350 : i32 to vector<16xi32>
      %max3A_352 = arith.maxsi %convert_element_type3A_349, %max3A_351 : vector<16xi32>
      %min3A_353 = arith.constant 27 : i32
      %min3A_354 = vector.broadcast %min3A_353 : i32 to vector<16xi32>
      %min3A_355 = arith.minsi %max3A_352, %min3A_354 : vector<16xi32>
      %ge3A_356 = vector.broadcast %squeeze3A_78 : i32 to vector<16xi32>
      %ge3A_357 = arith.cmpi sge, %add3A_343, %ge3A_356 : vector<16xi32>
      %lt3A_358 = vector.broadcast %squeeze3A_82 : i32 to vector<16xi32>
      %lt3A_359 = arith.cmpi slt, %add3A_343, %lt3A_358 : vector<16xi32>
      %and3A_360 = arith.andi %ge3A_357, %lt3A_359 : vector<16xi1>
      %jit3A_361 = arith.constant 28 : i32
      %broadcast_in_dim3A_362 = vector.broadcast %jit3A_361 : i32 to vector<16xi32>
      %select_n3A_363 = arith.select %and3A_360, %min3A_355, %broadcast_in_dim3A_362 : vector<16xi1>, vector<16xi32>
      %swap3A_364 = arith.constant 160 : index
      %swap3A_365 = tpu.vector_load %arg10[%swap3A_364] {strides = array<i32>} : memref<384xi32, #tpu.memory_space<vmem>>, vector<16xi32>,
      tpu.vector_store %arg10[%swap3A_364], %select_n3A_363 {strides = array<i32>} : memref<384xi32, #tpu.memory_space<vmem>>, vector<16xi32>,
      %add3A_366 = arith.constant 176 : i32
      %add3A_367 = vector.broadcast %add3A_366 : i32 to vector<16xi32>
      %add3A_368 = arith.addi %iota3A, %add3A_367 : vector<16xi32>
      %sub3A_369 = vector.broadcast %squeeze3A_78 : i32 to vector<16xi32>
      %sub3A_370 = arith.subi %add3A_368, %sub3A_369 : vector<16xi32>
      %convert_element_type3A_371 = arith.sitofp %sub3A_370 : vector<16xi32> to vector<16xf32>
      %mul3A_372 = vector.broadcast %squeeze3A_86 : f32 to vector<16xf32>
      %mul3A_373 = arith.mulf %convert_element_type3A_371, %mul3A_372 : vector<16xf32>
      %convert_element_type3A_374 = arith.fptosi %mul3A_373 : vector<16xf32> to vector<16xi32>
      %max3A_375 = arith.constant 0 : i32
      %max3A_376 = vector.broadcast %max3A_375 : i32 to vector<16xi32>
      %max3A_377 = arith.maxsi %convert_element_type3A_374, %max3A_376 : vector<16xi32>
      %min3A_378 = arith.constant 27 : i32
      %min3A_379 = vector.broadcast %min3A_378 : i32 to vector<16xi32>
      %min3A_380 = arith.minsi %max3A_377, %min3A_379 : vector<16xi32>
      %ge3A_381 = vector.broadcast %squeeze3A_78 : i32 to vector<16xi32>
      %ge3A_382 = arith.cmpi sge, %add3A_368, %ge3A_381 : vector<16xi32>
      %lt3A_383 = vector.broadcast %squeeze3A_82 : i32 to vector<16xi32>
      %lt3A_384 = arith.cmpi slt, %add3A_368, %lt3A_383 : vector<16xi32>
      %and3A_385 = arith.andi %ge3A_382, %lt3A_384 : vector<16xi1>
      %jit3A_386 = arith.constant 28 : i32
      %broadcast_in_dim3A_387 = vector.broadcast %jit3A_386 : i32 to vector<16xi32>
      %select_n3A_388 = arith.select %and3A_385, %min3A_380, %broadcast_in_dim3A_387 : vector<16xi1>, vector<16xi32>
      %swap3A_389 = arith.constant 176 : index
      %swap3A_390 = tpu.vector_load %arg10[%swap3A_389] {strides = array<i32>} : memref<384xi32, #tpu.memory_space<vmem>>, vector<16xi32>,
      tpu.vector_store %arg10[%swap3A_389], %select_n3A_388 {strides = array<i32>} : memref<384xi32, #tpu.memory_space<vmem>>, vector<16xi32>,
      %add3A_391 = arith.constant 192 : i32
      %add3A_392 = vector.broadcast %add3A_391 : i32 to vector<16xi32>
      %add3A_393 = arith.addi %iota3A, %add3A_392 : vector<16xi32>
      %sub3A_394 = vector.broadcast %squeeze3A_78 : i32 to vector<16xi32>
      %sub3A_395 = arith.subi %add3A_393, %sub3A_394 : vector<16xi32>
      %convert_element_type3A_396 = arith.sitofp %sub3A_395 : vector<16xi32> to vector<16xf32>
      %mul3A_397 = vector.broadcast %squeeze3A_86 : f32 to vector<16xf32>
      %mul3A_398 = arith.mulf %convert_element_type3A_396, %mul3A_397 : vector<16xf32>
      %convert_element_type3A_399 = arith.fptosi %mul3A_398 : vector<16xf32> to vector<16xi32>
      %max3A_400 = arith.constant 0 : i32
      %max3A_401 = vector.broadcast %max3A_400 : i32 to vector<16xi32>
      %max3A_402 = arith.maxsi %convert_element_type3A_399, %max3A_401 : vector<16xi32>
      %min3A_403 = arith.constant 27 : i32
      %min3A_404 = vector.broadcast %min3A_403 : i32 to vector<16xi32>
      %min3A_405 = arith.minsi %max3A_402, %min3A_404 : vector<16xi32>
      %ge3A_406 = vector.broadcast %squeeze3A_78 : i32 to vector<16xi32>
      %ge3A_407 = arith.cmpi sge, %add3A_393, %ge3A_406 : vector<16xi32>
      %lt3A_408 = vector.broadcast %squeeze3A_82 : i32 to vector<16xi32>
      %lt3A_409 = arith.cmpi slt, %add3A_393, %lt3A_408 : vector<16xi32>
      %and3A_410 = arith.andi %ge3A_407, %lt3A_409 : vector<16xi1>
      %jit3A_411 = arith.constant 28 : i32
      %broadcast_in_dim3A_412 = vector.broadcast %jit3A_411 : i32 to vector<16xi32>
      %select_n3A_413 = arith.select %and3A_410, %min3A_405, %broadcast_in_dim3A_412 : vector<16xi1>, vector<16xi32>
      %swap3A_414 = arith.constant 192 : index
      %swap3A_415 = tpu.vector_load %arg10[%swap3A_414] {strides = array<i32>} : memref<384xi32, #tpu.memory_space<vmem>>, vector<16xi32>,
      tpu.vector_store %arg10[%swap3A_414], %select_n3A_413 {strides = array<i32>} : memref<384xi32, #tpu.memory_space<vmem>>, vector<16xi32>,
      %add3A_416 = arith.constant 208 : i32
      %add3A_417 = vector.broadcast %add3A_416 : i32 to vector<16xi32>
      %add3A_418 = arith.addi %iota3A, %add3A_417 : vector<16xi32>
      %sub3A_419 = vector.broadcast %squeeze3A_78 : i32 to vector<16xi32>
      %sub3A_420 = arith.subi %add3A_418, %sub3A_419 : vector<16xi32>
      %convert_element_type3A_421 = arith.sitofp %sub3A_420 : vector<16xi32> to vector<16xf32>
      %mul3A_422 = vector.broadcast %squeeze3A_86 : f32 to vector<16xf32>
      %mul3A_423 = arith.mulf %convert_element_type3A_421, %mul3A_422 : vector<16xf32>
      %convert_element_type3A_424 = arith.fptosi %mul3A_423 : vector<16xf32> to vector<16xi32>
      %max3A_425 = arith.constant 0 : i32
      %max3A_426 = vector.broadcast %max3A_425 : i32 to vector<16xi32>
      %max3A_427 = arith.maxsi %convert_element_type3A_424, %max3A_426 : vector<16xi32>
      %min3A_428 = arith.constant 27 : i32
      %min3A_429 = vector.broadcast %min3A_428 : i32 to vector<16xi32>
      %min3A_430 = arith.minsi %max3A_427, %min3A_429 : vector<16xi32>
      %ge3A_431 = vector.broadcast %squeeze3A_78 : i32 to vector<16xi32>
      %ge3A_432 = arith.cmpi sge, %add3A_418, %ge3A_431 : vector<16xi32>
      %lt3A_433 = vector.broadcast %squeeze3A_82 : i32 to vector<16xi32>
      %lt3A_434 = arith.cmpi slt, %add3A_418, %lt3A_433 : vector<16xi32>
      %and3A_435 = arith.andi %ge3A_432, %lt3A_434 : vector<16xi1>
      %jit3A_436 = arith.constant 28 : i32
      %broadcast_in_dim3A_437 = vector.broadcast %jit3A_436 : i32 to vector<16xi32>
      %select_n3A_438 = arith.select %and3A_435, %min3A_430, %broadcast_in_dim3A_437 : vector<16xi1>, vector<16xi32>
      %swap3A_439 = arith.constant 208 : index
      %swap3A_440 = tpu.vector_load %arg10[%swap3A_439] {strides = array<i32>} : memref<384xi32, #tpu.memory_space<vmem>>, vector<16xi32>,
      tpu.vector_store %arg10[%swap3A_439], %select_n3A_438 {strides = array<i32>} : memref<384xi32, #tpu.memory_space<vmem>>, vector<16xi32>,
      %add3A_441 = arith.constant 224 : i32
      %add3A_442 = vector.broadcast %add3A_441 : i32 to vector<16xi32>
      %add3A_443 = arith.addi %iota3A, %add3A_442 : vector<16xi32>
      %sub3A_444 = vector.broadcast %squeeze3A_78 : i32 to vector<16xi32>
      %sub3A_445 = arith.subi %add3A_443, %sub3A_444 : vector<16xi32>
      %convert_element_type3A_446 = arith.sitofp %sub3A_445 : vector<16xi32> to vector<16xf32>
      %mul3A_447 = vector.broadcast %squeeze3A_86 : f32 to vector<16xf32>
      %mul3A_448 = arith.mulf %convert_element_type3A_446, %mul3A_447 : vector<16xf32>
      %convert_element_type3A_449 = arith.fptosi %mul3A_448 : vector<16xf32> to vector<16xi32>
      %max3A_450 = arith.constant 0 : i32
      %max3A_451 = vector.broadcast %max3A_450 : i32 to vector<16xi32>
      %max3A_452 = arith.maxsi %convert_element_type3A_449, %max3A_451 : vector<16xi32>
      %min3A_453 = arith.constant 27 : i32
      %min3A_454 = vector.broadcast %min3A_453 : i32 to vector<16xi32>
      %min3A_455 = arith.minsi %max3A_452, %min3A_454 : vector<16xi32>
      %ge3A_456 = vector.broadcast %squeeze3A_78 : i32 to vector<16xi32>
      %ge3A_457 = arith.cmpi sge, %add3A_443, %ge3A_456 : vector<16xi32>
      %lt3A_458 = vector.broadcast %squeeze3A_82 : i32 to vector<16xi32>
      %lt3A_459 = arith.cmpi slt, %add3A_443, %lt3A_458 : vector<16xi32>
      %and3A_460 = arith.andi %ge3A_457, %lt3A_459 : vector<16xi1>
      %jit3A_461 = arith.constant 28 : i32
      %broadcast_in_dim3A_462 = vector.broadcast %jit3A_461 : i32 to vector<16xi32>
      %select_n3A_463 = arith.select %and3A_460, %min3A_455, %broadcast_in_dim3A_462 : vector<16xi1>, vector<16xi32>
      %swap3A_464 = arith.constant 224 : index
      %swap3A_465 = tpu.vector_load %arg10[%swap3A_464] {strides = array<i32>} : memref<384xi32, #tpu.memory_space<vmem>>, vector<16xi32>,
      tpu.vector_store %arg10[%swap3A_464], %select_n3A_463 {strides = array<i32>} : memref<384xi32, #tpu.memory_space<vmem>>, vector<16xi32>,
      %add3A_466 = arith.constant 240 : i32
      %add3A_467 = vector.broadcast %add3A_466 : i32 to vector<16xi32>
      %add3A_468 = arith.addi %iota3A, %add3A_467 : vector<16xi32>
      %sub3A_469 = vector.broadcast %squeeze3A_78 : i32 to vector<16xi32>
      %sub3A_470 = arith.subi %add3A_468, %sub3A_469 : vector<16xi32>
      %convert_element_type3A_471 = arith.sitofp %sub3A_470 : vector<16xi32> to vector<16xf32>
      %mul3A_472 = vector.broadcast %squeeze3A_86 : f32 to vector<16xf32>
      %mul3A_473 = arith.mulf %convert_element_type3A_471, %mul3A_472 : vector<16xf32>
      %convert_element_type3A_474 = arith.fptosi %mul3A_473 : vector<16xf32> to vector<16xi32>
      %max3A_475 = arith.constant 0 : i32
      %max3A_476 = vector.broadcast %max3A_475 : i32 to vector<16xi32>
      %max3A_477 = arith.maxsi %convert_element_type3A_474, %max3A_476 : vector<16xi32>
      %min3A_478 = arith.constant 27 : i32
      %min3A_479 = vector.broadcast %min3A_478 : i32 to vector<16xi32>
      %min3A_480 = arith.minsi %max3A_477, %min3A_479 : vector<16xi32>
      %ge3A_481 = vector.broadcast %squeeze3A_78 : i32 to vector<16xi32>
      %ge3A_482 = arith.cmpi sge, %add3A_468, %ge3A_481 : vector<16xi32>
      %lt3A_483 = vector.broadcast %squeeze3A_82 : i32 to vector<16xi32>
      %lt3A_484 = arith.cmpi slt, %add3A_468, %lt3A_483 : vector<16xi32>
      %and3A_485 = arith.andi %ge3A_482, %lt3A_484 : vector<16xi1>
      %jit3A_486 = arith.constant 28 : i32
      %broadcast_in_dim3A_487 = vector.broadcast %jit3A_486 : i32 to vector<16xi32>
      %select_n3A_488 = arith.select %and3A_485, %min3A_480, %broadcast_in_dim3A_487 : vector<16xi1>, vector<16xi32>
      %swap3A_489 = arith.constant 240 : index
      %swap3A_490 = tpu.vector_load %arg10[%swap3A_489] {strides = array<i32>} : memref<384xi32, #tpu.memory_space<vmem>>, vector<16xi32>,
      tpu.vector_store %arg10[%swap3A_489], %select_n3A_488 {strides = array<i32>} : memref<384xi32, #tpu.memory_space<vmem>>, vector<16xi32>,
      %add3A_491 = arith.constant 256 : i32
      %add3A_492 = vector.broadcast %add3A_491 : i32 to vector<16xi32>
      %add3A_493 = arith.addi %iota3A, %add3A_492 : vector<16xi32>
      %sub3A_494 = vector.broadcast %squeeze3A_78 : i32 to vector<16xi32>
      %sub3A_495 = arith.subi %add3A_493, %sub3A_494 : vector<16xi32>
      %convert_element_type3A_496 = arith.sitofp %sub3A_495 : vector<16xi32> to vector<16xf32>
      %mul3A_497 = vector.broadcast %squeeze3A_86 : f32 to vector<16xf32>
      %mul3A_498 = arith.mulf %convert_element_type3A_496, %mul3A_497 : vector<16xf32>
      %convert_element_type3A_499 = arith.fptosi %mul3A_498 : vector<16xf32> to vector<16xi32>
      %max3A_500 = arith.constant 0 : i32
      %max3A_501 = vector.broadcast %max3A_500 : i32 to vector<16xi32>
      %max3A_502 = arith.maxsi %convert_element_type3A_499, %max3A_501 : vector<16xi32>
      %min3A_503 = arith.constant 27 : i32
      %min3A_504 = vector.broadcast %min3A_503 : i32 to vector<16xi32>
      %min3A_505 = arith.minsi %max3A_502, %min3A_504 : vector<16xi32>
      %ge3A_506 = vector.broadcast %squeeze3A_78 : i32 to vector<16xi32>
      %ge3A_507 = arith.cmpi sge, %add3A_493, %ge3A_506 : vector<16xi32>
      %lt3A_508 = vector.broadcast %squeeze3A_82 : i32 to vector<16xi32>
      %lt3A_509 = arith.cmpi slt, %add3A_493, %lt3A_508 : vector<16xi32>
      %and3A_510 = arith.andi %ge3A_507, %lt3A_509 : vector<16xi1>
      %jit3A_511 = arith.constant 28 : i32
      %broadcast_in_dim3A_512 = vector.broadcast %jit3A_511 : i32 to vector<16xi32>
      %select_n3A_513 = arith.select %and3A_510, %min3A_505, %broadcast_in_dim3A_512 : vector<16xi1>, vector<16xi32>
      %swap3A_514 = arith.constant 256 : index
      %swap3A_515 = tpu.vector_load %arg10[%swap3A_514] {strides = array<i32>} : memref<384xi32, #tpu.memory_space<vmem>>, vector<16xi32>,
      tpu.vector_store %arg10[%swap3A_514], %select_n3A_513 {strides = array<i32>} : memref<384xi32, #tpu.memory_space<vmem>>, vector<16xi32>,
      %add3A_516 = arith.constant 272 : i32
      %add3A_517 = vector.broadcast %add3A_516 : i32 to vector<16xi32>
      %add3A_518 = arith.addi %iota3A, %add3A_517 : vector<16xi32>
      %sub3A_519 = vector.broadcast %squeeze3A_78 : i32 to vector<16xi32>
      %sub3A_520 = arith.subi %add3A_518, %sub3A_519 : vector<16xi32>
      %convert_element_type3A_521 = arith.sitofp %sub3A_520 : vector<16xi32> to vector<16xf32>
      %mul3A_522 = vector.broadcast %squeeze3A_86 : f32 to vector<16xf32>
      %mul3A_523 = arith.mulf %convert_element_type3A_521, %mul3A_522 : vector<16xf32>
      %convert_element_type3A_524 = arith.fptosi %mul3A_523 : vector<16xf32> to vector<16xi32>
      %max3A_525 = arith.constant 0 : i32
      %max3A_526 = vector.broadcast %max3A_525 : i32 to vector<16xi32>
      %max3A_527 = arith.maxsi %convert_element_type3A_524, %max3A_526 : vector<16xi32>
      %min3A_528 = arith.constant 27 : i32
      %min3A_529 = vector.broadcast %min3A_528 : i32 to vector<16xi32>
      %min3A_530 = arith.minsi %max3A_527, %min3A_529 : vector<16xi32>
      %ge3A_531 = vector.broadcast %squeeze3A_78 : i32 to vector<16xi32>
      %ge3A_532 = arith.cmpi sge, %add3A_518, %ge3A_531 : vector<16xi32>
      %lt3A_533 = vector.broadcast %squeeze3A_82 : i32 to vector<16xi32>
      %lt3A_534 = arith.cmpi slt, %add3A_518, %lt3A_533 : vector<16xi32>
      %and3A_535 = arith.andi %ge3A_532, %lt3A_534 : vector<16xi1>
      %jit3A_536 = arith.constant 28 : i32
      %broadcast_in_dim3A_537 = vector.broadcast %jit3A_536 : i32 to vector<16xi32>
      %select_n3A_538 = arith.select %and3A_535, %min3A_530, %broadcast_in_dim3A_537 : vector<16xi1>, vector<16xi32>
      %swap3A_539 = arith.constant 272 : index
      %swap3A_540 = tpu.vector_load %arg10[%swap3A_539] {strides = array<i32>} : memref<384xi32, #tpu.memory_space<vmem>>, vector<16xi32>,
      tpu.vector_store %arg10[%swap3A_539], %select_n3A_538 {strides = array<i32>} : memref<384xi32, #tpu.memory_space<vmem>>, vector<16xi32>,
      %add3A_541 = arith.constant 288 : i32
      %add3A_542 = vector.broadcast %add3A_541 : i32 to vector<16xi32>
      %add3A_543 = arith.addi %iota3A, %add3A_542 : vector<16xi32>
      %sub3A_544 = vector.broadcast %squeeze3A_78 : i32 to vector<16xi32>
      %sub3A_545 = arith.subi %add3A_543, %sub3A_544 : vector<16xi32>
      %convert_element_type3A_546 = arith.sitofp %sub3A_545 : vector<16xi32> to vector<16xf32>
      %mul3A_547 = vector.broadcast %squeeze3A_86 : f32 to vector<16xf32>
      %mul3A_548 = arith.mulf %convert_element_type3A_546, %mul3A_547 : vector<16xf32>
      %convert_element_type3A_549 = arith.fptosi %mul3A_548 : vector<16xf32> to vector<16xi32>
      %max3A_550 = arith.constant 0 : i32
      %max3A_551 = vector.broadcast %max3A_550 : i32 to vector<16xi32>
      %max3A_552 = arith.maxsi %convert_element_type3A_549, %max3A_551 : vector<16xi32>
      %min3A_553 = arith.constant 27 : i32
      %min3A_554 = vector.broadcast %min3A_553 : i32 to vector<16xi32>
      %min3A_555 = arith.minsi %max3A_552, %min3A_554 : vector<16xi32>
      %ge3A_556 = vector.broadcast %squeeze3A_78 : i32 to vector<16xi32>
      %ge3A_557 = arith.cmpi sge, %add3A_543, %ge3A_556 : vector<16xi32>
      %lt3A_558 = vector.broadcast %squeeze3A_82 : i32 to vector<16xi32>
      %lt3A_559 = arith.cmpi slt, %add3A_543, %lt3A_558 : vector<16xi32>
      %and3A_560 = arith.andi %ge3A_557, %lt3A_559 : vector<16xi1>
      %jit3A_561 = arith.constant 28 : i32
      %broadcast_in_dim3A_562 = vector.broadcast %jit3A_561 : i32 to vector<16xi32>
      %select_n3A_563 = arith.select %and3A_560, %min3A_555, %broadcast_in_dim3A_562 : vector<16xi1>, vector<16xi32>
      %swap3A_564 = arith.constant 288 : index
      %swap3A_565 = tpu.vector_load %arg10[%swap3A_564] {strides = array<i32>} : memref<384xi32, #tpu.memory_space<vmem>>, vector<16xi32>,
      tpu.vector_store %arg10[%swap3A_564], %select_n3A_563 {strides = array<i32>} : memref<384xi32, #tpu.memory_space<vmem>>, vector<16xi32>,
      %add3A_566 = arith.constant 304 : i32
      %add3A_567 = vector.broadcast %add3A_566 : i32 to vector<16xi32>
      %add3A_568 = arith.addi %iota3A, %add3A_567 : vector<16xi32>
      %sub3A_569 = vector.broadcast %squeeze3A_78 : i32 to vector<16xi32>
      %sub3A_570 = arith.subi %add3A_568, %sub3A_569 : vector<16xi32>
      %convert_element_type3A_571 = arith.sitofp %sub3A_570 : vector<16xi32> to vector<16xf32>
      %mul3A_572 = vector.broadcast %squeeze3A_86 : f32 to vector<16xf32>
      %mul3A_573 = arith.mulf %convert_element_type3A_571, %mul3A_572 : vector<16xf32>
      %convert_element_type3A_574 = arith.fptosi %mul3A_573 : vector<16xf32> to vector<16xi32>
      %max3A_575 = arith.constant 0 : i32
      %max3A_576 = vector.broadcast %max3A_575 : i32 to vector<16xi32>
      %max3A_577 = arith.maxsi %convert_element_type3A_574, %max3A_576 : vector<16xi32>
      %min3A_578 = arith.constant 27 : i32
      %min3A_579 = vector.broadcast %min3A_578 : i32 to vector<16xi32>
      %min3A_580 = arith.minsi %max3A_577, %min3A_579 : vector<16xi32>
      %ge3A_581 = vector.broadcast %squeeze3A_78 : i32 to vector<16xi32>
      %ge3A_582 = arith.cmpi sge, %add3A_568, %ge3A_581 : vector<16xi32>
      %lt3A_583 = vector.broadcast %squeeze3A_82 : i32 to vector<16xi32>
      %lt3A_584 = arith.cmpi slt, %add3A_568, %lt3A_583 : vector<16xi32>
      %and3A_585 = arith.andi %ge3A_582, %lt3A_584 : vector<16xi1>
      %jit3A_586 = arith.constant 28 : i32
      %broadcast_in_dim3A_587 = vector.broadcast %jit3A_586 : i32 to vector<16xi32>
      %select_n3A_588 = arith.select %and3A_585, %min3A_580, %broadcast_in_dim3A_587 : vector<16xi1>, vector<16xi32>
      %swap3A_589 = arith.constant 304 : index
      %swap3A_590 = tpu.vector_load %arg10[%swap3A_589] {strides = array<i32>} : memref<384xi32, #tpu.memory_space<vmem>>, vector<16xi32>,
      tpu.vector_store %arg10[%swap3A_589], %select_n3A_588 {strides = array<i32>} : memref<384xi32, #tpu.memory_space<vmem>>, vector<16xi32>,
      %add3A_591 = arith.constant 320 : i32
      %add3A_592 = vector.broadcast %add3A_591 : i32 to vector<16xi32>
      %add3A_593 = arith.addi %iota3A, %add3A_592 : vector<16xi32>
      %sub3A_594 = vector.broadcast %squeeze3A_78 : i32 to vector<16xi32>
      %sub3A_595 = arith.subi %add3A_593, %sub3A_594 : vector<16xi32>
      %convert_element_type3A_596 = arith.sitofp %sub3A_595 : vector<16xi32> to vector<16xf32>
      %mul3A_597 = vector.broadcast %squeeze3A_86 : f32 to vector<16xf32>
      %mul3A_598 = arith.mulf %convert_element_type3A_596, %mul3A_597 : vector<16xf32>
      %convert_element_type3A_599 = arith.fptosi %mul3A_598 : vector<16xf32> to vector<16xi32>
      %max3A_600 = arith.constant 0 : i32
      %max3A_601 = vector.broadcast %max3A_600 : i32 to vector<16xi32>
      %max3A_602 = arith.maxsi %convert_element_type3A_599, %max3A_601 : vector<16xi32>
      %min3A_603 = arith.constant 27 : i32
      %min3A_604 = vector.broadcast %min3A_603 : i32 to vector<16xi32>
      %min3A_605 = arith.minsi %max3A_602, %min3A_604 : vector<16xi32>
      %ge3A_606 = vector.broadcast %squeeze3A_78 : i32 to vector<16xi32>
      %ge3A_607 = arith.cmpi sge, %add3A_593, %ge3A_606 : vector<16xi32>
      %lt3A_608 = vector.broadcast %squeeze3A_82 : i32 to vector<16xi32>
      %lt3A_609 = arith.cmpi slt, %add3A_593, %lt3A_608 : vector<16xi32>
      %and3A_610 = arith.andi %ge3A_607, %lt3A_609 : vector<16xi1>
      %jit3A_611 = arith.constant 28 : i32
      %broadcast_in_dim3A_612 = vector.broadcast %jit3A_611 : i32 to vector<16xi32>
      %select_n3A_613 = arith.select %and3A_610, %min3A_605, %broadcast_in_dim3A_612 : vector<16xi1>, vector<16xi32>
      %swap3A_614 = arith.constant 320 : index
      %swap3A_615 = tpu.vector_load %arg10[%swap3A_614] {strides = array<i32>} : memref<384xi32, #tpu.memory_space<vmem>>, vector<16xi32>,
      tpu.vector_store %arg10[%swap3A_614], %select_n3A_613 {strides = array<i32>} : memref<384xi32, #tpu.memory_space<vmem>>, vector<16xi32>,
      %add3A_616 = arith.constant 336 : i32
      %add3A_617 = vector.broadcast %add3A_616 : i32 to vector<16xi32>
      %add3A_618 = arith.addi %iota3A, %add3A_617 : vector<16xi32>
      %sub3A_619 = vector.broadcast %squeeze3A_78 : i32 to vector<16xi32>
      %sub3A_620 = arith.subi %add3A_618, %sub3A_619 : vector<16xi32>
      %convert_element_type3A_621 = arith.sitofp %sub3A_620 : vector<16xi32> to vector<16xf32>
      %mul3A_622 = vector.broadcast %squeeze3A_86 : f32 to vector<16xf32>
      %mul3A_623 = arith.mulf %convert_element_type3A_621, %mul3A_622 : vector<16xf32>
      %convert_element_type3A_624 = arith.fptosi %mul3A_623 : vector<16xf32> to vector<16xi32>
      %max3A_625 = arith.constant 0 : i32
      %max3A_626 = vector.broadcast %max3A_625 : i32 to vector<16xi32>
      %max3A_627 = arith.maxsi %convert_element_type3A_624, %max3A_626 : vector<16xi32>
      %min3A_628 = arith.constant 27 : i32
      %min3A_629 = vector.broadcast %min3A_628 : i32 to vector<16xi32>
      %min3A_630 = arith.minsi %max3A_627, %min3A_629 : vector<16xi32>
      %ge3A_631 = vector.broadcast %squeeze3A_78 : i32 to vector<16xi32>
      %ge3A_632 = arith.cmpi sge, %add3A_618, %ge3A_631 : vector<16xi32>
      %lt3A_633 = vector.broadcast %squeeze3A_82 : i32 to vector<16xi32>
      %lt3A_634 = arith.cmpi slt, %add3A_618, %lt3A_633 : vector<16xi32>
      %and3A_635 = arith.andi %ge3A_632, %lt3A_634 : vector<16xi1>
      %jit3A_636 = arith.constant 28 : i32
      %broadcast_in_dim3A_637 = vector.broadcast %jit3A_636 : i32 to vector<16xi32>
      %select_n3A_638 = arith.select %and3A_635, %min3A_630, %broadcast_in_dim3A_637 : vector<16xi1>, vector<16xi32>
      %swap3A_639 = arith.constant 336 : index
      %swap3A_640 = tpu.vector_load %arg10[%swap3A_639] {strides = array<i32>} : memref<384xi32, #tpu.memory_space<vmem>>, vector<16xi32>,
      tpu.vector_store %arg10[%swap3A_639], %select_n3A_638 {strides = array<i32>} : memref<384xi32, #tpu.memory_space<vmem>>, vector<16xi32>,
      %add3A_641 = arith.constant 352 : i32
      %add3A_642 = vector.broadcast %add3A_641 : i32 to vector<16xi32>
      %add3A_643 = arith.addi %iota3A, %add3A_642 : vector<16xi32>
      %sub3A_644 = vector.broadcast %squeeze3A_78 : i32 to vector<16xi32>
      %sub3A_645 = arith.subi %add3A_643, %sub3A_644 : vector<16xi32>
      %convert_element_type3A_646 = arith.sitofp %sub3A_645 : vector<16xi32> to vector<16xf32>
      %mul3A_647 = vector.broadcast %squeeze3A_86 : f32 to vector<16xf32>
      %mul3A_648 = arith.mulf %convert_element_type3A_646, %mul3A_647 : vector<16xf32>
      %convert_element_type3A_649 = arith.fptosi %mul3A_648 : vector<16xf32> to vector<16xi32>
      %max3A_650 = arith.constant 0 : i32
      %max3A_651 = vector.broadcast %max3A_650 : i32 to vector<16xi32>
      %max3A_652 = arith.maxsi %convert_element_type3A_649, %max3A_651 : vector<16xi32>
      %min3A_653 = arith.constant 27 : i32
      %min3A_654 = vector.broadcast %min3A_653 : i32 to vector<16xi32>
      %min3A_655 = arith.minsi %max3A_652, %min3A_654 : vector<16xi32>
      %ge3A_656 = vector.broadcast %squeeze3A_78 : i32 to vector<16xi32>
      %ge3A_657 = arith.cmpi sge, %add3A_643, %ge3A_656 : vector<16xi32>
      %lt3A_658 = vector.broadcast %squeeze3A_82 : i32 to vector<16xi32>
      %lt3A_659 = arith.cmpi slt, %add3A_643, %lt3A_658 : vector<16xi32>
      %and3A_660 = arith.andi %ge3A_657, %lt3A_659 : vector<16xi1>
      %jit3A_661 = arith.constant 28 : i32
      %broadcast_in_dim3A_662 = vector.broadcast %jit3A_661 : i32 to vector<16xi32>
      %select_n3A_663 = arith.select %and3A_660, %min3A_655, %broadcast_in_dim3A_662 : vector<16xi1>, vector<16xi32>
      %swap3A_664 = arith.constant 352 : index
      %swap3A_665 = tpu.vector_load %arg10[%swap3A_664] {strides = array<i32>} : memref<384xi32, #tpu.memory_space<vmem>>, vector<16xi32>,
      tpu.vector_store %arg10[%swap3A_664], %select_n3A_663 {strides = array<i32>} : memref<384xi32, #tpu.memory_space<vmem>>, vector<16xi32>,
      %add3A_666 = arith.constant 368 : i32
      %add3A_667 = vector.broadcast %add3A_666 : i32 to vector<16xi32>
      %add3A_668 = arith.addi %iota3A, %add3A_667 : vector<16xi32>
      %sub3A_669 = vector.broadcast %squeeze3A_78 : i32 to vector<16xi32>
      %sub3A_670 = arith.subi %add3A_668, %sub3A_669 : vector<16xi32>
      %convert_element_type3A_671 = arith.sitofp %sub3A_670 : vector<16xi32> to vector<16xf32>
      %mul3A_672 = vector.broadcast %squeeze3A_86 : f32 to vector<16xf32>
      %mul3A_673 = arith.mulf %convert_element_type3A_671, %mul3A_672 : vector<16xf32>
      %convert_element_type3A_674 = arith.fptosi %mul3A_673 : vector<16xf32> to vector<16xi32>
      %max3A_675 = arith.constant 0 : i32
      %max3A_676 = vector.broadcast %max3A_675 : i32 to vector<16xi32>
      %max3A_677 = arith.maxsi %convert_element_type3A_674, %max3A_676 : vector<16xi32>
      %min3A_678 = arith.constant 27 : i32
      %min3A_679 = vector.broadcast %min3A_678 : i32 to vector<16xi32>
      %min3A_680 = arith.minsi %max3A_677, %min3A_679 : vector<16xi32>
      %ge3A_681 = vector.broadcast %squeeze3A_78 : i32 to vector<16xi32>
      %ge3A_682 = arith.cmpi sge, %add3A_668, %ge3A_681 : vector<16xi32>
      %lt3A_683 = vector.broadcast %squeeze3A_82 : i32 to vector<16xi32>
      %lt3A_684 = arith.cmpi slt, %add3A_668, %lt3A_683 : vector<16xi32>
      %and3A_685 = arith.andi %ge3A_682, %lt3A_684 : vector<16xi1>
      %jit3A_686 = arith.constant 28 : i32
      %broadcast_in_dim3A_687 = vector.broadcast %jit3A_686 : i32 to vector<16xi32>
      %select_n3A_688 = arith.select %and3A_685, %min3A_680, %broadcast_in_dim3A_687 : vector<16xi1>, vector<16xi32>
      %swap3A_689 = arith.constant 368 : index
      %swap3A_690 = tpu.vector_load %arg10[%swap3A_689] {strides = array<i32>} : memref<384xi32, #tpu.memory_space<vmem>>, vector<16xi32>,
      tpu.vector_store %arg10[%swap3A_689], %select_n3A_688 {strides = array<i32>} : memref<384xi32, #tpu.memory_space<vmem>>, vector<16xi32>,
      %add3A_691 = arith.constant 0 : i32
      %add3A_692 = vector.broadcast %add3A_691 : i32 to vector<16xi32>
      %add3A_693 = arith.addi %iota3A, %add3A_692 : vector<16xi32>
      %sub3A_694 = vector.broadcast %squeeze3A : i32 to vector<16xi32>
      %sub3A_695 = arith.subi %add3A_693, %sub3A_694 : vector<16xi32>
      %convert_element_type3A_696 = arith.sitofp %sub3A_695 : vector<16xi32> to vector<16xf32>
      %mul3A_697 = vector.broadcast %squeeze3A_84 : f32 to vector<16xf32>
      %mul3A_698 = arith.mulf %convert_element_type3A_696, %mul3A_697 : vector<16xf32>
      %convert_element_type3A_699 = arith.fptosi %mul3A_698 : vector<16xf32> to vector<16xi32>
      %max3A_700 = arith.constant 0 : i32
      %max3A_701 = vector.broadcast %max3A_700 : i32 to vector<16xi32>
      %max3A_702 = arith.maxsi %convert_element_type3A_699, %max3A_701 : vector<16xi32>
      %min3A_703 = arith.constant 27 : i32
      %min3A_704 = vector.broadcast %min3A_703 : i32 to vector<16xi32>
      %min3A_705 = arith.minsi %max3A_702, %min3A_704 : vector<16xi32>
      %ge3A_706 = vector.broadcast %squeeze3A : i32 to vector<16xi32>
      %ge3A_707 = arith.cmpi sge, %add3A_693, %ge3A_706 : vector<16xi32>
      %lt3A_708 = vector.broadcast %squeeze3A_80 : i32 to vector<16xi32>
      %lt3A_709 = arith.cmpi slt, %add3A_693, %lt3A_708 : vector<16xi32>
      %and3A_710 = arith.andi %ge3A_707, %lt3A_709 : vector<16xi1>
      %jit3A_711 = arith.constant 28 : i32
      %broadcast_in_dim3A_712 = vector.broadcast %jit3A_711 : i32 to vector<16xi32>
      %select_n3A_713 = arith.select %and3A_710, %min3A_705, %broadcast_in_dim3A_712 : vector<16xi1>, vector<16xi32>
      %swap3A_714 = arith.constant 0 : index
      %swap3A_715 = tpu.vector_load %arg11[%swap3A_714] {strides = array<i32>} : memref<384xi32, #tpu.memory_space<vmem>>, vector<16xi32>,
      tpu.vector_store %arg11[%swap3A_714], %select_n3A_713 {strides = array<i32>} : memref<384xi32, #tpu.memory_space<vmem>>, vector<16xi32>,
      %add3A_716 = arith.constant 16 : i32
      %add3A_717 = vector.broadcast %add3A_716 : i32 to vector<16xi32>
      %add3A_718 = arith.addi %iota3A, %add3A_717 : vector<16xi32>
      %sub3A_719 = vector.broadcast %squeeze3A : i32 to vector<16xi32>
      %sub3A_720 = arith.subi %add3A_718, %sub3A_719 : vector<16xi32>
      %convert_element_type3A_721 = arith.sitofp %sub3A_720 : vector<16xi32> to vector<16xf32>
      %mul3A_722 = vector.broadcast %squeeze3A_84 : f32 to vector<16xf32>
      %mul3A_723 = arith.mulf %convert_element_type3A_721, %mul3A_722 : vector<16xf32>
      %convert_element_type3A_724 = arith.fptosi %mul3A_723 : vector<16xf32> to vector<16xi32>
      %max3A_725 = arith.constant 0 : i32
      %max3A_726 = vector.broadcast %max3A_725 : i32 to vector<16xi32>
      %max3A_727 = arith.maxsi %convert_element_type3A_724, %max3A_726 : vector<16xi32>
      %min3A_728 = arith.constant 27 : i32
      %min3A_729 = vector.broadcast %min3A_728 : i32 to vector<16xi32>
      %min3A_730 = arith.minsi %max3A_727, %min3A_729 : vector<16xi32>
      %ge3A_731 = vector.broadcast %squeeze3A : i32 to vector<16xi32>
      %ge3A_732 = arith.cmpi sge, %add3A_718, %ge3A_731 : vector<16xi32>
      %lt3A_733 = vector.broadcast %squeeze3A_80 : i32 to vector<16xi32>
      %lt3A_734 = arith.cmpi slt, %add3A_718, %lt3A_733 : vector<16xi32>
      %and3A_735 = arith.andi %ge3A_732, %lt3A_734 : vector<16xi1>
      %jit3A_736 = arith.constant 28 : i32
      %broadcast_in_dim3A_737 = vector.broadcast %jit3A_736 : i32 to vector<16xi32>
      %select_n3A_738 = arith.select %and3A_735, %min3A_730, %broadcast_in_dim3A_737 : vector<16xi1>, vector<16xi32>
      %swap3A_739 = arith.constant 16 : index
      %swap3A_740 = tpu.vector_load %arg11[%swap3A_739] {strides = array<i32>} : memref<384xi32, #tpu.memory_space<vmem>>, vector<16xi32>,
      tpu.vector_store %arg11[%swap3A_739], %select_n3A_738 {strides = array<i32>} : memref<384xi32, #tpu.memory_space<vmem>>, vector<16xi32>,
      %add3A_741 = arith.constant 32 : i32
      %add3A_742 = vector.broadcast %add3A_741 : i32 to vector<16xi32>
      %add3A_743 = arith.addi %iota3A, %add3A_742 : vector<16xi32>
      %sub3A_744 = vector.broadcast %squeeze3A : i32 to vector<16xi32>
      %sub3A_745 = arith.subi %add3A_743, %sub3A_744 : vector<16xi32>
      %convert_element_type3A_746 = arith.sitofp %sub3A_745 : vector<16xi32> to vector<16xf32>
      %mul3A_747 = vector.broadcast %squeeze3A_84 : f32 to vector<16xf32>
      %mul3A_748 = arith.mulf %convert_element_type3A_746, %mul3A_747 : vector<16xf32>
      %convert_element_type3A_749 = arith.fptosi %mul3A_748 : vector<16xf32> to vector<16xi32>
      %max3A_750 = arith.constant 0 : i32
      %max3A_751 = vector.broadcast %max3A_750 : i32 to vector<16xi32>
      %max3A_752 = arith.maxsi %convert_element_type3A_749, %max3A_751 : vector<16xi32>
      %min3A_753 = arith.constant 27 : i32
      %min3A_754 = vector.broadcast %min3A_753 : i32 to vector<16xi32>
      %min3A_755 = arith.minsi %max3A_752, %min3A_754 : vector<16xi32>
      %ge3A_756 = vector.broadcast %squeeze3A : i32 to vector<16xi32>
      %ge3A_757 = arith.cmpi sge, %add3A_743, %ge3A_756 : vector<16xi32>
      %lt3A_758 = vector.broadcast %squeeze3A_80 : i32 to vector<16xi32>
      %lt3A_759 = arith.cmpi slt, %add3A_743, %lt3A_758 : vector<16xi32>
      %and3A_760 = arith.andi %ge3A_757, %lt3A_759 : vector<16xi1>
      %jit3A_761 = arith.constant 28 : i32
      %broadcast_in_dim3A_762 = vector.broadcast %jit3A_761 : i32 to vector<16xi32>
      %select_n3A_763 = arith.select %and3A_760, %min3A_755, %broadcast_in_dim3A_762 : vector<16xi1>, vector<16xi32>
      %swap3A_764 = arith.constant 32 : index
      %swap3A_765 = tpu.vector_load %arg11[%swap3A_764] {strides = array<i32>} : memref<384xi32, #tpu.memory_space<vmem>>, vector<16xi32>,
      tpu.vector_store %arg11[%swap3A_764], %select_n3A_763 {strides = array<i32>} : memref<384xi32, #tpu.memory_space<vmem>>, vector<16xi32>,
      %add3A_766 = arith.constant 48 : i32
      %add3A_767 = vector.broadcast %add3A_766 : i32 to vector<16xi32>
      %add3A_768 = arith.addi %iota3A, %add3A_767 : vector<16xi32>
      %sub3A_769 = vector.broadcast %squeeze3A : i32 to vector<16xi32>
      %sub3A_770 = arith.subi %add3A_768, %sub3A_769 : vector<16xi32>
      %convert_element_type3A_771 = arith.sitofp %sub3A_770 : vector<16xi32> to vector<16xf32>
      %mul3A_772 = vector.broadcast %squeeze3A_84 : f32 to vector<16xf32>
      %mul3A_773 = arith.mulf %convert_element_type3A_771, %mul3A_772 : vector<16xf32>
      %convert_element_type3A_774 = arith.fptosi %mul3A_773 : vector<16xf32> to vector<16xi32>
      %max3A_775 = arith.constant 0 : i32
      %max3A_776 = vector.broadcast %max3A_775 : i32 to vector<16xi32>
      %max3A_777 = arith.maxsi %convert_element_type3A_774, %max3A_776 : vector<16xi32>
      %min3A_778 = arith.constant 27 : i32
      %min3A_779 = vector.broadcast %min3A_778 : i32 to vector<16xi32>
      %min3A_780 = arith.minsi %max3A_777, %min3A_779 : vector<16xi32>
      %ge3A_781 = vector.broadcast %squeeze3A : i32 to vector<16xi32>
      %ge3A_782 = arith.cmpi sge, %add3A_768, %ge3A_781 : vector<16xi32>
      %lt3A_783 = vector.broadcast %squeeze3A_80 : i32 to vector<16xi32>
      %lt3A_784 = arith.cmpi slt, %add3A_768, %lt3A_783 : vector<16xi32>
      %and3A_785 = arith.andi %ge3A_782, %lt3A_784 : vector<16xi1>
      %jit3A_786 = arith.constant 28 : i32
      %broadcast_in_dim3A_787 = vector.broadcast %jit3A_786 : i32 to vector<16xi32>
      %select_n3A_788 = arith.select %and3A_785, %min3A_780, %broadcast_in_dim3A_787 : vector<16xi1>, vector<16xi32>
      %swap3A_789 = arith.constant 48 : index
      %swap3A_790 = tpu.vector_load %arg11[%swap3A_789] {strides = array<i32>} : memref<384xi32, #tpu.memory_space<vmem>>, vector<16xi32>,
      tpu.vector_store %arg11[%swap3A_789], %select_n3A_788 {strides = array<i32>} : memref<384xi32, #tpu.memory_space<vmem>>, vector<16xi32>,
      %add3A_791 = arith.constant 64 : i32
      %add3A_792 = vector.broadcast %add3A_791 : i32 to vector<16xi32>
      %add3A_793 = arith.addi %iota3A, %add3A_792 : vector<16xi32>
      %sub3A_794 = vector.broadcast %squeeze3A : i32 to vector<16xi32>
      %sub3A_795 = arith.subi %add3A_793, %sub3A_794 : vector<16xi32>
      %convert_element_type3A_796 = arith.sitofp %sub3A_795 : vector<16xi32> to vector<16xf32>
      %mul3A_797 = vector.broadcast %squeeze3A_84 : f32 to vector<16xf32>
      %mul3A_798 = arith.mulf %convert_element_type3A_796, %mul3A_797 : vector<16xf32>
      %convert_element_type3A_799 = arith.fptosi %mul3A_798 : vector<16xf32> to vector<16xi32>
      %max3A_800 = arith.constant 0 : i32
      %max3A_801 = vector.broadcast %max3A_800 : i32 to vector<16xi32>
      %max3A_802 = arith.maxsi %convert_element_type3A_799, %max3A_801 : vector<16xi32>
      %min3A_803 = arith.constant 27 : i32
      %min3A_804 = vector.broadcast %min3A_803 : i32 to vector<16xi32>
      %min3A_805 = arith.minsi %max3A_802, %min3A_804 : vector<16xi32>
      %ge3A_806 = vector.broadcast %squeeze3A : i32 to vector<16xi32>
      %ge3A_807 = arith.cmpi sge, %add3A_793, %ge3A_806 : vector<16xi32>
      %lt3A_808 = vector.broadcast %squeeze3A_80 : i32 to vector<16xi32>
      %lt3A_809 = arith.cmpi slt, %add3A_793, %lt3A_808 : vector<16xi32>
      %and3A_810 = arith.andi %ge3A_807, %lt3A_809 : vector<16xi1>
      %jit3A_811 = arith.constant 28 : i32
      %broadcast_in_dim3A_812 = vector.broadcast %jit3A_811 : i32 to vector<16xi32>
      %select_n3A_813 = arith.select %and3A_810, %min3A_805, %broadcast_in_dim3A_812 : vector<16xi1>, vector<16xi32>
      %swap3A_814 = arith.constant 64 : index
      %swap3A_815 = tpu.vector_load %arg11[%swap3A_814] {strides = array<i32>} : memref<384xi32, #tpu.memory_space<vmem>>, vector<16xi32>,
      tpu.vector_store %arg11[%swap3A_814], %select_n3A_813 {strides = array<i32>} : memref<384xi32, #tpu.memory_space<vmem>>, vector<16xi32>,
      %add3A_816 = arith.constant 80 : i32
      %add3A_817 = vector.broadcast %add3A_816 : i32 to vector<16xi32>
      %add3A_818 = arith.addi %iota3A, %add3A_817 : vector<16xi32>
      %sub3A_819 = vector.broadcast %squeeze3A : i32 to vector<16xi32>
      %sub3A_820 = arith.subi %add3A_818, %sub3A_819 : vector<16xi32>
      %convert_element_type3A_821 = arith.sitofp %sub3A_820 : vector<16xi32> to vector<16xf32>
      %mul3A_822 = vector.broadcast %squeeze3A_84 : f32 to vector<16xf32>
      %mul3A_823 = arith.mulf %convert_element_type3A_821, %mul3A_822 : vector<16xf32>
      %convert_element_type3A_824 = arith.fptosi %mul3A_823 : vector<16xf32> to vector<16xi32>
      %max3A_825 = arith.constant 0 : i32
      %max3A_826 = vector.broadcast %max3A_825 : i32 to vector<16xi32>
      %max3A_827 = arith.maxsi %convert_element_type3A_824, %max3A_826 : vector<16xi32>
      %min3A_828 = arith.constant 27 : i32
      %min3A_829 = vector.broadcast %min3A_828 : i32 to vector<16xi32>
      %min3A_830 = arith.minsi %max3A_827, %min3A_829 : vector<16xi32>
      %ge3A_831 = vector.broadcast %squeeze3A : i32 to vector<16xi32>
      %ge3A_832 = arith.cmpi sge, %add3A_818, %ge3A_831 : vector<16xi32>
      %lt3A_833 = vector.broadcast %squeeze3A_80 : i32 to vector<16xi32>
      %lt3A_834 = arith.cmpi slt, %add3A_818, %lt3A_833 : vector<16xi32>
      %and3A_835 = arith.andi %ge3A_832, %lt3A_834 : vector<16xi1>
      %jit3A_836 = arith.constant 28 : i32
      %broadcast_in_dim3A_837 = vector.broadcast %jit3A_836 : i32 to vector<16xi32>
      %select_n3A_838 = arith.select %and3A_835, %min3A_830, %broadcast_in_dim3A_837 : vector<16xi1>, vector<16xi32>
      %swap3A_839 = arith.constant 80 : index
      %swap3A_840 = tpu.vector_load %arg11[%swap3A_839] {strides = array<i32>} : memref<384xi32, #tpu.memory_space<vmem>>, vector<16xi32>,
      tpu.vector_store %arg11[%swap3A_839], %select_n3A_838 {strides = array<i32>} : memref<384xi32, #tpu.memory_space<vmem>>, vector<16xi32>,
      %add3A_841 = arith.constant 96 : i32
      %add3A_842 = vector.broadcast %add3A_841 : i32 to vector<16xi32>
      %add3A_843 = arith.addi %iota3A, %add3A_842 : vector<16xi32>
      %sub3A_844 = vector.broadcast %squeeze3A : i32 to vector<16xi32>
      %sub3A_845 = arith.subi %add3A_843, %sub3A_844 : vector<16xi32>
      %convert_element_type3A_846 = arith.sitofp %sub3A_845 : vector<16xi32> to vector<16xf32>
      %mul3A_847 = vector.broadcast %squeeze3A_84 : f32 to vector<16xf32>
      %mul3A_848 = arith.mulf %convert_element_type3A_846, %mul3A_847 : vector<16xf32>
      %convert_element_type3A_849 = arith.fptosi %mul3A_848 : vector<16xf32> to vector<16xi32>
      %max3A_850 = arith.constant 0 : i32
      %max3A_851 = vector.broadcast %max3A_850 : i32 to vector<16xi32>
      %max3A_852 = arith.maxsi %convert_element_type3A_849, %max3A_851 : vector<16xi32>
      %min3A_853 = arith.constant 27 : i32
      %min3A_854 = vector.broadcast %min3A_853 : i32 to vector<16xi32>
      %min3A_855 = arith.minsi %max3A_852, %min3A_854 : vector<16xi32>
      %ge3A_856 = vector.broadcast %squeeze3A : i32 to vector<16xi32>
      %ge3A_857 = arith.cmpi sge, %add3A_843, %ge3A_856 : vector<16xi32>
      %lt3A_858 = vector.broadcast %squeeze3A_80 : i32 to vector<16xi32>
      %lt3A_859 = arith.cmpi slt, %add3A_843, %lt3A_858 : vector<16xi32>
      %and3A_860 = arith.andi %ge3A_857, %lt3A_859 : vector<16xi1>
      %jit3A_861 = arith.constant 28 : i32
      %broadcast_in_dim3A_862 = vector.broadcast %jit3A_861 : i32 to vector<16xi32>
      %select_n3A_863 = arith.select %and3A_860, %min3A_855, %broadcast_in_dim3A_862 : vector<16xi1>, vector<16xi32>
      %swap3A_864 = arith.constant 96 : index
      %swap3A_865 = tpu.vector_load %arg11[%swap3A_864] {strides = array<i32>} : memref<384xi32, #tpu.memory_space<vmem>>, vector<16xi32>,
      tpu.vector_store %arg11[%swap3A_864], %select_n3A_863 {strides = array<i32>} : memref<384xi32, #tpu.memory_space<vmem>>, vector<16xi32>,
      %add3A_866 = arith.constant 112 : i32
      %add3A_867 = vector.broadcast %add3A_866 : i32 to vector<16xi32>
      %add3A_868 = arith.addi %iota3A, %add3A_867 : vector<16xi32>
      %sub3A_869 = vector.broadcast %squeeze3A : i32 to vector<16xi32>
      %sub3A_870 = arith.subi %add3A_868, %sub3A_869 : vector<16xi32>
      %convert_element_type3A_871 = arith.sitofp %sub3A_870 : vector<16xi32> to vector<16xf32>
      %mul3A_872 = vector.broadcast %squeeze3A_84 : f32 to vector<16xf32>
      %mul3A_873 = arith.mulf %convert_element_type3A_871, %mul3A_872 : vector<16xf32>
      %convert_element_type3A_874 = arith.fptosi %mul3A_873 : vector<16xf32> to vector<16xi32>
      %max3A_875 = arith.constant 0 : i32
      %max3A_876 = vector.broadcast %max3A_875 : i32 to vector<16xi32>
      %max3A_877 = arith.maxsi %convert_element_type3A_874, %max3A_876 : vector<16xi32>
      %min3A_878 = arith.constant 27 : i32
      %min3A_879 = vector.broadcast %min3A_878 : i32 to vector<16xi32>
      %min3A_880 = arith.minsi %max3A_877, %min3A_879 : vector<16xi32>
      %ge3A_881 = vector.broadcast %squeeze3A : i32 to vector<16xi32>
      %ge3A_882 = arith.cmpi sge, %add3A_868, %ge3A_881 : vector<16xi32>
      %lt3A_883 = vector.broadcast %squeeze3A_80 : i32 to vector<16xi32>
      %lt3A_884 = arith.cmpi slt, %add3A_868, %lt3A_883 : vector<16xi32>
      %and3A_885 = arith.andi %ge3A_882, %lt3A_884 : vector<16xi1>
      %jit3A_886 = arith.constant 28 : i32
      %broadcast_in_dim3A_887 = vector.broadcast %jit3A_886 : i32 to vector<16xi32>
      %select_n3A_888 = arith.select %and3A_885, %min3A_880, %broadcast_in_dim3A_887 : vector<16xi1>, vector<16xi32>
      %swap3A_889 = arith.constant 112 : index
      %swap3A_890 = tpu.vector_load %arg11[%swap3A_889] {strides = array<i32>} : memref<384xi32, #tpu.memory_space<vmem>>, vector<16xi32>,
      tpu.vector_store %arg11[%swap3A_889], %select_n3A_888 {strides = array<i32>} : memref<384xi32, #tpu.memory_space<vmem>>, vector<16xi32>,
      %add3A_891 = arith.constant 128 : i32
      %add3A_892 = vector.broadcast %add3A_891 : i32 to vector<16xi32>
      %add3A_893 = arith.addi %iota3A, %add3A_892 : vector<16xi32>
      %sub3A_894 = vector.broadcast %squeeze3A : i32 to vector<16xi32>
      %sub3A_895 = arith.subi %add3A_893, %sub3A_894 : vector<16xi32>
      %convert_element_type3A_896 = arith.sitofp %sub3A_895 : vector<16xi32> to vector<16xf32>
      %mul3A_897 = vector.broadcast %squeeze3A_84 : f32 to vector<16xf32>
      %mul3A_898 = arith.mulf %convert_element_type3A_896, %mul3A_897 : vector<16xf32>
      %convert_element_type3A_899 = arith.fptosi %mul3A_898 : vector<16xf32> to vector<16xi32>
      %max3A_900 = arith.constant 0 : i32
      %max3A_901 = vector.broadcast %max3A_900 : i32 to vector<16xi32>
      %max3A_902 = arith.maxsi %convert_element_type3A_899, %max3A_901 : vector<16xi32>
      %min3A_903 = arith.constant 27 : i32
      %min3A_904 = vector.broadcast %min3A_903 : i32 to vector<16xi32>
      %min3A_905 = arith.minsi %max3A_902, %min3A_904 : vector<16xi32>
      %ge3A_906 = vector.broadcast %squeeze3A : i32 to vector<16xi32>
      %ge3A_907 = arith.cmpi sge, %add3A_893, %ge3A_906 : vector<16xi32>
      %lt3A_908 = vector.broadcast %squeeze3A_80 : i32 to vector<16xi32>
      %lt3A_909 = arith.cmpi slt, %add3A_893, %lt3A_908 : vector<16xi32>
      %and3A_910 = arith.andi %ge3A_907, %lt3A_909 : vector<16xi1>
      %jit3A_911 = arith.constant 28 : i32
      %broadcast_in_dim3A_912 = vector.broadcast %jit3A_911 : i32 to vector<16xi32>
      %select_n3A_913 = arith.select %and3A_910, %min3A_905, %broadcast_in_dim3A_912 : vector<16xi1>, vector<16xi32>
      %swap3A_914 = arith.constant 128 : index
      %swap3A_915 = tpu.vector_load %arg11[%swap3A_914] {strides = array<i32>} : memref<384xi32, #tpu.memory_space<vmem>>, vector<16xi32>,
      tpu.vector_store %arg11[%swap3A_914], %select_n3A_913 {strides = array<i32>} : memref<384xi32, #tpu.memory_space<vmem>>, vector<16xi32>,
      %add3A_916 = arith.constant 144 : i32
      %add3A_917 = vector.broadcast %add3A_916 : i32 to vector<16xi32>
      %add3A_918 = arith.addi %iota3A, %add3A_917 : vector<16xi32>
      %sub3A_919 = vector.broadcast %squeeze3A : i32 to vector<16xi32>
      %sub3A_920 = arith.subi %add3A_918, %sub3A_919 : vector<16xi32>
      %convert_element_type3A_921 = arith.sitofp %sub3A_920 : vector<16xi32> to vector<16xf32>
      %mul3A_922 = vector.broadcast %squeeze3A_84 : f32 to vector<16xf32>
      %mul3A_923 = arith.mulf %convert_element_type3A_921, %mul3A_922 : vector<16xf32>
      %convert_element_type3A_924 = arith.fptosi %mul3A_923 : vector<16xf32> to vector<16xi32>
      %max3A_925 = arith.constant 0 : i32
      %max3A_926 = vector.broadcast %max3A_925 : i32 to vector<16xi32>
      %max3A_927 = arith.maxsi %convert_element_type3A_924, %max3A_926 : vector<16xi32>
      %min3A_928 = arith.constant 27 : i32
      %min3A_929 = vector.broadcast %min3A_928 : i32 to vector<16xi32>
      %min3A_930 = arith.minsi %max3A_927, %min3A_929 : vector<16xi32>
      %ge3A_931 = vector.broadcast %squeeze3A : i32 to vector<16xi32>
      %ge3A_932 = arith.cmpi sge, %add3A_918, %ge3A_931 : vector<16xi32>
      %lt3A_933 = vector.broadcast %squeeze3A_80 : i32 to vector<16xi32>
      %lt3A_934 = arith.cmpi slt, %add3A_918, %lt3A_933 : vector<16xi32>
      %and3A_935 = arith.andi %ge3A_932, %lt3A_934 : vector<16xi1>
      %jit3A_936 = arith.constant 28 : i32
      %broadcast_in_dim3A_937 = vector.broadcast %jit3A_936 : i32 to vector<16xi32>
      %select_n3A_938 = arith.select %and3A_935, %min3A_930, %broadcast_in_dim3A_937 : vector<16xi1>, vector<16xi32>
      %swap3A_939 = arith.constant 144 : index
      %swap3A_940 = tpu.vector_load %arg11[%swap3A_939] {strides = array<i32>} : memref<384xi32, #tpu.memory_space<vmem>>, vector<16xi32>,
      tpu.vector_store %arg11[%swap3A_939], %select_n3A_938 {strides = array<i32>} : memref<384xi32, #tpu.memory_space<vmem>>, vector<16xi32>,
      %add3A_941 = arith.constant 160 : i32
      %add3A_942 = vector.broadcast %add3A_941 : i32 to vector<16xi32>
      %add3A_943 = arith.addi %iota3A, %add3A_942 : vector<16xi32>
      %sub3A_944 = vector.broadcast %squeeze3A : i32 to vector<16xi32>
      %sub3A_945 = arith.subi %add3A_943, %sub3A_944 : vector<16xi32>
      %convert_element_type3A_946 = arith.sitofp %sub3A_945 : vector<16xi32> to vector<16xf32>
      %mul3A_947 = vector.broadcast %squeeze3A_84 : f32 to vector<16xf32>
      %mul3A_948 = arith.mulf %convert_element_type3A_946, %mul3A_947 : vector<16xf32>
      %convert_element_type3A_949 = arith.fptosi %mul3A_948 : vector<16xf32> to vector<16xi32>
      %max3A_950 = arith.constant 0 : i32
      %max3A_951 = vector.broadcast %max3A_950 : i32 to vector<16xi32>
      %max3A_952 = arith.maxsi %convert_element_type3A_949, %max3A_951 : vector<16xi32>
      %min3A_953 = arith.constant 27 : i32
      %min3A_954 = vector.broadcast %min3A_953 : i32 to vector<16xi32>
      %min3A_955 = arith.minsi %max3A_952, %min3A_954 : vector<16xi32>
      %ge3A_956 = vector.broadcast %squeeze3A : i32 to vector<16xi32>
      %ge3A_957 = arith.cmpi sge, %add3A_943, %ge3A_956 : vector<16xi32>
      %lt3A_958 = vector.broadcast %squeeze3A_80 : i32 to vector<16xi32>
      %lt3A_959 = arith.cmpi slt, %add3A_943, %lt3A_958 : vector<16xi32>
      %and3A_960 = arith.andi %ge3A_957, %lt3A_959 : vector<16xi1>
      %jit3A_961 = arith.constant 28 : i32
      %broadcast_in_dim3A_962 = vector.broadcast %jit3A_961 : i32 to vector<16xi32>
      %select_n3A_963 = arith.select %and3A_960, %min3A_955, %broadcast_in_dim3A_962 : vector<16xi1>, vector<16xi32>
      %swap3A_964 = arith.constant 160 : index
      %swap3A_965 = tpu.vector_load %arg11[%swap3A_964] {strides = array<i32>} : memref<384xi32, #tpu.memory_space<vmem>>, vector<16xi32>,
      tpu.vector_store %arg11[%swap3A_964], %select_n3A_963 {strides = array<i32>} : memref<384xi32, #tpu.memory_space<vmem>>, vector<16xi32>,
      %add3A_966 = arith.constant 176 : i32
      %add3A_967 = vector.broadcast %add3A_966 : i32 to vector<16xi32>
      %add3A_968 = arith.addi %iota3A, %add3A_967 : vector<16xi32>
      %sub3A_969 = vector.broadcast %squeeze3A : i32 to vector<16xi32>
      %sub3A_970 = arith.subi %add3A_968, %sub3A_969 : vector<16xi32>
      %convert_element_type3A_971 = arith.sitofp %sub3A_970 : vector<16xi32> to vector<16xf32>
      %mul3A_972 = vector.broadcast %squeeze3A_84 : f32 to vector<16xf32>
      %mul3A_973 = arith.mulf %convert_element_type3A_971, %mul3A_972 : vector<16xf32>
      %convert_element_type3A_974 = arith.fptosi %mul3A_973 : vector<16xf32> to vector<16xi32>
      %max3A_975 = arith.constant 0 : i32
      %max3A_976 = vector.broadcast %max3A_975 : i32 to vector<16xi32>
      %max3A_977 = arith.maxsi %convert_element_type3A_974, %max3A_976 : vector<16xi32>
      %min3A_978 = arith.constant 27 : i32
      %min3A_979 = vector.broadcast %min3A_978 : i32 to vector<16xi32>
      %min3A_980 = arith.minsi %max3A_977, %min3A_979 : vector<16xi32>
      %ge3A_981 = vector.broadcast %squeeze3A : i32 to vector<16xi32>
      %ge3A_982 = arith.cmpi sge, %add3A_968, %ge3A_981 : vector<16xi32>
      %lt3A_983 = vector.broadcast %squeeze3A_80 : i32 to vector<16xi32>
      %lt3A_984 = arith.cmpi slt, %add3A_968, %lt3A_983 : vector<16xi32>
      %and3A_985 = arith.andi %ge3A_982, %lt3A_984 : vector<16xi1>
      %jit3A_986 = arith.constant 28 : i32
      %broadcast_in_dim3A_987 = vector.broadcast %jit3A_986 : i32 to vector<16xi32>
      %select_n3A_988 = arith.select %and3A_985, %min3A_980, %broadcast_in_dim3A_987 : vector<16xi1>, vector<16xi32>
      %swap3A_989 = arith.constant 176 : index
      %swap3A_990 = tpu.vector_load %arg11[%swap3A_989] {strides = array<i32>} : memref<384xi32, #tpu.memory_space<vmem>>, vector<16xi32>,
      tpu.vector_store %arg11[%swap3A_989], %select_n3A_988 {strides = array<i32>} : memref<384xi32, #tpu.memory_space<vmem>>, vector<16xi32>,
      %add3A_991 = arith.constant 192 : i32
      %add3A_992 = vector.broadcast %add3A_991 : i32 to vector<16xi32>
      %add3A_993 = arith.addi %iota3A, %add3A_992 : vector<16xi32>
      %sub3A_994 = vector.broadcast %squeeze3A : i32 to vector<16xi32>
      %sub3A_995 = arith.subi %add3A_993, %sub3A_994 : vector<16xi32>
      %convert_element_type3A_996 = arith.sitofp %sub3A_995 : vector<16xi32> to vector<16xf32>
      %mul3A_997 = vector.broadcast %squeeze3A_84 : f32 to vector<16xf32>
      %mul3A_998 = arith.mulf %convert_element_type3A_996, %mul3A_997 : vector<16xf32>
      %convert_element_type3A_999 = arith.fptosi %mul3A_998 : vector<16xf32> to vector<16xi32>
      %max3A_1000 = arith.constant 0 : i32
      %max3A_1001 = vector.broadcast %max3A_1000 : i32 to vector<16xi32>
      %max3A_1002 = arith.maxsi %convert_element_type3A_999, %max3A_1001 : vector<16xi32>
      %min3A_1003 = arith.constant 27 : i32
      %min3A_1004 = vector.broadcast %min3A_1003 : i32 to vector<16xi32>
      %min3A_1005 = arith.minsi %max3A_1002, %min3A_1004 : vector<16xi32>
      %ge3A_1006 = vector.broadcast %squeeze3A : i32 to vector<16xi32>
      %ge3A_1007 = arith.cmpi sge, %add3A_993, %ge3A_1006 : vector<16xi32>
      %lt3A_1008 = vector.broadcast %squeeze3A_80 : i32 to vector<16xi32>
      %lt3A_1009 = arith.cmpi slt, %add3A_993, %lt3A_1008 : vector<16xi32>
      %and3A_1010 = arith.andi %ge3A_1007, %lt3A_1009 : vector<16xi1>
      %jit3A_1011 = arith.constant 28 : i32
      %broadcast_in_dim3A_1012 = vector.broadcast %jit3A_1011 : i32 to vector<16xi32>
      %select_n3A_1013 = arith.select %and3A_1010, %min3A_1005, %broadcast_in_dim3A_1012 : vector<16xi1>, vector<16xi32>
      %swap3A_1014 = arith.constant 192 : index
      %swap3A_1015 = tpu.vector_load %arg11[%swap3A_1014] {strides = array<i32>} : memref<384xi32, #tpu.memory_space<vmem>>, vector<16xi32>,
      tpu.vector_store %arg11[%swap3A_1014], %select_n3A_1013 {strides = array<i32>} : memref<384xi32, #tpu.memory_space<vmem>>, vector<16xi32>,
      %add3A_1016 = arith.constant 208 : i32
      %add3A_1017 = vector.broadcast %add3A_1016 : i32 to vector<16xi32>
      %add3A_1018 = arith.addi %iota3A, %add3A_1017 : vector<16xi32>
      %sub3A_1019 = vector.broadcast %squeeze3A : i32 to vector<16xi32>
      %sub3A_1020 = arith.subi %add3A_1018, %sub3A_1019 : vector<16xi32>
      %convert_element_type3A_1021 = arith.sitofp %sub3A_1020 : vector<16xi32> to vector<16xf32>
      %mul3A_1022 = vector.broadcast %squeeze3A_84 : f32 to vector<16xf32>
      %mul3A_1023 = arith.mulf %convert_element_type3A_1021, %mul3A_1022 : vector<16xf32>
      %convert_element_type3A_1024 = arith.fptosi %mul3A_1023 : vector<16xf32> to vector<16xi32>
      %max3A_1025 = arith.constant 0 : i32
      %max3A_1026 = vector.broadcast %max3A_1025 : i32 to vector<16xi32>
      %max3A_1027 = arith.maxsi %convert_element_type3A_1024, %max3A_1026 : vector<16xi32>
      %min3A_1028 = arith.constant 27 : i32
      %min3A_1029 = vector.broadcast %min3A_1028 : i32 to vector<16xi32>
      %min3A_1030 = arith.minsi %max3A_1027, %min3A_1029 : vector<16xi32>
      %ge3A_1031 = vector.broadcast %squeeze3A : i32 to vector<16xi32>
      %ge3A_1032 = arith.cmpi sge, %add3A_1018, %ge3A_1031 : vector<16xi32>
      %lt3A_1033 = vector.broadcast %squeeze3A_80 : i32 to vector<16xi32>
      %lt3A_1034 = arith.cmpi slt, %add3A_1018, %lt3A_1033 : vector<16xi32>
      %and3A_1035 = arith.andi %ge3A_1032, %lt3A_1034 : vector<16xi1>
      %jit3A_1036 = arith.constant 28 : i32
      %broadcast_in_dim3A_1037 = vector.broadcast %jit3A_1036 : i32 to vector<16xi32>
      %select_n3A_1038 = arith.select %and3A_1035, %min3A_1030, %broadcast_in_dim3A_1037 : vector<16xi1>, vector<16xi32>
      %swap3A_1039 = arith.constant 208 : index
      %swap3A_1040 = tpu.vector_load %arg11[%swap3A_1039] {strides = array<i32>} : memref<384xi32, #tpu.memory_space<vmem>>, vector<16xi32>,
      tpu.vector_store %arg11[%swap3A_1039], %select_n3A_1038 {strides = array<i32>} : memref<384xi32, #tpu.memory_space<vmem>>, vector<16xi32>,
      %add3A_1041 = arith.constant 224 : i32
      %add3A_1042 = vector.broadcast %add3A_1041 : i32 to vector<16xi32>
      %add3A_1043 = arith.addi %iota3A, %add3A_1042 : vector<16xi32>
      %sub3A_1044 = vector.broadcast %squeeze3A : i32 to vector<16xi32>
      %sub3A_1045 = arith.subi %add3A_1043, %sub3A_1044 : vector<16xi32>
      %convert_element_type3A_1046 = arith.sitofp %sub3A_1045 : vector<16xi32> to vector<16xf32>
      %mul3A_1047 = vector.broadcast %squeeze3A_84 : f32 to vector<16xf32>
      %mul3A_1048 = arith.mulf %convert_element_type3A_1046, %mul3A_1047 : vector<16xf32>
      %convert_element_type3A_1049 = arith.fptosi %mul3A_1048 : vector<16xf32> to vector<16xi32>
      %max3A_1050 = arith.constant 0 : i32
      %max3A_1051 = vector.broadcast %max3A_1050 : i32 to vector<16xi32>
      %max3A_1052 = arith.maxsi %convert_element_type3A_1049, %max3A_1051 : vector<16xi32>
      %min3A_1053 = arith.constant 27 : i32
      %min3A_1054 = vector.broadcast %min3A_1053 : i32 to vector<16xi32>
      %min3A_1055 = arith.minsi %max3A_1052, %min3A_1054 : vector<16xi32>
      %ge3A_1056 = vector.broadcast %squeeze3A : i32 to vector<16xi32>
      %ge3A_1057 = arith.cmpi sge, %add3A_1043, %ge3A_1056 : vector<16xi32>
      %lt3A_1058 = vector.broadcast %squeeze3A_80 : i32 to vector<16xi32>
      %lt3A_1059 = arith.cmpi slt, %add3A_1043, %lt3A_1058 : vector<16xi32>
      %and3A_1060 = arith.andi %ge3A_1057, %lt3A_1059 : vector<16xi1>
      %jit3A_1061 = arith.constant 28 : i32
      %broadcast_in_dim3A_1062 = vector.broadcast %jit3A_1061 : i32 to vector<16xi32>
      %select_n3A_1063 = arith.select %and3A_1060, %min3A_1055, %broadcast_in_dim3A_1062 : vector<16xi1>, vector<16xi32>
      %swap3A_1064 = arith.constant 224 : index
      %swap3A_1065 = tpu.vector_load %arg11[%swap3A_1064] {strides = array<i32>} : memref<384xi32, #tpu.memory_space<vmem>>, vector<16xi32>,
      tpu.vector_store %arg11[%swap3A_1064], %select_n3A_1063 {strides = array<i32>} : memref<384xi32, #tpu.memory_space<vmem>>, vector<16xi32>,
      %add3A_1066 = arith.constant 240 : i32
      %add3A_1067 = vector.broadcast %add3A_1066 : i32 to vector<16xi32>
      %add3A_1068 = arith.addi %iota3A, %add3A_1067 : vector<16xi32>
      %sub3A_1069 = vector.broadcast %squeeze3A : i32 to vector<16xi32>
      %sub3A_1070 = arith.subi %add3A_1068, %sub3A_1069 : vector<16xi32>
      %convert_element_type3A_1071 = arith.sitofp %sub3A_1070 : vector<16xi32> to vector<16xf32>
      %mul3A_1072 = vector.broadcast %squeeze3A_84 : f32 to vector<16xf32>
      %mul3A_1073 = arith.mulf %convert_element_type3A_1071, %mul3A_1072 : vector<16xf32>
      %convert_element_type3A_1074 = arith.fptosi %mul3A_1073 : vector<16xf32> to vector<16xi32>
      %max3A_1075 = arith.constant 0 : i32
      %max3A_1076 = vector.broadcast %max3A_1075 : i32 to vector<16xi32>
      %max3A_1077 = arith.maxsi %convert_element_type3A_1074, %max3A_1076 : vector<16xi32>
      %min3A_1078 = arith.constant 27 : i32
      %min3A_1079 = vector.broadcast %min3A_1078 : i32 to vector<16xi32>
      %min3A_1080 = arith.minsi %max3A_1077, %min3A_1079 : vector<16xi32>
      %ge3A_1081 = vector.broadcast %squeeze3A : i32 to vector<16xi32>
      %ge3A_1082 = arith.cmpi sge, %add3A_1068, %ge3A_1081 : vector<16xi32>
      %lt3A_1083 = vector.broadcast %squeeze3A_80 : i32 to vector<16xi32>
      %lt3A_1084 = arith.cmpi slt, %add3A_1068, %lt3A_1083 : vector<16xi32>
      %and3A_1085 = arith.andi %ge3A_1082, %lt3A_1084 : vector<16xi1>
      %jit3A_1086 = arith.constant 28 : i32
      %broadcast_in_dim3A_1087 = vector.broadcast %jit3A_1086 : i32 to vector<16xi32>
      %select_n3A_1088 = arith.select %and3A_1085, %min3A_1080, %broadcast_in_dim3A_1087 : vector<16xi1>, vector<16xi32>
      %swap3A_1089 = arith.constant 240 : index
      %swap3A_1090 = tpu.vector_load %arg11[%swap3A_1089] {strides = array<i32>} : memref<384xi32, #tpu.memory_space<vmem>>, vector<16xi32>,
      tpu.vector_store %arg11[%swap3A_1089], %select_n3A_1088 {strides = array<i32>} : memref<384xi32, #tpu.memory_space<vmem>>, vector<16xi32>,
      %add3A_1091 = arith.constant 256 : i32
      %add3A_1092 = vector.broadcast %add3A_1091 : i32 to vector<16xi32>
      %add3A_1093 = arith.addi %iota3A, %add3A_1092 : vector<16xi32>
      %sub3A_1094 = vector.broadcast %squeeze3A : i32 to vector<16xi32>
      %sub3A_1095 = arith.subi %add3A_1093, %sub3A_1094 : vector<16xi32>
      %convert_element_type3A_1096 = arith.sitofp %sub3A_1095 : vector<16xi32> to vector<16xf32>
      %mul3A_1097 = vector.broadcast %squeeze3A_84 : f32 to vector<16xf32>
      %mul3A_1098 = arith.mulf %convert_element_type3A_1096, %mul3A_1097 : vector<16xf32>
      %convert_element_type3A_1099 = arith.fptosi %mul3A_1098 : vector<16xf32> to vector<16xi32>
      %max3A_1100 = arith.constant 0 : i32
      %max3A_1101 = vector.broadcast %max3A_1100 : i32 to vector<16xi32>
      %max3A_1102 = arith.maxsi %convert_element_type3A_1099, %max3A_1101 : vector<16xi32>
      %min3A_1103 = arith.constant 27 : i32
      %min3A_1104 = vector.broadcast %min3A_1103 : i32 to vector<16xi32>
      %min3A_1105 = arith.minsi %max3A_1102, %min3A_1104 : vector<16xi32>
      %ge3A_1106 = vector.broadcast %squeeze3A : i32 to vector<16xi32>
      %ge3A_1107 = arith.cmpi sge, %add3A_1093, %ge3A_1106 : vector<16xi32>
      %lt3A_1108 = vector.broadcast %squeeze3A_80 : i32 to vector<16xi32>
      %lt3A_1109 = arith.cmpi slt, %add3A_1093, %lt3A_1108 : vector<16xi32>
      %and3A_1110 = arith.andi %ge3A_1107, %lt3A_1109 : vector<16xi1>
      %jit3A_1111 = arith.constant 28 : i32
      %broadcast_in_dim3A_1112 = vector.broadcast %jit3A_1111 : i32 to vector<16xi32>
      %select_n3A_1113 = arith.select %and3A_1110, %min3A_1105, %broadcast_in_dim3A_1112 : vector<16xi1>, vector<16xi32>
      %swap3A_1114 = arith.constant 256 : index
      %swap3A_1115 = tpu.vector_load %arg11[%swap3A_1114] {strides = array<i32>} : memref<384xi32, #tpu.memory_space<vmem>>, vector<16xi32>,
      tpu.vector_store %arg11[%swap3A_1114], %select_n3A_1113 {strides = array<i32>} : memref<384xi32, #tpu.memory_space<vmem>>, vector<16xi32>,
      %add3A_1116 = arith.constant 272 : i32
      %add3A_1117 = vector.broadcast %add3A_1116 : i32 to vector<16xi32>
      %add3A_1118 = arith.addi %iota3A, %add3A_1117 : vector<16xi32>
      %sub3A_1119 = vector.broadcast %squeeze3A : i32 to vector<16xi32>
      %sub3A_1120 = arith.subi %add3A_1118, %sub3A_1119 : vector<16xi32>
      %convert_element_type3A_1121 = arith.sitofp %sub3A_1120 : vector<16xi32> to vector<16xf32>
      %mul3A_1122 = vector.broadcast %squeeze3A_84 : f32 to vector<16xf32>
      %mul3A_1123 = arith.mulf %convert_element_type3A_1121, %mul3A_1122 : vector<16xf32>
      %convert_element_type3A_1124 = arith.fptosi %mul3A_1123 : vector<16xf32> to vector<16xi32>
      %max3A_1125 = arith.constant 0 : i32
      %max3A_1126 = vector.broadcast %max3A_1125 : i32 to vector<16xi32>
      %max3A_1127 = arith.maxsi %convert_element_type3A_1124, %max3A_1126 : vector<16xi32>
      %min3A_1128 = arith.constant 27 : i32
      %min3A_1129 = vector.broadcast %min3A_1128 : i32 to vector<16xi32>
      %min3A_1130 = arith.minsi %max3A_1127, %min3A_1129 : vector<16xi32>
      %ge3A_1131 = vector.broadcast %squeeze3A : i32 to vector<16xi32>
      %ge3A_1132 = arith.cmpi sge, %add3A_1118, %ge3A_1131 : vector<16xi32>
      %lt3A_1133 = vector.broadcast %squeeze3A_80 : i32 to vector<16xi32>
      %lt3A_1134 = arith.cmpi slt, %add3A_1118, %lt3A_1133 : vector<16xi32>
      %and3A_1135 = arith.andi %ge3A_1132, %lt3A_1134 : vector<16xi1>
      %jit3A_1136 = arith.constant 28 : i32
      %broadcast_in_dim3A_1137 = vector.broadcast %jit3A_1136 : i32 to vector<16xi32>
      %select_n3A_1138 = arith.select %and3A_1135, %min3A_1130, %broadcast_in_dim3A_1137 : vector<16xi1>, vector<16xi32>
      %swap3A_1139 = arith.constant 272 : index
      %swap3A_1140 = tpu.vector_load %arg11[%swap3A_1139] {strides = array<i32>} : memref<384xi32, #tpu.memory_space<vmem>>, vector<16xi32>,
      tpu.vector_store %arg11[%swap3A_1139], %select_n3A_1138 {strides = array<i32>} : memref<384xi32, #tpu.memory_space<vmem>>, vector<16xi32>,
      %add3A_1141 = arith.constant 288 : i32
      %add3A_1142 = vector.broadcast %add3A_1141 : i32 to vector<16xi32>
      %add3A_1143 = arith.addi %iota3A, %add3A_1142 : vector<16xi32>
      %sub3A_1144 = vector.broadcast %squeeze3A : i32 to vector<16xi32>
      %sub3A_1145 = arith.subi %add3A_1143, %sub3A_1144 : vector<16xi32>
      %convert_element_type3A_1146 = arith.sitofp %sub3A_1145 : vector<16xi32> to vector<16xf32>
      %mul3A_1147 = vector.broadcast %squeeze3A_84 : f32 to vector<16xf32>
      %mul3A_1148 = arith.mulf %convert_element_type3A_1146, %mul3A_1147 : vector<16xf32>
      %convert_element_type3A_1149 = arith.fptosi %mul3A_1148 : vector<16xf32> to vector<16xi32>
      %max3A_1150 = arith.constant 0 : i32
      %max3A_1151 = vector.broadcast %max3A_1150 : i32 to vector<16xi32>
      %max3A_1152 = arith.maxsi %convert_element_type3A_1149, %max3A_1151 : vector<16xi32>
      %min3A_1153 = arith.constant 27 : i32
      %min3A_1154 = vector.broadcast %min3A_1153 : i32 to vector<16xi32>
      %min3A_1155 = arith.minsi %max3A_1152, %min3A_1154 : vector<16xi32>
      %ge3A_1156 = vector.broadcast %squeeze3A : i32 to vector<16xi32>
      %ge3A_1157 = arith.cmpi sge, %add3A_1143, %ge3A_1156 : vector<16xi32>
      %lt3A_1158 = vector.broadcast %squeeze3A_80 : i32 to vector<16xi32>
      %lt3A_1159 = arith.cmpi slt, %add3A_1143, %lt3A_1158 : vector<16xi32>
      %and3A_1160 = arith.andi %ge3A_1157, %lt3A_1159 : vector<16xi1>
      %jit3A_1161 = arith.constant 28 : i32
      %broadcast_in_dim3A_1162 = vector.broadcast %jit3A_1161 : i32 to vector<16xi32>
      %select_n3A_1163 = arith.select %and3A_1160, %min3A_1155, %broadcast_in_dim3A_1162 : vector<16xi1>, vector<16xi32>
      %swap3A_1164 = arith.constant 288 : index
      %swap3A_1165 = tpu.vector_load %arg11[%swap3A_1164] {strides = array<i32>} : memref<384xi32, #tpu.memory_space<vmem>>, vector<16xi32>,
      tpu.vector_store %arg11[%swap3A_1164], %select_n3A_1163 {strides = array<i32>} : memref<384xi32, #tpu.memory_space<vmem>>, vector<16xi32>,
      %add3A_1166 = arith.constant 304 : i32
      %add3A_1167 = vector.broadcast %add3A_1166 : i32 to vector<16xi32>
      %add3A_1168 = arith.addi %iota3A, %add3A_1167 : vector<16xi32>
      %sub3A_1169 = vector.broadcast %squeeze3A : i32 to vector<16xi32>
      %sub3A_1170 = arith.subi %add3A_1168, %sub3A_1169 : vector<16xi32>
      %convert_element_type3A_1171 = arith.sitofp %sub3A_1170 : vector<16xi32> to vector<16xf32>
      %mul3A_1172 = vector.broadcast %squeeze3A_84 : f32 to vector<16xf32>
      %mul3A_1173 = arith.mulf %convert_element_type3A_1171, %mul3A_1172 : vector<16xf32>
      %convert_element_type3A_1174 = arith.fptosi %mul3A_1173 : vector<16xf32> to vector<16xi32>
      %max3A_1175 = arith.constant 0 : i32
      %max3A_1176 = vector.broadcast %max3A_1175 : i32 to vector<16xi32>
      %max3A_1177 = arith.maxsi %convert_element_type3A_1174, %max3A_1176 : vector<16xi32>
      %min3A_1178 = arith.constant 27 : i32
      %min3A_1179 = vector.broadcast %min3A_1178 : i32 to vector<16xi32>
      %min3A_1180 = arith.minsi %max3A_1177, %min3A_1179 : vector<16xi32>
      %ge3A_1181 = vector.broadcast %squeeze3A : i32 to vector<16xi32>
      %ge3A_1182 = arith.cmpi sge, %add3A_1168, %ge3A_1181 : vector<16xi32>
      %lt3A_1183 = vector.broadcast %squeeze3A_80 : i32 to vector<16xi32>
      %lt3A_1184 = arith.cmpi slt, %add3A_1168, %lt3A_1183 : vector<16xi32>
      %and3A_1185 = arith.andi %ge3A_1182, %lt3A_1184 : vector<16xi1>
      %jit3A_1186 = arith.constant 28 : i32
      %broadcast_in_dim3A_1187 = vector.broadcast %jit3A_1186 : i32 to vector<16xi32>
      %select_n3A_1188 = arith.select %and3A_1185, %min3A_1180, %broadcast_in_dim3A_1187 : vector<16xi1>, vector<16xi32>
      %swap3A_1189 = arith.constant 304 : index
      %swap3A_1190 = tpu.vector_load %arg11[%swap3A_1189] {strides = array<i32>} : memref<384xi32, #tpu.memory_space<vmem>>, vector<16xi32>,
      tpu.vector_store %arg11[%swap3A_1189], %select_n3A_1188 {strides = array<i32>} : memref<384xi32, #tpu.memory_space<vmem>>, vector<16xi32>,
      %add3A_1191 = arith.constant 320 : i32
      %add3A_1192 = vector.broadcast %add3A_1191 : i32 to vector<16xi32>
      %add3A_1193 = arith.addi %iota3A, %add3A_1192 : vector<16xi32>
      %sub3A_1194 = vector.broadcast %squeeze3A : i32 to vector<16xi32>
      %sub3A_1195 = arith.subi %add3A_1193, %sub3A_1194 : vector<16xi32>
      %convert_element_type3A_1196 = arith.sitofp %sub3A_1195 : vector<16xi32> to vector<16xf32>
      %mul3A_1197 = vector.broadcast %squeeze3A_84 : f32 to vector<16xf32>
      %mul3A_1198 = arith.mulf %convert_element_type3A_1196, %mul3A_1197 : vector<16xf32>
      %convert_element_type3A_1199 = arith.fptosi %mul3A_1198 : vector<16xf32> to vector<16xi32>
      %max3A_1200 = arith.constant 0 : i32
      %max3A_1201 = vector.broadcast %max3A_1200 : i32 to vector<16xi32>
      %max3A_1202 = arith.maxsi %convert_element_type3A_1199, %max3A_1201 : vector<16xi32>
      %min3A_1203 = arith.constant 27 : i32
      %min3A_1204 = vector.broadcast %min3A_1203 : i32 to vector<16xi32>
      %min3A_1205 = arith.minsi %max3A_1202, %min3A_1204 : vector<16xi32>
      %ge3A_1206 = vector.broadcast %squeeze3A : i32 to vector<16xi32>
      %ge3A_1207 = arith.cmpi sge, %add3A_1193, %ge3A_1206 : vector<16xi32>
      %lt3A_1208 = vector.broadcast %squeeze3A_80 : i32 to vector<16xi32>
      %lt3A_1209 = arith.cmpi slt, %add3A_1193, %lt3A_1208 : vector<16xi32>
      %and3A_1210 = arith.andi %ge3A_1207, %lt3A_1209 : vector<16xi1>
      %jit3A_1211 = arith.constant 28 : i32
      %broadcast_in_dim3A_1212 = vector.broadcast %jit3A_1211 : i32 to vector<16xi32>
      %select_n3A_1213 = arith.select %and3A_1210, %min3A_1205, %broadcast_in_dim3A_1212 : vector<16xi1>, vector<16xi32>
      %swap3A_1214 = arith.constant 320 : index
      %swap3A_1215 = tpu.vector_load %arg11[%swap3A_1214] {strides = array<i32>} : memref<384xi32, #tpu.memory_space<vmem>>, vector<16xi32>,
      tpu.vector_store %arg11[%swap3A_1214], %select_n3A_1213 {strides = array<i32>} : memref<384xi32, #tpu.memory_space<vmem>>, vector<16xi32>,
      %add3A_1216 = arith.constant 336 : i32
      %add3A_1217 = vector.broadcast %add3A_1216 : i32 to vector<16xi32>
      %add3A_1218 = arith.addi %iota3A, %add3A_1217 : vector<16xi32>
      %sub3A_1219 = vector.broadcast %squeeze3A : i32 to vector<16xi32>
      %sub3A_1220 = arith.subi %add3A_1218, %sub3A_1219 : vector<16xi32>
      %convert_element_type3A_1221 = arith.sitofp %sub3A_1220 : vector<16xi32> to vector<16xf32>
      %mul3A_1222 = vector.broadcast %squeeze3A_84 : f32 to vector<16xf32>
      %mul3A_1223 = arith.mulf %convert_element_type3A_1221, %mul3A_1222 : vector<16xf32>
      %convert_element_type3A_1224 = arith.fptosi %mul3A_1223 : vector<16xf32> to vector<16xi32>
      %max3A_1225 = arith.constant 0 : i32
      %max3A_1226 = vector.broadcast %max3A_1225 : i32 to vector<16xi32>
      %max3A_1227 = arith.maxsi %convert_element_type3A_1224, %max3A_1226 : vector<16xi32>
      %min3A_1228 = arith.constant 27 : i32
      %min3A_1229 = vector.broadcast %min3A_1228 : i32 to vector<16xi32>
      %min3A_1230 = arith.minsi %max3A_1227, %min3A_1229 : vector<16xi32>
      %ge3A_1231 = vector.broadcast %squeeze3A : i32 to vector<16xi32>
      %ge3A_1232 = arith.cmpi sge, %add3A_1218, %ge3A_1231 : vector<16xi32>
      %lt3A_1233 = vector.broadcast %squeeze3A_80 : i32 to vector<16xi32>
      %lt3A_1234 = arith.cmpi slt, %add3A_1218, %lt3A_1233 : vector<16xi32>
      %and3A_1235 = arith.andi %ge3A_1232, %lt3A_1234 : vector<16xi1>
      %jit3A_1236 = arith.constant 28 : i32
      %broadcast_in_dim3A_1237 = vector.broadcast %jit3A_1236 : i32 to vector<16xi32>
      %select_n3A_1238 = arith.select %and3A_1235, %min3A_1230, %broadcast_in_dim3A_1237 : vector<16xi1>, vector<16xi32>
      %swap3A_1239 = arith.constant 336 : index
      %swap3A_1240 = tpu.vector_load %arg11[%swap3A_1239] {strides = array<i32>} : memref<384xi32, #tpu.memory_space<vmem>>, vector<16xi32>,
      tpu.vector_store %arg11[%swap3A_1239], %select_n3A_1238 {strides = array<i32>} : memref<384xi32, #tpu.memory_space<vmem>>, vector<16xi32>,
      %add3A_1241 = arith.constant 352 : i32
      %add3A_1242 = vector.broadcast %add3A_1241 : i32 to vector<16xi32>
      %add3A_1243 = arith.addi %iota3A, %add3A_1242 : vector<16xi32>
      %sub3A_1244 = vector.broadcast %squeeze3A : i32 to vector<16xi32>
      %sub3A_1245 = arith.subi %add3A_1243, %sub3A_1244 : vector<16xi32>
      %convert_element_type3A_1246 = arith.sitofp %sub3A_1245 : vector<16xi32> to vector<16xf32>
      %mul3A_1247 = vector.broadcast %squeeze3A_84 : f32 to vector<16xf32>
      %mul3A_1248 = arith.mulf %convert_element_type3A_1246, %mul3A_1247 : vector<16xf32>
      %convert_element_type3A_1249 = arith.fptosi %mul3A_1248 : vector<16xf32> to vector<16xi32>
      %max3A_1250 = arith.constant 0 : i32
      %max3A_1251 = vector.broadcast %max3A_1250 : i32 to vector<16xi32>
      %max3A_1252 = arith.maxsi %convert_element_type3A_1249, %max3A_1251 : vector<16xi32>
      %min3A_1253 = arith.constant 27 : i32
      %min3A_1254 = vector.broadcast %min3A_1253 : i32 to vector<16xi32>
      %min3A_1255 = arith.minsi %max3A_1252, %min3A_1254 : vector<16xi32>
      %ge3A_1256 = vector.broadcast %squeeze3A : i32 to vector<16xi32>
      %ge3A_1257 = arith.cmpi sge, %add3A_1243, %ge3A_1256 : vector<16xi32>
      %lt3A_1258 = vector.broadcast %squeeze3A_80 : i32 to vector<16xi32>
      %lt3A_1259 = arith.cmpi slt, %add3A_1243, %lt3A_1258 : vector<16xi32>
      %and3A_1260 = arith.andi %ge3A_1257, %lt3A_1259 : vector<16xi1>
      %jit3A_1261 = arith.constant 28 : i32
      %broadcast_in_dim3A_1262 = vector.broadcast %jit3A_1261 : i32 to vector<16xi32>
      %select_n3A_1263 = arith.select %and3A_1260, %min3A_1255, %broadcast_in_dim3A_1262 : vector<16xi1>, vector<16xi32>
      %swap3A_1264 = arith.constant 352 : index
      %swap3A_1265 = tpu.vector_load %arg11[%swap3A_1264] {strides = array<i32>} : memref<384xi32, #tpu.memory_space<vmem>>, vector<16xi32>,
      tpu.vector_store %arg11[%swap3A_1264], %select_n3A_1263 {strides = array<i32>} : memref<384xi32, #tpu.memory_space<vmem>>, vector<16xi32>,
      %add3A_1266 = arith.constant 368 : i32
      %add3A_1267 = vector.broadcast %add3A_1266 : i32 to vector<16xi32>
      %add3A_1268 = arith.addi %iota3A, %add3A_1267 : vector<16xi32>
      %sub3A_1269 = vector.broadcast %squeeze3A : i32 to vector<16xi32>
      %sub3A_1270 = arith.subi %add3A_1268, %sub3A_1269 : vector<16xi32>
      %convert_element_type3A_1271 = arith.sitofp %sub3A_1270 : vector<16xi32> to vector<16xf32>
      %mul3A_1272 = vector.broadcast %squeeze3A_84 : f32 to vector<16xf32>
      %mul3A_1273 = arith.mulf %convert_element_type3A_1271, %mul3A_1272 : vector<16xf32>
      %convert_element_type3A_1274 = arith.fptosi %mul3A_1273 : vector<16xf32> to vector<16xi32>
      %max3A_1275 = arith.constant 0 : i32
      %max3A_1276 = vector.broadcast %max3A_1275 : i32 to vector<16xi32>
      %max3A_1277 = arith.maxsi %convert_element_type3A_1274, %max3A_1276 : vector<16xi32>
      %min3A_1278 = arith.constant 27 : i32
      %min3A_1279 = vector.broadcast %min3A_1278 : i32 to vector<16xi32>
      %min3A_1280 = arith.minsi %max3A_1277, %min3A_1279 : vector<16xi32>
      %ge3A_1281 = vector.broadcast %squeeze3A : i32 to vector<16xi32>
      %ge3A_1282 = arith.cmpi sge, %add3A_1268, %ge3A_1281 : vector<16xi32>
      %lt3A_1283 = vector.broadcast %squeeze3A_80 : i32 to vector<16xi32>
      %lt3A_1284 = arith.cmpi slt, %add3A_1268, %lt3A_1283 : vector<16xi32>
      %and3A_1285 = arith.andi %ge3A_1282, %lt3A_1284 : vector<16xi1>
      %jit3A_1286 = arith.constant 28 : i32
      %broadcast_in_dim3A_1287 = vector.broadcast %jit3A_1286 : i32 to vector<16xi32>
      %select_n3A_1288 = arith.select %and3A_1285, %min3A_1280, %broadcast_in_dim3A_1287 : vector<16xi1>, vector<16xi32>
      %swap3A_1289 = arith.constant 368 : index
      %swap3A_1290 = tpu.vector_load %arg11[%swap3A_1289] {strides = array<i32>} : memref<384xi32, #tpu.memory_space<vmem>>, vector<16xi32>,
      tpu.vector_store %arg11[%swap3A_1289], %select_n3A_1288 {strides = array<i32>} : memref<384xi32, #tpu.memory_space<vmem>>, vector<16xi32>,
      %scan3A_1291 = arith.constant 0 : i32
      %scan3A_1292 = arith.constant 0 : i32
      %scan3A_1293 = arith.constant 28 : i32
      %scan3A_1294 = arith.addi %scan3A_1292, %scan3A_1293 : i32
      %scan3A_1295 = arith.constant 1 : i32
      %scan3A_1296 = scf.for %scan3A_1399 = %scan3A_1292 to %scan3A_1294 step %scan3A_1295 iter_args(%scan3A_1400 = %scan3A_1291) -> (i32)  : i32 {
        %mul3A_1401 = arith.constant 32 : i32
        %mul3A_1402 = arith.muli %scan3A_1399, %mul3A_1401 : i32
        %get3A_1403 = arith.constant 0 : index
        %get3A_1404 = tpu.vector_load %arg10[%get3A_1403] {strides = array<i32>} : memref<384xi32, #tpu.memory_space<vmem>>, vector<16xi32>,
        %add3A_1405 = vector.broadcast %mul3A_1402 : i32 to vector<16xi32>
        %add3A_1406 = arith.addi %get3A_1404, %add3A_1405 : vector<16xi32>
        %gather3A = tpu.vector_load_idx %arg9[%add3A_1406] : memref<896xf32, #tpu.memory_space<vmem>>[vector<16xi32>], vector<16xf32>,
        %mul3A_1407 = arith.constant 384 : i32
        %mul3A_1408 = arith.muli %scan3A_1399, %mul3A_1407 : i32
        %add3A_1409 = arith.addi %mul3A_49, %mul3A_1408 : i32
        %add3A_1410 = arith.constant 0 : i32
        %add3A_1411 = arith.addi %add3A_1409, %add3A_1410 : i32
        %swap3A_1412 = arith.index_cast %add3A_1411 : i32 to index
        %swap3A_1413 = tpu.vector_load %arg12[%swap3A_1412] {strides = array<i32>} : memref<27648xf32, #tpu.memory_space<vmem>>, vector<16xf32>,
        tpu.vector_store %arg12[%swap3A_1412], %gather3A {strides = array<i32>} : memref<27648xf32, #tpu.memory_space<vmem>>, vector<16xf32>,
        %get3A_1414 = arith.constant 16 : index
        %get3A_1415 = tpu.vector_load %arg10[%get3A_1414] {strides = array<i32>} : memref<384xi32, #tpu.memory_space<vmem>>, vector<16xi32>,
        %add3A_1416 = vector.broadcast %mul3A_1402 : i32 to vector<16xi32>
        %add3A_1417 = arith.addi %get3A_1415, %add3A_1416 : vector<16xi32>
        %gather3A_1418 = tpu.vector_load_idx %arg9[%add3A_1417] : memref<896xf32, #tpu.memory_space<vmem>>[vector<16xi32>], vector<16xf32>,
        %mul3A_1419 = arith.constant 384 : i32
        %mul3A_1420 = arith.muli %scan3A_1399, %mul3A_1419 : i32
        %add3A_1421 = arith.addi %mul3A_49, %mul3A_1420 : i32
        %add3A_1422 = arith.constant 16 : i32
        %add3A_1423 = arith.addi %add3A_1421, %add3A_1422 : i32
        %swap3A_1424 = arith.index_cast %add3A_1423 : i32 to index
        %swap3A_1425 = tpu.vector_load %arg12[%swap3A_1424] {strides = array<i32>} : memref<27648xf32, #tpu.memory_space<vmem>>, vector<16xf32>,
        tpu.vector_store %arg12[%swap3A_1424], %gather3A_1418 {strides = array<i32>} : memref<27648xf32, #tpu.memory_space<vmem>>, vector<16xf32>,
        %get3A_1426 = arith.constant 32 : index
        %get3A_1427 = tpu.vector_load %arg10[%get3A_1426] {strides = array<i32>} : memref<384xi32, #tpu.memory_space<vmem>>, vector<16xi32>,
        %add3A_1428 = vector.broadcast %mul3A_1402 : i32 to vector<16xi32>
        %add3A_1429 = arith.addi %get3A_1427, %add3A_1428 : vector<16xi32>
        %gather3A_1430 = tpu.vector_load_idx %arg9[%add3A_1429] : memref<896xf32, #tpu.memory_space<vmem>>[vector<16xi32>], vector<16xf32>,
        %mul3A_1431 = arith.constant 384 : i32
        %mul3A_1432 = arith.muli %scan3A_1399, %mul3A_1431 : i32
        %add3A_1433 = arith.addi %mul3A_49, %mul3A_1432 : i32
        %add3A_1434 = arith.constant 32 : i32
        %add3A_1435 = arith.addi %add3A_1433, %add3A_1434 : i32
        %swap3A_1436 = arith.index_cast %add3A_1435 : i32 to index
        %swap3A_1437 = tpu.vector_load %arg12[%swap3A_1436] {strides = array<i32>} : memref<27648xf32, #tpu.memory_space<vmem>>, vector<16xf32>,
        tpu.vector_store %arg12[%swap3A_1436], %gather3A_1430 {strides = array<i32>} : memref<27648xf32, #tpu.memory_space<vmem>>, vector<16xf32>,
        %get3A_1438 = arith.constant 48 : index
        %get3A_1439 = tpu.vector_load %arg10[%get3A_1438] {strides = array<i32>} : memref<384xi32, #tpu.memory_space<vmem>>, vector<16xi32>,
        %add3A_1440 = vector.broadcast %mul3A_1402 : i32 to vector<16xi32>
        %add3A_1441 = arith.addi %get3A_1439, %add3A_1440 : vector<16xi32>
        %gather3A_1442 = tpu.vector_load_idx %arg9[%add3A_1441] : memref<896xf32, #tpu.memory_space<vmem>>[vector<16xi32>], vector<16xf32>,
        %mul3A_1443 = arith.constant 384 : i32
        %mul3A_1444 = arith.muli %scan3A_1399, %mul3A_1443 : i32
        %add3A_1445 = arith.addi %mul3A_49, %mul3A_1444 : i32
        %add3A_1446 = arith.constant 48 : i32
        %add3A_1447 = arith.addi %add3A_1445, %add3A_1446 : i32
        %swap3A_1448 = arith.index_cast %add3A_1447 : i32 to index
        %swap3A_1449 = tpu.vector_load %arg12[%swap3A_1448] {strides = array<i32>} : memref<27648xf32, #tpu.memory_space<vmem>>, vector<16xf32>,
        tpu.vector_store %arg12[%swap3A_1448], %gather3A_1442 {strides = array<i32>} : memref<27648xf32, #tpu.memory_space<vmem>>, vector<16xf32>,
        %get3A_1450 = arith.constant 64 : index
        %get3A_1451 = tpu.vector_load %arg10[%get3A_1450] {strides = array<i32>} : memref<384xi32, #tpu.memory_space<vmem>>, vector<16xi32>,
        %add3A_1452 = vector.broadcast %mul3A_1402 : i32 to vector<16xi32>
        %add3A_1453 = arith.addi %get3A_1451, %add3A_1452 : vector<16xi32>
        %gather3A_1454 = tpu.vector_load_idx %arg9[%add3A_1453] : memref<896xf32, #tpu.memory_space<vmem>>[vector<16xi32>], vector<16xf32>,
        %mul3A_1455 = arith.constant 384 : i32
        %mul3A_1456 = arith.muli %scan3A_1399, %mul3A_1455 : i32
        %add3A_1457 = arith.addi %mul3A_49, %mul3A_1456 : i32
        %add3A_1458 = arith.constant 64 : i32
        %add3A_1459 = arith.addi %add3A_1457, %add3A_1458 : i32
        %swap3A_1460 = arith.index_cast %add3A_1459 : i32 to index
        %swap3A_1461 = tpu.vector_load %arg12[%swap3A_1460] {strides = array<i32>} : memref<27648xf32, #tpu.memory_space<vmem>>, vector<16xf32>,
        tpu.vector_store %arg12[%swap3A_1460], %gather3A_1454 {strides = array<i32>} : memref<27648xf32, #tpu.memory_space<vmem>>, vector<16xf32>,
        %get3A_1462 = arith.constant 80 : index
        %get3A_1463 = tpu.vector_load %arg10[%get3A_1462] {strides = array<i32>} : memref<384xi32, #tpu.memory_space<vmem>>, vector<16xi32>,
        %add3A_1464 = vector.broadcast %mul3A_1402 : i32 to vector<16xi32>
        %add3A_1465 = arith.addi %get3A_1463, %add3A_1464 : vector<16xi32>
        %gather3A_1466 = tpu.vector_load_idx %arg9[%add3A_1465] : memref<896xf32, #tpu.memory_space<vmem>>[vector<16xi32>], vector<16xf32>,
        %mul3A_1467 = arith.constant 384 : i32
        %mul3A_1468 = arith.muli %scan3A_1399, %mul3A_1467 : i32
        %add3A_1469 = arith.addi %mul3A_49, %mul3A_1468 : i32
        %add3A_1470 = arith.constant 80 : i32
        %add3A_1471 = arith.addi %add3A_1469, %add3A_1470 : i32
        %swap3A_1472 = arith.index_cast %add3A_1471 : i32 to index
        %swap3A_1473 = tpu.vector_load %arg12[%swap3A_1472] {strides = array<i32>} : memref<27648xf32, #tpu.memory_space<vmem>>, vector<16xf32>,
        tpu.vector_store %arg12[%swap3A_1472], %gather3A_1466 {strides = array<i32>} : memref<27648xf32, #tpu.memory_space<vmem>>, vector<16xf32>,
        %get3A_1474 = arith.constant 96 : index
        %get3A_1475 = tpu.vector_load %arg10[%get3A_1474] {strides = array<i32>} : memref<384xi32, #tpu.memory_space<vmem>>, vector<16xi32>,
        %add3A_1476 = vector.broadcast %mul3A_1402 : i32 to vector<16xi32>
        %add3A_1477 = arith.addi %get3A_1475, %add3A_1476 : vector<16xi32>
        %gather3A_1478 = tpu.vector_load_idx %arg9[%add3A_1477] : memref<896xf32, #tpu.memory_space<vmem>>[vector<16xi32>], vector<16xf32>,
        %mul3A_1479 = arith.constant 384 : i32
        %mul3A_1480 = arith.muli %scan3A_1399, %mul3A_1479 : i32
        %add3A_1481 = arith.addi %mul3A_49, %mul3A_1480 : i32
        %add3A_1482 = arith.constant 96 : i32
        %add3A_1483 = arith.addi %add3A_1481, %add3A_1482 : i32
        %swap3A_1484 = arith.index_cast %add3A_1483 : i32 to index
        %swap3A_1485 = tpu.vector_load %arg12[%swap3A_1484] {strides = array<i32>} : memref<27648xf32, #tpu.memory_space<vmem>>, vector<16xf32>,
        tpu.vector_store %arg12[%swap3A_1484], %gather3A_1478 {strides = array<i32>} : memref<27648xf32, #tpu.memory_space<vmem>>, vector<16xf32>,
        %get3A_1486 = arith.constant 112 : index
        %get3A_1487 = tpu.vector_load %arg10[%get3A_1486] {strides = array<i32>} : memref<384xi32, #tpu.memory_space<vmem>>, vector<16xi32>,
        %add3A_1488 = vector.broadcast %mul3A_1402 : i32 to vector<16xi32>
        %add3A_1489 = arith.addi %get3A_1487, %add3A_1488 : vector<16xi32>
        %gather3A_1490 = tpu.vector_load_idx %arg9[%add3A_1489] : memref<896xf32, #tpu.memory_space<vmem>>[vector<16xi32>], vector<16xf32>,
        %mul3A_1491 = arith.constant 384 : i32
        %mul3A_1492 = arith.muli %scan3A_1399, %mul3A_1491 : i32
        %add3A_1493 = arith.addi %mul3A_49, %mul3A_1492 : i32
        %add3A_1494 = arith.constant 112 : i32
        %add3A_1495 = arith.addi %add3A_1493, %add3A_1494 : i32
        %swap3A_1496 = arith.index_cast %add3A_1495 : i32 to index
        %swap3A_1497 = tpu.vector_load %arg12[%swap3A_1496] {strides = array<i32>} : memref<27648xf32, #tpu.memory_space<vmem>>, vector<16xf32>,
        tpu.vector_store %arg12[%swap3A_1496], %gather3A_1490 {strides = array<i32>} : memref<27648xf32, #tpu.memory_space<vmem>>, vector<16xf32>,
        %get3A_1498 = arith.constant 128 : index
        %get3A_1499 = tpu.vector_load %arg10[%get3A_1498] {strides = array<i32>} : memref<384xi32, #tpu.memory_space<vmem>>, vector<16xi32>,
        %add3A_1500 = vector.broadcast %mul3A_1402 : i32 to vector<16xi32>
        %add3A_1501 = arith.addi %get3A_1499, %add3A_1500 : vector<16xi32>
        %gather3A_1502 = tpu.vector_load_idx %arg9[%add3A_1501] : memref<896xf32, #tpu.memory_space<vmem>>[vector<16xi32>], vector<16xf32>,
        %mul3A_1503 = arith.constant 384 : i32
        %mul3A_1504 = arith.muli %scan3A_1399, %mul3A_1503 : i32
        %add3A_1505 = arith.addi %mul3A_49, %mul3A_1504 : i32
        %add3A_1506 = arith.constant 128 : i32
        %add3A_1507 = arith.addi %add3A_1505, %add3A_1506 : i32
        %swap3A_1508 = arith.index_cast %add3A_1507 : i32 to index
        %swap3A_1509 = tpu.vector_load %arg12[%swap3A_1508] {strides = array<i32>} : memref<27648xf32, #tpu.memory_space<vmem>>, vector<16xf32>,
        tpu.vector_store %arg12[%swap3A_1508], %gather3A_1502 {strides = array<i32>} : memref<27648xf32, #tpu.memory_space<vmem>>, vector<16xf32>,
        %get3A_1510 = arith.constant 144 : index
        %get3A_1511 = tpu.vector_load %arg10[%get3A_1510] {strides = array<i32>} : memref<384xi32, #tpu.memory_space<vmem>>, vector<16xi32>,
        %add3A_1512 = vector.broadcast %mul3A_1402 : i32 to vector<16xi32>
        %add3A_1513 = arith.addi %get3A_1511, %add3A_1512 : vector<16xi32>
        %gather3A_1514 = tpu.vector_load_idx %arg9[%add3A_1513] : memref<896xf32, #tpu.memory_space<vmem>>[vector<16xi32>], vector<16xf32>,
        %mul3A_1515 = arith.constant 384 : i32
        %mul3A_1516 = arith.muli %scan3A_1399, %mul3A_1515 : i32
        %add3A_1517 = arith.addi %mul3A_49, %mul3A_1516 : i32
        %add3A_1518 = arith.constant 144 : i32
        %add3A_1519 = arith.addi %add3A_1517, %add3A_1518 : i32
        %swap3A_1520 = arith.index_cast %add3A_1519 : i32 to index
        %swap3A_1521 = tpu.vector_load %arg12[%swap3A_1520] {strides = array<i32>} : memref<27648xf32, #tpu.memory_space<vmem>>, vector<16xf32>,
        tpu.vector_store %arg12[%swap3A_1520], %gather3A_1514 {strides = array<i32>} : memref<27648xf32, #tpu.memory_space<vmem>>, vector<16xf32>,
        %get3A_1522 = arith.constant 160 : index
        %get3A_1523 = tpu.vector_load %arg10[%get3A_1522] {strides = array<i32>} : memref<384xi32, #tpu.memory_space<vmem>>, vector<16xi32>,
        %add3A_1524 = vector.broadcast %mul3A_1402 : i32 to vector<16xi32>
        %add3A_1525 = arith.addi %get3A_1523, %add3A_1524 : vector<16xi32>
        %gather3A_1526 = tpu.vector_load_idx %arg9[%add3A_1525] : memref<896xf32, #tpu.memory_space<vmem>>[vector<16xi32>], vector<16xf32>,
        %mul3A_1527 = arith.constant 384 : i32
        %mul3A_1528 = arith.muli %scan3A_1399, %mul3A_1527 : i32
        %add3A_1529 = arith.addi %mul3A_49, %mul3A_1528 : i32
        %add3A_1530 = arith.constant 160 : i32
        %add3A_1531 = arith.addi %add3A_1529, %add3A_1530 : i32
        %swap3A_1532 = arith.index_cast %add3A_1531 : i32 to index
        %swap3A_1533 = tpu.vector_load %arg12[%swap3A_1532] {strides = array<i32>} : memref<27648xf32, #tpu.memory_space<vmem>>, vector<16xf32>,
        tpu.vector_store %arg12[%swap3A_1532], %gather3A_1526 {strides = array<i32>} : memref<27648xf32, #tpu.memory_space<vmem>>, vector<16xf32>,
        %get3A_1534 = arith.constant 176 : index
        %get3A_1535 = tpu.vector_load %arg10[%get3A_1534] {strides = array<i32>} : memref<384xi32, #tpu.memory_space<vmem>>, vector<16xi32>,
        %add3A_1536 = vector.broadcast %mul3A_1402 : i32 to vector<16xi32>
        %add3A_1537 = arith.addi %get3A_1535, %add3A_1536 : vector<16xi32>
        %gather3A_1538 = tpu.vector_load_idx %arg9[%add3A_1537] : memref<896xf32, #tpu.memory_space<vmem>>[vector<16xi32>], vector<16xf32>,
        %mul3A_1539 = arith.constant 384 : i32
        %mul3A_1540 = arith.muli %scan3A_1399, %mul3A_1539 : i32
        %add3A_1541 = arith.addi %mul3A_49, %mul3A_1540 : i32
        %add3A_1542 = arith.constant 176 : i32
        %add3A_1543 = arith.addi %add3A_1541, %add3A_1542 : i32
        %swap3A_1544 = arith.index_cast %add3A_1543 : i32 to index
        %swap3A_1545 = tpu.vector_load %arg12[%swap3A_1544] {strides = array<i32>} : memref<27648xf32, #tpu.memory_space<vmem>>, vector<16xf32>,
        tpu.vector_store %arg12[%swap3A_1544], %gather3A_1538 {strides = array<i32>} : memref<27648xf32, #tpu.memory_space<vmem>>, vector<16xf32>,
        %get3A_1546 = arith.constant 192 : index
        %get3A_1547 = tpu.vector_load %arg10[%get3A_1546] {strides = array<i32>} : memref<384xi32, #tpu.memory_space<vmem>>, vector<16xi32>,
        %add3A_1548 = vector.broadcast %mul3A_1402 : i32 to vector<16xi32>
        %add3A_1549 = arith.addi %get3A_1547, %add3A_1548 : vector<16xi32>
        %gather3A_1550 = tpu.vector_load_idx %arg9[%add3A_1549] : memref<896xf32, #tpu.memory_space<vmem>>[vector<16xi32>], vector<16xf32>,
        %mul3A_1551 = arith.constant 384 : i32
        %mul3A_1552 = arith.muli %scan3A_1399, %mul3A_1551 : i32
        %add3A_1553 = arith.addi %mul3A_49, %mul3A_1552 : i32
        %add3A_1554 = arith.constant 192 : i32
        %add3A_1555 = arith.addi %add3A_1553, %add3A_1554 : i32
        %swap3A_1556 = arith.index_cast %add3A_1555 : i32 to index
        %swap3A_1557 = tpu.vector_load %arg12[%swap3A_1556] {strides = array<i32>} : memref<27648xf32, #tpu.memory_space<vmem>>, vector<16xf32>,
        tpu.vector_store %arg12[%swap3A_1556], %gather3A_1550 {strides = array<i32>} : memref<27648xf32, #tpu.memory_space<vmem>>, vector<16xf32>,
        %get3A_1558 = arith.constant 208 : index
        %get3A_1559 = tpu.vector_load %arg10[%get3A_1558] {strides = array<i32>} : memref<384xi32, #tpu.memory_space<vmem>>, vector<16xi32>,
        %add3A_1560 = vector.broadcast %mul3A_1402 : i32 to vector<16xi32>
        %add3A_1561 = arith.addi %get3A_1559, %add3A_1560 : vector<16xi32>
        %gather3A_1562 = tpu.vector_load_idx %arg9[%add3A_1561] : memref<896xf32, #tpu.memory_space<vmem>>[vector<16xi32>], vector<16xf32>,
        %mul3A_1563 = arith.constant 384 : i32
        %mul3A_1564 = arith.muli %scan3A_1399, %mul3A_1563 : i32
        %add3A_1565 = arith.addi %mul3A_49, %mul3A_1564 : i32
        %add3A_1566 = arith.constant 208 : i32
        %add3A_1567 = arith.addi %add3A_1565, %add3A_1566 : i32
        %swap3A_1568 = arith.index_cast %add3A_1567 : i32 to index
        %swap3A_1569 = tpu.vector_load %arg12[%swap3A_1568] {strides = array<i32>} : memref<27648xf32, #tpu.memory_space<vmem>>, vector<16xf32>,
        tpu.vector_store %arg12[%swap3A_1568], %gather3A_1562 {strides = array<i32>} : memref<27648xf32, #tpu.memory_space<vmem>>, vector<16xf32>,
        %get3A_1570 = arith.constant 224 : index
        %get3A_1571 = tpu.vector_load %arg10[%get3A_1570] {strides = array<i32>} : memref<384xi32, #tpu.memory_space<vmem>>, vector<16xi32>,
        %add3A_1572 = vector.broadcast %mul3A_1402 : i32 to vector<16xi32>
        %add3A_1573 = arith.addi %get3A_1571, %add3A_1572 : vector<16xi32>
        %gather3A_1574 = tpu.vector_load_idx %arg9[%add3A_1573] : memref<896xf32, #tpu.memory_space<vmem>>[vector<16xi32>], vector<16xf32>,
        %mul3A_1575 = arith.constant 384 : i32
        %mul3A_1576 = arith.muli %scan3A_1399, %mul3A_1575 : i32
        %add3A_1577 = arith.addi %mul3A_49, %mul3A_1576 : i32
        %add3A_1578 = arith.constant 224 : i32
        %add3A_1579 = arith.addi %add3A_1577, %add3A_1578 : i32
        %swap3A_1580 = arith.index_cast %add3A_1579 : i32 to index
        %swap3A_1581 = tpu.vector_load %arg12[%swap3A_1580] {strides = array<i32>} : memref<27648xf32, #tpu.memory_space<vmem>>, vector<16xf32>,
        tpu.vector_store %arg12[%swap3A_1580], %gather3A_1574 {strides = array<i32>} : memref<27648xf32, #tpu.memory_space<vmem>>, vector<16xf32>,
        %get3A_1582 = arith.constant 240 : index
        %get3A_1583 = tpu.vector_load %arg10[%get3A_1582] {strides = array<i32>} : memref<384xi32, #tpu.memory_space<vmem>>, vector<16xi32>,
        %add3A_1584 = vector.broadcast %mul3A_1402 : i32 to vector<16xi32>
        %add3A_1585 = arith.addi %get3A_1583, %add3A_1584 : vector<16xi32>
        %gather3A_1586 = tpu.vector_load_idx %arg9[%add3A_1585] : memref<896xf32, #tpu.memory_space<vmem>>[vector<16xi32>], vector<16xf32>,
        %mul3A_1587 = arith.constant 384 : i32
        %mul3A_1588 = arith.muli %scan3A_1399, %mul3A_1587 : i32
        %add3A_1589 = arith.addi %mul3A_49, %mul3A_1588 : i32
        %add3A_1590 = arith.constant 240 : i32
        %add3A_1591 = arith.addi %add3A_1589, %add3A_1590 : i32
        %swap3A_1592 = arith.index_cast %add3A_1591 : i32 to index
        %swap3A_1593 = tpu.vector_load %arg12[%swap3A_1592] {strides = array<i32>} : memref<27648xf32, #tpu.memory_space<vmem>>, vector<16xf32>,
        tpu.vector_store %arg12[%swap3A_1592], %gather3A_1586 {strides = array<i32>} : memref<27648xf32, #tpu.memory_space<vmem>>, vector<16xf32>,
        %get3A_1594 = arith.constant 256 : index
        %get3A_1595 = tpu.vector_load %arg10[%get3A_1594] {strides = array<i32>} : memref<384xi32, #tpu.memory_space<vmem>>, vector<16xi32>,
        %add3A_1596 = vector.broadcast %mul3A_1402 : i32 to vector<16xi32>
        %add3A_1597 = arith.addi %get3A_1595, %add3A_1596 : vector<16xi32>
        %gather3A_1598 = tpu.vector_load_idx %arg9[%add3A_1597] : memref<896xf32, #tpu.memory_space<vmem>>[vector<16xi32>], vector<16xf32>,
        %mul3A_1599 = arith.constant 384 : i32
        %mul3A_1600 = arith.muli %scan3A_1399, %mul3A_1599 : i32
        %add3A_1601 = arith.addi %mul3A_49, %mul3A_1600 : i32
        %add3A_1602 = arith.constant 256 : i32
        %add3A_1603 = arith.addi %add3A_1601, %add3A_1602 : i32
        %swap3A_1604 = arith.index_cast %add3A_1603 : i32 to index
        %swap3A_1605 = tpu.vector_load %arg12[%swap3A_1604] {strides = array<i32>} : memref<27648xf32, #tpu.memory_space<vmem>>, vector<16xf32>,
        tpu.vector_store %arg12[%swap3A_1604], %gather3A_1598 {strides = array<i32>} : memref<27648xf32, #tpu.memory_space<vmem>>, vector<16xf32>,
        %get3A_1606 = arith.constant 272 : index
        %get3A_1607 = tpu.vector_load %arg10[%get3A_1606] {strides = array<i32>} : memref<384xi32, #tpu.memory_space<vmem>>, vector<16xi32>,
        %add3A_1608 = vector.broadcast %mul3A_1402 : i32 to vector<16xi32>
        %add3A_1609 = arith.addi %get3A_1607, %add3A_1608 : vector<16xi32>
        %gather3A_1610 = tpu.vector_load_idx %arg9[%add3A_1609] : memref<896xf32, #tpu.memory_space<vmem>>[vector<16xi32>], vector<16xf32>,
        %mul3A_1611 = arith.constant 384 : i32
        %mul3A_1612 = arith.muli %scan3A_1399, %mul3A_1611 : i32
        %add3A_1613 = arith.addi %mul3A_49, %mul3A_1612 : i32
        %add3A_1614 = arith.constant 272 : i32
        %add3A_1615 = arith.addi %add3A_1613, %add3A_1614 : i32
        %swap3A_1616 = arith.index_cast %add3A_1615 : i32 to index
        %swap3A_1617 = tpu.vector_load %arg12[%swap3A_1616] {strides = array<i32>} : memref<27648xf32, #tpu.memory_space<vmem>>, vector<16xf32>,
        tpu.vector_store %arg12[%swap3A_1616], %gather3A_1610 {strides = array<i32>} : memref<27648xf32, #tpu.memory_space<vmem>>, vector<16xf32>,
        %get3A_1618 = arith.constant 288 : index
        %get3A_1619 = tpu.vector_load %arg10[%get3A_1618] {strides = array<i32>} : memref<384xi32, #tpu.memory_space<vmem>>, vector<16xi32>,
        %add3A_1620 = vector.broadcast %mul3A_1402 : i32 to vector<16xi32>
        %add3A_1621 = arith.addi %get3A_1619, %add3A_1620 : vector<16xi32>
        %gather3A_1622 = tpu.vector_load_idx %arg9[%add3A_1621] : memref<896xf32, #tpu.memory_space<vmem>>[vector<16xi32>], vector<16xf32>,
        %mul3A_1623 = arith.constant 384 : i32
        %mul3A_1624 = arith.muli %scan3A_1399, %mul3A_1623 : i32
        %add3A_1625 = arith.addi %mul3A_49, %mul3A_1624 : i32
        %add3A_1626 = arith.constant 288 : i32
        %add3A_1627 = arith.addi %add3A_1625, %add3A_1626 : i32
        %swap3A_1628 = arith.index_cast %add3A_1627 : i32 to index
        %swap3A_1629 = tpu.vector_load %arg12[%swap3A_1628] {strides = array<i32>} : memref<27648xf32, #tpu.memory_space<vmem>>, vector<16xf32>,
        tpu.vector_store %arg12[%swap3A_1628], %gather3A_1622 {strides = array<i32>} : memref<27648xf32, #tpu.memory_space<vmem>>, vector<16xf32>,
        %get3A_1630 = arith.constant 304 : index
        %get3A_1631 = tpu.vector_load %arg10[%get3A_1630] {strides = array<i32>} : memref<384xi32, #tpu.memory_space<vmem>>, vector<16xi32>,
        %add3A_1632 = vector.broadcast %mul3A_1402 : i32 to vector<16xi32>
        %add3A_1633 = arith.addi %get3A_1631, %add3A_1632 : vector<16xi32>
        %gather3A_1634 = tpu.vector_load_idx %arg9[%add3A_1633] : memref<896xf32, #tpu.memory_space<vmem>>[vector<16xi32>], vector<16xf32>,
        %mul3A_1635 = arith.constant 384 : i32
        %mul3A_1636 = arith.muli %scan3A_1399, %mul3A_1635 : i32
        %add3A_1637 = arith.addi %mul3A_49, %mul3A_1636 : i32
        %add3A_1638 = arith.constant 304 : i32
        %add3A_1639 = arith.addi %add3A_1637, %add3A_1638 : i32
        %swap3A_1640 = arith.index_cast %add3A_1639 : i32 to index
        %swap3A_1641 = tpu.vector_load %arg12[%swap3A_1640] {strides = array<i32>} : memref<27648xf32, #tpu.memory_space<vmem>>, vector<16xf32>,
        tpu.vector_store %arg12[%swap3A_1640], %gather3A_1634 {strides = array<i32>} : memref<27648xf32, #tpu.memory_space<vmem>>, vector<16xf32>,
        %get3A_1642 = arith.constant 320 : index
        %get3A_1643 = tpu.vector_load %arg10[%get3A_1642] {strides = array<i32>} : memref<384xi32, #tpu.memory_space<vmem>>, vector<16xi32>,
        %add3A_1644 = vector.broadcast %mul3A_1402 : i32 to vector<16xi32>
        %add3A_1645 = arith.addi %get3A_1643, %add3A_1644 : vector<16xi32>
        %gather3A_1646 = tpu.vector_load_idx %arg9[%add3A_1645] : memref<896xf32, #tpu.memory_space<vmem>>[vector<16xi32>], vector<16xf32>,
        %mul3A_1647 = arith.constant 384 : i32
        %mul3A_1648 = arith.muli %scan3A_1399, %mul3A_1647 : i32
        %add3A_1649 = arith.addi %mul3A_49, %mul3A_1648 : i32
        %add3A_1650 = arith.constant 320 : i32
        %add3A_1651 = arith.addi %add3A_1649, %add3A_1650 : i32
        %swap3A_1652 = arith.index_cast %add3A_1651 : i32 to index
        %swap3A_1653 = tpu.vector_load %arg12[%swap3A_1652] {strides = array<i32>} : memref<27648xf32, #tpu.memory_space<vmem>>, vector<16xf32>,
        tpu.vector_store %arg12[%swap3A_1652], %gather3A_1646 {strides = array<i32>} : memref<27648xf32, #tpu.memory_space<vmem>>, vector<16xf32>,
        %get3A_1654 = arith.constant 336 : index
        %get3A_1655 = tpu.vector_load %arg10[%get3A_1654] {strides = array<i32>} : memref<384xi32, #tpu.memory_space<vmem>>, vector<16xi32>,
        %add3A_1656 = vector.broadcast %mul3A_1402 : i32 to vector<16xi32>
        %add3A_1657 = arith.addi %get3A_1655, %add3A_1656 : vector<16xi32>
        %gather3A_1658 = tpu.vector_load_idx %arg9[%add3A_1657] : memref<896xf32, #tpu.memory_space<vmem>>[vector<16xi32>], vector<16xf32>,
        %mul3A_1659 = arith.constant 384 : i32
        %mul3A_1660 = arith.muli %scan3A_1399, %mul3A_1659 : i32
        %add3A_1661 = arith.addi %mul3A_49, %mul3A_1660 : i32
        %add3A_1662 = arith.constant 336 : i32
        %add3A_1663 = arith.addi %add3A_1661, %add3A_1662 : i32
        %swap3A_1664 = arith.index_cast %add3A_1663 : i32 to index
        %swap3A_1665 = tpu.vector_load %arg12[%swap3A_1664] {strides = array<i32>} : memref<27648xf32, #tpu.memory_space<vmem>>, vector<16xf32>,
        tpu.vector_store %arg12[%swap3A_1664], %gather3A_1658 {strides = array<i32>} : memref<27648xf32, #tpu.memory_space<vmem>>, vector<16xf32>,
        %get3A_1666 = arith.constant 352 : index
        %get3A_1667 = tpu.vector_load %arg10[%get3A_1666] {strides = array<i32>} : memref<384xi32, #tpu.memory_space<vmem>>, vector<16xi32>,
        %add3A_1668 = vector.broadcast %mul3A_1402 : i32 to vector<16xi32>
        %add3A_1669 = arith.addi %get3A_1667, %add3A_1668 : vector<16xi32>
        %gather3A_1670 = tpu.vector_load_idx %arg9[%add3A_1669] : memref<896xf32, #tpu.memory_space<vmem>>[vector<16xi32>], vector<16xf32>,
        %mul3A_1671 = arith.constant 384 : i32
        %mul3A_1672 = arith.muli %scan3A_1399, %mul3A_1671 : i32
        %add3A_1673 = arith.addi %mul3A_49, %mul3A_1672 : i32
        %add3A_1674 = arith.constant 352 : i32
        %add3A_1675 = arith.addi %add3A_1673, %add3A_1674 : i32
        %swap3A_1676 = arith.index_cast %add3A_1675 : i32 to index
        %swap3A_1677 = tpu.vector_load %arg12[%swap3A_1676] {strides = array<i32>} : memref<27648xf32, #tpu.memory_space<vmem>>, vector<16xf32>,
        tpu.vector_store %arg12[%swap3A_1676], %gather3A_1670 {strides = array<i32>} : memref<27648xf32, #tpu.memory_space<vmem>>, vector<16xf32>,
        %get3A_1678 = arith.constant 368 : index
        %get3A_1679 = tpu.vector_load %arg10[%get3A_1678] {strides = array<i32>} : memref<384xi32, #tpu.memory_space<vmem>>, vector<16xi32>,
        %add3A_1680 = vector.broadcast %mul3A_1402 : i32 to vector<16xi32>
        %add3A_1681 = arith.addi %get3A_1679, %add3A_1680 : vector<16xi32>
        %gather3A_1682 = tpu.vector_load_idx %arg9[%add3A_1681] : memref<896xf32, #tpu.memory_space<vmem>>[vector<16xi32>], vector<16xf32>,
        %mul3A_1683 = arith.constant 384 : i32
        %mul3A_1684 = arith.muli %scan3A_1399, %mul3A_1683 : i32
        %add3A_1685 = arith.addi %mul3A_49, %mul3A_1684 : i32
        %add3A_1686 = arith.constant 368 : i32
        %add3A_1687 = arith.addi %add3A_1685, %add3A_1686 : i32
        %swap3A_1688 = arith.index_cast %add3A_1687 : i32 to index
        %swap3A_1689 = tpu.vector_load %arg12[%swap3A_1688] {strides = array<i32>} : memref<27648xf32, #tpu.memory_space<vmem>>, vector<16xf32>,
        tpu.vector_store %arg12[%swap3A_1688], %gather3A_1682 {strides = array<i32>} : memref<27648xf32, #tpu.memory_space<vmem>>, vector<16xf32>,
        %scan3A_1690 = arith.constant 0 : i32
        scf.yield %scan3A_1690 : i32
      }
      %scan3A_1297 = arith.constant 28 : i32
      %mul3A_1298 = arith.constant 147456 : i32
      %mul3A_1299 = arith.muli %add3A_46, %mul3A_1298 : i32
      %jit3A_1300 = arith.constant 16 : i32
      %div3A = arith.divsi %squeeze3A, %jit3A_1300 : i32
      %sign3A = arith.constant 0 : i32
      %sign3A_1301 = arith.cmpi sgt, %squeeze3A, %sign3A : i32
      %sign3A_1302 = arith.extui %sign3A_1301 : i1 to i32
      %sign3A_1303 = arith.constant 0 : i32
      %sign3A_1304 = arith.cmpi slt, %squeeze3A, %sign3A_1303 : i32
      %sign3A_1305 = arith.extui %sign3A_1304 : i1 to i32
      %sign3A_1306 = arith.subi %sign3A_1302, %sign3A_1305 : i32
      %sign3A_1307 = arith.constant 0 : i32
      %sign3A_1308 = arith.cmpi sgt, %jit3A_1300, %sign3A_1307 : i32
      %sign3A_1309 = arith.extui %sign3A_1308 : i1 to i32
      %sign3A_1310 = arith.constant 0 : i32
      %sign3A_1311 = arith.cmpi slt, %jit3A_1300, %sign3A_1310 : i32
      %sign3A_1312 = arith.extui %sign3A_1311 : i1 to i32
      %sign3A_1313 = arith.subi %sign3A_1309, %sign3A_1312 : i32
      %ne3A = arith.cmpi ne, %sign3A_1306, %sign3A_1313 : i32
      %rem3A = arith.remsi %squeeze3A, %jit3A_1300 : i32
      %ne3A_1314 = arith.constant 0 : i32
      %ne3A_1315 = arith.cmpi ne, %rem3A, %ne3A_1314 : i32
      %and3A_1316 = arith.andi %ne3A, %ne3A_1315 : i1
      %sub3A_1317 = arith.constant 1 : i32
      %sub3A_1318 = arith.subi %div3A, %sub3A_1317 : i32
      %select_n3A_1319 = arith.select %and3A_1316, %sub3A_1318, %div3A : i32
      %while3A_1320 = arith.constant 0 : i32
      %while3A_1321 = arith.constant 0 : i32
      %while3A_1322 = arith.subi %select_n3A_1319, %while3A_1320 : i32
      %while3A_1323 = arith.addi %while3A_1320, %while3A_1322 : i32
      %while3A_1324 = arith.constant 1 : i32
      %while3A_1325 = arith.divsi %while3A_1322, %while3A_1324 : i32
      %while3A_1326 = arith.muli %while3A_1325, %while3A_1324 : i32
      %while3A_1327 = arith.addi %while3A_1320, %while3A_1326 : i32
      %while3A_1328 = arith.constant 1 : i32
      %while3A_1329 = scf.for %while3A_1399 = %while3A_1320 to %while3A_1327 step %while3A_1328 iter_args(%while3A_1400 = %while3A_1321) -> (i32)  : i32 {
        %mul3A_1401 = arith.constant 6144 : i32
        %mul3A_1402 = arith.muli %while3A_1399, %mul3A_1401 : i32
        %add3A_1403 = arith.addi %mul3A_1299, %mul3A_1402 : i32
        %dma_start3A_1404 = arith.constant 21504 : i32
        %dma_start3A_1405 = tpu.memref_slice %arg12[%dma_start3A_1404] : memref<27648xf32, #tpu.memory_space<vmem>> -> memref<6144xf32, #tpu.memory_space<vmem>>
        %dma_start3A_1406 = tpu.memref_slice %arg5[%add3A_1403] : memref<29491200xf32, #tpu.memory_space<hbm>> -> memref<6144xf32, #tpu.memory_space<hbm>>
        %dma_start3A_1407 = tpu.memref_slice %arg13[%and3A_47] : memref<2x!tpu.dma_semaphore, #tpu.memory_space<semaphore_mem>> -> memref<1x!tpu.dma_semaphore, #tpu.memory_space<semaphore_mem>>
        %dma_start3A_1408 = tpu.memref_squeeze %dma_start3A_1407 : memref<1x!tpu.dma_semaphore, #tpu.memory_space<semaphore_mem>> -> memref<!tpu.dma_semaphore, #tpu.memory_space<semaphore_mem>>
        %dma_start3A_1409 = tpu.memref_slice %arg5[%add3A_1403] : memref<29491200xf32, #tpu.memory_space<hbm>> -> memref<6144xf32, #tpu.memory_space<hbm>>
        %dma_start3A_1410 = arith.constant 21504 : i32
        %dma_start3A_1411 = tpu.memref_slice %arg12[%dma_start3A_1410] : memref<27648xf32, #tpu.memory_space<vmem>> -> memref<6144xf32, #tpu.memory_space<vmem>>
        tpu.enqueue_dma source(%dma_start3A_1411 : memref<6144xf32, #tpu.memory_space<vmem>>) target(%dma_start3A_1409 : memref<6144xf32, #tpu.memory_space<hbm>>) target_semaphore(%dma_start3A_1408 : memref<!tpu.dma_semaphore, #tpu.memory_space<semaphore_mem>>)
        %while3A_1412 = arith.constant 0 : i32
        scf.yield %while3A_1412 : i32
      }
      %while3A_1330 = arith.constant 1 : i32
      %while3A_1331 = scf.for %while3A_1399 = %while3A_1327 to %while3A_1323 step %while3A_1330 iter_args(%while3A_1400 = %while3A_1329) -> (i32)  : i32 {
        %mul3A_1401 = arith.constant 6144 : i32
        %mul3A_1402 = arith.muli %while3A_1399, %mul3A_1401 : i32
        %add3A_1403 = arith.addi %mul3A_1299, %mul3A_1402 : i32
        %dma_start3A_1404 = arith.constant 21504 : i32
        %dma_start3A_1405 = tpu.memref_slice %arg12[%dma_start3A_1404] : memref<27648xf32, #tpu.memory_space<vmem>> -> memref<6144xf32, #tpu.memory_space<vmem>>
        %dma_start3A_1406 = tpu.memref_slice %arg5[%add3A_1403] : memref<29491200xf32, #tpu.memory_space<hbm>> -> memref<6144xf32, #tpu.memory_space<hbm>>
        %dma_start3A_1407 = tpu.memref_slice %arg13[%and3A_47] : memref<2x!tpu.dma_semaphore, #tpu.memory_space<semaphore_mem>> -> memref<1x!tpu.dma_semaphore, #tpu.memory_space<semaphore_mem>>
        %dma_start3A_1408 = tpu.memref_squeeze %dma_start3A_1407 : memref<1x!tpu.dma_semaphore, #tpu.memory_space<semaphore_mem>> -> memref<!tpu.dma_semaphore, #tpu.memory_space<semaphore_mem>>
        %dma_start3A_1409 = tpu.memref_slice %arg5[%add3A_1403] : memref<29491200xf32, #tpu.memory_space<hbm>> -> memref<6144xf32, #tpu.memory_space<hbm>>
        %dma_start3A_1410 = arith.constant 21504 : i32
        %dma_start3A_1411 = tpu.memref_slice %arg12[%dma_start3A_1410] : memref<27648xf32, #tpu.memory_space<vmem>> -> memref<6144xf32, #tpu.memory_space<vmem>>
        tpu.enqueue_dma source(%dma_start3A_1411 : memref<6144xf32, #tpu.memory_space<vmem>>) target(%dma_start3A_1409 : memref<6144xf32, #tpu.memory_space<hbm>>) target_semaphore(%dma_start3A_1408 : memref<!tpu.dma_semaphore, #tpu.memory_space<semaphore_mem>>)
        %while3A_1412 = arith.constant 0 : i32
        scf.yield %while3A_1412 : i32
      }
      %mul3A_1332 = arith.constant 16 : i32
      %mul3A_1333 = arith.muli %select_n3A_1319, %mul3A_1332 : i32
      %while3A_1334 = arith.constant 0 : i32
      %while3A_1335 = arith.subi %squeeze3A_80, %mul3A_1333 : i32
      %while3A_1336 = arith.addi %mul3A_1333, %while3A_1335 : i32
      %while3A_1337 = arith.constant 1 : i32
      %while3A_1338 = arith.divsi %while3A_1335, %while3A_1337 : i32
      %while3A_1339 = arith.muli %while3A_1338, %while3A_1337 : i32
      %while3A_1340 = arith.addi %mul3A_1333, %while3A_1339 : i32
      %while3A_1341 = arith.constant 1 : i32
      %while3A_1342 = scf.for %while3A_1399 = %mul3A_1333 to %while3A_1340 step %while3A_1341 iter_args(%while3A_1400 = %while3A_1334) -> (i32)  : i32 {
        %broadcast_in_dim3A_1401 = vector.broadcast %while3A_1399 : i32 to vector<16xi32>
        %gather3A = tpu.vector_load_idx %arg11[%broadcast_in_dim3A_1401] : memref<384xi32, #tpu.memory_space<vmem>>[vector<16xi32>], vector<16xi32>,
        %slice3A_1402 = vector.extract_strided_slice %gather3A {offsets = [0], sizes = [1], strides = [1]} : vector<16xi32> to vector<1xi32>
        %squeeze3A_1403 = vector.extract %slice3A_1402[0] : i32 from vector<1xi32>
        %eq3A = arith.constant 28 : i32
        %eq3A_1404 = arith.cmpi eq, %squeeze3A_1403, %eq3A : i32
        %mul3A_1405 = arith.constant 384 : i32
        %mul3A_1406 = arith.muli %squeeze3A_1403, %mul3A_1405 : i32
        %add3A_1407 = arith.addi %mul3A_49, %mul3A_1406 : i32
        %jit3A_1408 = arith.constant 21504 : i32
        %select_n3A_1409 = arith.select %eq3A_1404, %jit3A_1408, %add3A_1407 : i32
        %mul3A_1410 = arith.constant 384 : i32
        %mul3A_1411 = arith.muli %while3A_1399, %mul3A_1410 : i32
        %add3A_1412 = arith.addi %mul3A_1299, %mul3A_1411 : i32
        %dma_start3A_1413 = tpu.memref_slice %arg12[%select_n3A_1409] : memref<27648xf32, #tpu.memory_space<vmem>> -> memref<384xf32, #tpu.memory_space<vmem>>
        %dma_start3A_1414 = tpu.memref_slice %arg5[%add3A_1412] : memref<29491200xf32, #tpu.memory_space<hbm>> -> memref<384xf32, #tpu.memory_space<hbm>>
        %dma_start3A_1415 = tpu.memref_slice %arg13[%and3A_47] : memref<2x!tpu.dma_semaphore, #tpu.memory_space<semaphore_mem>> -> memref<1x!tpu.dma_semaphore, #tpu.memory_space<semaphore_mem>>
        %dma_start3A_1416 = tpu.memref_squeeze %dma_start3A_1415 : memref<1x!tpu.dma_semaphore, #tpu.memory_space<semaphore_mem>> -> memref<!tpu.dma_semaphore, #tpu.memory_space<semaphore_mem>>
        %dma_start3A_1417 = tpu.memref_slice %arg5[%add3A_1412] : memref<29491200xf32, #tpu.memory_space<hbm>> -> memref<384xf32, #tpu.memory_space<hbm>>
        %dma_start3A_1418 = tpu.memref_slice %arg12[%select_n3A_1409] : memref<27648xf32, #tpu.memory_space<vmem>> -> memref<384xf32, #tpu.memory_space<vmem>>
        tpu.enqueue_dma source(%dma_start3A_1418 : memref<384xf32, #tpu.memory_space<vmem>>) target(%dma_start3A_1417 : memref<384xf32, #tpu.memory_space<hbm>>) target_semaphore(%dma_start3A_1416 : memref<!tpu.dma_semaphore, #tpu.memory_space<semaphore_mem>>)
        %while3A_1419 = arith.constant 0 : i32
        scf.yield %while3A_1419 : i32
      }
      %while3A_1343 = arith.constant 1 : i32
      %while3A_1344 = scf.for %while3A_1399 = %while3A_1340 to %while3A_1336 step %while3A_1343 iter_args(%while3A_1400 = %while3A_1342) -> (i32)  : i32 {
        %broadcast_in_dim3A_1401 = vector.broadcast %while3A_1399 : i32 to vector<16xi32>
        %gather3A = tpu.vector_load_idx %arg11[%broadcast_in_dim3A_1401] : memref<384xi32, #tpu.memory_space<vmem>>[vector<16xi32>], vector<16xi32>,
        %slice3A_1402 = vector.extract_strided_slice %gather3A {offsets = [0], sizes = [1], strides = [1]} : vector<16xi32> to vector<1xi32>
        %squeeze3A_1403 = vector.extract %slice3A_1402[0] : i32 from vector<1xi32>
        %eq3A = arith.constant 28 : i32
        %eq3A_1404 = arith.cmpi eq, %squeeze3A_1403, %eq3A : i32
        %mul3A_1405 = arith.constant 384 : i32
        %mul3A_1406 = arith.muli %squeeze3A_1403, %mul3A_1405 : i32
        %add3A_1407 = arith.addi %mul3A_49, %mul3A_1406 : i32
        %jit3A_1408 = arith.constant 21504 : i32
        %select_n3A_1409 = arith.select %eq3A_1404, %jit3A_1408, %add3A_1407 : i32
        %mul3A_1410 = arith.constant 384 : i32
        %mul3A_1411 = arith.muli %while3A_1399, %mul3A_1410 : i32
        %add3A_1412 = arith.addi %mul3A_1299, %mul3A_1411 : i32
        %dma_start3A_1413 = tpu.memref_slice %arg12[%select_n3A_1409] : memref<27648xf32, #tpu.memory_space<vmem>> -> memref<384xf32, #tpu.memory_space<vmem>>
        %dma_start3A_1414 = tpu.memref_slice %arg5[%add3A_1412] : memref<29491200xf32, #tpu.memory_space<hbm>> -> memref<384xf32, #tpu.memory_space<hbm>>
        %dma_start3A_1415 = tpu.memref_slice %arg13[%and3A_47] : memref<2x!tpu.dma_semaphore, #tpu.memory_space<semaphore_mem>> -> memref<1x!tpu.dma_semaphore, #tpu.memory_space<semaphore_mem>>
        %dma_start3A_1416 = tpu.memref_squeeze %dma_start3A_1415 : memref<1x!tpu.dma_semaphore, #tpu.memory_space<semaphore_mem>> -> memref<!tpu.dma_semaphore, #tpu.memory_space<semaphore_mem>>
        %dma_start3A_1417 = tpu.memref_slice %arg5[%add3A_1412] : memref<29491200xf32, #tpu.memory_space<hbm>> -> memref<384xf32, #tpu.memory_space<hbm>>
        %dma_start3A_1418 = tpu.memref_slice %arg12[%select_n3A_1409] : memref<27648xf32, #tpu.memory_space<vmem>> -> memref<384xf32, #tpu.memory_space<vmem>>
        tpu.enqueue_dma source(%dma_start3A_1418 : memref<384xf32, #tpu.memory_space<vmem>>) target(%dma_start3A_1417 : memref<384xf32, #tpu.memory_space<hbm>>) target_semaphore(%dma_start3A_1416 : memref<!tpu.dma_semaphore, #tpu.memory_space<semaphore_mem>>)
        %while3A_1419 = arith.constant 0 : i32
        scf.yield %while3A_1419 : i32
      }
      %sub3A_1345 = arith.constant 384 : i32
      %sub3A_1346 = arith.subi %sub3A_1345, %squeeze3A_80 : i32
      %jit3A_1347 = arith.constant 16 : i32
      %div3A_1348 = arith.divsi %sub3A_1346, %jit3A_1347 : i32
      %sign3A_1349 = arith.constant 0 : i32
      %sign3A_1350 = arith.cmpi sgt, %sub3A_1346, %sign3A_1349 : i32
      %sign3A_1351 = arith.extui %sign3A_1350 : i1 to i32
      %sign3A_1352 = arith.constant 0 : i32
      %sign3A_1353 = arith.cmpi slt, %sub3A_1346, %sign3A_1352 : i32
      %sign3A_1354 = arith.extui %sign3A_1353 : i1 to i32
      %sign3A_1355 = arith.subi %sign3A_1351, %sign3A_1354 : i32
      %sign3A_1356 = arith.constant 0 : i32
      %sign3A_1357 = arith.cmpi sgt, %jit3A_1347, %sign3A_1356 : i32
      %sign3A_1358 = arith.extui %sign3A_1357 : i1 to i32
      %sign3A_1359 = arith.constant 0 : i32
      %sign3A_1360 = arith.cmpi slt, %jit3A_1347, %sign3A_1359 : i32
      %sign3A_1361 = arith.extui %sign3A_1360 : i1 to i32
      %sign3A_1362 = arith.subi %sign3A_1358, %sign3A_1361 : i32
      %ne3A_1363 = arith.cmpi ne, %sign3A_1355, %sign3A_1362 : i32
      %rem3A_1364 = arith.remsi %sub3A_1346, %jit3A_1347 : i32
      %ne3A_1365 = arith.constant 0 : i32
      %ne3A_1366 = arith.cmpi ne, %rem3A_1364, %ne3A_1365 : i32
      %and3A_1367 = arith.andi %ne3A_1363, %ne3A_1366 : i1
      %sub3A_1368 = arith.constant 1 : i32
      %sub3A_1369 = arith.subi %div3A_1348, %sub3A_1368 : i32
      %select_n3A_1370 = arith.select %and3A_1367, %sub3A_1369, %div3A_1348 : i32
      %mul3A_1371 = arith.constant 16 : i32
      %mul3A_1372 = arith.muli %select_n3A_1370, %mul3A_1371 : i32
      %sub3A_1373 = arith.constant 384 : i32
      %sub3A_1374 = arith.subi %sub3A_1373, %mul3A_1372 : i32
      %while3A_1375 = arith.constant 0 : i32
      %while3A_1376 = arith.subi %sub3A_1374, %squeeze3A_80 : i32
      %while3A_1377 = arith.addi %squeeze3A_80, %while3A_1376 : i32
      %while3A_1378 = arith.constant 1 : i32
      %while3A_1379 = arith.divsi %while3A_1376, %while3A_1378 : i32
      %while3A_1380 = arith.muli %while3A_1379, %while3A_1378 : i32
      %while3A_1381 = arith.addi %squeeze3A_80, %while3A_1380 : i32
      %while3A_1382 = arith.constant 1 : i32
      %while3A_1383 = scf.for %while3A_1399 = %squeeze3A_80 to %while3A_1381 step %while3A_1382 iter_args(%while3A_1400 = %while3A_1375) -> (i32)  : i32 {
        %broadcast_in_dim3A_1401 = vector.broadcast %while3A_1399 : i32 to vector<16xi32>
        %gather3A = tpu.vector_load_idx %arg11[%broadcast_in_dim3A_1401] : memref<384xi32, #tpu.memory_space<vmem>>[vector<16xi32>], vector<16xi32>,
        %slice3A_1402 = vector.extract_strided_slice %gather3A {offsets = [0], sizes = [1], strides = [1]} : vector<16xi32> to vector<1xi32>
        %squeeze3A_1403 = vector.extract %slice3A_1402[0] : i32 from vector<1xi32>
        %eq3A = arith.constant 28 : i32
        %eq3A_1404 = arith.cmpi eq, %squeeze3A_1403, %eq3A : i32
        %mul3A_1405 = arith.constant 384 : i32
        %mul3A_1406 = arith.muli %squeeze3A_1403, %mul3A_1405 : i32
        %add3A_1407 = arith.addi %mul3A_49, %mul3A_1406 : i32
        %jit3A_1408 = arith.constant 21504 : i32
        %select_n3A_1409 = arith.select %eq3A_1404, %jit3A_1408, %add3A_1407 : i32
        %mul3A_1410 = arith.constant 384 : i32
        %mul3A_1411 = arith.muli %while3A_1399, %mul3A_1410 : i32
        %add3A_1412 = arith.addi %mul3A_1299, %mul3A_1411 : i32
        %dma_start3A_1413 = tpu.memref_slice %arg12[%select_n3A_1409] : memref<27648xf32, #tpu.memory_space<vmem>> -> memref<384xf32, #tpu.memory_space<vmem>>
        %dma_start3A_1414 = tpu.memref_slice %arg5[%add3A_1412] : memref<29491200xf32, #tpu.memory_space<hbm>> -> memref<384xf32, #tpu.memory_space<hbm>>
        %dma_start3A_1415 = tpu.memref_slice %arg13[%and3A_47] : memref<2x!tpu.dma_semaphore, #tpu.memory_space<semaphore_mem>> -> memref<1x!tpu.dma_semaphore, #tpu.memory_space<semaphore_mem>>
        %dma_start3A_1416 = tpu.memref_squeeze %dma_start3A_1415 : memref<1x!tpu.dma_semaphore, #tpu.memory_space<semaphore_mem>> -> memref<!tpu.dma_semaphore, #tpu.memory_space<semaphore_mem>>
        %dma_start3A_1417 = tpu.memref_slice %arg5[%add3A_1412] : memref<29491200xf32, #tpu.memory_space<hbm>> -> memref<384xf32, #tpu.memory_space<hbm>>
        %dma_start3A_1418 = tpu.memref_slice %arg12[%select_n3A_1409] : memref<27648xf32, #tpu.memory_space<vmem>> -> memref<384xf32, #tpu.memory_space<vmem>>
        tpu.enqueue_dma source(%dma_start3A_1418 : memref<384xf32, #tpu.memory_space<vmem>>) target(%dma_start3A_1417 : memref<384xf32, #tpu.memory_space<hbm>>) target_semaphore(%dma_start3A_1416 : memref<!tpu.dma_semaphore, #tpu.memory_space<semaphore_mem>>)
        %while3A_1419 = arith.constant 0 : i32
        scf.yield %while3A_1419 : i32
      }
      %while3A_1384 = arith.constant 1 : i32
      %while3A_1385 = scf.for %while3A_1399 = %while3A_1381 to %while3A_1377 step %while3A_1384 iter_args(%while3A_1400 = %while3A_1383) -> (i32)  : i32 {
        %broadcast_in_dim3A_1401 = vector.broadcast %while3A_1399 : i32 to vector<16xi32>
        %gather3A = tpu.vector_load_idx %arg11[%broadcast_in_dim3A_1401] : memref<384xi32, #tpu.memory_space<vmem>>[vector<16xi32>], vector<16xi32>,
        %slice3A_1402 = vector.extract_strided_slice %gather3A {offsets = [0], sizes = [1], strides = [1]} : vector<16xi32> to vector<1xi32>
        %squeeze3A_1403 = vector.extract %slice3A_1402[0] : i32 from vector<1xi32>
        %eq3A = arith.constant 28 : i32
        %eq3A_1404 = arith.cmpi eq, %squeeze3A_1403, %eq3A : i32
        %mul3A_1405 = arith.constant 384 : i32
        %mul3A_1406 = arith.muli %squeeze3A_1403, %mul3A_1405 : i32
        %add3A_1407 = arith.addi %mul3A_49, %mul3A_1406 : i32
        %jit3A_1408 = arith.constant 21504 : i32
        %select_n3A_1409 = arith.select %eq3A_1404, %jit3A_1408, %add3A_1407 : i32
        %mul3A_1410 = arith.constant 384 : i32
        %mul3A_1411 = arith.muli %while3A_1399, %mul3A_1410 : i32
        %add3A_1412 = arith.addi %mul3A_1299, %mul3A_1411 : i32
        %dma_start3A_1413 = tpu.memref_slice %arg12[%select_n3A_1409] : memref<27648xf32, #tpu.memory_space<vmem>> -> memref<384xf32, #tpu.memory_space<vmem>>
        %dma_start3A_1414 = tpu.memref_slice %arg5[%add3A_1412] : memref<29491200xf32, #tpu.memory_space<hbm>> -> memref<384xf32, #tpu.memory_space<hbm>>
        %dma_start3A_1415 = tpu.memref_slice %arg13[%and3A_47] : memref<2x!tpu.dma_semaphore, #tpu.memory_space<semaphore_mem>> -> memref<1x!tpu.dma_semaphore, #tpu.memory_space<semaphore_mem>>
        %dma_start3A_1416 = tpu.memref_squeeze %dma_start3A_1415 : memref<1x!tpu.dma_semaphore, #tpu.memory_space<semaphore_mem>> -> memref<!tpu.dma_semaphore, #tpu.memory_space<semaphore_mem>>
        %dma_start3A_1417 = tpu.memref_slice %arg5[%add3A_1412] : memref<29491200xf32, #tpu.memory_space<hbm>> -> memref<384xf32, #tpu.memory_space<hbm>>
        %dma_start3A_1418 = tpu.memref_slice %arg12[%select_n3A_1409] : memref<27648xf32, #tpu.memory_space<vmem>> -> memref<384xf32, #tpu.memory_space<vmem>>
        tpu.enqueue_dma source(%dma_start3A_1418 : memref<384xf32, #tpu.memory_space<vmem>>) target(%dma_start3A_1417 : memref<384xf32, #tpu.memory_space<hbm>>) target_semaphore(%dma_start3A_1416 : memref<!tpu.dma_semaphore, #tpu.memory_space<semaphore_mem>>)
        %while3A_1419 = arith.constant 0 : i32
        scf.yield %while3A_1419 : i32
      }
      %while3A_1386 = arith.constant 0 : i32
      %while3A_1387 = arith.constant 0 : i32
      %while3A_1388 = arith.subi %select_n3A_1370, %while3A_1386 : i32
      %while3A_1389 = arith.addi %while3A_1386, %while3A_1388 : i32
      %while3A_1390 = arith.constant 1 : i32
      %while3A_1391 = arith.divsi %while3A_1388, %while3A_1390 : i32
      %while3A_1392 = arith.muli %while3A_1391, %while3A_1390 : i32
      %while3A_1393 = arith.addi %while3A_1386, %while3A_1392 : i32
      %while3A_1394 = arith.constant 1 : i32
      %while3A_1395 = scf.for %while3A_1399 = %while3A_1386 to %while3A_1393 step %while3A_1394 iter_args(%while3A_1400 = %while3A_1387) -> (i32)  : i32 {
        %mul3A_1401 = arith.constant 16 : i32
        %mul3A_1402 = arith.muli %while3A_1399, %mul3A_1401 : i32
        %add3A_1403 = arith.addi %sub3A_1374, %mul3A_1402 : i32
        %mul3A_1404 = arith.constant 384 : i32
        %mul3A_1405 = arith.muli %add3A_1403, %mul3A_1404 : i32
        %add3A_1406 = arith.addi %mul3A_1299, %mul3A_1405 : i32
        %dma_start3A_1407 = arith.constant 21504 : i32
        %dma_start3A_1408 = tpu.memref_slice %arg12[%dma_start3A_1407] : memref<27648xf32, #tpu.memory_space<vmem>> -> memref<6144xf32, #tpu.memory_space<vmem>>
        %dma_start3A_1409 = tpu.memref_slice %arg5[%add3A_1406] : memref<29491200xf32, #tpu.memory_space<hbm>> -> memref<6144xf32, #tpu.memory_space<hbm>>
        %dma_start3A_1410 = tpu.memref_slice %arg13[%and3A_47] : memref<2x!tpu.dma_semaphore, #tpu.memory_space<semaphore_mem>> -> memref<1x!tpu.dma_semaphore, #tpu.memory_space<semaphore_mem>>
        %dma_start3A_1411 = tpu.memref_squeeze %dma_start3A_1410 : memref<1x!tpu.dma_semaphore, #tpu.memory_space<semaphore_mem>> -> memref<!tpu.dma_semaphore, #tpu.memory_space<semaphore_mem>>
        %dma_start3A_1412 = tpu.memref_slice %arg5[%add3A_1406] : memref<29491200xf32, #tpu.memory_space<hbm>> -> memref<6144xf32, #tpu.memory_space<hbm>>
        %dma_start3A_1413 = arith.constant 21504 : i32
        %dma_start3A_1414 = tpu.memref_slice %arg12[%dma_start3A_1413] : memref<27648xf32, #tpu.memory_space<vmem>> -> memref<6144xf32, #tpu.memory_space<vmem>>
        tpu.enqueue_dma source(%dma_start3A_1414 : memref<6144xf32, #tpu.memory_space<vmem>>) target(%dma_start3A_1412 : memref<6144xf32, #tpu.memory_space<hbm>>) target_semaphore(%dma_start3A_1411 : memref<!tpu.dma_semaphore, #tpu.memory_space<semaphore_mem>>)
        %while3A_1415 = arith.constant 0 : i32
        scf.yield %while3A_1415 : i32
      }
      %while3A_1396 = arith.constant 1 : i32
      %while3A_1397 = scf.for %while3A_1399 = %while3A_1393 to %while3A_1389 step %while3A_1396 iter_args(%while3A_1400 = %while3A_1395) -> (i32)  : i32 {
        %mul3A_1401 = arith.constant 16 : i32
        %mul3A_1402 = arith.muli %while3A_1399, %mul3A_1401 : i32
        %add3A_1403 = arith.addi %sub3A_1374, %mul3A_1402 : i32
        %mul3A_1404 = arith.constant 384 : i32
        %mul3A_1405 = arith.muli %add3A_1403, %mul3A_1404 : i32
        %add3A_1406 = arith.addi %mul3A_1299, %mul3A_1405 : i32
        %dma_start3A_1407 = arith.constant 21504 : i32
        %dma_start3A_1408 = tpu.memref_slice %arg12[%dma_start3A_1407] : memref<27648xf32, #tpu.memory_space<vmem>> -> memref<6144xf32, #tpu.memory_space<vmem>>
        %dma_start3A_1409 = tpu.memref_slice %arg5[%add3A_1406] : memref<29491200xf32, #tpu.memory_space<hbm>> -> memref<6144xf32, #tpu.memory_space<hbm>>
        %dma_start3A_1410 = tpu.memref_slice %arg13[%and3A_47] : memref<2x!tpu.dma_semaphore, #tpu.memory_space<semaphore_mem>> -> memref<1x!tpu.dma_semaphore, #tpu.memory_space<semaphore_mem>>
        %dma_start3A_1411 = tpu.memref_squeeze %dma_start3A_1410 : memref<1x!tpu.dma_semaphore, #tpu.memory_space<semaphore_mem>> -> memref<!tpu.dma_semaphore, #tpu.memory_space<semaphore_mem>>
        %dma_start3A_1412 = tpu.memref_slice %arg5[%add3A_1406] : memref<29491200xf32, #tpu.memory_space<hbm>> -> memref<6144xf32, #tpu.memory_space<hbm>>
        %dma_start3A_1413 = arith.constant 21504 : i32
        %dma_start3A_1414 = tpu.memref_slice %arg12[%dma_start3A_1413] : memref<27648xf32, #tpu.memory_space<vmem>> -> memref<6144xf32, #tpu.memory_space<vmem>>
        tpu.enqueue_dma source(%dma_start3A_1414 : memref<6144xf32, #tpu.memory_space<vmem>>) target(%dma_start3A_1412 : memref<6144xf32, #tpu.memory_space<hbm>>) target_semaphore(%dma_start3A_1411 : memref<!tpu.dma_semaphore, #tpu.memory_space<semaphore_mem>>)
        %while3A_1415 = arith.constant 0 : i32
        scf.yield %while3A_1415 : i32
      }
      %while3A_1398 = arith.constant 0 : i32
      scf.yield %while3A_1398 : i32
    }
    %scan3A_35 = arith.constant 0 : i32
    %scan3A_36 = arith.constant 0 : i32
    %scan3A_37 = arith.constant 16 : i32
    %scan3A_38 = arith.addi %scan3A_36, %scan3A_37 : i32
    %scan3A_39 = arith.constant 1 : i32
    %scan3A_40 = scf.for %scan3A_42 = %scan3A_36 to %scan3A_38 step %scan3A_39 iter_args(%scan3A_43 = %scan3A_35) -> (i32)  : i32 {
      %dma_wait3A = arith.constant 0 : i32
      %dma_wait3A_44 = arith.constant 0 : i32
      %dma_wait3A_45 = tpu.memref_slice %arg12[%dma_wait3A_44] : memref<27648xf32, #tpu.memory_space<vmem>> -> memref<9216xf32, #tpu.memory_space<vmem>>
      %dma_wait3A_46 = arith.constant 0 : i32
      %dma_wait3A_47 = tpu.memref_slice %arg5[%dma_wait3A_46] : memref<29491200xf32, #tpu.memory_space<hbm>> -> memref<9216xf32, #tpu.memory_space<hbm>>
      %dma_wait3A_48 = tpu.memref_slice %arg13[%dma_wait3A] : memref<2x!tpu.dma_semaphore, #tpu.memory_space<semaphore_mem>> -> memref<1x!tpu.dma_semaphore, #tpu.memory_space<semaphore_mem>>
      %dma_wait3A_49 = tpu.memref_squeeze %dma_wait3A_48 : memref<1x!tpu.dma_semaphore, #tpu.memory_space<semaphore_mem>> -> memref<!tpu.dma_semaphore, #tpu.memory_space<semaphore_mem>>
      %dma_wait3A_50 = arith.constant 0 : i32
      %dma_wait3A_51 = tpu.memref_slice %arg5[%dma_wait3A_50] : memref<29491200xf32, #tpu.memory_space<hbm>> -> memref<9216xf32, #tpu.memory_space<hbm>>
      %dma_wait3A_52 = arith.constant 0 : i32
      %dma_wait3A_53 = tpu.memref_slice %arg12[%dma_wait3A_52] : memref<27648xf32, #tpu.memory_space<vmem>> -> memref<9216xf32, #tpu.memory_space<vmem>>
      tpu.wait_dma2 semaphore(%dma_wait3A_49 : memref<!tpu.dma_semaphore, #tpu.memory_space<semaphore_mem>>) src(%dma_wait3A_53 : memref<9216xf32, #tpu.memory_space<vmem>>) dst(%dma_wait3A_51 : memref<9216xf32, #tpu.memory_space<hbm>>)
      %dma_wait3A_54 = arith.constant 1 : i32
      %dma_wait3A_55 = arith.constant 0 : i32
      %dma_wait3A_56 = tpu.memref_slice %arg12[%dma_wait3A_55] : memref<27648xf32, #tpu.memory_space<vmem>> -> memref<9216xf32, #tpu.memory_space<vmem>>
      %dma_wait3A_57 = arith.constant 0 : i32
      %dma_wait3A_58 = tpu.memref_slice %arg5[%dma_wait3A_57] : memref<29491200xf32, #tpu.memory_space<hbm>> -> memref<9216xf32, #tpu.memory_space<hbm>>
      %dma_wait3A_59 = tpu.memref_slice %arg13[%dma_wait3A_54] : memref<2x!tpu.dma_semaphore, #tpu.memory_space<semaphore_mem>> -> memref<1x!tpu.dma_semaphore, #tpu.memory_space<semaphore_mem>>
      %dma_wait3A_60 = tpu.memref_squeeze %dma_wait3A_59 : memref<1x!tpu.dma_semaphore, #tpu.memory_space<semaphore_mem>> -> memref<!tpu.dma_semaphore, #tpu.memory_space<semaphore_mem>>
      %dma_wait3A_61 = arith.constant 0 : i32
      %dma_wait3A_62 = tpu.memref_slice %arg5[%dma_wait3A_61] : memref<29491200xf32, #tpu.memory_space<hbm>> -> memref<9216xf32, #tpu.memory_space<hbm>>
      %dma_wait3A_63 = arith.constant 0 : i32
      %dma_wait3A_64 = tpu.memref_slice %arg12[%dma_wait3A_63] : memref<27648xf32, #tpu.memory_space<vmem>> -> memref<9216xf32, #tpu.memory_space<vmem>>
      tpu.wait_dma2 semaphore(%dma_wait3A_60 : memref<!tpu.dma_semaphore, #tpu.memory_space<semaphore_mem>>) src(%dma_wait3A_64 : memref<9216xf32, #tpu.memory_space<vmem>>) dst(%dma_wait3A_62 : memref<9216xf32, #tpu.memory_space<hbm>>)
      %scan3A_65 = arith.constant 0 : i32
      scf.yield %scan3A_65 : i32
    }
    %scan3A_41 = arith.constant 16 : i32
    return
  }
}

</mosaic_0001>

<sc_bundles>
// kernel: kernel.3.cloned.1.call-start
scs
__scs_entry_jumppad:
0x0: {  	(pc) =	sbr.rel $0x88, $3  }
0x1: {  	(tag) =	ssettag $0x0;
	lr =	simm.s32 $0x1  }
0x2: {  	[smem:$0x3F9C] =	sst lr;
	_ =	strace $0xD0000000  }
0x3: {  	_ = 	snop  }
0x4: {  	_ = 	snop  }
0x5: {  	_ = 	snop  }
0x6: {  	_ = 	snop  }
0x7: {  	_ = 	snop  }
__scs_overlays_trampoline_lowered:
0x8: {  	[smem:$0x3FAB] =	sst s0  }
0x9: {  	[smem:$0x3FAC] =	sst s1  }
0xa: {  	[smem:$0x3FAD] =	sst s2  }
0xb: {  	[smem:$0x3FAE] =	sst s3  }
0xc: {  	[smem:$0x3FAF] =	sst s4  }
0xd: {  	[smem:$0x3FB0] =	sst s5  }
0xe: {  	[smem:$0x3FB1] =	sst s6  }
0xf: {  	[smem:$0x3FB2] =	sst s7  }
0x10: {  	[smem:$0x3FB3] =	sst s8  }
0x11: {  	[smem:$0x3FB4] =	sst s9;
	s0 =	simm.s32 @!p0 $0x0  }
0x12: {  	s1 =	sld [smem:$0x3F9A];
	s0 =	simm.s32 @p0 $0x1  }
0x13: {  	[smem:$0x3FB5] =	sst s0;
	s0 =	simm.s32 @!p1 $0x0  }
0x14: {  	s2 =	sld [smem:$0x3F99];
	s0 =	simm.s32 @p1 $0x1  }
0x15: {  	[smem:$0x3FB6] =	sst s0;
	s0 =	simm.s32 @!p2 $0x0  }
0x16: {  	s3 =	sld [smem:$0x3FDB];
	s0 =	simm.s32 @p2 $0x1  }
0x17: {  	s4 =	simm.s32 $0x1BF5;
	[smem:$0x3FB8] =	sst s0  }
0x18: {  	s0 =	sld [smem:$0x3F9B];
	_ =	swait.ge [sflag:s4], $0x0  }
0x19: {  	s7 =	sld [smem:$0x3F9C]  }
0x1a: {  	s8 =	sadd.s32 $0xFFFFE003, lr  }
0x1b: {  	s9 =	sadd.s32 $0xFFFFFEF7, lr;
	s5 =	simm.s32 $0xFFFFFFFF;
	p2 =	slt.u32 s8, $0xFFFFF086  }
0x1c: {  	p1 =	slt.u32 s9, $0xF7A;
	s5 =	simm.s32 @!p2 $0x0  }
0x1d: {  	s5 =	simm.s32 @p1 $0x1;
	p0 =	seq.s32 s7, s2  }
0x1e: {  	s7 =	smul.u32 @!p0 $0xF7A, s2;
	p2 =	seq.s32 @!p0 s5, $0x0  }
0x1f: {  	s9 =	smul.u32 $0xF7A, s1;
	s8 =	simm.s32 @!p0 $0x1BF5;
	p2 =	por !p2, p0  }
0x20: {  	[sflag:s8] =	ssyncset.s32 @!p0 $0xFFFFF086;
	s6 =	sadd.s32 @!p0 s3, s7;
	s7 =	simm.s32 @!p0 $0x108  }
0x21: {  	s3 =	sadd.s32 s3, s9;
	s6 =	sadd.s32 @!p0 $0x88, s6;
	s7 =	simm.s32 @p2 $0x1082  }
0x22: {  	[simem:s7], [sflag:s8] =	dma.local @!p0 [hbm:s6], $0xF7A  }
0x23: {  	s9 =	sor.u32 $0xD0000000, s2;
	s6 =	simm.s32 $0x108;
	_ =	swait.ge @!p0 [sflag:s8], $0x0  }
0x24: {  	s3 =	sadd.s32 $0x88, s3;
	s6 =	simm.s32 @!p1 $0x1082;
	[sflag:s4] =	ssyncset.s32 $0xFFFFF086  }
0x25: {  	[simem:s6], [sflag:s4] =	dma.local [hbm:s3], $0xF7A  }
0x26: {  	[smem:$0x3F9C] =	sst s1;
	(tag) =	ssettag s2;
	_ =	strace s9  }
0x27: {  	s1 =	sld [smem:$0x3FAC]  }
0x28: {  	s2 =	sld [smem:$0x3FAD]  }
0x29: {  	s4 =	sld [smem:$0x3FAF]  }
0x2a: {  	p0 =	seq.s32 s5, $0x0;
	s5 =	sld [smem:$0x3FB0]  }
0x2b: {  	s6 =	sld [smem:$0x3FB1]  }
0x2c: {  	s7 =	sld [smem:$0x3FB2]  }
0x2d: {  	s3 =	simm.s32 $0x108;
	s8 =	sld [smem:$0x3FB3]  }
0x2e: {  	s3 =	simm.s32 @!p0 $0x1082;
	s9 =	sld [smem:$0x3FB4]  }
0x2f: {  	lr =	sadd.s32 s0, s3;
	s0 =	sld [smem:$0x3FAB]  }
0x30: {  	s3 =	sld [smem:$0x3FAE]  }
0x31: {  	[smem:$0x3FB7] =	sst s10  }
0x32: {  	s10 =	sld [smem:$0x3FB5];
	_ =	sdelay $0x3  }
0x33: {  	p0 =	seq.s32 s10, $0x1;
	s10 =	sld [smem:$0x3FB7];
	_ =	sdelay $0x3  }
0x34: {  	[smem:$0x3FB7] =	sst s10  }
0x35: {  	s10 =	sld [smem:$0x3FB6];
	_ =	sdelay $0x3  }
0x36: {  	p1 =	seq.s32 s10, $0x1;
	s10 =	sld [smem:$0x3FB7];
	_ =	sdelay $0x3  }
0x37: {  	[smem:$0x3FB7] =	sst s10  }
0x38: {  	s10 =	sld [smem:$0x3FB8]  }
0x39: {  	_ = 	snop;
	(pc) =	sbr.ind lr, $3  }
0x3a: {  	_ = 	snop  }
0x3b: {  	_ = 	snop  }
0x3c: {  	p2 =	seq.s32 s10, $0x1;
	s10 =	sld [smem:$0x3FB7]  }
0x3d: {  	_ =	shalt  }
0x3e: {  	_ =	shalt  }
0x3f: {  	_ =	shalt  }
0x40: {  	_ =	shalt  }
0x41: {  	_ =	shalt  }
0x42: {  	_ =	shalt  }
0x43: {  	_ =	shalt  }
0x44: {  	_ =	shalt  }
0x45: {  	_ =	shalt  }
0x46: {  	_ =	shalt  }
0x47: {  	_ =	shalt  }
0x48: {  	_ =	shalt  }
0x49: {  	_ =	shalt  }
0x4a: {  	_ =	shalt  }
0x4b: {  	_ =	shalt  }
0x4c: {  	_ =	shalt  }
0x4d: {  	_ =	shalt  }
0x4e: {  	_ =	shalt  }
0x4f: {  	_ =	shalt  }
0x50: {  	_ =	shalt  }
0x51: {  	_ =	shalt  }
0x52: {  	_ =	shalt  }
0x53: {  	_ =	shalt  }
0x54: {  	_ =	shalt  }
0x55: {  	_ =	shalt  }
0x56: {  	_ =	shalt  }
0x57: {  	_ =	shalt  }
0x58: {  	_ =	shalt  }
0x59: {  	_ =	shalt  }
0x5a: {  	_ =	shalt  }
0x5b: {  	_ =	shalt  }
0x5c: {  	_ =	shalt  }
0x5d: {  	_ =	shalt  }
0x5e: {  	_ =	shalt  }
0x5f: {  	_ =	shalt  }
0x60: {  	_ =	shalt  }
0x61: {  	_ =	shalt  }
0x62: {  	_ =	shalt  }
0x63: {  	_ =	shalt  }
0x64: {  	_ =	shalt  }
0x65: {  	_ =	shalt  }
0x66: {  	_ =	shalt  }
0x67: {  	_ =	shalt  }
0x68: {  	_ =	shalt  }
0x69: {  	_ =	shalt  }
0x6a: {  	_ =	shalt  }
0x6b: {  	_ =	shalt  }
0x6c: {  	_ =	shalt  }
0x6d: {  	_ =	shalt  }
0x6e: {  	_ =	shalt  }
0x6f: {  	_ =	shalt  }
0x70: {  	_ =	shalt  }
0x71: {  	_ =	shalt  }
0x72: {  	_ =	shalt  }
0x73: {  	_ =	shalt  }
0x74: {  	_ =	shalt  }
0x75: {  	_ =	shalt  }
0x76: {  	_ =	shalt  }
0x77: {  	_ =	shalt  }
0x78: {  	_ =	shalt  }
0x79: {  	_ =	shalt  }
0x7a: {  	_ =	shalt  }
0x7b: {  	_ =	shalt  }
0x7c: {  	_ =	shalt  }
0x7d: {  	_ =	shalt  }
0x7e: {  	_ =	shalt  }
0x7f: {  	_ =	shalt  }
0x80: {  	_ =	shalt  }
0x81: {  	_ =	shalt  }
0x82: {  	_ =	shalt  }
0x83: {  	_ =	shalt  }
0x84: {  	_ =	shalt  }
0x85: {  	_ =	shalt  }
0x86: {  	_ =	shalt  }
0x87: {  	_ =	shalt  }
.Lfunc_end0:
.L_simem_size_0:
called_computation_lowered:
.L_overlay_start_0:
0x88: {  	s2 =	sld [smem:$0x3FD9]  }
0x89: {  	s3 =	sld [smem:$0x3FFE];
	_ =	sdelay $0x1  }
0x8a: {  	s1 =	srdreg.scid  }
0x8b: {  	s0 =	sand.u32 $0x1, s1  }
0x8c: {  	s17 =	sshll.u32 s0, $0xA;
	s2 =	sadd.s32 s3, s2  }
0x8d: {  	s2 =	sadd.s32 s2, s17  }
0x8e: {  	[smem:$0x3FC3] =	sst s2  }
0x8f: {  	_ = 	snop  }
0x90: {  	s2 =	sld [smem:$0x3FD0];
	(tm) =	ssettm $0x1  }
0x91: {  	s18 =	sld [smem:$0x3FFB];
	_ =	sdelay $0x3  }
0x92: {  	_ =	strace s18  }
0x93: {  	s3 =	sld [smem:$0x3FFC];
	_ =	sdelay $0x3  }
0x94: {  	_ =	strace s3  }
0x95: {  	s3 =	sld [smem:$0x3FFD];
	_ =	sdelay $0x3  }
0x96: {  	_ =	strace s3  }
0x97: {  	_ =	strace $0x8FFFFFFF  }
0x98: {  	s19 =	sld [smem:$0x3FDB];
	_ =	sdelay $0x1  }
0x99: {  	s4 =	simm.s32 $_scs_section_size  }
0x9a: {  	s5 =	simm.s32 $_size__tile_overlayer_lowered;
	s6 =	simm.s32 $_tile_overlayer_lowered  }
0x9b: {  	s22 =	simm.s32 $0x1BFF;
	s21 =	sshll.u32 s6, $0x1;
	s3 =	sadd.s32 s4, s19  }
0x9c: {  	s7 =	simm.s32 $0x0;
	s20 =	sshll.u32 s5, $0x1;
	s5 =	sadd.s32 s21, s3  }
0x9d: {  	[timem:s7], [sflag:s22] =	dma.local [hbm:s5], s20  }
0x9e: {  	_ =	swait.ge [sflag:s22], s20  }
0x9f: {  	s4 =	ssub.s32 $0x0, s20;
	[sflag:s22] =	ssyncset.done $0x0  }
0xa0: {  	[sflag:s22] =	ssyncadd.s32 s4;
	_ =	sdelay $0x1  }
0xa1: {  	s23 =	simm.s32 $0x1B8B  }
0xa2: {  	_ =	swait.ge [sflag:s23], $0x1  }
0xa3: {  	[sflag:s23] =	ssyncset.done $0x0  }
0xa4: {  	s25 =	simm.s32 $0x1B8E;
	s24 =	sld [smem:$0x3FFE];
	[sflag:s23] =	ssyncadd.s32 $0xFFFFFFFF  }
0xa5: {  	s26 =	simm.s32 $execute0_lowered;
	[smem:$0x3FD2] =	sst s25  }
0xa6: {  	s5 =	sshll.u32 s26, $0x1;
	_ =	strace $0x80000046;
	[dreg:$0x1] =	wrdreg $0xFFFFFFFF  }
0xa7: {  	s28 =	simm.s32 $_size_execute0_lowered;
	s3 =	sadd.s32 s3, s5;
	[dreg:$0x0] =	wrdreg $0x0  }
0xa8: {  	s5 =	sshll.u32 s28, $0x1;
	[dreg:$0x2] =	wrdreg s3  }
0xa9: {  	[dreg:$0x3] =	wrdreg s5  }
0xaa: {  	[dreg:$0x4] =	wrdreg $0xC0  }
0xab: {  	_ =	task [dreg:s7], $0x5FFFF  }
0xac: {  	[dreg:$0x1] =	wrdreg $0xFFFFFFFF  }
0xad: {  	[dreg:$0x0] =	wrdreg $0x60  }
0xae: {  	[dreg:$0x2] =	wrdreg s24  }
0xaf: {  	[dreg:$0x3] =	wrdreg s2  }
0xb0: {  	[dreg:$0x4] =	wrdreg $0x9  }
0xb1: {  	_ =	task.clear_ibuf [dreg:s7], $0x5FFFF;
	_ =	strace $0x90000046  }
0xb2: {  	s29 =	simm.s32 $0x9;
	_ =	strace $0x80000048  }
0xb3: {  	_ =	swait.ge [sflag:s29], $0x1  }
0xb4: {  	[sflag:s29] =	ssyncadd.s32 $0xFFFFFFFF  }
0xb5: {  	_ =	strace $0x90000048  }
0xb6: {  	_ =	sfence  }
0xb7: {  	s30 =	sld [smem:$0x0];
	_ =	sdelay $0x2  }
0xb8: {  	s31 =	sshll.u32 s1, $0xD;
	s1 =	sshrl.u32 s1, $0x2  }
0xb9: {  	s3 =	sand.u32 $0x4000, s31;
	s1 =	sadd.s32 s1, s30  }
0xba: {  	s0 =	sor.u32 s3, s0;
	s1 =	sshll.u32 s1, $0x11  }
0xbb: {  	s0 =	sor.u32 s1, s0  }
0xbc: {  	s0 =	sadd.s32 $0x8F2B, s0  }
0xbd: {  	[sflag:s0] =	ssyncadd.remote.s32 $0x1  }
0xbe: {  	_ =	sfence.sel $0xFFFF  }
0xbf: {  	[dreg:$0x0] =	wrdreg $0xFFFFFFFF;
	(pc) =	sbr.abs _section_cstart, $3  }
0xc0: {  	[dreg:$0x1] =	wrdreg $0xFFFFFFFF  }
0xc1: {  	_ =	task.clear_ibuf [dreg:s7], $0x2FFFF;
	_ =	strace $0x9FFFFFFF  }
0xc2: {  	(tm) =	ssettm $0x7FFFFFFF  }
0xc3: {  	_ =	shalt  }
tec
execute0_lowered:
.L_overlay_start_1:
0x0: {  	(tag) =	ssettag $0x1  }
0x1: {  	s0 =	rddreg [dreg:$0x0];
	s2 =	simm.s32 $0x0;
	v1 =	vlaneseq.u32  }
0x2: {  	[smem:$0x7FF] =	sst s2;
	v2 =	vadd.s32 $0x1, v1  }
0x3: {  	s1 =	rddreg [dreg:$0x1];
	v0 =	vor.u32 $0x170, v1;
	_ =	strace $0x80000047;
	[tilespmem:$0x1FD10] =	vst v2  }
0x4: {  	v2 =	vor.u32 $0x10, v1;
	[tilespmem:$0x1FFE0] =	vst v0  }
0x5: {  	v0 =	vadd.s32 $0x171, v1;
	[tilespmem:$0x1FD20] =	vst v2  }
0x6: {  	v2 =	vadd.s32 $0x11, v1;
	[tilespmem:$0x1FFF0] =	vst v0  }
0x7: {  	[tilespmem:$0x1FD30] =	vst v2;
	v2 =	vor.u32 $0x20, v1  }
0x8: {  	[tilespmem:$0x1FD40] =	vst v2;
	v2 =	vadd.s32 $0x21, v1  }
0x9: {  	[tilespmem:$0x1FD50] =	vst v2;
	v2 =	vor.u32 $0x30, v1  }
0xa: {  	[tilespmem:$0x1FD60] =	vst v2;
	v2 =	vadd.s32 $0x31, v1  }
0xb: {  	[tilespmem:$0x1FD70] =	vst v2;
	v2 =	vor.u32 $0x40, v1  }
0xc: {  	[tilespmem:$0x1FD80] =	vst v2;
	v2 =	vadd.s32 $0x41, v1  }
0xd: {  	[tilespmem:$0x1FD90] =	vst v2;
	v2 =	vor.u32 $0x50, v1  }
0xe: {  	[tilespmem:$0x1FDA0] =	vst v2;
	v2 =	vadd.s32 $0x51, v1  }
0xf: {  	[tilespmem:$0x1FDB0] =	vst v2;
	v2 =	vor.u32 $0x60, v1  }
0x10: {  	[tilespmem:$0x1FDC0] =	vst v2;
	v2 =	vadd.s32 $0x61, v1  }
0x11: {  	[tilespmem:$0x1FDD0] =	vst v2;
	v2 =	vor.u32 $0x70, v1  }
0x12: {  	[tilespmem:$0x1FDE0] =	vst v2;
	v2 =	vadd.s32 $0x71, v1  }
0x13: {  	[tilespmem:$0x1FDF0] =	vst v2;
	v2 =	vor.u32 $0x80, v1  }
0x14: {  	[tilespmem:$0x1FE00] =	vst v2;
	v2 =	vadd.s32 $0x81, v1  }
0x15: {  	[tilespmem:$0x1FE10] =	vst v2;
	v2 =	vor.u32 $0x90, v1  }
0x16: {  	[tilespmem:$0x1FE20] =	vst v2;
	v2 =	vadd.s32 $0x91, v1  }
0x17: {  	[tilespmem:$0x1FE30] =	vst v2;
	v2 =	vor.u32 $0xA0, v1  }
0x18: {  	[tilespmem:$0x1FE40] =	vst v2;
	v2 =	vadd.s32 $0xA1, v1  }
0x19: {  	[tilespmem:$0x1FE50] =	vst v2;
	v2 =	vor.u32 $0xB0, v1  }
0x1a: {  	[tilespmem:$0x1FE60] =	vst v2;
	v2 =	vadd.s32 $0xB1, v1  }
0x1b: {  	[tilespmem:$0x1FE70] =	vst v2;
	v2 =	vor.u32 $0xC0, v1  }
0x1c: {  	[tilespmem:$0x1FE80] =	vst v2;
	v2 =	vadd.s32 $0xC1, v1  }
0x1d: {  	[tilespmem:$0x1FE90] =	vst v2;
	v2 =	vor.u32 $0xD0, v1  }
0x1e: {  	[tilespmem:$0x1FEA0] =	vst v2;
	v2 =	vadd.s32 $0xD1, v1  }
0x1f: {  	[tilespmem:$0x1FEB0] =	vst v2;
	v2 =	vor.u32 $0xE0, v1  }
0x20: {  	[tilespmem:$0x1FEC0] =	vst v2;
	v2 =	vadd.s32 $0xE1, v1  }
0x21: {  	[tilespmem:$0x1FED0] =	vst v2;
	v2 =	vor.u32 $0xF0, v1  }
0x22: {  	s18 =	srdreg.scid;
	s9 =	stileid.u32;
	s14 =	simm.s32 $0x4;
	[tilespmem:$0x1FEE0] =	vst v2;
	v2 =	vadd.s32 $0xF1, v1  }
0x23: {  	s16 =	simm.s32 $0x1900;
	s29 =	simm.s32 $0x1;
	s30 =	simm.s32 $0x3;
	[tilespmem:$0x1FEF0] =	vst v2;
	v2 =	vor.u32 $0x100, v1  }
0x24: {  	s31 =	simm.s32 $0x2000;
	s15 =	simm.s32 $0x2;
	s3 =	sadd.s32 $0x800, s0;
	[tilespmem:$0x1FF00] =	vst v2;
	v2 =	vadd.s32 $0x101, v1  }
0x25: {  	s17 =	sadd.s32 $0x600, s0;
	s6 =	sadd.s32 $0xA00, s0;
	s0 =	sand.u32 $0x1, s18;
	[tilespmem:$0x1FF10] =	vst v2;
	v2 =	vor.u32 $0x110, v1  }
0x26: {  	s19 =	sshll.u32 s9, $0x1;
	s4 =	sshrl.u32 s9, $0x2;
	s10 =	smul.u32 $0x48000, s9;
	[tilespmem:$0x1FF20] =	vst v2;
	v2 =	vadd.s32 $0x111, v1  }
0x27: {  	p0 =	sgt.u32 s9, $0x3;
	s9 =	simm.s32 $0x6;
	s18 =	simm.s32 $0x0;
	[tilespmem:$0x1FF30] =	vst v2;
	v2 =	vor.u32 $0x120, v1  }
0x28: {  	[dreg:$0x3] =	wrdreg s3;
	s7 =	sor.u32 s0, s19;
	s20 =	smul.u32 $0x1C00, s4;
	[tilespmem:$0x1FF40] =	vst v2;
	v2 =	vadd.s32 $0x121, v1  }
0x29: {  	s5 =	ssub.s32 $0x2, s0;
	s0 =	smul.u32 $0x24000, s0;
	s8 =	sshll.u32 s7, $0x7;
	[tilespmem:$0x1FF50] =	vst v2;
	v2 =	vor.u32 $0x130, v1  }
0x2a: {  	[dreg:$0x4] =	wrdreg s17;
	s21 =	sshrl.u32 s5, $0x1;
	s8 =	sand.u32 $0x380, s8;
	[tilespmem:$0x1FF60] =	vst v2;
	v2 =	vadd.s32 $0x131, v1  }
0x2b: {  	s4 =	ssub.s32 s5, s21;
	s24 =	sadd.s32 s0, s10;
	s3 =	sor.u32 s20, s8;
	[tilespmem:$0x1FF70] =	vst v2;
	v2 =	vor.u32 $0x140, v1  }
0x2c: {  	s22 =	smax.u32 s4, $0x1;
	s23 =	sadd.s32 $0x24000, s24;
	s3 =	sshrl.u32 s3, $0x3;
	[tilespmem:$0x1FF80] =	vst v2;
	v2 =	vadd.s32 $0x141, v1  }
.Ltmp0:
0x2d: {  	[dreg:$0x5] =	wrdreg s22;
	s11 =	sadd.s32 s1, s3;
	[tilespmem:$0x1FF90] =	vst v2;
	v2 =	vor.u32 $0x150, v1;
	(pc) =	sbr.rel .LBB2_1-.Ltmp0, $4  }
0x2e: {  	s9 =	simm.s32 @!p0 $0x7;
	[dreg:$0x6] =	wrdreg s23;
	s25 =	sadd.s32 $0x80, s11;
	[tilespmem:$0x1FFA0] =	vst v2;
	v2 =	vadd.s32 $0x151, v1  }
0x2f: {  	s0 =	simm.s32 $0x7A80;
	s26 =	sadd.s32 $0x100, s11;
	[dreg:$0x7] =	wrdreg s25;
	[tilespmem:$0x1FFB0] =	vst v2;
	v2 =	vor.u32 $0x160, v1  }
0x30: {  	s5 =	simm.s32 $0x2500;
	s28 =	sadd.s32 $0x180, s11;
	[dreg:$0x8] =	wrdreg s26;
	[tilespmem:$0x1FFC0] =	vst v2;
	v2 =	vadd.s32 $0x161, v1  }
0x31: {  	v44 =	vimm.f32 $0.0e+00;
	vm0 =	vmmov $0xfff;
	s23 =	sadd.s32 $0x200, s11;
	[dreg:$0x9] =	wrdreg s28;
	s25 =	sadd.s32 $0x280, s11;
	[tilespmem:$0x1FFD0] =	vst v2  }
.LBB2_16:
0x32: {  	_ =	swait.ge [sflag:s29], $0x2400  }
0x33: {  	[sflag:s29] =	ssyncset.done $0x0  }
0x34: {  	[sflag:s29] =	ssyncadd.s32 $0xFFFFDC00  }
0x35: {  	_ =	swait.ge [sflag:s15], $0x2400  }
0x36: {  	[sflag:s15] =	ssyncset.done $0x0  }
0x37: {  	[sflag:s15] =	ssyncadd.s32 $0xFFFFDC00  }
0x38: {  	_ =	swait.ge [sflag:s29], $0x2400  }
0x39: {  	[sflag:s29] =	ssyncset.done $0x0  }
0x3a: {  	[sflag:s29] =	ssyncadd.s32 $0xFFFFDC00  }
0x3b: {  	_ =	swait.ge [sflag:s15], $0x2400  }
0x3c: {  	[sflag:s15] =	ssyncset.done $0x0  }
0x3d: {  	[sflag:s15] =	ssyncadd.s32 $0xFFFFDC00  }
0x3e: {  	_ =	swait.ge [sflag:s29], $0x2400  }
0x3f: {  	[sflag:s29] =	ssyncset.done $0x0  }
0x40: {  	[sflag:s29] =	ssyncadd.s32 $0xFFFFDC00  }
0x41: {  	_ =	swait.ge [sflag:s15], $0x2400  }
0x42: {  	[sflag:s15] =	ssyncset.done $0x0  }
0x43: {  	[sflag:s15] =	ssyncadd.s32 $0xFFFFDC00  }
0x44: {  	_ =	swait.ge [sflag:s29], $0x2400  }
0x45: {  	[sflag:s29] =	ssyncset.done $0x0  }
0x46: {  	[sflag:s29] =	ssyncadd.s32 $0xFFFFDC00  }
0x47: {  	_ =	swait.ge [sflag:s15], $0x2400  }
0x48: {  	[sflag:s15] =	ssyncset.done $0x0  }
0x49: {  	[sflag:s15] =	ssyncadd.s32 $0xFFFFDC00  }
0x4a: {  	_ =	swait.ge [sflag:s29], $0x2400  }
0x4b: {  	[sflag:s29] =	ssyncset.done $0x0  }
0x4c: {  	[sflag:s29] =	ssyncadd.s32 $0xFFFFDC00  }
0x4d: {  	_ =	swait.ge [sflag:s15], $0x2400  }
0x4e: {  	[sflag:s15] =	ssyncset.done $0x0  }
0x4f: {  	[sflag:s15] =	ssyncadd.s32 $0xFFFFDC00  }
0x50: {  	_ =	swait.ge [sflag:s29], $0x2400  }
0x51: {  	[sflag:s29] =	ssyncset.done $0x0  }
0x52: {  	[sflag:s29] =	ssyncadd.s32 $0xFFFFDC00  }
0x53: {  	_ =	swait.ge [sflag:s15], $0x2400  }
0x54: {  	[sflag:s15] =	ssyncset.done $0x0  }
0x55: {  	[sflag:s15] =	ssyncadd.s32 $0xFFFFDC00  }
0x56: {  	_ =	swait.ge [sflag:s29], $0x2400  }
0x57: {  	[sflag:s29] =	ssyncset.done $0x0  }
0x58: {  	[sflag:s29] =	ssyncadd.s32 $0xFFFFDC00  }
0x59: {  	_ =	swait.ge [sflag:s15], $0x2400  }
0x5a: {  	[sflag:s15] =	ssyncset.done $0x0  }
0x5b: {  	[sflag:s15] =	ssyncadd.s32 $0xFFFFDC00  }
0x5c: {  	_ =	swait.ge [sflag:s29], $0x2400  }
0x5d: {  	[sflag:s29] =	ssyncset.done $0x0  }
0x5e: {  	[sflag:s29] =	ssyncadd.s32 $0xFFFFDC00  }
0x5f: {  	_ =	swait.ge [sflag:s15], $0x2400  }
0x60: {  	[sflag:s15] =	ssyncset.done $0x0  }
0x61: {  	[sflag:s15] =	ssyncadd.s32 $0xFFFFDC00  }
0x62: {  	_ =	swait.ge [sflag:s29], $0x2400  }
0x63: {  	[sflag:s29] =	ssyncset.done $0x0  }
0x64: {  	[sflag:s29] =	ssyncadd.s32 $0xFFFFDC00  }
0x65: {  	_ =	swait.ge [sflag:s15], $0x2400  }
0x66: {  	[sflag:s15] =	ssyncset.done $0x0  }
0x67: {  	[sflag:s15] =	ssyncadd.s32 $0xFFFFDC00  }
0x68: {  	_ =	swait.ge [sflag:s29], $0x2400  }
0x69: {  	[sflag:s29] =	ssyncset.done $0x0  }
0x6a: {  	[sflag:s29] =	ssyncadd.s32 $0xFFFFDC00  }
0x6b: {  	_ =	swait.ge [sflag:s15], $0x2400  }
0x6c: {  	[sflag:s15] =	ssyncset.done $0x0  }
0x6d: {  	[sflag:s15] =	ssyncadd.s32 $0xFFFFDC00  }
0x6e: {  	_ =	swait.ge [sflag:s29], $0x2400  }
0x6f: {  	[sflag:s29] =	ssyncset.done $0x0  }
0x70: {  	[sflag:s29] =	ssyncadd.s32 $0xFFFFDC00  }
0x71: {  	_ =	swait.ge [sflag:s15], $0x2400  }
0x72: {  	[sflag:s15] =	ssyncset.done $0x0  }
0x73: {  	[sflag:s15] =	ssyncadd.s32 $0xFFFFDC00  }
0x74: {  	_ =	swait.ge [sflag:s29], $0x2400  }
0x75: {  	[sflag:s29] =	ssyncset.done $0x0  }
0x76: {  	[sflag:s29] =	ssyncadd.s32 $0xFFFFDC00  }
0x77: {  	_ =	swait.ge [sflag:s15], $0x2400  }
0x78: {  	[sflag:s15] =	ssyncset.done $0x0  }
0x79: {  	[sflag:s15] =	ssyncadd.s32 $0xFFFFDC00  }
0x7a: {  	_ =	swait.ge [sflag:s29], $0x2400  }
0x7b: {  	[sflag:s29] =	ssyncset.done $0x0  }
0x7c: {  	[sflag:s29] =	ssyncadd.s32 $0xFFFFDC00  }
0x7d: {  	_ =	swait.ge [sflag:s15], $0x2400  }
0x7e: {  	[sflag:s15] =	ssyncset.done $0x0  }
0x7f: {  	[sflag:s15] =	ssyncadd.s32 $0xFFFFDC00  }
0x80: {  	_ =	swait.ge [sflag:s29], $0x2400  }
0x81: {  	[sflag:s29] =	ssyncset.done $0x0  }
0x82: {  	[sflag:s29] =	ssyncadd.s32 $0xFFFFDC00  }
0x83: {  	_ =	swait.ge [sflag:s15], $0x2400  }
0x84: {  	[sflag:s15] =	ssyncset.done $0x0  }
0x85: {  	[sflag:s15] =	ssyncadd.s32 $0xFFFFDC00  }
0x86: {  	_ =	swait.ge [sflag:s29], $0x2400  }
0x87: {  	[sflag:s29] =	ssyncset.done $0x0  }
0x88: {  	[sflag:s29] =	ssyncadd.s32 $0xFFFFDC00  }
0x89: {  	_ =	swait.ge [sflag:s15], $0x2400  }
0x8a: {  	[sflag:s15] =	ssyncset.done $0x0  }
0x8b: {  	[sflag:s15] =	ssyncadd.s32 $0xFFFFDC00  }
0x8c: {  	_ =	swait.ge [sflag:s29], $0x2400  }
0x8d: {  	[sflag:s29] =	ssyncset.done $0x0  }
0x8e: {  	[sflag:s29] =	ssyncadd.s32 $0xFFFFDC00  }
0x8f: {  	_ =	swait.ge [sflag:s15], $0x2400  }
0x90: {  	s18 =	sadd.s32 $0x1, s18;
	s3 =	rddreg [dreg:$0x5]  }
0x91: {  	p0 =	seq.s32 s18, s3  }
.Ltmp1:
0x92: {  	_ = 	snop;
	(pc) =	sbr.rel @p0 .LBB2_17-.Ltmp1, $3  }
0x93: {  	_ =	sdelay $0x1  }
0x94: {  	[sflag:s15] =	ssyncset.done $0x0  }
0x95: {  	[sflag:s15] =	ssyncadd.s32 $0xFFFFDC00  }
.LBB2_1:
0x96: {  	s3 =	rddreg [dreg:$0x3]  }
0x97: {  	[tilespmem:s2], [sflag:$0x4] =	stream.linear.gather [hbm4b:s3+s2], $0xC80, $0x38;
	[tilespmem:$0x9280] =	vst v63  }
0x98: {  	_ =	swait.ge [sflag:s14], $0xC80  }
0x99: {  	[sflag:s14] =	ssyncset.done $0x0  }
0x9a: {  	s4 =	simm.s32 $0xC80;
	s28 =	rddreg [dreg:$0x4];
	[sflag:s14] =	ssyncadd.s32 $0xFFFFF380  }
0x9b: {  	[tilespmem:s4], [sflag:$0x4] =	stream.linear.gather [hbm4b:s28+s2], $0xC80, $0x38;
	[tilespmem:$0x9280] =	vst v63  }
0x9c: {  	_ =	swait.ge [sflag:s14], $0xC80  }
0x9d: {  	[sflag:s14] =	ssyncset.done $0x0  }
0x9e: {  	s3 =	simm.s32 $0x10;
	s4 =	sand.u32 $0x1FF0, s2;
	[sflag:s14] =	ssyncadd.s32 $0xFFFFF380  }
.LBB2_2:
0x9f: {  	p0 =	sne.s32 s3, $0x17F0;
	[tilespmem:s4+$0x7A80] =	vst v44;
	s4 =	smov.u32 s3;
	s3 =	sadd.s32 $0x10, s3  }
.Ltmp2:
0xa0: {  	(pc) =	sbr.rel @p0 .LBB2_2-.Ltmp2, $2  }
0xa1: {  	_ =	sdelay $0x2  }
0xa2: {  	s4 =	sand.u32 $0x1FF0, s4  }
0xa3: {  	[tilespmem:s4+$0x7A80] =	vst v44;
	s20 =	simm.s32 $0x0  }
0xa4: {  	[tilespmem:s16], [sflag:$0x3] =	stream.linear.gather [hbm4b:s11+s20], $0x80, $0x38;
	[tilespmem:$0x9280] =	vst v63  }
0xa5: {  	s3 =	rddreg [dreg:$0x7];
	s10 =	simm.s32 $0x1A00  }
0xa6: {  	[tilespmem:s10], [sflag:$0x3] =	stream.linear.gather [hbm4b:s3+s20], $0x80, $0x38;
	[tilespmem:$0x9280] =	vst v63  }
0xa7: {  	s12 =	rddreg [dreg:$0x8];
	s13 =	simm.s32 $0x1B00  }
0xa8: {  	[tilespmem:s13], [sflag:$0x3] =	stream.linear.gather [hbm4b:s12+s20], $0x80, $0x38;
	[tilespmem:$0x9280] =	vst v63  }
0xa9: {  	s17 =	rddreg [dreg:$0x9];
	s19 =	simm.s32 $0x1C00  }
0xaa: {  	[tilespmem:s19], [sflag:$0x3] =	stream.linear.gather [hbm4b:s17+s20], $0x80, $0x38;
	[tilespmem:$0x9280] =	vst v63  }
0xab: {  	s21 =	simm.s32 $0x1D00  }
0xac: {  	[tilespmem:s21], [sflag:$0x3] =	stream.linear.gather [hbm4b:s23+s20], $0x80, $0x38;
	[tilespmem:$0x9280] =	vst v63  }
.Ltmp3:
0xad: {  	_ = 	snop;
	(pc) =	sbr.rel .LBB2_4-.Ltmp3, $4  }
0xae: {  	s22 =	simm.s32 $0x1E00;
	s26 =	sadd.s32 $0x300, s11;
	s28 =	simm.s32 $0x1F00  }
0xaf: {  	[tilespmem:s22], [sflag:$0x3] =	stream.linear.gather [hbm4b:s25+s20], $0x80, $0x38;
	[tilespmem:$0x9280] =	vst v63  }
0xb0: {  	p0 =	por $0x0, $0x0;
	s10 =	smov.u32 s24;
	s13 =	rddreg [dreg:$0x6]  }
0xb1: {  	[tilespmem:s28], [sflag:$0x3] =	stream.linear.gather [hbm4b:s26+s20], $0x80, $0x38;
	[tilespmem:$0x9280] =	vst v63  }
.LBB2_28:
0xb2: {  	[hbm4b:s17+s2] =	stream.linear.scatter [tilespmem:s0], [sflag:s3], $0x1800, $0x38;
	[tilespmem:$0x9280] =	vst v63  }
.LBB2_15:
0xb3: {  	p1 =	sne.s32 s20, s9  }
.Ltmp4:
0xb4: {  	_ = 	snop;
	(pc) =	sbr.rel @!p1 .LBB2_16-.Ltmp4, $2  }
0xb5: {  	_ =	sdelay $0x2  }
0xb6: {  	p0 =	por !p0, !p0;
	s10 =	sadd.s32 $0x480000, s10;
	s13 =	sadd.s32 $0x480000, s13  }
.LBB2_4:
0xb7: {  	s28 =	sand.u32 $0x1, s20;
	p1 =	slt.u32 s20, $0x2  }
0xb8: {  	s3 =	sadd.s32 @!p1 $0x1, s28  }
0xb9: {  	_ =	swait.ge @!p1 [sflag:s3], $0x2400  }
0xba: {  	[sflag:s3] =	ssyncset.done @!p1 $0x0  }
0xbb: {  	[sflag:s3] =	ssyncadd.s32 @!p1 $0xFFFFDC00  }
0xbc: {  	_ =	swait.ge @!p1 [sflag:s3], $0x2400  }
0xbd: {  	[sflag:s3] =	ssyncset.done @!p1 $0x0  }
0xbe: {  	[sflag:s3] =	ssyncadd.s32 @!p1 $0xFFFFDC00  }
0xbf: {  	_ =	swait.ge @!p1 [sflag:s3], $0x2400  }
0xc0: {  	[sflag:s3] =	ssyncset.done @!p1 $0x0  }
0xc1: {  	[sflag:s3] =	ssyncadd.s32 @!p1 $0xFFFFDC00  }
0xc2: {  	_ =	swait.ge @!p1 [sflag:s3], $0x2400  }
0xc3: {  	[sflag:s3] =	ssyncset.done @!p1 $0x0  }
0xc4: {  	[sflag:s3] =	ssyncadd.s32 @!p1 $0xFFFFDC00  }
0xc5: {  	_ =	swait.ge @!p1 [sflag:s3], $0x2400  }
0xc6: {  	[sflag:s3] =	ssyncset.done @!p1 $0x0  }
0xc7: {  	[sflag:s3] =	ssyncadd.s32 @!p1 $0xFFFFDC00  }
0xc8: {  	_ =	swait.ge @!p1 [sflag:s3], $0x2400  }
0xc9: {  	[sflag:s3] =	ssyncset.done @!p1 $0x0  }
0xca: {  	[sflag:s3] =	ssyncadd.s32 @!p1 $0xFFFFDC00  }
0xcb: {  	_ =	swait.ge @!p1 [sflag:s3], $0x2400  }
0xcc: {  	[sflag:s3] =	ssyncset.done @!p1 $0x0  }
0xcd: {  	[sflag:s3] =	ssyncadd.s32 @!p1 $0xFFFFDC00  }
0xce: {  	_ =	swait.ge @!p1 [sflag:s3], $0x2400  }
0xcf: {  	[sflag:s3] =	ssyncset.done @!p1 $0x0  }
0xd0: {  	[sflag:s3] =	ssyncadd.s32 @!p1 $0xFFFFDC00  }
0xd1: {  	_ =	swait.ge @!p1 [sflag:s3], $0x2400  }
0xd2: {  	[sflag:s3] =	ssyncset.done @!p1 $0x0  }
0xd3: {  	[sflag:s3] =	ssyncadd.s32 @!p1 $0xFFFFDC00  }
0xd4: {  	_ =	swait.ge @!p1 [sflag:s3], $0x2400  }
0xd5: {  	[sflag:s3] =	ssyncset.done @!p1 $0x0  }
0xd6: {  	[sflag:s3] =	ssyncadd.s32 @!p1 $0xFFFFDC00  }
0xd7: {  	_ =	swait.ge @!p1 [sflag:s3], $0x2400  }
0xd8: {  	[sflag:s3] =	ssyncset.done @!p1 $0x0  }
0xd9: {  	[sflag:s3] =	ssyncadd.s32 @!p1 $0xFFFFDC00  }
0xda: {  	_ =	swait.ge @!p1 [sflag:s3], $0x2400  }
0xdb: {  	[sflag:s3] =	ssyncset.done @!p1 $0x0  }
0xdc: {  	[sflag:s3] =	ssyncadd.s32 @!p1 $0xFFFFDC00  }
0xdd: {  	_ =	swait.ge @!p1 [sflag:s3], $0x2400  }
0xde: {  	[sflag:s3] =	ssyncset.done @!p1 $0x0  }
0xdf: {  	[sflag:s3] =	ssyncadd.s32 @!p1 $0xFFFFDC00  }
0xe0: {  	_ =	swait.ge @!p1 [sflag:s3], $0x2400  }
0xe1: {  	[sflag:s3] =	ssyncset.done @!p1 $0x0  }
0xe2: {  	[sflag:s3] =	ssyncadd.s32 @!p1 $0xFFFFDC00  }
0xe3: {  	s4 =	sshll.u32 s20, $0x5;
	s20 =	sadd.s32 $0x1, s20;
	_ =	swait.ge @!p1 [sflag:s3], $0x2400  }
0xe4: {  	s4 =	sor.u32 s7, s4;
	p2 =	sge.u32 s20, s9;
	[sflag:s3] =	ssyncset.done @!p1 $0x0  }
0xe5: {  	s12 =	sshrl.u32 @!p2 s4, $0x3;
	[sflag:s3] =	ssyncadd.s32 @!p1 $0xFFFFDC00  }
0xe6: {  	s12 =	smul.u32 @!p2 $0x1C00, s12;
	_ =	swait.ge @!p1 [sflag:s3], $0x2400  }
0xe7: {  	[sflag:s3] =	ssyncset.done @!p1 $0x0  }
0xe8: {  	s19 =	simm.s32 @!p2 $0x0;
	[sflag:s3] =	ssyncadd.s32 @!p1 $0xFFFFDC00;
	s3 =	sor.u32 @!p2 s8, s12  }
0xe9: {  	s12 =	sshll.u32 @!p2 s28, $0x7;
	_ =	swait.ge [sflag:s30], $0x380;
	s3 =	sadd.s32 @!p2 $0x7000, s3  }
0xea: {  	s12 =	sxor.u32 @!p2 $0x80, s12;
	[sflag:s30] =	ssyncset.done $0x0;
	s3 =	sshrl.u32 @!p2 s3, $0x3  }
0xeb: {  	s17 =	sor.u32 @!p2 $0x1900, s12;
	[sflag:s30] =	ssyncadd.s32 $0xFFFFFC80;
	s3 =	sadd.s32 @!p2 s1, s3  }
0xec: {  	[tilespmem:s17], [sflag:$0x3] =	stream.linear.gather @!p2 [hbm4b:s3+s19], $0x80, $0x38;
	[tilespmem:$0x9280] =	vst v63  }
0xed: {  	s21 =	sor.u32 @!p2 $0x1A00, s12;
	s17 =	sadd.s32 @!p2 $0x80, s3  }
0xee: {  	[tilespmem:s21], [sflag:$0x3] =	stream.linear.gather @!p2 [hbm4b:s17+s19], $0x80, $0x38;
	[tilespmem:$0x9280] =	vst v63  }
0xef: {  	s17 =	sadd.s32 @!p2 $0x100, s3;
	s21 =	sor.u32 @!p2 $0x1B00, s12  }
0xf0: {  	[tilespmem:s21], [sflag:$0x3] =	stream.linear.gather @!p2 [hbm4b:s17+s19], $0x80, $0x38;
	[tilespmem:$0x9280] =	vst v63  }
0xf1: {  	s17 =	sadd.s32 @!p2 $0x180, s3;
	s21 =	sor.u32 @!p2 $0x1C00, s12  }
0xf2: {  	[tilespmem:s21], [sflag:$0x3] =	stream.linear.gather @!p2 [hbm4b:s17+s19], $0x80, $0x38;
	[tilespmem:$0x9280] =	vst v63  }
0xf3: {  	s26 =	simm.s32 $0x0;
	s17 =	sadd.s32 @!p2 $0x200, s3;
	s21 =	sor.u32 @!p2 $0x1D00, s12  }
0xf4: {  	[tilespmem:s21], [sflag:$0x3] =	stream.linear.gather @!p2 [hbm4b:s17+s19], $0x80, $0x38;
	[tilespmem:$0x9280] =	vst v63  }
0xf5: {  	v2 =	vadd.s32 s26, v1;
	s22 =	sor.u32 @!p2 $0x1E00, s12;
	s21 =	sadd.s32 @!p2 $0x280, s3  }
0xf6: {  	v3 =	vshll.u32 v2, $0x1;
	[tilespmem:s22], [sflag:$0x3] =	stream.linear.gather @!p2 [hbm4b:s21+s19], $0x80, $0x38;
	[tilespmem:$0x9280] =	vst v63  }
0xf7: {  	v4 =	vand.u32 $0x7F, v2;
	v3 =	vand.u32 $0xF00, v3;
	s22 =	sshll.u32 s28, $0x7  }
0xf8: {  	s26 =	simm.s32 $0x10;
	v3 =	vor.u32 v3, v4;
	v2 =	vmov s22  }
0xf9: {  	v63 =	vadd.s32 s26, v1;
	v3 =	vor.u32 v2, v3  }
0xfa: {  	vm1 =	vlt.s32 v63, $0x30F  }
0xfb: {  	v4 =	vnsel vm1, $0x30F, v63;
	s17 =	simm.s32 $0x1  }
0xfc: {  	v5 =	vshll.u32 v4, $0x1;
	s12 =	sor.u32 @!p2 $0x1F00, s12;
	s3 =	sadd.s32 @!p2 $0x300, s3;
	s17 =	simm.s32 @!p0 $0x0  }
0xfd: {  	v4 =	vand.u32 $0x7F, v4;
	v5 =	vand.u32 $0x7FFFFF00, v5;
	[tilespmem:s12], [sflag:$0x3] =	stream.linear.gather @!p2 [hbm4b:s3+s19], $0x80, $0x38;
	[tilespmem:$0x9280] =	vst v63  }
0xfe: {  	v4 =	vor.u32 v5, v4;
	s17 =	smul.u32 $0xA800, s17;
	v54 =	vld.idx.msk [tilespmem:v3+s16+$0x0], $0xffff  }
0xff: {  	v53 =	vor.u32 v2, v4  }
0x100: {  	s4 =	sshll.u32 s4, $0x4;
	s26 =	sshrl.u32 s17, $0x2  }
0x101: {  	s12 =	simm.s32 $0x2C;
	s19 =	simm.s32 $0x1C;
	s17 =	simm.s32 $0x48;
	v42 =	vld [tilespmem:s4+$0x0]  }
0x102: {  	s3 =	sadd.s32 $0x2740, s26;
	s26 =	smul.u32 $0x2A00, s28;
	v10 =	vld [tilespmem:s4+$0xC80];
	s4 =	simm.s32 $0x2010  }
.LBB2_5:
0x103: {  	p1 =	sne.s32 s17, $0x304;
	v3 =	vadd.s32 s19, v1;
	[tilespmem:s4+$0xFFFFFFF0] =	vst v54  }
0x104: {  	v4 =	vshll.u32 v3, $0x1;
	v5 =	vld.idx.msk [tilespmem:v53+s16+$0x0], $0xffff  }
0x105: {  	v3 =	vand.u32 $0x7F, v3;
	v4 =	vand.u32 $0xF00, v4  }
0x106: {  	v3 =	vor.u32 v4, v3  }
0x107: {  	v3 =	vor.u32 v2, v3  }
0x108: {  	v4 =	vadd.s32 s12, v1;
	s12 =	smov.u32 s17  }
0x109: {  	vm1 =	vlt.s32 v4, $0x30F  }
0x10a: {  	v4 =	vnsel vm1, $0x30F, v4;
	v5 =	vnsel vm0, $0x0, v5  }
0x10b: {  	v6 =	vshll.u32 v4, $0x1;
	[tilespmem:s4+$0x0] =	vst v5  }
0x10c: {  	v54 =	vld.idx.msk [tilespmem:v3+s16+$0x0], $0xffff;
	v3 =	vand.u32 $0x7F, v4;
	v4 =	vand.u32 $0x7FFFFF00, v6  }
.Ltmp5:
0x10d: {  	v3 =	vor.u32 v4, v3;
	(pc) =	sbr.rel @p1 .LBB2_5-.Ltmp5, $2  }
0x10e: {  	v53 =	vor.u32 v2, v3;
	_ =	sdelay $0x2  }
0x10f: {  	s17 =	sadd.s32 $0x1C, s17;
	s19 =	sadd.s32 $0xFFFFFFF0, s12;
	s4 =	sadd.s32 $0x20, s4  }
0x110: {  	v4 =	vbroadcast v42, $0x1;
	v3 =	vadd.s32 s19, v1;
	v6 =	vadd.s32 s12, v1  }
0x111: {  	v26 =	vbroadcast v10, $0x5;
	v7 =	vshll.u32 v3, $0x1;
	vm1 =	vlt.s32 v6, $0x30F  }
0x112: {  	v3 =	vand.u32 $0x7F, v3;
	v5 =	vsub.s32 v1, v4;
	v6 =	vnsel vm1, $0x30F, v6  }
0x113: {  	v7 =	vand.u32 $0xF00, v7;
	v5 =	vcvt.s32.f32 v5;
	v8 =	vshll.u32 v6, $0x1  }
0x114: {  	v6 =	vand.u32 $0x7F, v6;
	v3 =	vor.u32 v7, v3;
	v8 =	vand.u32 $0x7FFFFF00, v8  }
0x115: {  	v0 =	vor.u32 v2, v3;
	v6 =	vor.u32 v8, v6  }
0x116: {  	v41 =	vld [tilespmem:$0x1FD20];
	v5 =	vmul.f32 v5, v26;
	[tilespmem:$0x1FB90] =	vst v0;
	v0 =	vor.u32 v2, v6  }
0x117: {  	[tilespmem:$0x1FBA0] =	vst v0;
	v0 =	vld [tilespmem:$0x1FD10]  }
0x118: {  	v5 =	vtrunc.f32 v5  }
0x119: {  	v14 =	vbroadcast v42, $0x3;
	v5 =	vcvt.f32.s32 v5;
	_ =	sdelay $0x1  }
0x11a: {  	vm2 =	vgt.s32 v14, v1;
	v9 =	vsub.s32 v41, v4;
	vm1 =	vgt.s32 v5, $0x0  }
0x11b: {  	v9 =	vcvt.s32.f32 v9;
	v5 =	vnsel vm1, $0x0, v5;
	vm1 =	vlt.s32 v4, v0  }
0x11c: {  	v45 =	vld [tilespmem:$0x1FD40];
	v5 =	vmin.u32 v5, $0x1B;
	vm1 =	vmand vm1, vm2  }
0x11d: {  	v2 =	vmul.f32 v9, v26;
	v0 =	vnsel vm1, $0x1C, v5  }
0x11e: {  	[tilespmem:$0x1FBB0] =	vst v0;
	v0 =	vld [tilespmem:$0x1FD30]  }
0x11f: {  	v2 =	vtrunc.f32 v2  }
0x120: {  	v2 =	vcvt.f32.s32 v2  }
0x121: {  	v3 =	vsub.s32 v45, v4  }
0x122: {  	v3 =	vcvt.s32.f32 v3;
	vm1 =	vgt.s32 v2, $0x0  }
0x123: {  	vm2 =	vgt.s32 v14, v41;
	v2 =	vnsel vm1, $0x0, v2;
	vm1 =	vlt.s32 v4, v0  }
0x124: {  	v49 =	vld [tilespmem:$0x1FD60];
	v2 =	vmin.u32 v2, $0x1B;
	vm1 =	vmand vm1, vm2  }
0x125: {  	v3 =	vmul.f32 v3, v26;
	v0 =	vnsel vm1, $0x1C, v2  }
0x126: {  	[tilespmem:$0x1FBC0] =	vst v0;
	v0 =	vld [tilespmem:$0x1FD50]  }
0x127: {  	v50 =	vld [tilespmem:$0x1FD80];
	v3 =	vtrunc.f32 v3  }
0x128: {  	v3 =	vcvt.f32.s32 v3  }
0x129: {  	v21 =	vsub.s32 v49, v4  }
0x12a: {  	v5 =	vcvt.s32.f32 v21;
	vm1 =	vgt.s32 v3, $0x0  }
0x12b: {  	vm2 =	vgt.s32 v14, v45;
	v3 =	vnsel vm1, $0x0, v3;
	vm1 =	vlt.s32 v4, v0  }
0x12c: {  	v2 =	vsub.s32 v50, v4;
	v3 =	vmin.u32 v3, $0x1B;
	vm1 =	vmand vm1, vm2  }
0x12d: {  	v5 =	vmul.f32 v5, v26;
	v2 =	vcvt.s32.f32 v2;
	v0 =	vnsel vm1, $0x1C, v3  }
0x12e: {  	[tilespmem:$0x1FBD0] =	vst v0;
	v0 =	vld [tilespmem:$0x1FD70]  }
0x12f: {  	v55 =	vld [tilespmem:$0x1FDA0];
	v5 =	vtrunc.f32 v5;
	v2 =	vmul.f32 v2, v26  }
0x130: {  	v5 =	vcvt.f32.s32 v5  }
0x131: {  	v57 =	vld [tilespmem:$0x1FD90];
	v2 =	vtrunc.f32 v2  }
0x132: {  	v2 =	vcvt.f32.s32 v2;
	vm1 =	vgt.s32 v5, $0x0  }
0x133: {  	v58 =	vld [tilespmem:$0x1FDC0];
	vm2 =	vgt.s32 v14, v49;
	v5 =	vnsel vm1, $0x0, v5;
	vm1 =	vlt.s32 v4, v0  }
0x134: {  	v3 =	vsub.s32 v55, v4;
	v5 =	vmin.u32 v5, $0x1B;
	vm1 =	vmand vm1, vm2  }
0x135: {  	v60 =	vld [tilespmem:$0x1FDE0];
	v3 =	vcvt.s32.f32 v3;
	v0 =	vnsel vm1, $0x1C, v5;
	vm1 =	vgt.s32 v2, $0x0  }
0x136: {  	vm2 =	vgt.s32 v14, v50;
	v2 =	vnsel vm1, $0x0, v2;
	vm1 =	vlt.s32 v4, v57  }
0x137: {  	v3 =	vmul.f32 v3, v26;
	v2 =	vmin.u32 v2, $0x1B;
	vm1 =	vmand vm1, vm2  }
0x138: {  	v22 =	vsub.s32 v58, v4;
	[tilespmem:$0x1FBE0] =	vst v0;
	v0 =	vnsel vm1, $0x1C, v2  }
0x139: {  	v3 =	vtrunc.f32 v3;
	v5 =	vcvt.s32.f32 v22;
	[tilespmem:$0x1FBF0] =	vst v0;
	v0 =	vld [tilespmem:$0x1FDB0]  }
0x13a: {  	v3 =	vcvt.f32.s32 v3;
	v2 =	vsub.s32 v60, v4  }
0x13b: {  	v5 =	vmul.f32 v5, v26;
	v2 =	vcvt.s32.f32 v2  }
0x13c: {  	v52 =	vld [tilespmem:$0x1FDD0];
	vm2 =	vgt.s32 v14, v55  }
0x13d: {  	v63 =	vld [tilespmem:$0x1FE00];
	vm1 =	vgt.s32 v3, $0x0;
	v5 =	vtrunc.f32 v5;
	v2 =	vmul.f32 v2, v26  }
0x13e: {  	v3 =	vnsel vm1, $0x0, v3;
	v5 =	vcvt.f32.s32 v5;
	vm1 =	vlt.s32 v4, v0  }
0x13f: {  	v8 =	vld [tilespmem:$0x1FDF0];
	v3 =	vmin.u32 v3, $0x1B;
	v2 =	vtrunc.f32 v2;
	vm1 =	vmand vm1, vm2  }
0x140: {  	v2 =	vcvt.f32.s32 v2;
	v0 =	vnsel vm1, $0x1C, v3;
	vm1 =	vgt.s32 v5, $0x0  }
0x141: {  	vm2 =	vgt.s32 v14, v58;
	v5 =	vnsel vm1, $0x0, v5;
	vm1 =	vlt.s32 v4, v52  }
0x142: {  	v3 =	vsub.s32 v63, v4;
	v5 =	vmin.u32 v5, $0x1B;
	vm1 =	vmand vm1, vm2  }
0x143: {  	[tilespmem:$0x1FC00] =	vst v0;
	v3 =	vcvt.s32.f32 v3;
	v0 =	vnsel vm1, $0x1C, v5;
	vm1 =	vgt.s32 v2, $0x0  }
0x144: {  	vm2 =	vgt.s32 v14, v60;
	v2 =	vnsel vm1, $0x0, v2;
	vm1 =	vlt.s32 v4, v8  }
0x145: {  	v61 =	vld [tilespmem:$0x1FE20];
	v2 =	vmin.u32 v2, $0x1B;
	vm1 =	vmand vm1, vm2  }
0x146: {  	v3 =	vmul.f32 v3, v26;
	[tilespmem:$0x1FC10] =	vst v0;
	v0 =	vnsel vm1, $0x1C, v2  }
0x147: {  	[tilespmem:$0x1FC20] =	vst v0;
	v0 =	vld [tilespmem:$0x1FE10]  }
0x148: {  	v59 =	vld [tilespmem:$0x1FE40];
	v3 =	vtrunc.f32 v3  }
0x149: {  	v3 =	vcvt.f32.s32 v3  }
0x14a: {  	v23 =	vsub.s32 v61, v4  }
0x14b: {  	v5 =	vcvt.s32.f32 v23;
	vm1 =	vgt.s32 v3, $0x0  }
0x14c: {  	vm2 =	vgt.s32 v14, v63;
	v3 =	vnsel vm1, $0x0, v3;
	vm1 =	vlt.s32 v4, v0  }
0x14d: {  	v2 =	vsub.s32 v59, v4;
	v3 =	vmin.u32 v3, $0x1B;
	vm1 =	vmand vm1, vm2  }
0x14e: {  	v5 =	vmul.f32 v5, v26;
	v2 =	vcvt.s32.f32 v2;
	v0 =	vnsel vm1, $0x1C, v3  }
0x14f: {  	[tilespmem:$0x1FC30] =	vst v0;
	v0 =	vld [tilespmem:$0x1FE30]  }
0x150: {  	v56 =	vld [tilespmem:$0x1FE60];
	v5 =	vtrunc.f32 v5;
	v2 =	vmul.f32 v2, v26  }
0x151: {  	v5 =	vcvt.f32.s32 v5  }
0x152: {  	v2 =	vtrunc.f32 v2  }
0x153: {  	v24 =	vcvt.f32.s32 v2;
	vm1 =	vgt.s32 v5, $0x0  }
0x154: {  	vm2 =	vgt.s32 v14, v61;
	v5 =	vnsel vm1, $0x0, v5;
	vm1 =	vlt.s32 v4, v0  }
0x155: {  	v3 =	vsub.s32 v56, v4;
	v2 =	vmin.u32 v5, $0x1B;
	vm1 =	vmand vm1, vm2  }
0x156: {  	v3 =	vcvt.s32.f32 v3;
	v0 =	vnsel vm1, $0x1C, v2  }
0x157: {  	[tilespmem:$0x1FC40] =	vst v0;
	v0 =	vld [tilespmem:$0x1FE50]  }
0x158: {  	v51 =	vld [tilespmem:$0x1FE80];
	v3 =	vmul.f32 v3, v26;
	_ =	sdelay $0x1  }
0x159: {  	v3 =	vtrunc.f32 v3;
	v2 =	vld [tilespmem:$0x1FE70]  }
0x15a: {  	v3 =	vcvt.f32.s32 v3;
	vm1 =	vgt.s32 v24, $0x0  }
0x15b: {  	vm2 =	vgt.s32 v14, v59;
	v6 =	vnsel vm1, $0x0, v24;
	vm1 =	vlt.s32 v4, v0  }
0x15c: {  	v25 =	vsub.s32 v51, v4;
	v6 =	vmin.u32 v6, $0x1B;
	vm1 =	vmand vm1, vm2  }
0x15d: {  	v5 =	vcvt.s32.f32 v25;
	v6 =	vnsel vm1, $0x1C, v6;
	vm1 =	vgt.s32 v3, $0x0  }
0x15e: {  	vm2 =	vgt.s32 v14, v56;
	v3 =	vnsel vm1, $0x0, v3;
	vm1 =	vlt.s32 v4, v2  }
0x15f: {  	v30 =	vld [tilespmem:$0x1FEA0];
	v3 =	vmin.u32 v3, $0x1B;
	vm1 =	vmand vm1, vm2  }
0x160: {  	v5 =	vmul.f32 v5, v26;
	v0 =	vnsel vm1, $0x1C, v3  }
0x161: {  	[tilespmem:$0x1FC50] =	vst v0;
	v0 =	vld [tilespmem:$0x1FE90]  }
0x162: {  	v5 =	vtrunc.f32 v5  }
0x163: {  	v5 =	vcvt.f32.s32 v5  }
0x164: {  	v27 =	vsub.s32 v30, v4  }
0x165: {  	v7 =	vcvt.s32.f32 v27;
	vm1 =	vgt.s32 v5, $0x0  }
0x166: {  	vm2 =	vgt.s32 v14, v51;
	v5 =	vnsel vm1, $0x0, v5;
	vm1 =	vlt.s32 v4, v0  }
0x167: {  	v43 =	vld [tilespmem:$0x1FEC0];
	v5 =	vmin.u32 v5, $0x1B;
	vm1 =	vmand vm1, vm2  }
0x168: {  	v7 =	vmul.f32 v7, v26;
	v0 =	vnsel vm1, $0x1C, v5  }
0x169: {  	[tilespmem:$0x1FC60] =	vst v0;
	v0 =	vld [tilespmem:$0x1FEB0]  }
0x16a: {  	v7 =	vtrunc.f32 v7  }
0x16b: {  	v7 =	vcvt.f32.s32 v7  }
0x16c: {  	v3 =	vsub.s32 v43, v4  }
0x16d: {  	v3 =	vcvt.s32.f32 v3;
	vm1 =	vgt.s32 v7, $0x0  }
0x16e: {  	vm2 =	vgt.s32 v14, v30;
	v7 =	vnsel vm1, $0x0, v7;
	vm1 =	vlt.s32 v4, v0  }
0x16f: {  	v47 =	vld [tilespmem:$0x1FEE0];
	v7 =	vmin.u32 v7, $0x1B;
	vm1 =	vmand vm1, vm2  }
0x170: {  	v3 =	vmul.f32 v3, v26;
	v0 =	vnsel vm1, $0x1C, v7  }
0x171: {  	[tilespmem:$0x1FC70] =	vst v0;
	v0 =	vld [tilespmem:$0x1FED0]  }
0x172: {  	v3 =	vtrunc.f32 v3  }
0x173: {  	v3 =	vcvt.f32.s32 v3  }
0x174: {  	v28 =	vsub.s32 v47, v4  }
0x175: {  	v5 =	vcvt.s32.f32 v28;
	vm1 =	vgt.s32 v3, $0x0  }
0x176: {  	vm2 =	vgt.s32 v14, v43;
	v3 =	vnsel vm1, $0x0, v3;
	vm1 =	vlt.s32 v4, v0  }
0x177: {  	v39 =	vld [tilespmem:$0x1FF00];
	v3 =	vmin.u32 v3, $0x1B;
	vm1 =	vmand vm1, vm2  }
0x178: {  	v5 =	vmul.f32 v5, v26;
	v0 =	vnsel vm1, $0x1C, v3  }
0x179: {  	[tilespmem:$0x1FC80] =	vst v0;
	v0 =	vld [tilespmem:$0x1FEF0]  }
0x17a: {  	v5 =	vtrunc.f32 v5  }
0x17b: {  	v5 =	vcvt.f32.s32 v5  }
0x17c: {  	v29 =	vsub.s32 v39, v4  }
0x17d: {  	v7 =	vcvt.s32.f32 v29;
	vm1 =	vgt.s32 v5, $0x0  }
0x17e: {  	vm2 =	vgt.s32 v14, v47;
	v5 =	vnsel vm1, $0x0, v5;
	vm1 =	vlt.s32 v4, v0  }
0x17f: {  	v20 =	vld [tilespmem:$0x1FF20];
	v5 =	vmin.u32 v5, $0x1B;
	vm1 =	vmand vm1, vm2  }
0x180: {  	v7 =	vmul.f32 v7, v26;
	v0 =	vnsel vm1, $0x1C, v5  }
0x181: {  	[tilespmem:$0x1FC90] =	vst v0;
	v0 =	vld [tilespmem:$0x1FF10]  }
0x182: {  	v7 =	vtrunc.f32 v7  }
0x183: {  	v7 =	vcvt.f32.s32 v7  }
0x184: {  	v3 =	vsub.s32 v20, v4  }
0x185: {  	v22 =	vld [tilespmem:$0x1FF40];
	v3 =	vcvt.s32.f32 v3;
	vm1 =	vgt.s32 v7, $0x0  }
0x186: {  	vm2 =	vgt.s32 v14, v39;
	v7 =	vnsel vm1, $0x0, v7;
	vm1 =	vlt.s32 v4, v0  }
0x187: {  	v7 =	vmin.u32 v7, $0x1B;
	vm1 =	vmand vm1, vm2  }
0x188: {  	v3 =	vmul.f32 v3, v26;
	v0 =	vnsel vm1, $0x1C, v7  }
0x189: {  	[tilespmem:$0x1FCA0] =	vst v0;
	v0 =	vld [tilespmem:$0x1FF30]  }
0x18a: {  	v31 =	vsub.s32 v22, v4;
	v28 =	vld [tilespmem:$0x1FF60];
	v3 =	vtrunc.f32 v3  }
0x18b: {  	v3 =	vcvt.f32.s32 v3;
	v5 =	vcvt.s32.f32 v31;
	_ =	sdelay $0x1  }
0x18c: {  	v5 =	vmul.f32 v5, v26;
	vm1 =	vgt.s32 v3, $0x0  }
0x18d: {  	v3 =	vnsel vm1, $0x0, v3;
	vm1 =	vlt.s32 v4, v0;
	v0 =	vld [tilespmem:$0x1FF50]  }
0x18e: {  	v32 =	vsub.s32 v28, v4;
	v5 =	vtrunc.f32 v5  }
0x18f: {  	v5 =	vcvt.f32.s32 v5;
	v7 =	vcvt.s32.f32 v32  }
0x190: {  	vm2 =	vgt.s32 v14, v20;
	v32 =	vld [tilespmem:$0x1FF80];
	v3 =	vmin.u32 v3, $0x1B  }
0x191: {  	v7 =	vmul.f32 v7, v26;
	vm1 =	vmand vm1, vm2;
	vm2 =	vgt.s32 v5, $0x0  }
0x192: {  	v5 =	vnsel vm2, $0x0, v5;
	vm2 =	vlt.s32 v4, v0;
	v0 =	vnsel vm1, $0x1C, v3  }
0x193: {  	[tilespmem:$0x1FCB0] =	vst v0;
	v0 =	vld [tilespmem:$0x1FF70]  }
0x194: {  	v7 =	vtrunc.f32 v7  }
0x195: {  	v33 =	vsub.s32 v32, v4;
	v7 =	vcvt.f32.s32 v7  }
0x196: {  	vm3 =	vgt.s32 v14, v22;
	v9 =	vcvt.s32.f32 v33  }
0x197: {  	v3 =	vmin.u32 v5, $0x1B;
	vm1 =	vmand vm2, vm3;
	vm2 =	vgt.s32 v7, $0x0  }
0x198: {  	vm3 =	vgt.s32 v14, v28;
	v7 =	vnsel vm2, $0x0, v7;
	vm2 =	vlt.s32 v4, v0  }
0x199: {  	v18 =	vld [tilespmem:$0x1FFC0];
	v7 =	vmin.u32 v7, $0x1B;
	v0 =	vnsel vm1, $0x1C, v3;
	vm2 =	vmand vm2, vm3  }
0x19a: {  	v24 =	vld [tilespmem:$0x1FFA0];
	v9 =	vmul.f32 v9, v26;
	[tilespmem:$0x1FCC0] =	vst v0;
	v0 =	vnsel vm2, $0x1C, v7  }
0x19b: {  	[tilespmem:$0x1FCD0] =	vst v0;
	v0 =	vld [tilespmem:$0x1FF90]  }
0x19c: {  	v62 =	vbroadcast v42, $0x0;
	v34 =	vtrunc.f32 v9  }
0x19d: {  	v10 =	vbroadcast v10, $0x4;
	v5 =	vcvt.f32.s32 v34  }
0x19e: {  	v38 =	vsub.s32 v1, v62;
	v37 =	vsub.s32 v18, v4;
	v40 =	vsub.s32 v41, v62  }
0x19f: {  	v46 =	vsub.s32 v45, v62;
	v35 =	vsub.s32 v24, v4;
	vm3 =	vgt.s32 v5, $0x0  }
0x1a0: {  	v3 =	vnsel vm3, $0x0, v5;
	vm2 =	vgt.s32 v14, v32;
	vm1 =	vlt.s32 v4, v0  }
0x1a1: {  	v9 =	vcvt.s32.f32 v35;
	v3 =	vmin.u32 v3, $0x1B;
	vm1 =	vmand vm1, vm2  }
0x1a2: {  	v13 =	vsub.s32 v49, v62;
	v15 =	vsub.s32 v58, v62;
	v0 =	vnsel vm1, $0x1C, v3  }
0x1a3: {  	v16 =	vsub.s32 v60, v62;
	v48 =	vcvt.s32.f32 v46;
	v9 =	vmul.f32 v9, v26;
	[tilespmem:$0x1FCE0] =	vst v0;
	v0 =	vld [tilespmem:$0x1FFE0]  }
0x1a4: {  	v12 =	vcvt.s32.f32 v13;
	v13 =	vsub.s32 v55, v62;
	v7 =	vcvt.s32.f32 v37  }
0x1a5: {  	v11 =	vld [tilespmem:$0x1FFB0];
	v21 =	vsub.s32 v63, v62;
	v36 =	vtrunc.f32 v9;
	v9 =	vcvt.s32.f32 v38  }
0x1a6: {  	v25 =	vmul.f32 v12, v10;
	v35 =	vsub.s32 v56, v62;
	v7 =	vmul.f32 v7, v26  }
0x1a7: {  	v34 =	vsub.s32 v59, v62;
	v9 =	vmul.f32 v9, v10;
	v5 =	vcvt.f32.s32 v36  }
0x1a8: {  	v37 =	vsub.s32 v43, v62;
	v7 =	vtrunc.f32 v7;
	v3 =	vsub.s32 v0, v4  }
0x1a9: {  	v7 =	vcvt.f32.s32 v7;
	vm1 =	vgt.s32 v5, $0x0;
	v3 =	vcvt.s32.f32 v3  }
0x1aa: {  	v5 =	vnsel vm1, $0x0, v5;
	vm1 =	vlt.s32 v4, v11;
	v11 =	vcvt.s32.f32 v15  }
0x1ab: {  	vm2 =	vgt.s32 v14, v24;
	v5 =	vmin.u32 v5, $0x1B;
	v3 =	vmul.f32 v3, v26  }
0x1ac: {  	vm1 =	vmand vm1, vm2;
	v31 =	vmul.f32 v11, v10;
	v11 =	vcvt.s32.f32 v34  }
0x1ad: {  	v5 =	vnsel vm1, $0x1C, v5;
	v34 =	vcvt.s32.f32 v37;
	v3 =	vtrunc.f32 v3  }
0x1ae: {  	v38 =	vsub.s32 v39, v62;
	[tilespmem:$0x1FCF0] =	vst v5;
	v5 =	vmul.f32 v48, v10;
	v17 =	vcvt.f32.s32 v3  }
0x1af: {  	v36 =	vsub.s32 v30, v62;
	v3 =	vtrunc.f32 v9;
	v9 =	vcvt.s32.f32 v40  }
0x1b0: {  	v15 =	vmul.f32 v11, v10;
	v19 =	vcvt.f32.s32 v3;
	v3 =	vsub.s32 v50, v62  }
0x1b1: {  	vm2 =	vgt.s32 v14, v18;
	v23 =	vmul.f32 v9, v10;
	v3 =	vcvt.s32.f32 v3  }
0x1b2: {  	vm1 =	vgt.s32 v7, $0x0;
	v9 =	vcvt.s32.f32 v13;
	v13 =	vcvt.s32.f32 v35  }
0x1b3: {  	v26 =	vsub.s32 v61, v62;
	v27 =	vmul.f32 v3, v10;
	v3 =	vcvt.s32.f32 v16  }
0x1b4: {  	v37 =	vsub.s32 v32, v62;
	v29 =	vmul.f32 v9, v10;
	v9 =	vcvt.s32.f32 v26  }
0x1b5: {  	v7 =	vnsel vm1, $0x0, v7;
	v26 =	vld [tilespmem:$0x1FFD0];
	v33 =	vmul.f32 v3, v10;
	v3 =	vcvt.s32.f32 v21  }
0x1b6: {  	v21 =	vmul.f32 v9, v10;
	v9 =	vcvt.s32.f32 v36;
	v36 =	vsub.s32 v47, v62  }
0x1b7: {  	v16 =	vld [tilespmem:$0x1FFF0];
	v36 =	vcvt.s32.f32 v36;
	v35 =	vmul.f32 v3, v10;
	v3 =	vsub.s32 v51, v62  }
0x1b8: {  	v40 =	vsub.s32 v20, v62;
	v13 =	vmul.f32 v13, v10;
	v3 =	vcvt.s32.f32 v3  }
0x1b9: {  	v46 =	vmul.f32 v36, v10;
	v36 =	vcvt.s32.f32 v40;
	v40 =	vsub.s32 v28, v62  }
0x1ba: {  	vm1 =	vlt.s32 v4, v26;
	v48 =	vcvt.s32.f32 v40;
	v11 =	vmul.f32 v3, v10  }
0x1bb: {  	v3 =	vmul.f32 v34, v10;
	v34 =	vcvt.s32.f32 v38;
	v38 =	vsub.s32 v22, v62  }
0x1bc: {  	vm1 =	vmand vm1, vm2;
	vm2 =	vlt.s32 v4, v16;
	v4 =	vcvt.s32.f32 v38  }
0x1bd: {  	v23 =	vtrunc.f32 v23;
	v38 =	vmul.f32 v48, v10;
	v48 =	vsub.s32 v24, v62  }
0x1be: {  	v40 =	vmul.f32 v4, v10;
	v4 =	vcvt.s32.f32 v37;
	v37 =	vsub.s32 v18, v62  }
0x1bf: {  	vm3 =	vgt.s32 v14, v0;
	v14 =	vcvt.s32.f32 v48;
	v37 =	vcvt.s32.f32 v37  }
0x1c0: {  	v7 =	vmin.u32 v7, $0x1B;
	v12 =	vmul.f32 v34, v10;
	v4 =	vmul.f32 v4, v10  }
0x1c1: {  	v48 =	vsub.s32 v0, v62;
	v34 =	vmul.f32 v14, v10;
	v14 =	vmul.f32 v37, v10  }
0x1c2: {  	v37 =	vld [tilespmem:$0x1FD10];
	[tilespmem:$0x1FD00] =	vst v4;
	v4 =	vcvt.s32.f32 v48;
	v48 =	vnsel vm1, $0x1C, v7;
	vm1 =	vgt.s32 v17, $0x0  }
0x1c3: {  	v9 =	vmul.f32 v9, v10;
	v36 =	vmul.f32 v36, v10;
	v7 =	vnsel vm1, $0x0, v17  }
0x1c4: {  	[tilespmem:s4+$0xFFFFFFF0] =	vst v54;
	v54 =	vld [tilespmem:$0x1FD30];
	vm1 =	vmand vm2, vm3;
	vm2 =	vgt.s32 v19, $0x0;
	v10 =	vmul.f32 v4, v10  }
0x1c5: {  	v4 =	vbroadcast v42, $0x2;
	v17 =	vnsel vm2, $0x0, v19;
	v7 =	vmin.u32 v7, $0x1B  }
0x1c6: {  	v19 =	vcvt.f32.s32 v23;
	v17 =	vmin.u32 v17, $0x1B;
	v7 =	vnsel vm1, $0x1C, v7  }
0x1c7: {  	vm2 =	vlt.s32 v62, v37;
	vm3 =	vgt.s32 v4, v1;
	v37 =	vtrunc.f32 v5  }
0x1c8: {  	vm1 =	vgt.s32 v19, $0x0;
	vm2 =	vmand vm2, vm3;
	v37 =	vcvt.f32.s32 v37  }
0x1c9: {  	vm3 =	vgt.s32 v4, v41;
	v5 =	vnsel vm2, $0x1C, v17;
	vm2 =	vlt.s32 v62, v54  }
0x1ca: {  	v19 =	vnsel vm1, $0x0, v19;
	vm1 =	vmand vm2, vm3;
	vm2 =	vgt.s32 v37, $0x0  }
0x1cb: {  	v17 =	vnsel vm2, $0x0, v37;
	v37 =	vld [tilespmem:$0x1FD50];
	_ =	sdelay $0x2  }
0x1cc: {  	v25 =	vtrunc.f32 v25;
	v19 =	vmin.u32 v19, $0x1B  }
0x1cd: {  	v23 =	vld.idx.msk [tilespmem:v53+s16+$0x0], $0xffff;
	v53 =	vnsel vm1, $0x1C, v19;
	v19 =	vcvt.f32.s32 v25  }
0x1ce: {  	vm2 =	vgt.s32 v4, v45;
	vm1 =	vlt.s32 v62, v37  }
0x1cf: {  	vm1 =	vmand vm1, vm2;
	vm2 =	vgt.s32 v19, $0x0  }
0x1d0: {  	v17 =	vmin.u32 v17, $0x1B;
	v45 =	vnsel vm2, $0x0, v19  }
0x1d1: {  	v54 =	vnsel vm1, $0x1C, v17;
	v17 =	vmin.u32 v45, $0x1B;
	v45 =	vld [tilespmem:$0x1FB90]  }
0x1d2: {  	v41 =	vtrunc.f32 v27  }
0x1d3: {  	v25 =	vcvt.f32.s32 v41;
	_ =	sdelay $0x1  }
0x1d4: {  	v27 =	vld [tilespmem:$0x1FD70];
	vm2 =	vgt.s32 v25, $0x0  }
0x1d5: {  	v37 =	vnsel vm2, $0x0, v25  }
0x1d6: {  	v23 =	vnsel vm0, $0x0, v23;
	v19 =	vmin.u32 v37, $0x1B;
	v37 =	vld [tilespmem:$0x1FBA0]  }
0x1d7: {  	v33 =	vtrunc.f32 v33;
	[tilespmem:s4+$0x0] =	vst v23;
	v41 =	vtrunc.f32 v29;
	v29 =	vld [tilespmem:$0x1FDB0]  }
0x1d8: {  	v21 =	vtrunc.f32 v21;
	vm3 =	vgt.s32 v4, v49;
	v49 =	vtrunc.f32 v31;
	v25 =	vld.idx.msk [tilespmem:v45+s16+$0x0], $0xffff  }
0x1d9: {  	v23 =	vcvt.f32.s32 v41;
	v41 =	vtrunc.f32 v35;
	vm1 =	vlt.s32 v62, v27  }
0x1da: {  	vm1 =	vmand vm1, vm3;
	vm2 =	vlt.s32 v62, v57;
	vm3 =	vgt.s32 v4, v50  }
0x1db: {  	v27 =	vcvt.f32.s32 v49;
	vm2 =	vmand vm2, vm3;
	vm3 =	vgt.s32 v23, $0x0  }
0x1dc: {  	s22 =	sadd.s32 $0x20, s4;
	v49 =	vld [tilespmem:$0x1FE10];
	v17 =	vnsel vm1, $0x1C, v17;
	vm1 =	vlt.s32 v62, v29;
	v57 =	vnsel vm2, $0x1C, v19  }
0x1dd: {  	v29 =	vld [tilespmem:$0x1FE50];
	v50 =	vnsel vm3, $0x0, v23;
	vm2 =	vgt.s32 v4, v55;
	vm3 =	vgt.s32 v27, $0x0;
	[tilespmem:s22+$0xFFFFFFF0] =	vst v25  }
0x1de: {  	vm1 =	vmand vm1, vm2;
	v31 =	vnsel vm3, $0x0, v27;
	vm2 =	vlt.s32 v62, v52;
	v27 =	vld.idx.msk [tilespmem:v37+s16+$0x0], $0xffff  }
0x1df: {  	v55 =	vld [tilespmem:$0x1FBD0];
	vm3 =	vgt.s32 v4, v58;
	v19 =	vmin.u32 v50, $0x1B;
	v25 =	vcvt.f32.s32 v33  }
0x1e0: {  	v23 =	vmin.u32 v31, $0x1B;
	vm2 =	vmand vm2, vm3;
	v19 =	vnsel vm1, $0x1C, v19;
	v45 =	vld [tilespmem:$0x1FBB0]  }
0x1e1: {  	v50 =	vld [tilespmem:$0x1FBC0];
	vm3 =	vgt.s32 v4, v60;
	v52 =	vnsel vm2, $0x1C, v23;
	vm1 =	vgt.s32 v25, $0x0  }
0x1e2: {  	v58 =	vld [tilespmem:$0x1FBE0];
	vm2 =	vlt.s32 v62, v8;
	v23 =	vcvt.f32.s32 v41;
	v25 =	vnsel vm1, $0x0, v25  }
0x1e3: {  	v60 =	vld [tilespmem:$0x1FE30];
	vm1 =	vmand vm2, vm3;
	v25 =	vmin.u32 v25, $0x1B;
	v27 =	vnsel vm0, $0x0, v27  }
0x1e4: {  	vm2 =	vgt.s32 v4, v63;
	v63 =	vld [tilespmem:$0x1FC00];
	v25 =	vnsel vm1, $0x1C, v25;
	vm1 =	vgt.s32 v23, $0x0;
	[tilespmem:s22+$0x0] =	vst v27  }
0x1e5: {  	v21 =	vcvt.f32.s32 v21;
	v31 =	vld [tilespmem:$0x1FC20];
	v23 =	vnsel vm1, $0x0, v23;
	vm1 =	vlt.s32 v62, v49;
	[tilespmem:$0x2380] =	vst v45  }
0x1e6: {  	v15 =	vtrunc.f32 v15;
	v33 =	vld [tilespmem:$0x1FC30];
	v23 =	vmin.u32 v23, $0x1B;
	vm1 =	vmand vm1, vm2;
	[tilespmem:$0x2390] =	vst v50  }
0x1e7: {  	v15 =	vcvt.f32.s32 v15;
	v35 =	vld [tilespmem:$0x1FC40];
	vm2 =	vgt.s32 v21, $0x0;
	[tilespmem:$0x23A0] =	vst v55;
	v23 =	vnsel vm1, $0x1C, v23  }
0x1e8: {  	v21 =	vnsel vm2, $0x0, v21;
	[tilespmem:$0x23B0] =	vst v58;
	vm1 =	vlt.s32 v62, v60;
	vm2 =	vgt.s32 v4, v61  }
0x1e9: {  	v13 =	vtrunc.f32 v13;
	v41 =	vld [tilespmem:$0x1FC50];
	[tilespmem:$0x23D0] =	vst v63;
	vm1 =	vmand vm1, vm2;
	v21 =	vmin.u32 v21, $0x1B  }
0x1ea: {  	v13 =	vcvt.f32.s32 v13;
	[tilespmem:$0x23F0] =	vst v31;
	v21 =	vnsel vm1, $0x1C, v21;
	vm1 =	vgt.s32 v15, $0x0  }
0x1eb: {  	[tilespmem:$0x2400] =	vst v33;
	vm2 =	vgt.s32 v4, v59;
	v15 =	vnsel vm1, $0x0, v15;
	vm1 =	vlt.s32 v62, v29  }
0x1ec: {  	[tilespmem:$0x2410] =	vst v35;
	v50 =	vld [tilespmem:$0x1FE90];
	v15 =	vmin.u32 v15, $0x1B;
	vm1 =	vmand vm1, vm2;
	vm2 =	vgt.s32 v13, $0x0  }
0x1ed: {  	v11 =	vtrunc.f32 v11;
	v27 =	vld [tilespmem:$0x1FC10];
	[tilespmem:$0x2420] =	vst v6;
	v15 =	vnsel vm1, $0x1C, v15;
	v13 =	vnsel vm2, $0x0, v13  }
0x1ee: {  	[tilespmem:$0x2430] =	vst v41;
	vm1 =	vlt.s32 v62, v2;
	vm2 =	vgt.s32 v4, v56;
	v2 =	vcvt.f32.s32 v11  }
0x1ef: {  	v9 =	vtrunc.f32 v9;
	[tilespmem:$0x24E0] =	vst v48;
	v59 =	vld [tilespmem:$0x1FEB0];
	vm1 =	vmand vm1, vm2;
	v37 =	vmin.u32 v13, $0x1B  }
0x1f0: {  	v61 =	vld [tilespmem:$0x1FBF0];
	v45 =	vcvt.f32.s32 v9;
	[tilespmem:$0x24F0] =	vst v7;
	v6 =	vnsel vm1, $0x1C, v37;
	vm1 =	vgt.s32 v2, $0x0  }
0x1f1: {  	[tilespmem:$0x2500] =	vst v5;
	vm2 =	vgt.s32 v4, v51;
	v2 =	vnsel vm1, $0x0, v2;
	vm1 =	vlt.s32 v62, v50  }
0x1f2: {  	v3 =	vtrunc.f32 v3;
	[tilespmem:$0x23E0] =	vst v27;
	v27 =	vld [tilespmem:$0x1FED0];
	v2 =	vmin.u32 v2, $0x1B;
	vm1 =	vmand vm1, vm2  }
0x1f3: {  	v3 =	vcvt.f32.s32 v3;
	v49 =	vld [tilespmem:$0x1FC60];
	[tilespmem:$0x2510] =	vst v53;
	vm2 =	vgt.s32 v45, $0x0;
	v2 =	vnsel vm1, $0x1C, v2  }
0x1f4: {  	v55 =	vld [tilespmem:$0x1FC70];
	[tilespmem:$0x2520] =	vst v54;
	v8 =	vnsel vm2, $0x0, v45;
	vm1 =	vlt.s32 v62, v59;
	vm2 =	vgt.s32 v4, v30  }
0x1f5: {  	v35 =	vld [tilespmem:$0x1FEF0];
	[tilespmem:$0x23C0] =	vst v61;
	v61 =	vtrunc.f32 v46;
	vm1 =	vmand vm1, vm2;
	v8 =	vmin.u32 v8, $0x1B  }
0x1f6: {  	v58 =	vld [tilespmem:$0x1FC90];
	[tilespmem:$0x2530] =	vst v17;
	v9 =	vcvt.f32.s32 v61;
	v8 =	vnsel vm1, $0x1C, v8;
	vm1 =	vgt.s32 v3, $0x0  }
0x1f7: {  	v60 =	vld [tilespmem:$0x1FCA0];
	[tilespmem:$0x2540] =	vst v57;
	vm2 =	vgt.s32 v4, v43;
	v3 =	vnsel vm1, $0x0, v3;
	vm1 =	vlt.s32 v62, v27  }
0x1f8: {  	v31 =	vtrunc.f32 v12;
	[tilespmem:$0x2550] =	vst v19;
	v46 =	vld [tilespmem:$0x1FF10];
	v3 =	vmin.u32 v3, $0x1B;
	vm1 =	vmand vm1, vm2  }
0x1f9: {  	v63 =	vld [tilespmem:$0x1FCB0];
	[tilespmem:$0x2560] =	vst v52;
	v11 =	vcvt.f32.s32 v31;
	vm2 =	vgt.s32 v9, $0x0;
	v3 =	vnsel vm1, $0x1C, v3  }
0x1fa: {  	v33 =	vld [tilespmem:$0x1FCF0];
	[tilespmem:$0x2570] =	vst v25;
	v9 =	vnsel vm2, $0x0, v9;
	vm1 =	vlt.s32 v62, v35;
	vm2 =	vgt.s32 v4, v47  }
0x1fb: {  	v48 =	vld [tilespmem:$0x1FF30];
	[tilespmem:$0x2580] =	vst v23;
	v37 =	vtrunc.f32 v36;
	vm1 =	vmand vm1, vm2;
	v9 =	vmin.u32 v9, $0x1B  }
0x1fc: {  	[tilespmem:$0x2440] =	vst v49;
	v56 =	vld [tilespmem:$0x1FC80];
	v43 =	vcvt.f32.s32 v37;
	v41 =	vnsel vm1, $0x1C, v9;
	vm1 =	vgt.s32 v11, $0x0  }
0x1fd: {  	[tilespmem:$0x2590] =	vst v21;
	v13 =	vld [tilespmem:$0x1FCC0];
	vm2 =	vgt.s32 v4, v39;
	v45 =	vnsel vm1, $0x0, v11;
	vm1 =	vlt.s32 v62, v46  }
0x1fe: {  	[tilespmem:$0x2450] =	vst v55;
	v50 =	vld [tilespmem:$0x1FF50];
	v47 =	vtrunc.f32 v40;
	v5 =	vmin.u32 v45, $0x1B;
	vm1 =	vmand vm1, vm2  }
0x1ff: {  	[tilespmem:$0x2470] =	vst v58;
	v51 =	vld [tilespmem:$0x1FD00];
	v11 =	vcvt.f32.s32 v47;
	vm2 =	vgt.s32 v43, $0x0;
	v5 =	vnsel vm1, $0x1C, v5  }
0x200: {  	v52 =	vld [tilespmem:$0x1FF70];
	[tilespmem:$0x2480] =	vst v60;
	v9 =	vnsel vm2, $0x0, v43;
	vm1 =	vlt.s32 v62, v48;
	vm2 =	vgt.s32 v4, v20  }
0x201: {  	v29 =	vld [tilespmem:$0x1FCD0];
	v49 =	vtrunc.f32 v38;
	[tilespmem:$0x2490] =	vst v63;
	vm1 =	vmand vm1, vm2;
	v9 =	vmin.u32 v9, $0x1B  }
0x202: {  	v12 =	vcvt.f32.s32 v49;
	[tilespmem:$0x24D0] =	vst v33;
	v9 =	vnsel vm1, $0x1C, v9;
	vm1 =	vgt.s32 v11, $0x0  }
0x203: {  	[tilespmem:$0x2460] =	vst v56;
	vm2 =	vgt.s32 v4, v22;
	v11 =	vnsel vm1, $0x0, v11;
	vm1 =	vlt.s32 v62, v50  }
0x204: {  	v56 =	vld [tilespmem:$0x1FF90];
	[tilespmem:$0x24A0] =	vst v13;
	v13 =	vtrunc.f32 v51;
	v11 =	vmin.u32 v11, $0x1B;
	vm1 =	vmand vm1, vm2  }
0x205: {  	[tilespmem:$0x25A0] =	vst v15;
	v30 =	vld [tilespmem:$0x1FCE0];
	v13 =	vcvt.f32.s32 v13;
	vm2 =	vgt.s32 v12, $0x0;
	v11 =	vnsel vm1, $0x1C, v11  }
0x206: {  	[tilespmem:$0x24B0] =	vst v29;
	v12 =	vnsel vm2, $0x0, v12;
	vm1 =	vlt.s32 v62, v52;
	vm2 =	vgt.s32 v4, v28  }
0x207: {  	v53 =	vtrunc.f32 v34;
	v58 =	vld [tilespmem:$0x1FFB0];
	[tilespmem:$0x25B0] =	vst v6;
	vm1 =	vmand vm1, vm2;
	v12 =	vmin.u32 v12, $0x1B  }
0x208: {  	v55 =	vcvt.f32.s32 v53;
	[tilespmem:$0x25C0] =	vst v2;
	v54 =	vnsel vm1, $0x1C, v12;
	vm1 =	vgt.s32 v13, $0x0  }
0x209: {  	[tilespmem:$0x25D0] =	vst v8;
	vm2 =	vgt.s32 v4, v32;
	v2 =	vnsel vm1, $0x0, v13;
	vm1 =	vlt.s32 v62, v56  }
0x20a: {  	v57 =	vtrunc.f32 v14;
	[tilespmem:$0x24C0] =	vst v30;
	v2 =	vmin.u32 v2, $0x1B;
	vm1 =	vmand vm1, vm2  }
0x20b: {  	v59 =	vcvt.f32.s32 v57;
	[tilespmem:$0x25E0] =	vst v3;
	vm2 =	vgt.s32 v55, $0x0;
	v2 =	vnsel vm1, $0x1C, v2  }
0x20c: {  	[tilespmem:$0x25F0] =	vst v41;
	v3 =	vnsel vm2, $0x0, v55;
	vm1 =	vlt.s32 v62, v58;
	vm2 =	vgt.s32 v4, v24  }
0x20d: {  	v60 =	vtrunc.f32 v10;
	[tilespmem:$0x2600] =	vst v5;
	vm1 =	vmand vm1, vm2;
	v3 =	vmin.u32 v3, $0x1B  }
0x20e: {  	v5 =	vcvt.f32.s32 v60;
	[tilespmem:$0x2610] =	vst v9;
	v3 =	vnsel vm1, $0x1C, v3;
	vm1 =	vgt.s32 v59, $0x0  }
0x20f: {  	[tilespmem:$0x2620] =	vst v11;
	vm2 =	vgt.s32 v4, v18;
	v7 =	vnsel vm1, $0x0, v59;
	vm1 =	vlt.s32 v62, v26  }
0x210: {  	vm3 =	vgt.s32 v4, v0;
	[tilespmem:$0x2630] =	vst v54;
	vm1 =	vmand vm1, vm2;
	vm2 =	vgt.s32 v5, $0x0  }
0x211: {  	[tilespmem:$0x2640] =	vst v2;
	v61 =	vmin.u32 v7, $0x1B;
	v2 =	vnsel vm2, $0x0, v5;
	vm2 =	vlt.s32 v62, v16  }
0x212: {  	[tilespmem:$0x2650] =	vst v3;
	v63 =	vnsel vm1, $0x1C, v61;
	v2 =	vmin.u32 v2, $0x1B;
	vm1 =	vmand vm2, vm3  }
0x213: {  	[tilespmem:$0x2660] =	vst v63;
	v2 =	vnsel vm1, $0x1C, v2  }
0x214: {  	s4 =	simm.s32 $0x0;
	[tilespmem:$0x2670] =	vst v2  }
.LBB2_7:
0x215: {  	v2 =	vld [tilespmem:$0x2380];
	_ =	sdelay $0x4  }
0x216: {  	v2 =	vadd.s32 s4, v2;
	_ =	sdelay $0x4  }
0x217: {  	v2 =	vld.idx.msk [tilespmem:v2+s31+$0x0], $0xffff;
	_ =	sdelay $0x4  }
0x218: {  	[tilespmem:s3+$0xFFFFFF40] =	vst v2  }
0x219: {  	v2 =	vld [tilespmem:$0x2390];
	_ =	sdelay $0x4  }
0x21a: {  	v2 =	vadd.s32 s4, v2;
	_ =	sdelay $0x4  }
0x21b: {  	v2 =	vld.idx.msk [tilespmem:v2+s31+$0x0], $0xffff;
	_ =	sdelay $0x4  }
0x21c: {  	[tilespmem:s3+$0xFFFFFF50] =	vst v2  }
0x21d: {  	v2 =	vld [tilespmem:$0x23A0];
	_ =	sdelay $0x4  }
0x21e: {  	v2 =	vadd.s32 s4, v2;
	_ =	sdelay $0x4  }
0x21f: {  	v2 =	vld.idx.msk [tilespmem:v2+s31+$0x0], $0xffff;
	_ =	sdelay $0x4  }
0x220: {  	[tilespmem:s3+$0xFFFFFF60] =	vst v2  }
0x221: {  	v2 =	vld [tilespmem:$0x23B0];
	_ =	sdelay $0x4  }
0x222: {  	v2 =	vadd.s32 s4, v2;
	_ =	sdelay $0x4  }
0x223: {  	v2 =	vld.idx.msk [tilespmem:v2+s31+$0x0], $0xffff;
	_ =	sdelay $0x4  }
0x224: {  	[tilespmem:s3+$0xFFFFFF70] =	vst v2  }
0x225: {  	v2 =	vld [tilespmem:$0x23C0];
	_ =	sdelay $0x4  }
0x226: {  	v2 =	vadd.s32 s4, v2;
	_ =	sdelay $0x4  }
0x227: {  	v2 =	vld.idx.msk [tilespmem:v2+s31+$0x0], $0xffff;
	_ =	sdelay $0x4  }
0x228: {  	[tilespmem:s3+$0xFFFFFF80] =	vst v2  }
0x229: {  	v2 =	vld [tilespmem:$0x23D0];
	_ =	sdelay $0x4  }
0x22a: {  	v2 =	vadd.s32 s4, v2;
	_ =	sdelay $0x4  }
0x22b: {  	v2 =	vld.idx.msk [tilespmem:v2+s31+$0x0], $0xffff;
	_ =	sdelay $0x4  }
0x22c: {  	[tilespmem:s3+$0xFFFFFF90] =	vst v2  }
0x22d: {  	v2 =	vld [tilespmem:$0x23E0];
	_ =	sdelay $0x4  }
0x22e: {  	v2 =	vadd.s32 s4, v2;
	_ =	sdelay $0x4  }
0x22f: {  	v2 =	vld.idx.msk [tilespmem:v2+s31+$0x0], $0xffff;
	_ =	sdelay $0x4  }
0x230: {  	[tilespmem:s3+$0xFFFFFFA0] =	vst v2  }
0x231: {  	v2 =	vld [tilespmem:$0x23F0];
	_ =	sdelay $0x4  }
0x232: {  	v2 =	vadd.s32 s4, v2;
	_ =	sdelay $0x4  }
0x233: {  	v2 =	vld.idx.msk [tilespmem:v2+s31+$0x0], $0xffff;
	_ =	sdelay $0x4  }
0x234: {  	[tilespmem:s3+$0xFFFFFFB0] =	vst v2  }
0x235: {  	v2 =	vld [tilespmem:$0x2400];
	_ =	sdelay $0x4  }
0x236: {  	v2 =	vadd.s32 s4, v2;
	_ =	sdelay $0x4  }
0x237: {  	v2 =	vld.idx.msk [tilespmem:v2+s31+$0x0], $0xffff;
	_ =	sdelay $0x4  }
0x238: {  	[tilespmem:s3+$0xFFFFFFC0] =	vst v2  }
0x239: {  	v2 =	vld [tilespmem:$0x2410];
	_ =	sdelay $0x4  }
0x23a: {  	v2 =	vadd.s32 s4, v2;
	_ =	sdelay $0x4  }
0x23b: {  	v2 =	vld.idx.msk [tilespmem:v2+s31+$0x0], $0xffff;
	_ =	sdelay $0x4  }
0x23c: {  	[tilespmem:s3+$0xFFFFFFD0] =	vst v2  }
0x23d: {  	v2 =	vld [tilespmem:$0x2420];
	_ =	sdelay $0x4  }
0x23e: {  	v2 =	vadd.s32 s4, v2;
	_ =	sdelay $0x4  }
0x23f: {  	v2 =	vld.idx.msk [tilespmem:v2+s31+$0x0], $0xffff;
	_ =	sdelay $0x4  }
0x240: {  	[tilespmem:s3+$0xFFFFFFE0] =	vst v2  }
0x241: {  	v2 =	vld [tilespmem:$0x2430];
	_ =	sdelay $0x4  }
0x242: {  	v2 =	vadd.s32 s4, v2;
	_ =	sdelay $0x4  }
0x243: {  	v2 =	vld.idx.msk [tilespmem:v2+s31+$0x0], $0xffff;
	_ =	sdelay $0x4  }
0x244: {  	[tilespmem:s3+$0xFFFFFFF0] =	vst v2  }
0x245: {  	v2 =	vld [tilespmem:$0x2440];
	_ =	sdelay $0x4  }
0x246: {  	v2 =	vadd.s32 s4, v2;
	_ =	sdelay $0x4  }
0x247: {  	v2 =	vld.idx.msk [tilespmem:v2+s31+$0x0], $0xffff;
	_ =	sdelay $0x4  }
0x248: {  	[tilespmem:s3+$0x0] =	vst v2  }
0x249: {  	v2 =	vld [tilespmem:$0x2450];
	_ =	sdelay $0x4  }
0x24a: {  	v2 =	vadd.s32 s4, v2;
	_ =	sdelay $0x4  }
0x24b: {  	v2 =	vld.idx.msk [tilespmem:v2+s31+$0x0], $0xffff;
	_ =	sdelay $0x4  }
0x24c: {  	[tilespmem:s3+$0x10] =	vst v2  }
0x24d: {  	v2 =	vld [tilespmem:$0x2460];
	_ =	sdelay $0x4  }
0x24e: {  	v2 =	vadd.s32 s4, v2;
	_ =	sdelay $0x4  }
0x24f: {  	v2 =	vld.idx.msk [tilespmem:v2+s31+$0x0], $0xffff;
	_ =	sdelay $0x4  }
0x250: {  	[tilespmem:s3+$0x20] =	vst v2  }
0x251: {  	v2 =	vld [tilespmem:$0x2470];
	_ =	sdelay $0x4  }
0x252: {  	v2 =	vadd.s32 s4, v2;
	_ =	sdelay $0x4  }
0x253: {  	v2 =	vld.idx.msk [tilespmem:v2+s31+$0x0], $0xffff;
	_ =	sdelay $0x4  }
0x254: {  	[tilespmem:s3+$0x30] =	vst v2  }
0x255: {  	v2 =	vld [tilespmem:$0x2480];
	_ =	sdelay $0x4  }
0x256: {  	v2 =	vadd.s32 s4, v2;
	_ =	sdelay $0x4  }
0x257: {  	v2 =	vld.idx.msk [tilespmem:v2+s31+$0x0], $0xffff;
	_ =	sdelay $0x4  }
0x258: {  	[tilespmem:s3+$0x40] =	vst v2  }
0x259: {  	v2 =	vld [tilespmem:$0x2490];
	_ =	sdelay $0x4  }
0x25a: {  	v2 =	vadd.s32 s4, v2;
	_ =	sdelay $0x4  }
0x25b: {  	v2 =	vld.idx.msk [tilespmem:v2+s31+$0x0], $0xffff;
	_ =	sdelay $0x4  }
0x25c: {  	[tilespmem:s3+$0x50] =	vst v2  }
0x25d: {  	v2 =	vld [tilespmem:$0x24A0];
	_ =	sdelay $0x4  }
0x25e: {  	v2 =	vadd.s32 s4, v2;
	_ =	sdelay $0x4  }
0x25f: {  	v2 =	vld.idx.msk [tilespmem:v2+s31+$0x0], $0xffff;
	_ =	sdelay $0x4  }
0x260: {  	[tilespmem:s3+$0x60] =	vst v2  }
0x261: {  	v2 =	vld [tilespmem:$0x24B0];
	_ =	sdelay $0x4  }
0x262: {  	v2 =	vadd.s32 s4, v2;
	_ =	sdelay $0x4  }
0x263: {  	v2 =	vld.idx.msk [tilespmem:v2+s31+$0x0], $0xffff;
	_ =	sdelay $0x4  }
0x264: {  	[tilespmem:s3+$0x70] =	vst v2  }
0x265: {  	v2 =	vld [tilespmem:$0x24C0];
	_ =	sdelay $0x4  }
0x266: {  	v2 =	vadd.s32 s4, v2;
	_ =	sdelay $0x4  }
0x267: {  	v2 =	vld.idx.msk [tilespmem:v2+s31+$0x0], $0xffff;
	_ =	sdelay $0x4  }
0x268: {  	[tilespmem:s3+$0x80] =	vst v2  }
0x269: {  	v2 =	vld [tilespmem:$0x24D0];
	_ =	sdelay $0x4  }
0x26a: {  	v2 =	vadd.s32 s4, v2;
	_ =	sdelay $0x4  }
0x26b: {  	v2 =	vld.idx.msk [tilespmem:v2+s31+$0x0], $0xffff;
	_ =	sdelay $0x4  }
0x26c: {  	[tilespmem:s3+$0x90] =	vst v2  }
0x26d: {  	v2 =	vld [tilespmem:$0x24E0];
	_ =	sdelay $0x4  }
0x26e: {  	v2 =	vadd.s32 s4, v2;
	_ =	sdelay $0x4  }
0x26f: {  	v2 =	vld.idx.msk [tilespmem:v2+s31+$0x0], $0xffff;
	_ =	sdelay $0x4  }
0x270: {  	[tilespmem:s3+$0xA0] =	vst v2  }
0x271: {  	v2 =	vld [tilespmem:$0x24F0];
	_ =	sdelay $0x4  }
0x272: {  	v2 =	vadd.s32 s4, v2;
	_ =	sdelay $0x4  }
0x273: {  	p1 =	sne.s32 s4, $0x360;
	v2 =	vld.idx.msk [tilespmem:v2+s31+$0x0], $0xffff  }
.Ltmp6:
0x274: {  	_ = 	snop;
	(pc) =	sbr.rel @p1 .LBB2_7-.Ltmp6, $2  }
0x275: {  	_ =	sdelay $0x2  }
0x276: {  	s4 =	sadd.s32 $0x20, s4;
	[tilespmem:s3+$0xB0] =	vst v2;
	s3 =	sadd.s32 $0x180, s3  }
0x277: {  	(v2sf) =	vpush v42, $0x0;
	_ =	sdelay $0xb  }
0x278: {  	(v2sf) =	vpush v42, $0x2;
	_ =	sdelay $0x2  }
0x279: {  	s3 =	spop (v2sf)  }
0x27a: {  	s4 =	sand.u32 $0xF, s3  }
0x27b: {  	s12 =	sshra.s32 s3, $0x1F;
	p1 =	slt.s32 s3, $0x1;
	p2 =	sne.s32 s4, $0x0  }
0x27c: {  	s22 =	sshrl.u32 s12, $0x1C;
	p1 =	por !p1, !p2  }
0x27d: {  	s4 =	simm.s32 $0x1;
	s3 =	sadd.s32 s22, s3;
	p1 =	por !p1, !p1  }
0x27e: {  	s3 =	sshra.s32 s3, $0x4;
	s4 =	simm.s32 @!p1 $0x0  }
0x27f: {  	s12 =	ssub.s32 s3, s4  }
0x280: {  	p1 =	slt.s32 s12, $0x1  }
.Ltmp7:
0x281: {  	_ = 	snop;
	(pc) =	sbr.rel @p1 .LBB2_12-.Ltmp7, $2  }
0x282: {  	_ =	sdelay $0x2  }
0x283: {  	s4 =	spop (v2sf);
	s3 =	sadd.s32 $0x1, s28  }
0x284: {  	p1 =	sne.s32 s12, $0x1  }
.Ltmp8:
0x285: {  	_ = 	snop;
	(pc) =	sbr.rel @!p1 .LBB2_11-.Ltmp8, $3  }
0x286: {  	_ =	sdelay $0x1  }
0x287: {  	s19 =	sshrl.u32 s10, $0x3  }
0x288: {  	s17 =	sadd.s32 $0xFFFFFFFF, s12;
	s21 =	sadd.s32 s6, s19;
	s19 =	sadd.s32 $0x1800, s10  }
.LBB2_10:
0x289: {  	[hbm4b:s21+s2] =	stream.linear.scatter [tilespmem:s0], [sflag:s3], $0x1800, $0x38;
	[tilespmem:$0x9280] =	vst v63  }
0x28a: {  	p1 =	sne.s32 s17, $0x1  }
.Ltmp9:
0x28b: {  	s17 =	sadd.s32 $0xFFFFFFFF, s17;
	(pc) =	sbr.rel @p1 .LBB2_10-.Ltmp9, $3  }
0x28c: {  	_ =	sdelay $0x1  }
0x28d: {  	s21 =	sshrl.u32 s19, $0x3  }
0x28e: {  	s19 =	sadd.s32 $0x1800, s19;
	s21 =	sadd.s32 s6, s21  }
.LBB2_11:
0x28f: {  	[hbm4b:s21+s2] =	stream.linear.scatter [tilespmem:s0], [sflag:s3], $0x1800, $0x38;
	[tilespmem:$0x9280] =	vst v63  }
.LBB2_12:
0x290: {  	s17 =	sshll.u32 s12, $0x4  }
0x291: {  	p1 =	sge.s32 s17, s4  }
.Ltmp10:
0x292: {  	_ = 	snop;
	(pc) =	sbr.rel @p1 .LBB2_22-.Ltmp10, $1  }
0x293: {  	_ =	sdelay $0x3  }
0x294: {  	v2 =	vmov s17;
	_ =	sdelay $0x4  }
0x295: {  	v2 =	vld.idx.msk [tilespmem:v2+s5+$0x0], $0xffff;
	_ =	sdelay $0x4  }
0x296: {  	(v2sf) =	vpush v2, $0x0;
	_ =	sdelay $0x9  }
0x297: {  	s17 =	sadd.s32 $0x1, s17  }
0x298: {  	p2 =	sne.s32 s4, s17  }
.Ltmp11:
0x299: {  	_ = 	snop;
	(pc) =	sbr.rel @!p2 .LBB2_14-.Ltmp11, $4  }
0x29a: {  	_ = 	snop  }
0x29b: {  	s12 =	smul.u32 $0x1800, s12  }
0x29c: {  	s19 =	spop (v2sf)  }
0x29d: {  	p1 =	por $0x0, $0x0;
	s12 =	sadd.s32 s12, s10;
	s22 =	smul.u32 $0x180, s19  }
0x29e: {  	v2 =	vmov s17  }
0x29f: {  	p1 =	seq.s32 s19, $0x1C;
	s21 =	sadd.s32 s26, s22  }
0x2a0: {  	s22 =	sshrl.u32 s12, $0x3;
	s21 =	simm.s32 @p1 $0x5400  }
0x2a1: {  	s19 =	sadd.s32 s6, s22;
	s21 =	sadd.s32 $0x2680, s21  }
0x2a2: {  	[hbm4b:s19+s2] =	stream.linear.scatter [tilespmem:s21], [sflag:s3], $0x180, $0x38;
	[tilespmem:$0x9280] =	vst v63  }
0x2a3: {  	v2 =	vld.idx.msk [tilespmem:v2+s5+$0x0], $0xffff;
	_ =	sdelay $0x4  }
0x2a4: {  	(v2sf) =	vpush v2, $0x0;
	_ =	sdelay $0x9  }
0x2a5: {  	s28 =	sadd.s32 $0x1, s17  }
0x2a6: {  	p2 =	sne.s32 s4, s28  }
.Ltmp12:
0x2a7: {  	_ = 	snop;
	(pc) =	sbr.rel @!p2 .LBB2_19-.Ltmp12, $3  }
0x2a8: {  	_ =	sdelay $0x1  }
0x2a9: {  	s19 =	spop (v2sf)  }
0x2aa: {  	s17 =	smov.u32 s12;
	p1 =	por $0x1, $0x1;
	s22 =	smul.u32 $0x180, s19  }
.LBB2_20:
0x2ab: {  	v2 =	vmov s28;
	s28 =	sadd.s32 $0x1, s28;
	s17 =	sadd.s32 $0x180, s17  }
0x2ac: {  	p3 =	seq.s32 s19, $0x1C;
	p2 =	sne.s32 s4, s28;
	s21 =	sadd.s32 s26, s22  }
0x2ad: {  	s19 =	sshrl.u32 s17, $0x3;
	s21 =	simm.s32 @p3 $0x5400  }
0x2ae: {  	s19 =	sadd.s32 s6, s19;
	s21 =	sadd.s32 $0x2680, s21  }
0x2af: {  	[hbm4b:s19+s2] =	stream.linear.scatter [tilespmem:s21], [sflag:s3], $0x180, $0x38;
	[tilespmem:$0x9280] =	vst v63  }
0x2b0: {  	v2 =	vld.idx.msk [tilespmem:v2+s5+$0x0], $0xffff;
	_ =	sdelay $0x5  }
0x2b1: {  	(v2sf) =	vpush v2, $0x0;
	_ =	sdelay $0xb  }
.Ltmp13:
0x2b2: {  	(pc) =	sbr.rel @p2 .LBB2_20-.Ltmp13, $3  }
0x2b3: {  	_ =	sdelay $0x1  }
0x2b4: {  	s19 =	spop (v2sf)  }
0x2b5: {  	s22 =	smul.u32 $0x180, s19  }
.LBB2_21:
0x2b6: {  	s17 =	sadd.s32 @p1 $0x180, s17  }
0x2b7: {  	p2 =	seq.s32 s19, $0x1C;
	s21 =	sadd.s32 s26, s22;
	s12 =	smov.u32 @p1 s17  }
0x2b8: {  	s12 =	sshrl.u32 s12, $0x3;
	s21 =	simm.s32 @p2 $0x5400  }
0x2b9: {  	s12 =	sadd.s32 s6, s12;
	s28 =	sadd.s32 $0x2680, s21  }
0x2ba: {  	[hbm4b:s12+s2] =	stream.linear.scatter [tilespmem:s28], [sflag:s3], $0x180, $0x38;
	[tilespmem:$0x9280] =	vst v63  }
.LBB2_22:
0x2bb: {  	s12 =	ssub.s32 $0x180, s4;
	p1 =	sne.s32 s4, $0x180;
	s17 =	simm.s32 $0x1  }
0x2bc: {  	s19 =	sshra.s32 s12, $0x1F;
	s17 =	simm.s32 @!p1 $0x0  }
0x2bd: {  	s21 =	sand.u32 $0xF, s12;
	s17 =	sor.u32 s17, s19  }
0x2be: {  	p2 =	sne.s32 s21, $0x0;
	p6 =	sne.s32 s17, $0x1  }
0x2bf: {  	s22 =	sshrl.u32 s19, $0x1C;
	p1 =	por !p2, !p6  }
0x2c0: {  	s12 =	sadd.s32 s22, s12;
	s17 =	simm.s32 $0x1;
	p1 =	por !p1, !p1  }
0x2c1: {  	s12 =	sshra.s32 s12, $0x4;
	s17 =	simm.s32 @!p1 $0x0  }
0x2c2: {  	s28 =	ssub.s32 s12, s17  }
0x2c3: {  	s12 =	sshll.u32 s28, $0x4  }
0x2c4: {  	s17 =	ssub.s32 $0x180, s12  }
0x2c5: {  	p1 =	sge.s32 s4, s17  }
.Ltmp14:
0x2c6: {  	_ = 	snop;
	(pc) =	sbr.rel @p1 .LBB2_25-.Ltmp14, $1  }
0x2c7: {  	_ =	sdelay $0x3  }
0x2c8: {  	v2 =	vmov s4;
	_ =	sdelay $0x4  }
0x2c9: {  	v2 =	vld.idx.msk [tilespmem:v2+s5+$0x0], $0xffff;
	_ =	sdelay $0x4  }
0x2ca: {  	(v2sf) =	vpush v2, $0x0;
	_ =	sdelay $0x9  }
0x2cb: {  	s12 =	smul.u32 $0x180, s4;
	s4 =	sadd.s32 $0x1, s4  }
0x2cc: {  	p2 =	seq.s32 s17, s4  }
.Ltmp15:
0x2cd: {  	_ = 	snop;
	(pc) =	sbr.rel @p2 .LBB2_24-.Ltmp15, $3  }
0x2ce: {  	_ =	sdelay $0x1  }
0x2cf: {  	s22 =	spop (v2sf)  }
0x2d0: {  	p1 =	por $0x0, $0x0;
	s12 =	sadd.s32 s12, s10;
	s21 =	smul.u32 $0x180, s22  }
0x2d1: {  	v2 =	vmov s4  }
0x2d2: {  	p1 =	seq.s32 s22, $0x1C;
	s19 =	sadd.s32 s26, s21  }
0x2d3: {  	s22 =	sshrl.u32 s12, $0x3;
	s19 =	simm.s32 @p1 $0x5400  }
0x2d4: {  	s21 =	sadd.s32 s6, s22;
	s19 =	sadd.s32 $0x2680, s19  }
0x2d5: {  	[hbm4b:s21+s2] =	stream.linear.scatter [tilespmem:s19], [sflag:s3], $0x180, $0x38;
	[tilespmem:$0x9280] =	vst v63  }
0x2d6: {  	v2 =	vld.idx.msk [tilespmem:v2+s5+$0x0], $0xffff;
	_ =	sdelay $0x4  }
0x2d7: {  	(v2sf) =	vpush v2, $0x0;
	_ =	sdelay $0x9  }
0x2d8: {  	s19 =	sadd.s32 $0x1, s4  }
0x2d9: {  	p2 =	seq.s32 s17, s19  }
.Ltmp16:
0x2da: {  	_ = 	snop;
	(pc) =	sbr.rel @p2 .LBB2_30-.Ltmp16, $3  }
0x2db: {  	_ =	sdelay $0x1  }
0x2dc: {  	s22 =	spop (v2sf)  }
0x2dd: {  	p1 =	por $0x1, $0x1;
	s4 =	smov.u32 s12;
	s21 =	smul.u32 $0x180, s22  }
.LBB2_31:
0x2de: {  	v2 =	vmov s19;
	s19 =	sadd.s32 $0x1, s19;
	s4 =	sadd.s32 $0x180, s4  }
0x2df: {  	p3 =	seq.s32 s22, $0x1C;
	p2 =	seq.s32 s17, s19;
	s21 =	sadd.s32 s26, s21  }
0x2e0: {  	s22 =	sshrl.u32 s4, $0x3;
	s21 =	simm.s32 @p3 $0x5400  }
0x2e1: {  	s22 =	sadd.s32 s6, s22;
	s21 =	sadd.s32 $0x2680, s21  }
0x2e2: {  	[hbm4b:s22+s2] =	stream.linear.scatter [tilespmem:s21], [sflag:s3], $0x180, $0x38;
	[tilespmem:$0x9280] =	vst v63  }
0x2e3: {  	v2 =	vld.idx.msk [tilespmem:v2+s5+$0x0], $0xffff;
	_ =	sdelay $0x5  }
0x2e4: {  	(v2sf) =	vpush v2, $0x0;
	_ =	sdelay $0xb  }
.Ltmp17:
0x2e5: {  	(pc) =	sbr.rel @!p2 .LBB2_31-.Ltmp17, $3  }
0x2e6: {  	_ =	sdelay $0x1  }
0x2e7: {  	s22 =	spop (v2sf)  }
0x2e8: {  	s21 =	smul.u32 $0x180, s22  }
.LBB2_32:
0x2e9: {  	s4 =	sadd.s32 @p1 $0x180, s4  }
0x2ea: {  	p2 =	seq.s32 s22, $0x1C;
	s17 =	sadd.s32 s26, s21;
	s12 =	smov.u32 @p1 s4  }
0x2eb: {  	s4 =	sshrl.u32 s12, $0x3;
	s17 =	simm.s32 @p2 $0x5400  }
0x2ec: {  	s4 =	sadd.s32 s6, s4;
	s26 =	sadd.s32 $0x2680, s17  }
0x2ed: {  	[hbm4b:s4+s2] =	stream.linear.scatter [tilespmem:s26], [sflag:s3], $0x180, $0x38;
	[tilespmem:$0x9280] =	vst v63  }
.LBB2_25:
0x2ee: {  	p1 =	slt.s32 s28, $0x1  }
.Ltmp18:
0x2ef: {  	_ = 	snop;
	(pc) =	sbr.rel @p1 .LBB2_15-.Ltmp18, $1  }
0x2f0: {  	_ =	sdelay $0x3  }
0x2f1: {  	s4 =	smul.u32 $0x1800, s28;
	p1 =	seq.s32 s28, $0x1  }
.Ltmp19:
0x2f2: {  	_ = 	snop;
	(pc) =	sbr.rel @p1 .LBB2_28-.Ltmp19, $4  }
0x2f3: {  	_ = 	snop  }
0x2f4: {  	s12 =	ssub.s32 s13, s4  }
0x2f5: {  	s17 =	sshrl.u32 s12, $0x3  }
0x2f6: {  	s4 =	sadd.s32 $0xFFFFFFFF, s28;
	s12 =	sadd.s32 $0x1800, s12;
	s17 =	sadd.s32 s6, s17  }
.LBB2_27:
0x2f7: {  	[hbm4b:s17+s2] =	stream.linear.scatter [tilespmem:s0], [sflag:s3], $0x1800, $0x38;
	[tilespmem:$0x9280] =	vst v63  }
0x2f8: {  	p1 =	seq.s32 s4, $0x1  }
.Ltmp20:
0x2f9: {  	s4 =	sadd.s32 $0xFFFFFFFF, s4;
	(pc) =	sbr.rel @!p1 .LBB2_27-.Ltmp20, $3  }
0x2fa: {  	_ =	sdelay $0x1  }
0x2fb: {  	s17 =	sshrl.u32 s12, $0x3  }
0x2fc: {  	s12 =	sadd.s32 $0x1800, s12;
	s17 =	sadd.s32 s6, s17  }
.Ltmp21:
0x2fd: {  	_ = 	snop;
	(pc) =	sbr.rel .LBB2_28-.Ltmp21, $1  }
0x2fe: {  	_ =	sdelay $0x3  }
.LBB2_14:
.Ltmp22:
0x2ff: {  	(pc) =	sbr.rel .LBB2_21-.Ltmp22, $2  }
0x300: {  	_ =	sdelay $0x2  }
0x301: {  	s17 =	smov.u32 s12  }
.LBB2_24:
.Ltmp23:
0x302: {  	(pc) =	sbr.rel .LBB2_32-.Ltmp23, $2  }
0x303: {  	_ =	sdelay $0x2  }
0x304: {  	s4 =	smov.u32 s12  }
.LBB2_19:
.Ltmp24:
0x305: {  	(pc) =	sbr.rel .LBB2_21-.Ltmp24, $2  }
0x306: {  	_ =	sdelay $0x2  }
0x307: {  	s17 =	smov.u32 s12  }
.LBB2_30:
.Ltmp25:
0x308: {  	(pc) =	sbr.rel .LBB2_32-.Ltmp25, $2  }
0x309: {  	_ =	sdelay $0x2  }
0x30a: {  	s4 =	smov.u32 s12  }
.LBB2_17:
0x30b: {  	_ =	sfence.sel $0x180000  }
0x30c: {  	[bflag:$0x0] =	sbarrier.arrive $0xFFFF  }
0x30d: {  	_ =	strace $0x90000047  }
0x30e: {  	s0 =	stileid.u32;
	[bflag:$0x2] =	sbarrier.arrive $0xFFFF  }
0x30f: {  	p0 =	sne.s32 s0, $0x0;
	s0 =	rddreg [dreg:$0x2]  }
0x310: {  	s0 =	sadd.s32 @!p0 $0x100000, s0  }
0x311: {  	[sflag:s0] =	ssyncadd.tile.s32 @!p0 $0x1;
	_ =	shalt  }
.Lfunc_end2:
_tile_overlayer_lowered:
.L_overlay_start_2:
0x312: {  	(tag) =	ssettag $0x2  }
0x313: {  	s0 =	rddreg [dreg:$0x0];
	s2 =	stileid.u32  }
0x314: {  	s1 =	rddreg [dreg:$0x1];
	p0 =	sne.s32 s2, $0x0  }
0x315: {  	s3 =	rddreg [dreg:$0x2];
	[bflag:$0x3] =	sbarrier.arrive $0xFFFF;
	s2 =	simm.s32 @!p0 $0x1C04  }
0x316: {  	[timem:s3], [sflag:s2] =	dma.local @!p0 [hbm:s0], s1  }
0x317: {  	s0 =	simm.s32 @!p0 $0x4  }
0x318: {  	_ =	swait.ge @!p0 [sflag:s0], s1  }
0x319: {  	s1 =	ssub.s32 @!p0 $0x0, s1;
	[sflag:s0] =	ssyncset.done @!p0 $0x0  }
0x31a: {  	[sflag:s0] =	ssyncadd.s32 @!p0 s1  }
0x31b: {  	[bflag:$0x3] =	sbarrier.arrive $0xFFFF  }
0x31c: {  	_ =	shalt  }

</sc_bundles>
